<compile_context>
chip_gen: v7x
topology: tpu7x:2x2x1
jax: 0.10.2.dev20260603
libtpu: 0.0.44.dev20260713+nightly
codegen_flags: <defaults>
</compile_context>

<pallas_src>
import functools

import jax
import jax.numpy as jnp
from jax import lax
from jax.experimental import pallas as pl
from jax.experimental.pallas import tpu as pltpu
from jax.experimental.pallas import tpu_sc as plsc

N = 10000
E = 320000
D = 128
H = 128
G = 16

NP = 10240
K = 128
NCH = E // K
NT = 16
STRIPE = NP // NT
BLK = 1024

_SC_SCRATCH = lambda: [
    pltpu.VMEM((NP,), jnp.float32),
    pltpu.VMEM((NP,), jnp.float32),
    pltpu.VMEM((NP,), jnp.float32),
    pltpu.VMEM((K,), jnp.int32),
    pltpu.VMEM((K,), jnp.int32),
    pltpu.VMEM((K,), jnp.int32),
    pltpu.VMEM((K,), jnp.float32),
    pltpu.VMEM((K, H), jnp.float32),
    pltpu.VMEM((16,), jnp.float32),
    pltpu.VMEM_SHARED((NP, H), jnp.float32),
    pltpu.VMEM_SHARED((NP,), jnp.float32),
    pltpu.SemaphoreType.DMA,
]


def _alpha_groups(srcbuf, dstbuf, a_s_loc, a_d_loc, cv, den_loc, exbuf):
    for g in range(K // 16):
        sl = pl.ds(g * 16, 16)
        sv = srcbuf[sl]
        dv = dstbuf[sl]
        a = plsc.load_gather(a_s_loc, [sv]) + plsc.load_gather(a_d_loc, [dv])
        e = jnp.where(a > 0, a, 0.2 * a)
        ex = jnp.exp(e - cv)
        if den_loc is not None:
            den = plsc.load_gather(den_loc, [dv])
            ex = ex / (den + 1e-16)
        exbuf[sl] = ex


def _make_sc_layer(two_heads):

    @functools.partial(
        pl.kernel,
        mesh=plsc.VectorSubcoreMesh(core_axis_name="c", subcore_axis_name="s"),
        out_type=jax.ShapeDtypeStruct((2, NP, H), jnp.float32),
        scratch_types=_SC_SCRATCH(),
        compiler_params=pltpu.CompilerParams(needs_layout_passes=False),
    )
    def sc_layer(h_hbm, a_s_hbm, a_d_hbm, cvec_hbm, src_hbm, dst_hbm, out_hbm,
                 a_s_loc, a_d_loc, den_loc, srcbuf, dstbuf, idxbuf, exbuf,
                 rowbuf, cvec_loc, acc, den_sh, sem):
        c = lax.axis_index("c")
        s = lax.axis_index("s")
        head = c if two_heads else 0

        pltpu.sync_copy(a_s_hbm.at[head], a_s_loc)
        pltpu.sync_copy(a_d_hbm.at[head], a_d_loc)
        pltpu.sync_copy(cvec_hbm.at[head], cvec_loc)
        cv = cvec_loc[...]

        zv = jnp.zeros((16,), jnp.float32)

        def zrow(i, carry):
            for r in range(H // 16):
                rowbuf[i, pl.ds(r * 16, 16)] = zv
            return carry

        lax.fori_loop(0, K, zrow, 0)
        for g in range(K // 16):
            exbuf[pl.ds(g * 16, 16)] = zv
        for b in range(STRIPE // K):
            off = s * STRIPE + b * K
            pltpu.sync_copy(rowbuf, acc.at[pl.ds(off, K)])
            pltpu.sync_copy(exbuf, den_sh.at[pl.ds(off, K)])
        plsc.subcore_barrier()

        nch_t = (NCH - s + NT - 1) // NT

        def den_body(i, carry):
            base = (s + i * NT) * K
            pltpu.sync_copy(src_hbm.at[pl.ds(base, K)], srcbuf)
            pltpu.sync_copy(dst_hbm.at[pl.ds(base, K)], dstbuf)
            _alpha_groups(srcbuf, dstbuf, a_s_loc, a_d_loc, cv, None, exbuf)
            pltpu.sync_copy(exbuf, den_sh.at[dstbuf], add=True)
            return carry

        lax.fori_loop(0, nch_t, den_body, 0)
        plsc.subcore_barrier()
        pltpu.sync_copy(den_sh, den_loc)

        if two_heads:
            msg_base0 = s * K
            nmsg_t = nch_t
        else:
            half = NCH // 2
            msg_base0 = (c * half + s) * K
            nmsg_t = (half - s + NT - 1) // NT

        def msg_body(i, carry):
            base = msg_base0 + i * NT * K
            pltpu.sync_copy(src_hbm.at[pl.ds(base, K)], srcbuf)
            pltpu.sync_copy(dst_hbm.at[pl.ds(base, K)], dstbuf)
            if two_heads:
                cb = lax.broadcast(c, (16,))
                for g in range(K // 16):
                    sl = pl.ds(g * 16, 16)
                    idxbuf[sl] = srcbuf[sl] * 2 + cb
                gidx = idxbuf
            else:
                gidx = srcbuf
            cp = pltpu.async_copy(h_hbm.at[gidx], rowbuf, sem)
            _alpha_groups(srcbuf, dstbuf, a_s_loc, a_d_loc, cv, den_loc, exbuf)
            cp.wait()

            def scale(j, carry2):
                av = plsc.load_gather(exbuf, [lax.broadcast(j, (16,))])
                for r in range(H // 16):
                    sl = pl.ds(r * 16, 16)
                    rowbuf[j, sl] = rowbuf[j, sl] * av
                return carry2

            lax.fori_loop(0, K, scale, 0)
            pltpu.sync_copy(rowbuf, acc.at[dstbuf], add=True)
            return carry

        lax.fori_loop(0, nmsg_t, msg_body, 0)
        plsc.subcore_barrier()

        for b in range(STRIPE // K):
            off = s * STRIPE + b * K
            pltpu.sync_copy(acc.at[pl.ds(off, K)], out_hbm.at[c, pl.ds(off, K)])

    return sc_layer


_sc_cache = {}


def _sc_layer(two_heads):
    if two_heads not in _sc_cache:
        _sc_cache[two_heads] = _make_sc_layer(two_heads)
    return _sc_cache[two_heads]


def _tc1_body(x_ref, w1_ref, m1_ref, h1_ref, asd_ref):
    xb = x_ref[...]
    hb = jnp.dot(xb, w1_ref[...], preferred_element_type=jnp.float32)
    h1_ref[...] = hb
    asd_ref[...] = jnp.dot(hb, m1_ref[...], preferred_element_type=jnp.float32,
                           precision=lax.Precision.HIGHEST)


def _tc2_body(a_ref, b_ref, b1_ref, w2_ref, m2_ref, h2_ref, asd_ref):
    v = 0.5 * (a_ref[...] + b_ref[...]) + b1_ref[...]
    gb = jnp.where(v > 0, v, jnp.exp(v) - 1.0)
    hb = jnp.dot(gb, w2_ref[...], preferred_element_type=jnp.float32)
    h2_ref[...] = hb
    asd_ref[...] = jnp.dot(hb, m2_ref[...], preferred_element_type=jnp.float32,
                           precision=lax.Precision.HIGHEST)


def _tc3_body(a_ref, b_ref, b2_ref, batch_ref, wc1_ref, bc1_ref, wc2_ref,
              bc2_ref, out_ref, pool_acc, cnt_acc):
    i = pl.program_id(0)

    @pl.when(i == 0)
    def _():
        pool_acc[...] = jnp.zeros_like(pool_acc)
        cnt_acc[...] = jnp.zeros_like(cnt_acc)

    v = a_ref[...] + b_ref[...] + b2_ref[...]
    hb = jnp.where(v > 0, v, jnp.exp(v) - 1.0)
    bb = batch_ref[...]
    gi = lax.broadcasted_iota(jnp.int32, (1, G), 1)
    oh = (bb == gi).astype(jnp.float32)
    dn = (((0,), (0,)), ((), ()))
    pool_acc[...] += lax.dot_general(oh, hb, dn,
                                     preferred_element_type=jnp.float32,
                                     precision=lax.Precision.HIGHEST)
    cnt_acc[...] += lax.dot_general(oh, jnp.ones_like(hb), dn,
                                    preferred_element_type=jnp.float32,
                                    precision=lax.Precision.HIGHEST)

    @pl.when(i == pl.num_programs(0) - 1)
    def _():
        pooled = pool_acc[...] / jnp.maximum(cnt_acc[...], 1.0)
        z = jnp.dot(pooled, wc1_ref[...], preferred_element_type=jnp.float32)
        z = jnp.maximum(z + bc1_ref[...], 0.0)
        out_ref[...] = jnp.dot(z, wc2_ref[...],
                               preferred_element_type=jnp.float32) + bc2_ref[...]


def _full_spec(shape):
    return pl.BlockSpec(shape, lambda i: tuple(0 for _ in shape))


def _row_spec(cols):
    return pl.BlockSpec((BLK, cols), lambda i: (i, 0))


def kernel(x, edge_index, batch, W1, att_src1, att_dst1, b1, W2, att_src2,
           att_dst2, b2, Wc1, bc1, Wc2, bc2):
    src = edge_index[0]
    dst = edge_index[1]

    x_pad = jnp.pad(x, ((0, NP - N), (0, 0)))
    batch_pad = jnp.pad(batch, (0, NP - N), constant_values=G).reshape(NP, 1)

    M1 = jnp.zeros((2 * H, 128), jnp.float32)
    M1 = M1.at[0:H, 0].set(att_src1[0]).at[H:2 * H, 1].set(att_src1[1])
    M1 = M1.at[0:H, 2].set(att_dst1[0]).at[H:2 * H, 3].set(att_dst1[1])
    M2 = jnp.zeros((H, 128), jnp.float32)
    M2 = M2.at[:, 0].set(att_src2[0]).at[:, 1].set(att_dst2[0])

    h1, asd1 = pl.pallas_call(
        _tc1_body,
        grid=(NP // BLK,),
        in_specs=[_row_spec(D), _full_spec((D, 2 * H)), _full_spec((2 * H, 128))],
        out_specs=[_row_spec(2 * H), _row_spec(128)],
        out_shape=[jax.ShapeDtypeStruct((NP, 2 * H), jnp.float32),
                   jax.ShapeDtypeStruct((NP, 128), jnp.float32)],
    )(x_pad, W1, M1)

    a_s1 = jnp.stack([asd1[:, 0], asd1[:, 1]])
    a_d1 = jnp.stack([asd1[:, 2], asd1[:, 3]])
    c1 = jnp.maximum(jnp.max(a_s1, axis=1) + jnp.max(a_d1, axis=1), 0.0)
    cvec1 = jnp.broadcast_to(c1[:, None], (2, 16))

    h1v = h1.reshape(2 * NP, H)
    out1 = _sc_layer(True)(h1v, a_s1, a_d1, cvec1, src, dst)

    h2, asd2 = pl.pallas_call(
        _tc2_body,
        grid=(NP // BLK,),
        in_specs=[_row_spec(H), _row_spec(H), _full_spec((1, H)),
                  _full_spec((H, H)), _full_spec((H, 128))],
        out_specs=[_row_spec(H), _row_spec(128)],
        out_shape=[jax.ShapeDtypeStruct((NP, H), jnp.float32),
                   jax.ShapeDtypeStruct((NP, 128), jnp.float32)],
    )(out1[0], out1[1], b1.reshape(1, H), W2, M2)

    a_s2 = asd2[:, 0].reshape(1, NP)
    a_d2 = asd2[:, 1].reshape(1, NP)
    c2 = jnp.maximum(jnp.max(a_s2) + jnp.max(a_d2), 0.0)
    cvec2 = jnp.broadcast_to(c2, (1, 16))

    out2 = _sc_layer(False)(h2, a_s2, a_d2, cvec2, src, dst)

    out3 = pl.pallas_call(
        _tc3_body,
        grid=(NP // BLK,),
        in_specs=[_row_spec(H), _row_spec(H), _full_spec((1, H)),
                  pl.BlockSpec((BLK, 1), lambda i: (i, 0)),
                  _full_spec((H, H)), _full_spec((1, H)),
                  _full_spec((H, 128)), _full_spec((1, 128))],
        out_specs=pl.BlockSpec((G, 128), lambda i: (0, 0)),
        out_shape=jax.ShapeDtypeStruct((G, 128), jnp.float32),
        scratch_shapes=[pltpu.VMEM((G, 128), jnp.float32),
                        pltpu.VMEM((G, 128), jnp.float32)],
    )(out2[0], out2[1], b2.reshape(1, H), batch_pad, Wc1,
      bc1.reshape(1, H), jnp.pad(Wc2, ((0, 0), (0, 127))),
      jnp.broadcast_to(bc2.reshape(1, 1), (1, 128)))

    return out3[:, 0]

# --- scband reference (transcript-rebuilt; emitter-appended) ---
"""Pipeline reference for scband-support-gat-386547057270 (READ-ONLY COPY).

The authoritative reference and input builder live on the scoring server;
editing this copy changes nothing except your own understanding.
"""

import jax, jax.numpy as jnp
import numpy as np

N = 10000
E = 320000
D = 128
H = 128
G = 16


def _gat_layer(x, W, att_src, att_dst, bias, src, dst, heads, out_ch):
    h = (x @ W).reshape(N, heads, out_ch)
    a_s = (h * att_src[None]).sum(-1)
    a_d = (h * att_dst[None]).sum(-1)
    e = a_s[src] + a_d[dst]
    e = jnp.where(e > 0, e, 0.2 * e)
    e_max = jax.lax.stop_gradient(jax.ops.segment_max(e, dst, num_segments=N))
    ex = jnp.exp(e - e_max[dst])
    denom = jax.ops.segment_sum(ex, dst, num_segments=N)
    alpha = ex / (denom[dst] + 1e-16)
    msg = h[src] * alpha[:, :, None]
    out = jax.ops.segment_sum(msg, dst, num_segments=N)
    return out.mean(axis=1) + bias


def setup_inputs(seed: int = 0):
    key = jax.random.key(seed)
    ks = jax.random.split(key, 16)
    x = jax.random.normal(ks[0], (N, D), dtype=jnp.float32)
    edge_index = jax.random.randint(ks[1], (2, E), 0, N, dtype=jnp.int32)
    batch = jnp.sort(jax.random.randint(ks[2], (N,), 0, G, dtype=jnp.int32))
    sD = 1.0 / np.sqrt(D)
    sH = 1.0 / np.sqrt(H)
    W1 = jax.random.normal(ks[3], (D, 2 * H), dtype=jnp.float32) * sD
    att_src1 = jax.random.normal(ks[4], (2, H), dtype=jnp.float32) * sH
    att_dst1 = jax.random.normal(ks[5], (2, H), dtype=jnp.float32) * sH
    b1 = jnp.zeros((H,), jnp.float32)
    W2 = jax.random.normal(ks[6], (H, H), dtype=jnp.float32) * sH
    att_src2 = jax.random.normal(ks[7], (1, H), dtype=jnp.float32) * sH
    att_dst2 = jax.random.normal(ks[8], (1, H), dtype=jnp.float32) * sH
    b2 = jnp.zeros((H,), jnp.float32)
    Wc1 = jax.random.normal(ks[9], (H, H), dtype=jnp.float32) * sH
    bc1 = jnp.zeros((H,), jnp.float32)
    Wc2 = jax.random.normal(ks[10], (H, 1), dtype=jnp.float32) * sH
    bc2 = jnp.zeros((1,), jnp.float32)
    return {"x": x, "edge_index": edge_index, "batch": batch,
            "W1": W1, "att_src1": att_src1, "att_dst1": att_dst1, "b1": b1,
            "W2": W2, "att_src2": att_src2, "att_dst2": att_dst2, "b2": b2,
            "Wc1": Wc1, "bc1": bc1, "Wc2": Wc2, "bc2": bc2}


def reference(x, edge_index, batch, W1, att_src1, att_dst1, b1, W2, att_src2, att_dst2, b2, Wc1, bc1, Wc2, bc2):
    src = edge_index[0]
    dst = edge_index[1]
    h = _gat_layer(x, W1, att_src1, att_dst1, b1, src, dst, 2, H)
    h = jax.nn.elu(h)
    h = _gat_layer(h, W2, att_src2, att_dst2, b2, src, dst, 1, H)
    h = jax.nn.elu(h)
    counts = jax.ops.segment_sum(jnp.ones((N,), jnp.float32), batch, num_segments=G)
    sums = jax.ops.segment_sum(h, batch, num_segments=G)
    pooled = sums / jnp.maximum(counts, 1.0)[:, None]
    z = jax.nn.relu(pooled @ Wc1 + bc1)
    out = (z @ Wc2 + bc2).squeeze(-1)
    return out

if __name__ == "__main__":
    import jax
    _d = setup_inputs()
    print(jax.jit(kernel)(*tuple(_d.values())))

</pallas_src>

<mosaic_0001>
#map = affine_map<(d0, d1) -> (0, 0)>
#map1 = affine_map<(d0, d1) -> (0)>
#map2 = affine_map<(d0, d1) -> (0, 0, 0)>
module attributes {stable_mosaic.version = 14 : i64} {
  func.func @sc_layer(%arg0: i32, %arg1: i32, %arg2: memref<20480x128xf32, #tpu.memory_space<hbm>>, %arg3: memref<2x10240xf32, #tpu.memory_space<hbm>>, %arg4: memref<2x10240xf32, #tpu.memory_space<hbm>>, %arg5: memref<2x16xf32, #tpu.memory_space<hbm>>, %arg6: memref<320000xi32, #tpu.memory_space<hbm>>, %arg7: memref<320000xi32, #tpu.memory_space<hbm>>, %arg8: memref<2x10240x128xf32, #tpu.memory_space<hbm>>, %arg9: memref<10240xf32, #tpu.memory_space<vmem>>, %arg10: memref<10240xf32, #tpu.memory_space<vmem>>, %arg11: memref<10240xf32, #tpu.memory_space<vmem>>, %arg12: memref<128xi32, #tpu.memory_space<vmem>>, %arg13: memref<128xi32, #tpu.memory_space<vmem>>, %arg14: memref<128xi32, #tpu.memory_space<vmem>>, %arg15: memref<128xf32, #tpu.memory_space<vmem>>, %arg16: memref<128x128xf32, #tpu.memory_space<vmem>>, %arg17: memref<16xf32, #tpu.memory_space<vmem>>, %arg18: memref<10240x128xf32, #tpu.memory_space<vmem_shared>>, %arg19: memref<10240xf32, #tpu.memory_space<vmem_shared>>, %arg20: memref<!tpu.dma_semaphore, #tpu.memory_space<semaphore_mem>>) attributes {dimension_semantics = [#tpu.dimension_semantics<core_parallel>, #tpu.dimension_semantics<subcore_parallel>], iteration_bounds = array<i64: 2, 16>, scalar_prefetch = 0 : i64, scratch_operands = 12 : i64, tpu.core_type = #tpu.core_type<sc_vector_subcore>, window_params = [{transform_indices = #map}, {transform_indices = #map}, {transform_indices = #map}, {transform_indices = #map}, {transform_indices = #map1}, {transform_indices = #map1}, {transform_indices = #map2}]} {
    "tpu.region"() ({
      %run_scoped3A = tpu.sem_alloc : memref<!tpu.dma_semaphore, #tpu.memory_space<semaphore_mem>>
      %dma_start3A = arith.constant 0 : i32
      %dma_start3A_105 = tpu.memref_slice %arg3[%arg0, %dma_start3A] : memref<2x10240xf32, #tpu.memory_space<hbm>> -> memref<1x10240xf32, #tpu.memory_space<hbm>>
      %dma_start3A_106 = tpu.memref_squeeze %dma_start3A_105 : memref<1x10240xf32, #tpu.memory_space<hbm>> -> memref<10240xf32, #tpu.memory_space<hbm>>
      %dma_start3A_107 = arith.constant 0 : i32
      %dma_start3A_108 = tpu.memref_slice %arg3[%arg0, %dma_start3A_107] : memref<2x10240xf32, #tpu.memory_space<hbm>> -> memref<1x10240xf32, #tpu.memory_space<hbm>>
      %dma_start3A_109 = tpu.memref_squeeze %dma_start3A_108 : memref<1x10240xf32, #tpu.memory_space<hbm>> -> memref<10240xf32, #tpu.memory_space<hbm>>
      tpu.enqueue_dma source(%dma_start3A_109 : memref<10240xf32, #tpu.memory_space<hbm>>) target(%arg9 : memref<10240xf32, #tpu.memory_space<vmem>>) target_semaphore(%run_scoped3A : memref<!tpu.dma_semaphore, #tpu.memory_space<semaphore_mem>>)
      %dma_wait3A = arith.constant 0 : i32
      %dma_wait3A_110 = tpu.memref_slice %arg3[%arg0, %dma_wait3A] : memref<2x10240xf32, #tpu.memory_space<hbm>> -> memref<1x10240xf32, #tpu.memory_space<hbm>>
      %dma_wait3A_111 = tpu.memref_squeeze %dma_wait3A_110 : memref<1x10240xf32, #tpu.memory_space<hbm>> -> memref<10240xf32, #tpu.memory_space<hbm>>
      %dma_wait3A_112 = arith.constant 0 : i32
      %dma_wait3A_113 = tpu.memref_slice %arg3[%arg0, %dma_wait3A_112] : memref<2x10240xf32, #tpu.memory_space<hbm>> -> memref<1x10240xf32, #tpu.memory_space<hbm>>
      %dma_wait3A_114 = tpu.memref_squeeze %dma_wait3A_113 : memref<1x10240xf32, #tpu.memory_space<hbm>> -> memref<10240xf32, #tpu.memory_space<hbm>>
      tpu.wait_dma2 semaphore(%run_scoped3A : memref<!tpu.dma_semaphore, #tpu.memory_space<semaphore_mem>>) src(%dma_wait3A_114 : memref<10240xf32, #tpu.memory_space<hbm>>) dst(%arg9 : memref<10240xf32, #tpu.memory_space<vmem>>)
      tpu.yield
    }) : () -> ()
    "tpu.region"() ({
      %run_scoped3A = tpu.sem_alloc : memref<!tpu.dma_semaphore, #tpu.memory_space<semaphore_mem>>
      %dma_start3A = arith.constant 0 : i32
      %dma_start3A_105 = tpu.memref_slice %arg4[%arg0, %dma_start3A] : memref<2x10240xf32, #tpu.memory_space<hbm>> -> memref<1x10240xf32, #tpu.memory_space<hbm>>
      %dma_start3A_106 = tpu.memref_squeeze %dma_start3A_105 : memref<1x10240xf32, #tpu.memory_space<hbm>> -> memref<10240xf32, #tpu.memory_space<hbm>>
      %dma_start3A_107 = arith.constant 0 : i32
      %dma_start3A_108 = tpu.memref_slice %arg4[%arg0, %dma_start3A_107] : memref<2x10240xf32, #tpu.memory_space<hbm>> -> memref<1x10240xf32, #tpu.memory_space<hbm>>
      %dma_start3A_109 = tpu.memref_squeeze %dma_start3A_108 : memref<1x10240xf32, #tpu.memory_space<hbm>> -> memref<10240xf32, #tpu.memory_space<hbm>>
      tpu.enqueue_dma source(%dma_start3A_109 : memref<10240xf32, #tpu.memory_space<hbm>>) target(%arg10 : memref<10240xf32, #tpu.memory_space<vmem>>) target_semaphore(%run_scoped3A : memref<!tpu.dma_semaphore, #tpu.memory_space<semaphore_mem>>)
      %dma_wait3A = arith.constant 0 : i32
      %dma_wait3A_110 = tpu.memref_slice %arg4[%arg0, %dma_wait3A] : memref<2x10240xf32, #tpu.memory_space<hbm>> -> memref<1x10240xf32, #tpu.memory_space<hbm>>
      %dma_wait3A_111 = tpu.memref_squeeze %dma_wait3A_110 : memref<1x10240xf32, #tpu.memory_space<hbm>> -> memref<10240xf32, #tpu.memory_space<hbm>>
      %dma_wait3A_112 = arith.constant 0 : i32
      %dma_wait3A_113 = tpu.memref_slice %arg4[%arg0, %dma_wait3A_112] : memref<2x10240xf32, #tpu.memory_space<hbm>> -> memref<1x10240xf32, #tpu.memory_space<hbm>>
      %dma_wait3A_114 = tpu.memref_squeeze %dma_wait3A_113 : memref<1x10240xf32, #tpu.memory_space<hbm>> -> memref<10240xf32, #tpu.memory_space<hbm>>
      tpu.wait_dma2 semaphore(%run_scoped3A : memref<!tpu.dma_semaphore, #tpu.memory_space<semaphore_mem>>) src(%dma_wait3A_114 : memref<10240xf32, #tpu.memory_space<hbm>>) dst(%arg10 : memref<10240xf32, #tpu.memory_space<vmem>>)
      tpu.yield
    }) : () -> ()
    "tpu.region"() ({
      %run_scoped3A = tpu.sem_alloc : memref<!tpu.dma_semaphore, #tpu.memory_space<semaphore_mem>>
      %dma_start3A = arith.constant 0 : i32
      %dma_start3A_105 = tpu.memref_slice %arg5[%arg0, %dma_start3A] : memref<2x16xf32, #tpu.memory_space<hbm>> -> memref<1x16xf32, #tpu.memory_space<hbm>>
      %dma_start3A_106 = tpu.memref_squeeze %dma_start3A_105 : memref<1x16xf32, #tpu.memory_space<hbm>> -> memref<16xf32, #tpu.memory_space<hbm>>
      %dma_start3A_107 = arith.constant 0 : i32
      %dma_start3A_108 = tpu.memref_slice %arg5[%arg0, %dma_start3A_107] : memref<2x16xf32, #tpu.memory_space<hbm>> -> memref<1x16xf32, #tpu.memory_space<hbm>>
      %dma_start3A_109 = tpu.memref_squeeze %dma_start3A_108 : memref<1x16xf32, #tpu.memory_space<hbm>> -> memref<16xf32, #tpu.memory_space<hbm>>
      tpu.enqueue_dma source(%dma_start3A_109 : memref<16xf32, #tpu.memory_space<hbm>>) target(%arg17 : memref<16xf32, #tpu.memory_space<vmem>>) target_semaphore(%run_scoped3A : memref<!tpu.dma_semaphore, #tpu.memory_space<semaphore_mem>>)
      %dma_wait3A = arith.constant 0 : i32
      %dma_wait3A_110 = tpu.memref_slice %arg5[%arg0, %dma_wait3A] : memref<2x16xf32, #tpu.memory_space<hbm>> -> memref<1x16xf32, #tpu.memory_space<hbm>>
      %dma_wait3A_111 = tpu.memref_squeeze %dma_wait3A_110 : memref<1x16xf32, #tpu.memory_space<hbm>> -> memref<16xf32, #tpu.memory_space<hbm>>
      %dma_wait3A_112 = arith.constant 0 : i32
      %dma_wait3A_113 = tpu.memref_slice %arg5[%arg0, %dma_wait3A_112] : memref<2x16xf32, #tpu.memory_space<hbm>> -> memref<1x16xf32, #tpu.memory_space<hbm>>
      %dma_wait3A_114 = tpu.memref_squeeze %dma_wait3A_113 : memref<1x16xf32, #tpu.memory_space<hbm>> -> memref<16xf32, #tpu.memory_space<hbm>>
      tpu.wait_dma2 semaphore(%run_scoped3A : memref<!tpu.dma_semaphore, #tpu.memory_space<semaphore_mem>>) src(%dma_wait3A_114 : memref<16xf32, #tpu.memory_space<hbm>>) dst(%arg17 : memref<16xf32, #tpu.memory_space<vmem>>)
      tpu.yield
    }) : () -> ()
    %get3A = arith.constant 0 : index
    %get3A_0 = tpu.vector_load %arg17[%get3A] {strides = array<i32>} : memref<16xf32, #tpu.memory_space<vmem>>, vector<16xf32>,
    %broadcast_in_dim3A = arith.constant 0.000000e+00 : f32
    %broadcast_in_dim3A_1 = vector.broadcast %broadcast_in_dim3A : f32 to vector<16xf32>
    %scan3A = arith.constant 0 : i32
    %scan3A_2 = arith.constant 0 : i32
    %scan3A_3 = arith.constant 128 : i32
    %scan3A_4 = arith.addi %scan3A_2, %scan3A_3 : i32
    %scan3A_5 = arith.constant 1 : i32
    scf.for %scan3A_105 = %scan3A_2 to %scan3A_4 step %scan3A_5  : i32 {
      %swap3A_106 = arith.index_cast %scan3A_105 : i32 to index
      %swap3A_107 = arith.constant 0 : index
      %swap3A_108 = tpu.vector_load %arg16[%swap3A_106, %swap3A_107] {strides = array<i32>} : memref<128x128xf32, #tpu.memory_space<vmem>>, vector<16xf32>,
      tpu.vector_store %arg16[%swap3A_106, %swap3A_107], %broadcast_in_dim3A_1 {strides = array<i32>} : memref<128x128xf32, #tpu.memory_space<vmem>>, vector<16xf32>,
      %swap3A_109 = arith.index_cast %scan3A_105 : i32 to index
      %swap3A_110 = arith.constant 16 : index
      %swap3A_111 = tpu.vector_load %arg16[%swap3A_109, %swap3A_110] {strides = array<i32>} : memref<128x128xf32, #tpu.memory_space<vmem>>, vector<16xf32>,
      tpu.vector_store %arg16[%swap3A_109, %swap3A_110], %broadcast_in_dim3A_1 {strides = array<i32>} : memref<128x128xf32, #tpu.memory_space<vmem>>, vector<16xf32>,
      %swap3A_112 = arith.index_cast %scan3A_105 : i32 to index
      %swap3A_113 = arith.constant 32 : index
      %swap3A_114 = tpu.vector_load %arg16[%swap3A_112, %swap3A_113] {strides = array<i32>} : memref<128x128xf32, #tpu.memory_space<vmem>>, vector<16xf32>,
      tpu.vector_store %arg16[%swap3A_112, %swap3A_113], %broadcast_in_dim3A_1 {strides = array<i32>} : memref<128x128xf32, #tpu.memory_space<vmem>>, vector<16xf32>,
      %swap3A_115 = arith.index_cast %scan3A_105 : i32 to index
      %swap3A_116 = arith.constant 48 : index
      %swap3A_117 = tpu.vector_load %arg16[%swap3A_115, %swap3A_116] {strides = array<i32>} : memref<128x128xf32, #tpu.memory_space<vmem>>, vector<16xf32>,
      tpu.vector_store %arg16[%swap3A_115, %swap3A_116], %broadcast_in_dim3A_1 {strides = array<i32>} : memref<128x128xf32, #tpu.memory_space<vmem>>, vector<16xf32>,
      %swap3A_118 = arith.index_cast %scan3A_105 : i32 to index
      %swap3A_119 = arith.constant 64 : index
      %swap3A_120 = tpu.vector_load %arg16[%swap3A_118, %swap3A_119] {strides = array<i32>} : memref<128x128xf32, #tpu.memory_space<vmem>>, vector<16xf32>,
      tpu.vector_store %arg16[%swap3A_118, %swap3A_119], %broadcast_in_dim3A_1 {strides = array<i32>} : memref<128x128xf32, #tpu.memory_space<vmem>>, vector<16xf32>,
      %swap3A_121 = arith.index_cast %scan3A_105 : i32 to index
      %swap3A_122 = arith.constant 80 : index
      %swap3A_123 = tpu.vector_load %arg16[%swap3A_121, %swap3A_122] {strides = array<i32>} : memref<128x128xf32, #tpu.memory_space<vmem>>, vector<16xf32>,
      tpu.vector_store %arg16[%swap3A_121, %swap3A_122], %broadcast_in_dim3A_1 {strides = array<i32>} : memref<128x128xf32, #tpu.memory_space<vmem>>, vector<16xf32>,
      %swap3A_124 = arith.index_cast %scan3A_105 : i32 to index
      %swap3A_125 = arith.constant 96 : index
      %swap3A_126 = tpu.vector_load %arg16[%swap3A_124, %swap3A_125] {strides = array<i32>} : memref<128x128xf32, #tpu.memory_space<vmem>>, vector<16xf32>,
      tpu.vector_store %arg16[%swap3A_124, %swap3A_125], %broadcast_in_dim3A_1 {strides = array<i32>} : memref<128x128xf32, #tpu.memory_space<vmem>>, vector<16xf32>,
      %swap3A_127 = arith.index_cast %scan3A_105 : i32 to index
      %swap3A_128 = arith.constant 112 : index
      %swap3A_129 = tpu.vector_load %arg16[%swap3A_127, %swap3A_128] {strides = array<i32>} : memref<128x128xf32, #tpu.memory_space<vmem>>, vector<16xf32>,
      tpu.vector_store %arg16[%swap3A_127, %swap3A_128], %broadcast_in_dim3A_1 {strides = array<i32>} : memref<128x128xf32, #tpu.memory_space<vmem>>, vector<16xf32>,
    }
    %scan3A_6 = arith.constant 128 : i32
    %swap3A = arith.constant 0 : index
    %swap3A_7 = tpu.vector_load %arg15[%swap3A] {strides = array<i32>} : memref<128xf32, #tpu.memory_space<vmem>>, vector<16xf32>,
    tpu.vector_store %arg15[%swap3A], %broadcast_in_dim3A_1 {strides = array<i32>} : memref<128xf32, #tpu.memory_space<vmem>>, vector<16xf32>,
    %swap3A_8 = arith.constant 16 : index
    %swap3A_9 = tpu.vector_load %arg15[%swap3A_8] {strides = array<i32>} : memref<128xf32, #tpu.memory_space<vmem>>, vector<16xf32>,
    tpu.vector_store %arg15[%swap3A_8], %broadcast_in_dim3A_1 {strides = array<i32>} : memref<128xf32, #tpu.memory_space<vmem>>, vector<16xf32>,
    %swap3A_10 = arith.constant 32 : index
    %swap3A_11 = tpu.vector_load %arg15[%swap3A_10] {strides = array<i32>} : memref<128xf32, #tpu.memory_space<vmem>>, vector<16xf32>,
    tpu.vector_store %arg15[%swap3A_10], %broadcast_in_dim3A_1 {strides = array<i32>} : memref<128xf32, #tpu.memory_space<vmem>>, vector<16xf32>,
    %swap3A_12 = arith.constant 48 : index
    %swap3A_13 = tpu.vector_load %arg15[%swap3A_12] {strides = array<i32>} : memref<128xf32, #tpu.memory_space<vmem>>, vector<16xf32>,
    tpu.vector_store %arg15[%swap3A_12], %broadcast_in_dim3A_1 {strides = array<i32>} : memref<128xf32, #tpu.memory_space<vmem>>, vector<16xf32>,
    %swap3A_14 = arith.constant 64 : index
    %swap3A_15 = tpu.vector_load %arg15[%swap3A_14] {strides = array<i32>} : memref<128xf32, #tpu.memory_space<vmem>>, vector<16xf32>,
    tpu.vector_store %arg15[%swap3A_14], %broadcast_in_dim3A_1 {strides = array<i32>} : memref<128xf32, #tpu.memory_space<vmem>>, vector<16xf32>,
    %swap3A_16 = arith.constant 80 : index
    %swap3A_17 = tpu.vector_load %arg15[%swap3A_16] {strides = array<i32>} : memref<128xf32, #tpu.memory_space<vmem>>, vector<16xf32>,
    tpu.vector_store %arg15[%swap3A_16], %broadcast_in_dim3A_1 {strides = array<i32>} : memref<128xf32, #tpu.memory_space<vmem>>, vector<16xf32>,
    %swap3A_18 = arith.constant 96 : index
    %swap3A_19 = tpu.vector_load %arg15[%swap3A_18] {strides = array<i32>} : memref<128xf32, #tpu.memory_space<vmem>>, vector<16xf32>,
    tpu.vector_store %arg15[%swap3A_18], %broadcast_in_dim3A_1 {strides = array<i32>} : memref<128xf32, #tpu.memory_space<vmem>>, vector<16xf32>,
    %swap3A_20 = arith.constant 112 : index
    %swap3A_21 = tpu.vector_load %arg15[%swap3A_20] {strides = array<i32>} : memref<128xf32, #tpu.memory_space<vmem>>, vector<16xf32>,
    tpu.vector_store %arg15[%swap3A_20], %broadcast_in_dim3A_1 {strides = array<i32>} : memref<128xf32, #tpu.memory_space<vmem>>, vector<16xf32>,
    %mul3A = arith.constant 640 : i32
    %mul3A_22 = arith.muli %arg1, %mul3A : i32
    %add3A = arith.constant 0 : i32
    %add3A_23 = arith.addi %mul3A_22, %add3A : i32
    "tpu.region"() ({
      %run_scoped3A = tpu.sem_alloc : memref<!tpu.dma_semaphore, #tpu.memory_space<semaphore_mem>>
      %dma_start3A = arith.constant 0 : i32
      %dma_start3A_105 = tpu.memref_slice %arg18[%add3A_23, %dma_start3A] : memref<10240x128xf32, #tpu.memory_space<vmem_shared>> -> memref<128x128xf32, #tpu.memory_space<vmem_shared>>
      %dma_start3A_106 = arith.constant 0 : i32
      %dma_start3A_107 = tpu.memref_slice %arg18[%add3A_23, %dma_start3A_106] : memref<10240x128xf32, #tpu.memory_space<vmem_shared>> -> memref<128x128xf32, #tpu.memory_space<vmem_shared>>
      tpu.enqueue_dma source(%arg16 : memref<128x128xf32, #tpu.memory_space<vmem>>) target(%dma_start3A_107 : memref<128x128xf32, #tpu.memory_space<vmem_shared>>) target_semaphore(%run_scoped3A : memref<!tpu.dma_semaphore, #tpu.memory_space<semaphore_mem>>)
      %dma_wait3A = arith.constant 0 : i32
      %dma_wait3A_108 = tpu.memref_slice %arg18[%add3A_23, %dma_wait3A] : memref<10240x128xf32, #tpu.memory_space<vmem_shared>> -> memref<128x128xf32, #tpu.memory_space<vmem_shared>>
      %dma_wait3A_109 = arith.constant 0 : i32
      %dma_wait3A_110 = tpu.memref_slice %arg18[%add3A_23, %dma_wait3A_109] : memref<10240x128xf32, #tpu.memory_space<vmem_shared>> -> memref<128x128xf32, #tpu.memory_space<vmem_shared>>
      tpu.wait_dma2 semaphore(%run_scoped3A : memref<!tpu.dma_semaphore, #tpu.memory_space<semaphore_mem>>) src(%arg16 : memref<128x128xf32, #tpu.memory_space<vmem>>) dst(%dma_wait3A_110 : memref<128x128xf32, #tpu.memory_space<vmem_shared>>)
      tpu.yield
    }) : () -> ()
    "tpu.region"() ({
      %run_scoped3A = tpu.sem_alloc : memref<!tpu.dma_semaphore, #tpu.memory_space<semaphore_mem>>
      %dma_start3A = tpu.memref_slice %arg19[%add3A_23] : memref<10240xf32, #tpu.memory_space<vmem_shared>> -> memref<128xf32, #tpu.memory_space<vmem_shared>>
      %dma_start3A_105 = tpu.memref_slice %arg19[%add3A_23] : memref<10240xf32, #tpu.memory_space<vmem_shared>> -> memref<128xf32, #tpu.memory_space<vmem_shared>>
      tpu.enqueue_dma source(%arg15 : memref<128xf32, #tpu.memory_space<vmem>>) target(%dma_start3A_105 : memref<128xf32, #tpu.memory_space<vmem_shared>>) target_semaphore(%run_scoped3A : memref<!tpu.dma_semaphore, #tpu.memory_space<semaphore_mem>>)
      %dma_wait3A = tpu.memref_slice %arg19[%add3A_23] : memref<10240xf32, #tpu.memory_space<vmem_shared>> -> memref<128xf32, #tpu.memory_space<vmem_shared>>
      %dma_wait3A_106 = tpu.memref_slice %arg19[%add3A_23] : memref<10240xf32, #tpu.memory_space<vmem_shared>> -> memref<128xf32, #tpu.memory_space<vmem_shared>>
      tpu.wait_dma2 semaphore(%run_scoped3A : memref<!tpu.dma_semaphore, #tpu.memory_space<semaphore_mem>>) src(%arg15 : memref<128xf32, #tpu.memory_space<vmem>>) dst(%dma_wait3A_106 : memref<128xf32, #tpu.memory_space<vmem_shared>>)
      tpu.yield
    }) : () -> ()
    %mul3A_24 = arith.constant 640 : i32
    %mul3A_25 = arith.muli %arg1, %mul3A_24 : i32
    %add3A_26 = arith.constant 128 : i32
    %add3A_27 = arith.addi %mul3A_25, %add3A_26 : i32
    "tpu.region"() ({
      %run_scoped3A = tpu.sem_alloc : memref<!tpu.dma_semaphore, #tpu.memory_space<semaphore_mem>>
      %dma_start3A = arith.constant 0 : i32
      %dma_start3A_105 = tpu.memref_slice %arg18[%add3A_27, %dma_start3A] : memref<10240x128xf32, #tpu.memory_space<vmem_shared>> -> memref<128x128xf32, #tpu.memory_space<vmem_shared>>
      %dma_start3A_106 = arith.constant 0 : i32
      %dma_start3A_107 = tpu.memref_slice %arg18[%add3A_27, %dma_start3A_106] : memref<10240x128xf32, #tpu.memory_space<vmem_shared>> -> memref<128x128xf32, #tpu.memory_space<vmem_shared>>
      tpu.enqueue_dma source(%arg16 : memref<128x128xf32, #tpu.memory_space<vmem>>) target(%dma_start3A_107 : memref<128x128xf32, #tpu.memory_space<vmem_shared>>) target_semaphore(%run_scoped3A : memref<!tpu.dma_semaphore, #tpu.memory_space<semaphore_mem>>)
      %dma_wait3A = arith.constant 0 : i32
      %dma_wait3A_108 = tpu.memref_slice %arg18[%add3A_27, %dma_wait3A] : memref<10240x128xf32, #tpu.memory_space<vmem_shared>> -> memref<128x128xf32, #tpu.memory_space<vmem_shared>>
      %dma_wait3A_109 = arith.constant 0 : i32
      %dma_wait3A_110 = tpu.memref_slice %arg18[%add3A_27, %dma_wait3A_109] : memref<10240x128xf32, #tpu.memory_space<vmem_shared>> -> memref<128x128xf32, #tpu.memory_space<vmem_shared>>
      tpu.wait_dma2 semaphore(%run_scoped3A : memref<!tpu.dma_semaphore, #tpu.memory_space<semaphore_mem>>) src(%arg16 : memref<128x128xf32, #tpu.memory_space<vmem>>) dst(%dma_wait3A_110 : memref<128x128xf32, #tpu.memory_space<vmem_shared>>)
      tpu.yield
    }) : () -> ()
    "tpu.region"() ({
      %run_scoped3A = tpu.sem_alloc : memref<!tpu.dma_semaphore, #tpu.memory_space<semaphore_mem>>
      %dma_start3A = tpu.memref_slice %arg19[%add3A_27] : memref<10240xf32, #tpu.memory_space<vmem_shared>> -> memref<128xf32, #tpu.memory_space<vmem_shared>>
      %dma_start3A_105 = tpu.memref_slice %arg19[%add3A_27] : memref<10240xf32, #tpu.memory_space<vmem_shared>> -> memref<128xf32, #tpu.memory_space<vmem_shared>>
      tpu.enqueue_dma source(%arg15 : memref<128xf32, #tpu.memory_space<vmem>>) target(%dma_start3A_105 : memref<128xf32, #tpu.memory_space<vmem_shared>>) target_semaphore(%run_scoped3A : memref<!tpu.dma_semaphore, #tpu.memory_space<semaphore_mem>>)
      %dma_wait3A = tpu.memref_slice %arg19[%add3A_27] : memref<10240xf32, #tpu.memory_space<vmem_shared>> -> memref<128xf32, #tpu.memory_space<vmem_shared>>
      %dma_wait3A_106 = tpu.memref_slice %arg19[%add3A_27] : memref<10240xf32, #tpu.memory_space<vmem_shared>> -> memref<128xf32, #tpu.memory_space<vmem_shared>>
      tpu.wait_dma2 semaphore(%run_scoped3A : memref<!tpu.dma_semaphore, #tpu.memory_space<semaphore_mem>>) src(%arg15 : memref<128xf32, #tpu.memory_space<vmem>>) dst(%dma_wait3A_106 : memref<128xf32, #tpu.memory_space<vmem_shared>>)
      tpu.yield
    }) : () -> ()
    %mul3A_28 = arith.constant 640 : i32
    %mul3A_29 = arith.muli %arg1, %mul3A_28 : i32
    %add3A_30 = arith.constant 256 : i32
    %add3A_31 = arith.addi %mul3A_29, %add3A_30 : i32
    "tpu.region"() ({
      %run_scoped3A = tpu.sem_alloc : memref<!tpu.dma_semaphore, #tpu.memory_space<semaphore_mem>>
      %dma_start3A = arith.constant 0 : i32
      %dma_start3A_105 = tpu.memref_slice %arg18[%add3A_31, %dma_start3A] : memref<10240x128xf32, #tpu.memory_space<vmem_shared>> -> memref<128x128xf32, #tpu.memory_space<vmem_shared>>
      %dma_start3A_106 = arith.constant 0 : i32
      %dma_start3A_107 = tpu.memref_slice %arg18[%add3A_31, %dma_start3A_106] : memref<10240x128xf32, #tpu.memory_space<vmem_shared>> -> memref<128x128xf32, #tpu.memory_space<vmem_shared>>
      tpu.enqueue_dma source(%arg16 : memref<128x128xf32, #tpu.memory_space<vmem>>) target(%dma_start3A_107 : memref<128x128xf32, #tpu.memory_space<vmem_shared>>) target_semaphore(%run_scoped3A : memref<!tpu.dma_semaphore, #tpu.memory_space<semaphore_mem>>)
      %dma_wait3A = arith.constant 0 : i32
      %dma_wait3A_108 = tpu.memref_slice %arg18[%add3A_31, %dma_wait3A] : memref<10240x128xf32, #tpu.memory_space<vmem_shared>> -> memref<128x128xf32, #tpu.memory_space<vmem_shared>>
      %dma_wait3A_109 = arith.constant 0 : i32
      %dma_wait3A_110 = tpu.memref_slice %arg18[%add3A_31, %dma_wait3A_109] : memref<10240x128xf32, #tpu.memory_space<vmem_shared>> -> memref<128x128xf32, #tpu.memory_space<vmem_shared>>
      tpu.wait_dma2 semaphore(%run_scoped3A : memref<!tpu.dma_semaphore, #tpu.memory_space<semaphore_mem>>) src(%arg16 : memref<128x128xf32, #tpu.memory_space<vmem>>) dst(%dma_wait3A_110 : memref<128x128xf32, #tpu.memory_space<vmem_shared>>)
      tpu.yield
    }) : () -> ()
    "tpu.region"() ({
      %run_scoped3A = tpu.sem_alloc : memref<!tpu.dma_semaphore, #tpu.memory_space<semaphore_mem>>
      %dma_start3A = tpu.memref_slice %arg19[%add3A_31] : memref<10240xf32, #tpu.memory_space<vmem_shared>> -> memref<128xf32, #tpu.memory_space<vmem_shared>>
      %dma_start3A_105 = tpu.memref_slice %arg19[%add3A_31] : memref<10240xf32, #tpu.memory_space<vmem_shared>> -> memref<128xf32, #tpu.memory_space<vmem_shared>>
      tpu.enqueue_dma source(%arg15 : memref<128xf32, #tpu.memory_space<vmem>>) target(%dma_start3A_105 : memref<128xf32, #tpu.memory_space<vmem_shared>>) target_semaphore(%run_scoped3A : memref<!tpu.dma_semaphore, #tpu.memory_space<semaphore_mem>>)
      %dma_wait3A = tpu.memref_slice %arg19[%add3A_31] : memref<10240xf32, #tpu.memory_space<vmem_shared>> -> memref<128xf32, #tpu.memory_space<vmem_shared>>
      %dma_wait3A_106 = tpu.memref_slice %arg19[%add3A_31] : memref<10240xf32, #tpu.memory_space<vmem_shared>> -> memref<128xf32, #tpu.memory_space<vmem_shared>>
      tpu.wait_dma2 semaphore(%run_scoped3A : memref<!tpu.dma_semaphore, #tpu.memory_space<semaphore_mem>>) src(%arg15 : memref<128xf32, #tpu.memory_space<vmem>>) dst(%dma_wait3A_106 : memref<128xf32, #tpu.memory_space<vmem_shared>>)
      tpu.yield
    }) : () -> ()
    %mul3A_32 = arith.constant 640 : i32
    %mul3A_33 = arith.muli %arg1, %mul3A_32 : i32
    %add3A_34 = arith.constant 384 : i32
    %add3A_35 = arith.addi %mul3A_33, %add3A_34 : i32
    "tpu.region"() ({
      %run_scoped3A = tpu.sem_alloc : memref<!tpu.dma_semaphore, #tpu.memory_space<semaphore_mem>>
      %dma_start3A = arith.constant 0 : i32
      %dma_start3A_105 = tpu.memref_slice %arg18[%add3A_35, %dma_start3A] : memref<10240x128xf32, #tpu.memory_space<vmem_shared>> -> memref<128x128xf32, #tpu.memory_space<vmem_shared>>
      %dma_start3A_106 = arith.constant 0 : i32
      %dma_start3A_107 = tpu.memref_slice %arg18[%add3A_35, %dma_start3A_106] : memref<10240x128xf32, #tpu.memory_space<vmem_shared>> -> memref<128x128xf32, #tpu.memory_space<vmem_shared>>
      tpu.enqueue_dma source(%arg16 : memref<128x128xf32, #tpu.memory_space<vmem>>) target(%dma_start3A_107 : memref<128x128xf32, #tpu.memory_space<vmem_shared>>) target_semaphore(%run_scoped3A : memref<!tpu.dma_semaphore, #tpu.memory_space<semaphore_mem>>)
      %dma_wait3A = arith.constant 0 : i32
      %dma_wait3A_108 = tpu.memref_slice %arg18[%add3A_35, %dma_wait3A] : memref<10240x128xf32, #tpu.memory_space<vmem_shared>> -> memref<128x128xf32, #tpu.memory_space<vmem_shared>>
      %dma_wait3A_109 = arith.constant 0 : i32
      %dma_wait3A_110 = tpu.memref_slice %arg18[%add3A_35, %dma_wait3A_109] : memref<10240x128xf32, #tpu.memory_space<vmem_shared>> -> memref<128x128xf32, #tpu.memory_space<vmem_shared>>
      tpu.wait_dma2 semaphore(%run_scoped3A : memref<!tpu.dma_semaphore, #tpu.memory_space<semaphore_mem>>) src(%arg16 : memref<128x128xf32, #tpu.memory_space<vmem>>) dst(%dma_wait3A_110 : memref<128x128xf32, #tpu.memory_space<vmem_shared>>)
      tpu.yield
    }) : () -> ()
    "tpu.region"() ({
      %run_scoped3A = tpu.sem_alloc : memref<!tpu.dma_semaphore, #tpu.memory_space<semaphore_mem>>
      %dma_start3A = tpu.memref_slice %arg19[%add3A_35] : memref<10240xf32, #tpu.memory_space<vmem_shared>> -> memref<128xf32, #tpu.memory_space<vmem_shared>>
      %dma_start3A_105 = tpu.memref_slice %arg19[%add3A_35] : memref<10240xf32, #tpu.memory_space<vmem_shared>> -> memref<128xf32, #tpu.memory_space<vmem_shared>>
      tpu.enqueue_dma source(%arg15 : memref<128xf32, #tpu.memory_space<vmem>>) target(%dma_start3A_105 : memref<128xf32, #tpu.memory_space<vmem_shared>>) target_semaphore(%run_scoped3A : memref<!tpu.dma_semaphore, #tpu.memory_space<semaphore_mem>>)
      %dma_wait3A = tpu.memref_slice %arg19[%add3A_35] : memref<10240xf32, #tpu.memory_space<vmem_shared>> -> memref<128xf32, #tpu.memory_space<vmem_shared>>
      %dma_wait3A_106 = tpu.memref_slice %arg19[%add3A_35] : memref<10240xf32, #tpu.memory_space<vmem_shared>> -> memref<128xf32, #tpu.memory_space<vmem_shared>>
      tpu.wait_dma2 semaphore(%run_scoped3A : memref<!tpu.dma_semaphore, #tpu.memory_space<semaphore_mem>>) src(%arg15 : memref<128xf32, #tpu.memory_space<vmem>>) dst(%dma_wait3A_106 : memref<128xf32, #tpu.memory_space<vmem_shared>>)
      tpu.yield
    }) : () -> ()
    %mul3A_36 = arith.constant 640 : i32
    %mul3A_37 = arith.muli %arg1, %mul3A_36 : i32
    %add3A_38 = arith.constant 512 : i32
    %add3A_39 = arith.addi %mul3A_37, %add3A_38 : i32
    "tpu.region"() ({
      %run_scoped3A = tpu.sem_alloc : memref<!tpu.dma_semaphore, #tpu.memory_space<semaphore_mem>>
      %dma_start3A = arith.constant 0 : i32
      %dma_start3A_105 = tpu.memref_slice %arg18[%add3A_39, %dma_start3A] : memref<10240x128xf32, #tpu.memory_space<vmem_shared>> -> memref<128x128xf32, #tpu.memory_space<vmem_shared>>
      %dma_start3A_106 = arith.constant 0 : i32
      %dma_start3A_107 = tpu.memref_slice %arg18[%add3A_39, %dma_start3A_106] : memref<10240x128xf32, #tpu.memory_space<vmem_shared>> -> memref<128x128xf32, #tpu.memory_space<vmem_shared>>
      tpu.enqueue_dma source(%arg16 : memref<128x128xf32, #tpu.memory_space<vmem>>) target(%dma_start3A_107 : memref<128x128xf32, #tpu.memory_space<vmem_shared>>) target_semaphore(%run_scoped3A : memref<!tpu.dma_semaphore, #tpu.memory_space<semaphore_mem>>)
      %dma_wait3A = arith.constant 0 : i32
      %dma_wait3A_108 = tpu.memref_slice %arg18[%add3A_39, %dma_wait3A] : memref<10240x128xf32, #tpu.memory_space<vmem_shared>> -> memref<128x128xf32, #tpu.memory_space<vmem_shared>>
      %dma_wait3A_109 = arith.constant 0 : i32
      %dma_wait3A_110 = tpu.memref_slice %arg18[%add3A_39, %dma_wait3A_109] : memref<10240x128xf32, #tpu.memory_space<vmem_shared>> -> memref<128x128xf32, #tpu.memory_space<vmem_shared>>
      tpu.wait_dma2 semaphore(%run_scoped3A : memref<!tpu.dma_semaphore, #tpu.memory_space<semaphore_mem>>) src(%arg16 : memref<128x128xf32, #tpu.memory_space<vmem>>) dst(%dma_wait3A_110 : memref<128x128xf32, #tpu.memory_space<vmem_shared>>)
      tpu.yield
    }) : () -> ()
    "tpu.region"() ({
      %run_scoped3A = tpu.sem_alloc : memref<!tpu.dma_semaphore, #tpu.memory_space<semaphore_mem>>
      %dma_start3A = tpu.memref_slice %arg19[%add3A_39] : memref<10240xf32, #tpu.memory_space<vmem_shared>> -> memref<128xf32, #tpu.memory_space<vmem_shared>>
      %dma_start3A_105 = tpu.memref_slice %arg19[%add3A_39] : memref<10240xf32, #tpu.memory_space<vmem_shared>> -> memref<128xf32, #tpu.memory_space<vmem_shared>>
      tpu.enqueue_dma source(%arg15 : memref<128xf32, #tpu.memory_space<vmem>>) target(%dma_start3A_105 : memref<128xf32, #tpu.memory_space<vmem_shared>>) target_semaphore(%run_scoped3A : memref<!tpu.dma_semaphore, #tpu.memory_space<semaphore_mem>>)
      %dma_wait3A = tpu.memref_slice %arg19[%add3A_39] : memref<10240xf32, #tpu.memory_space<vmem_shared>> -> memref<128xf32, #tpu.memory_space<vmem_shared>>
      %dma_wait3A_106 = tpu.memref_slice %arg19[%add3A_39] : memref<10240xf32, #tpu.memory_space<vmem_shared>> -> memref<128xf32, #tpu.memory_space<vmem_shared>>
      tpu.wait_dma2 semaphore(%run_scoped3A : memref<!tpu.dma_semaphore, #tpu.memory_space<semaphore_mem>>) src(%arg15 : memref<128xf32, #tpu.memory_space<vmem>>) dst(%dma_wait3A_106 : memref<128xf32, #tpu.memory_space<vmem_shared>>)
      tpu.yield
    }) : () -> ()
    %barrier3A = arith.constant 0 : index
    tpu.barrier barrier_id(%barrier3A)
    %sub3A = arith.constant 2500 : i32
    %sub3A_40 = arith.subi %sub3A, %arg1 : i32
    %add3A_41 = arith.constant 16 : i32
    %add3A_42 = arith.addi %sub3A_40, %add3A_41 : i32
    %sub3A_43 = arith.constant 1 : i32
    %sub3A_44 = arith.subi %add3A_42, %sub3A_43 : i32
    %jit3A = arith.constant 16 : i32
    %div3A = arith.divsi %sub3A_44, %jit3A : i32
    %sign3A = arith.constant 0 : i32
    %sign3A_45 = arith.cmpi sgt, %sub3A_44, %sign3A : i32
    %sign3A_46 = arith.extui %sign3A_45 : i1 to i32
    %sign3A_47 = arith.constant 0 : i32
    %sign3A_48 = arith.cmpi slt, %sub3A_44, %sign3A_47 : i32
    %sign3A_49 = arith.extui %sign3A_48 : i1 to i32
    %sign3A_50 = arith.subi %sign3A_46, %sign3A_49 : i32
    %sign3A_51 = arith.constant 0 : i32
    %sign3A_52 = arith.cmpi sgt, %jit3A, %sign3A_51 : i32
    %sign3A_53 = arith.extui %sign3A_52 : i1 to i32
    %sign3A_54 = arith.constant 0 : i32
    %sign3A_55 = arith.cmpi slt, %jit3A, %sign3A_54 : i32
    %sign3A_56 = arith.extui %sign3A_55 : i1 to i32
    %sign3A_57 = arith.subi %sign3A_53, %sign3A_56 : i32
    %ne3A = arith.cmpi ne, %sign3A_50, %sign3A_57 : i32
    %rem3A = arith.remsi %sub3A_44, %jit3A : i32
    %ne3A_58 = arith.constant 0 : i32
    %ne3A_59 = arith.cmpi ne, %rem3A, %ne3A_58 : i32
    %and3A = arith.andi %ne3A, %ne3A_59 : i1
    %sub3A_60 = arith.constant 1 : i32
    %sub3A_61 = arith.subi %div3A, %sub3A_60 : i32
    %select_n3A = arith.select %and3A, %sub3A_61, %div3A : i32
    %while3A = arith.constant 0 : i32
    %while3A_62 = arith.constant 0 : i32
    %while3A_63 = arith.subi %select_n3A, %while3A_62 : i32
    %while3A_64 = arith.addi %while3A_62, %while3A_63 : i32
    %while3A_65 = arith.constant 1 : i32
    %while3A_66 = arith.divsi %while3A_63, %while3A_65 : i32
    %while3A_67 = arith.muli %while3A_66, %while3A_65 : i32
    %while3A_68 = arith.addi %while3A_62, %while3A_67 : i32
    %while3A_69 = arith.constant 1 : i32
    scf.for %while3A_105 = %while3A_62 to %while3A_68 step %while3A_69  : i32 {
      %mul3A_106 = arith.constant 16 : i32
      %mul3A_107 = arith.muli %while3A_105, %mul3A_106 : i32
      %add3A_108 = arith.addi %arg1, %mul3A_107 : i32
      %mul3A_109 = arith.constant 128 : i32
      %mul3A_110 = arith.muli %add3A_108, %mul3A_109 : i32
      "tpu.region"() ({
        %run_scoped3A = tpu.sem_alloc : memref<!tpu.dma_semaphore, #tpu.memory_space<semaphore_mem>>
        %dma_start3A = tpu.memref_slice %arg6[%mul3A_110] : memref<320000xi32, #tpu.memory_space<hbm>> -> memref<128xi32, #tpu.memory_space<hbm>>
        %dma_start3A_252 = tpu.memref_slice %arg6[%mul3A_110] : memref<320000xi32, #tpu.memory_space<hbm>> -> memref<128xi32, #tpu.memory_space<hbm>>
        tpu.enqueue_dma source(%dma_start3A_252 : memref<128xi32, #tpu.memory_space<hbm>>) target(%arg12 : memref<128xi32, #tpu.memory_space<vmem>>) target_semaphore(%run_scoped3A : memref<!tpu.dma_semaphore, #tpu.memory_space<semaphore_mem>>)
        %dma_wait3A = tpu.memref_slice %arg6[%mul3A_110] : memref<320000xi32, #tpu.memory_space<hbm>> -> memref<128xi32, #tpu.memory_space<hbm>>
        %dma_wait3A_253 = tpu.memref_slice %arg6[%mul3A_110] : memref<320000xi32, #tpu.memory_space<hbm>> -> memref<128xi32, #tpu.memory_space<hbm>>
        tpu.wait_dma2 semaphore(%run_scoped3A : memref<!tpu.dma_semaphore, #tpu.memory_space<semaphore_mem>>) src(%dma_wait3A_253 : memref<128xi32, #tpu.memory_space<hbm>>) dst(%arg12 : memref<128xi32, #tpu.memory_space<vmem>>)
        tpu.yield
      }) : () -> ()
      "tpu.region"() ({
        %run_scoped3A = tpu.sem_alloc : memref<!tpu.dma_semaphore, #tpu.memory_space<semaphore_mem>>
        %dma_start3A = tpu.memref_slice %arg7[%mul3A_110] : memref<320000xi32, #tpu.memory_space<hbm>> -> memref<128xi32, #tpu.memory_space<hbm>>
        %dma_start3A_252 = tpu.memref_slice %arg7[%mul3A_110] : memref<320000xi32, #tpu.memory_space<hbm>> -> memref<128xi32, #tpu.memory_space<hbm>>
        tpu.enqueue_dma source(%dma_start3A_252 : memref<128xi32, #tpu.memory_space<hbm>>) target(%arg13 : memref<128xi32, #tpu.memory_space<vmem>>) target_semaphore(%run_scoped3A : memref<!tpu.dma_semaphore, #tpu.memory_space<semaphore_mem>>)
        %dma_wait3A = tpu.memref_slice %arg7[%mul3A_110] : memref<320000xi32, #tpu.memory_space<hbm>> -> memref<128xi32, #tpu.memory_space<hbm>>
        %dma_wait3A_253 = tpu.memref_slice %arg7[%mul3A_110] : memref<320000xi32, #tpu.memory_space<hbm>> -> memref<128xi32, #tpu.memory_space<hbm>>
        tpu.wait_dma2 semaphore(%run_scoped3A : memref<!tpu.dma_semaphore, #tpu.memory_space<semaphore_mem>>) src(%dma_wait3A_253 : memref<128xi32, #tpu.memory_space<hbm>>) dst(%arg13 : memref<128xi32, #tpu.memory_space<vmem>>)
        tpu.yield
      }) : () -> ()
      %get3A_111 = arith.constant 0 : index
      %get3A_112 = tpu.vector_load %arg12[%get3A_111] {strides = array<i32>} : memref<128xi32, #tpu.memory_space<vmem>>, vector<16xi32>,
      %get3A_113 = arith.constant 0 : index
      %get3A_114 = tpu.vector_load %arg13[%get3A_113] {strides = array<i32>} : memref<128xi32, #tpu.memory_space<vmem>>, vector<16xi32>,
      %gather3A = tpu.vector_load_idx %arg9[%get3A_112] : memref<10240xf32, #tpu.memory_space<vmem>>[vector<16xi32>], vector<16xf32>,
      %gather3A_115 = tpu.vector_load_idx %arg10[%get3A_114] : memref<10240xf32, #tpu.memory_space<vmem>>[vector<16xi32>], vector<16xf32>,
      %add3A_116 = arith.addf %gather3A, %gather3A_115 : vector<16xf32>
      %gt3A = arith.constant 0.000000e+00 : f32
      %gt3A_117 = vector.broadcast %gt3A : f32 to vector<16xf32>
      %gt3A_118 = arith.cmpf ogt, %add3A_116, %gt3A_117 : vector<16xf32>
      %mul3A_119 = arith.constant 2.000000e-01 : f32
      %mul3A_120 = vector.broadcast %mul3A_119 : f32 to vector<16xf32>
      %mul3A_121 = arith.mulf %mul3A_120, %add3A_116 : vector<16xf32>
      %select_n3A_122 = arith.select %gt3A_118, %add3A_116, %mul3A_121 : vector<16xi1>, vector<16xf32>
      %sub3A_123 = arith.subf %select_n3A_122, %get3A_0 : vector<16xf32>
      %exp3A = math.exp %sub3A_123 : vector<16xf32>
      %swap3A_124 = arith.constant 0 : index
      %swap3A_125 = tpu.vector_load %arg15[%swap3A_124] {strides = array<i32>} : memref<128xf32, #tpu.memory_space<vmem>>, vector<16xf32>,
      tpu.vector_store %arg15[%swap3A_124], %exp3A {strides = array<i32>} : memref<128xf32, #tpu.memory_space<vmem>>, vector<16xf32>,
      %get3A_126 = arith.constant 16 : index
      %get3A_127 = tpu.vector_load %arg12[%get3A_126] {strides = array<i32>} : memref<128xi32, #tpu.memory_space<vmem>>, vector<16xi32>,
      %get3A_128 = arith.constant 16 : index
      %get3A_129 = tpu.vector_load %arg13[%get3A_128] {strides = array<i32>} : memref<128xi32, #tpu.memory_space<vmem>>, vector<16xi32>,
      %gather3A_130 = tpu.vector_load_idx %arg9[%get3A_127] : memref<10240xf32, #tpu.memory_space<vmem>>[vector<16xi32>], vector<16xf32>,
      %gather3A_131 = tpu.vector_load_idx %arg10[%get3A_129] : memref<10240xf32, #tpu.memory_space<vmem>>[vector<16xi32>], vector<16xf32>,
      %add3A_132 = arith.addf %gather3A_130, %gather3A_131 : vector<16xf32>
      %gt3A_133 = arith.constant 0.000000e+00 : f32
      %gt3A_134 = vector.broadcast %gt3A_133 : f32 to vector<16xf32>
      %gt3A_135 = arith.cmpf ogt, %add3A_132, %gt3A_134 : vector<16xf32>
      %mul3A_136 = arith.constant 2.000000e-01 : f32
      %mul3A_137 = vector.broadcast %mul3A_136 : f32 to vector<16xf32>
      %mul3A_138 = arith.mulf %mul3A_137, %add3A_132 : vector<16xf32>
      %select_n3A_139 = arith.select %gt3A_135, %add3A_132, %mul3A_138 : vector<16xi1>, vector<16xf32>
      %sub3A_140 = arith.subf %select_n3A_139, %get3A_0 : vector<16xf32>
      %exp3A_141 = math.exp %sub3A_140 : vector<16xf32>
      %swap3A_142 = arith.constant 16 : index
      %swap3A_143 = tpu.vector_load %arg15[%swap3A_142] {strides = array<i32>} : memref<128xf32, #tpu.memory_space<vmem>>, vector<16xf32>,
      tpu.vector_store %arg15[%swap3A_142], %exp3A_141 {strides = array<i32>} : memref<128xf32, #tpu.memory_space<vmem>>, vector<16xf32>,
      %get3A_144 = arith.constant 32 : index
      %get3A_145 = tpu.vector_load %arg12[%get3A_144] {strides = array<i32>} : memref<128xi32, #tpu.memory_space<vmem>>, vector<16xi32>,
      %get3A_146 = arith.constant 32 : index
      %get3A_147 = tpu.vector_load %arg13[%get3A_146] {strides = array<i32>} : memref<128xi32, #tpu.memory_space<vmem>>, vector<16xi32>,
      %gather3A_148 = tpu.vector_load_idx %arg9[%get3A_145] : memref<10240xf32, #tpu.memory_space<vmem>>[vector<16xi32>], vector<16xf32>,
      %gather3A_149 = tpu.vector_load_idx %arg10[%get3A_147] : memref<10240xf32, #tpu.memory_space<vmem>>[vector<16xi32>], vector<16xf32>,
      %add3A_150 = arith.addf %gather3A_148, %gather3A_149 : vector<16xf32>
      %gt3A_151 = arith.constant 0.000000e+00 : f32
      %gt3A_152 = vector.broadcast %gt3A_151 : f32 to vector<16xf32>
      %gt3A_153 = arith.cmpf ogt, %add3A_150, %gt3A_152 : vector<16xf32>
      %mul3A_154 = arith.constant 2.000000e-01 : f32
      %mul3A_155 = vector.broadcast %mul3A_154 : f32 to vector<16xf32>
      %mul3A_156 = arith.mulf %mul3A_155, %add3A_150 : vector<16xf32>
      %select_n3A_157 = arith.select %gt3A_153, %add3A_150, %mul3A_156 : vector<16xi1>, vector<16xf32>
      %sub3A_158 = arith.subf %select_n3A_157, %get3A_0 : vector<16xf32>
      %exp3A_159 = math.exp %sub3A_158 : vector<16xf32>
      %swap3A_160 = arith.constant 32 : index
      %swap3A_161 = tpu.vector_load %arg15[%swap3A_160] {strides = array<i32>} : memref<128xf32, #tpu.memory_space<vmem>>, vector<16xf32>,
      tpu.vector_store %arg15[%swap3A_160], %exp3A_159 {strides = array<i32>} : memref<128xf32, #tpu.memory_space<vmem>>, vector<16xf32>,
      %get3A_162 = arith.constant 48 : index
      %get3A_163 = tpu.vector_load %arg12[%get3A_162] {strides = array<i32>} : memref<128xi32, #tpu.memory_space<vmem>>, vector<16xi32>,
      %get3A_164 = arith.constant 48 : index
      %get3A_165 = tpu.vector_load %arg13[%get3A_164] {strides = array<i32>} : memref<128xi32, #tpu.memory_space<vmem>>, vector<16xi32>,
      %gather3A_166 = tpu.vector_load_idx %arg9[%get3A_163] : memref<10240xf32, #tpu.memory_space<vmem>>[vector<16xi32>], vector<16xf32>,
      %gather3A_167 = tpu.vector_load_idx %arg10[%get3A_165] : memref<10240xf32, #tpu.memory_space<vmem>>[vector<16xi32>], vector<16xf32>,
      %add3A_168 = arith.addf %gather3A_166, %gather3A_167 : vector<16xf32>
      %gt3A_169 = arith.constant 0.000000e+00 : f32
      %gt3A_170 = vector.broadcast %gt3A_169 : f32 to vector<16xf32>
      %gt3A_171 = arith.cmpf ogt, %add3A_168, %gt3A_170 : vector<16xf32>
      %mul3A_172 = arith.constant 2.000000e-01 : f32
      %mul3A_173 = vector.broadcast %mul3A_172 : f32 to vector<16xf32>
      %mul3A_174 = arith.mulf %mul3A_173, %add3A_168 : vector<16xf32>
      %select_n3A_175 = arith.select %gt3A_171, %add3A_168, %mul3A_174 : vector<16xi1>, vector<16xf32>
      %sub3A_176 = arith.subf %select_n3A_175, %get3A_0 : vector<16xf32>
      %exp3A_177 = math.exp %sub3A_176 : vector<16xf32>
      %swap3A_178 = arith.constant 48 : index
      %swap3A_179 = tpu.vector_load %arg15[%swap3A_178] {strides = array<i32>} : memref<128xf32, #tpu.memory_space<vmem>>, vector<16xf32>,
      tpu.vector_store %arg15[%swap3A_178], %exp3A_177 {strides = array<i32>} : memref<128xf32, #tpu.memory_space<vmem>>, vector<16xf32>,
      %get3A_180 = arith.constant 64 : index
      %get3A_181 = tpu.vector_load %arg12[%get3A_180] {strides = array<i32>} : memref<128xi32, #tpu.memory_space<vmem>>, vector<16xi32>,
      %get3A_182 = arith.constant 64 : index
      %get3A_183 = tpu.vector_load %arg13[%get3A_182] {strides = array<i32>} : memref<128xi32, #tpu.memory_space<vmem>>, vector<16xi32>,
      %gather3A_184 = tpu.vector_load_idx %arg9[%get3A_181] : memref<10240xf32, #tpu.memory_space<vmem>>[vector<16xi32>], vector<16xf32>,
      %gather3A_185 = tpu.vector_load_idx %arg10[%get3A_183] : memref<10240xf32, #tpu.memory_space<vmem>>[vector<16xi32>], vector<16xf32>,
      %add3A_186 = arith.addf %gather3A_184, %gather3A_185 : vector<16xf32>
      %gt3A_187 = arith.constant 0.000000e+00 : f32
      %gt3A_188 = vector.broadcast %gt3A_187 : f32 to vector<16xf32>
      %gt3A_189 = arith.cmpf ogt, %add3A_186, %gt3A_188 : vector<16xf32>
      %mul3A_190 = arith.constant 2.000000e-01 : f32
      %mul3A_191 = vector.broadcast %mul3A_190 : f32 to vector<16xf32>
      %mul3A_192 = arith.mulf %mul3A_191, %add3A_186 : vector<16xf32>
      %select_n3A_193 = arith.select %gt3A_189, %add3A_186, %mul3A_192 : vector<16xi1>, vector<16xf32>
      %sub3A_194 = arith.subf %select_n3A_193, %get3A_0 : vector<16xf32>
      %exp3A_195 = math.exp %sub3A_194 : vector<16xf32>
      %swap3A_196 = arith.constant 64 : index
      %swap3A_197 = tpu.vector_load %arg15[%swap3A_196] {strides = array<i32>} : memref<128xf32, #tpu.memory_space<vmem>>, vector<16xf32>,
      tpu.vector_store %arg15[%swap3A_196], %exp3A_195 {strides = array<i32>} : memref<128xf32, #tpu.memory_space<vmem>>, vector<16xf32>,
      %get3A_198 = arith.constant 80 : index
      %get3A_199 = tpu.vector_load %arg12[%get3A_198] {strides = array<i32>} : memref<128xi32, #tpu.memory_space<vmem>>, vector<16xi32>,
      %get3A_200 = arith.constant 80 : index
      %get3A_201 = tpu.vector_load %arg13[%get3A_200] {strides = array<i32>} : memref<128xi32, #tpu.memory_space<vmem>>, vector<16xi32>,
      %gather3A_202 = tpu.vector_load_idx %arg9[%get3A_199] : memref<10240xf32, #tpu.memory_space<vmem>>[vector<16xi32>], vector<16xf32>,
      %gather3A_203 = tpu.vector_load_idx %arg10[%get3A_201] : memref<10240xf32, #tpu.memory_space<vmem>>[vector<16xi32>], vector<16xf32>,
      %add3A_204 = arith.addf %gather3A_202, %gather3A_203 : vector<16xf32>
      %gt3A_205 = arith.constant 0.000000e+00 : f32
      %gt3A_206 = vector.broadcast %gt3A_205 : f32 to vector<16xf32>
      %gt3A_207 = arith.cmpf ogt, %add3A_204, %gt3A_206 : vector<16xf32>
      %mul3A_208 = arith.constant 2.000000e-01 : f32
      %mul3A_209 = vector.broadcast %mul3A_208 : f32 to vector<16xf32>
      %mul3A_210 = arith.mulf %mul3A_209, %add3A_204 : vector<16xf32>
      %select_n3A_211 = arith.select %gt3A_207, %add3A_204, %mul3A_210 : vector<16xi1>, vector<16xf32>
      %sub3A_212 = arith.subf %select_n3A_211, %get3A_0 : vector<16xf32>
      %exp3A_213 = math.exp %sub3A_212 : vector<16xf32>
      %swap3A_214 = arith.constant 80 : index
      %swap3A_215 = tpu.vector_load %arg15[%swap3A_214] {strides = array<i32>} : memref<128xf32, #tpu.memory_space<vmem>>, vector<16xf32>,
      tpu.vector_store %arg15[%swap3A_214], %exp3A_213 {strides = array<i32>} : memref<128xf32, #tpu.memory_space<vmem>>, vector<16xf32>,
      %get3A_216 = arith.constant 96 : index
      %get3A_217 = tpu.vector_load %arg12[%get3A_216] {strides = array<i32>} : memref<128xi32, #tpu.memory_space<vmem>>, vector<16xi32>,
      %get3A_218 = arith.constant 96 : index
      %get3A_219 = tpu.vector_load %arg13[%get3A_218] {strides = array<i32>} : memref<128xi32, #tpu.memory_space<vmem>>, vector<16xi32>,
      %gather3A_220 = tpu.vector_load_idx %arg9[%get3A_217] : memref<10240xf32, #tpu.memory_space<vmem>>[vector<16xi32>], vector<16xf32>,
      %gather3A_221 = tpu.vector_load_idx %arg10[%get3A_219] : memref<10240xf32, #tpu.memory_space<vmem>>[vector<16xi32>], vector<16xf32>,
      %add3A_222 = arith.addf %gather3A_220, %gather3A_221 : vector<16xf32>
      %gt3A_223 = arith.constant 0.000000e+00 : f32
      %gt3A_224 = vector.broadcast %gt3A_223 : f32 to vector<16xf32>
      %gt3A_225 = arith.cmpf ogt, %add3A_222, %gt3A_224 : vector<16xf32>
      %mul3A_226 = arith.constant 2.000000e-01 : f32
      %mul3A_227 = vector.broadcast %mul3A_226 : f32 to vector<16xf32>
      %mul3A_228 = arith.mulf %mul3A_227, %add3A_222 : vector<16xf32>
      %select_n3A_229 = arith.select %gt3A_225, %add3A_222, %mul3A_228 : vector<16xi1>, vector<16xf32>
      %sub3A_230 = arith.subf %select_n3A_229, %get3A_0 : vector<16xf32>
      %exp3A_231 = math.exp %sub3A_230 : vector<16xf32>
      %swap3A_232 = arith.constant 96 : index
      %swap3A_233 = tpu.vector_load %arg15[%swap3A_232] {strides = array<i32>} : memref<128xf32, #tpu.memory_space<vmem>>, vector<16xf32>,
      tpu.vector_store %arg15[%swap3A_232], %exp3A_231 {strides = array<i32>} : memref<128xf32, #tpu.memory_space<vmem>>, vector<16xf32>,
      %get3A_234 = arith.constant 112 : index
      %get3A_235 = tpu.vector_load %arg12[%get3A_234] {strides = array<i32>} : memref<128xi32, #tpu.memory_space<vmem>>, vector<16xi32>,
      %get3A_236 = arith.constant 112 : index
      %get3A_237 = tpu.vector_load %arg13[%get3A_236] {strides = array<i32>} : memref<128xi32, #tpu.memory_space<vmem>>, vector<16xi32>,
      %gather3A_238 = tpu.vector_load_idx %arg9[%get3A_235] : memref<10240xf32, #tpu.memory_space<vmem>>[vector<16xi32>], vector<16xf32>,
      %gather3A_239 = tpu.vector_load_idx %arg10[%get3A_237] : memref<10240xf32, #tpu.memory_space<vmem>>[vector<16xi32>], vector<16xf32>,
      %add3A_240 = arith.addf %gather3A_238, %gather3A_239 : vector<16xf32>
      %gt3A_241 = arith.constant 0.000000e+00 : f32
      %gt3A_242 = vector.broadcast %gt3A_241 : f32 to vector<16xf32>
      %gt3A_243 = arith.cmpf ogt, %add3A_240, %gt3A_242 : vector<16xf32>
      %mul3A_244 = arith.constant 2.000000e-01 : f32
      %mul3A_245 = vector.broadcast %mul3A_244 : f32 to vector<16xf32>
      %mul3A_246 = arith.mulf %mul3A_245, %add3A_240 : vector<16xf32>
      %select_n3A_247 = arith.select %gt3A_243, %add3A_240, %mul3A_246 : vector<16xi1>, vector<16xf32>
      %sub3A_248 = arith.subf %select_n3A_247, %get3A_0 : vector<16xf32>
      %exp3A_249 = math.exp %sub3A_248 : vector<16xf32>
      %swap3A_250 = arith.constant 112 : index
      %swap3A_251 = tpu.vector_load %arg15[%swap3A_250] {strides = array<i32>} : memref<128xf32, #tpu.memory_space<vmem>>, vector<16xf32>,
      tpu.vector_store %arg15[%swap3A_250], %exp3A_249 {strides = array<i32>} : memref<128xf32, #tpu.memory_space<vmem>>, vector<16xf32>,
      "tpu.region"() ({
        %run_scoped3A = tpu.sem_alloc : memref<!tpu.dma_semaphore, #tpu.memory_space<semaphore_mem>>
        %dma_start3A = arith.constant 0 : i32
        %dma_start3A_252 = tpu.memref_slice %arg19[%dma_start3A] : memref<10240xf32, #tpu.memory_space<vmem_shared>> -> memref<10240xf32, #tpu.memory_space<vmem_shared>>
        tpu.enqueue_indirect_dma source(%arg15 : memref<128xf32, #tpu.memory_space<vmem>>) target(%dma_start3A_252 : memref<10240xf32, #tpu.memory_space<vmem_shared>>) offsets(%arg13 : memref<128xi32, #tpu.memory_space<vmem>>) semaphore(%run_scoped3A : memref<!tpu.dma_semaphore, #tpu.memory_space<semaphore_mem>>) {add = true}
        %dma_wait3A = arith.constant 0 : i32
        %dma_wait3A_253 = tpu.memref_slice %arg19[%dma_wait3A] : memref<10240xf32, #tpu.memory_space<vmem_shared>> -> memref<10240xf32, #tpu.memory_space<vmem_shared>>
        tpu.wait_indirect_dma semaphore(%run_scoped3A : memref<!tpu.dma_semaphore, #tpu.memory_space<semaphore_mem>>) src(%arg15 : memref<128xf32, #tpu.memory_space<vmem>>) dst(%dma_wait3A_253 : memref<10240xf32, #tpu.memory_space<vmem_shared>>)
        tpu.yield
      }) : () -> ()
    }
    %while3A_70 = arith.constant 1 : i32
    scf.for %while3A_105 = %while3A_68 to %while3A_64 step %while3A_70  : i32 {
      %mul3A_106 = arith.constant 16 : i32
      %mul3A_107 = arith.muli %while3A_105, %mul3A_106 : i32
      %add3A_108 = arith.addi %arg1, %mul3A_107 : i32
      %mul3A_109 = arith.constant 128 : i32
      %mul3A_110 = arith.muli %add3A_108, %mul3A_109 : i32
      "tpu.region"() ({
        %run_scoped3A = tpu.sem_alloc : memref<!tpu.dma_semaphore, #tpu.memory_space<semaphore_mem>>
        %dma_start3A = tpu.memref_slice %arg6[%mul3A_110] : memref<320000xi32, #tpu.memory_space<hbm>> -> memref<128xi32, #tpu.memory_space<hbm>>
        %dma_start3A_252 = tpu.memref_slice %arg6[%mul3A_110] : memref<320000xi32, #tpu.memory_space<hbm>> -> memref<128xi32, #tpu.memory_space<hbm>>
        tpu.enqueue_dma source(%dma_start3A_252 : memref<128xi32, #tpu.memory_space<hbm>>) target(%arg12 : memref<128xi32, #tpu.memory_space<vmem>>) target_semaphore(%run_scoped3A : memref<!tpu.dma_semaphore, #tpu.memory_space<semaphore_mem>>)
        %dma_wait3A = tpu.memref_slice %arg6[%mul3A_110] : memref<320000xi32, #tpu.memory_space<hbm>> -> memref<128xi32, #tpu.memory_space<hbm>>
        %dma_wait3A_253 = tpu.memref_slice %arg6[%mul3A_110] : memref<320000xi32, #tpu.memory_space<hbm>> -> memref<128xi32, #tpu.memory_space<hbm>>
        tpu.wait_dma2 semaphore(%run_scoped3A : memref<!tpu.dma_semaphore, #tpu.memory_space<semaphore_mem>>) src(%dma_wait3A_253 : memref<128xi32, #tpu.memory_space<hbm>>) dst(%arg12 : memref<128xi32, #tpu.memory_space<vmem>>)
        tpu.yield
      }) : () -> ()
      "tpu.region"() ({
        %run_scoped3A = tpu.sem_alloc : memref<!tpu.dma_semaphore, #tpu.memory_space<semaphore_mem>>
        %dma_start3A = tpu.memref_slice %arg7[%mul3A_110] : memref<320000xi32, #tpu.memory_space<hbm>> -> memref<128xi32, #tpu.memory_space<hbm>>
        %dma_start3A_252 = tpu.memref_slice %arg7[%mul3A_110] : memref<320000xi32, #tpu.memory_space<hbm>> -> memref<128xi32, #tpu.memory_space<hbm>>
        tpu.enqueue_dma source(%dma_start3A_252 : memref<128xi32, #tpu.memory_space<hbm>>) target(%arg13 : memref<128xi32, #tpu.memory_space<vmem>>) target_semaphore(%run_scoped3A : memref<!tpu.dma_semaphore, #tpu.memory_space<semaphore_mem>>)
        %dma_wait3A = tpu.memref_slice %arg7[%mul3A_110] : memref<320000xi32, #tpu.memory_space<hbm>> -> memref<128xi32, #tpu.memory_space<hbm>>
        %dma_wait3A_253 = tpu.memref_slice %arg7[%mul3A_110] : memref<320000xi32, #tpu.memory_space<hbm>> -> memref<128xi32, #tpu.memory_space<hbm>>
        tpu.wait_dma2 semaphore(%run_scoped3A : memref<!tpu.dma_semaphore, #tpu.memory_space<semaphore_mem>>) src(%dma_wait3A_253 : memref<128xi32, #tpu.memory_space<hbm>>) dst(%arg13 : memref<128xi32, #tpu.memory_space<vmem>>)
        tpu.yield
      }) : () -> ()
      %get3A_111 = arith.constant 0 : index
      %get3A_112 = tpu.vector_load %arg12[%get3A_111] {strides = array<i32>} : memref<128xi32, #tpu.memory_space<vmem>>, vector<16xi32>,
      %get3A_113 = arith.constant 0 : index
      %get3A_114 = tpu.vector_load %arg13[%get3A_113] {strides = array<i32>} : memref<128xi32, #tpu.memory_space<vmem>>, vector<16xi32>,
      %gather3A = tpu.vector_load_idx %arg9[%get3A_112] : memref<10240xf32, #tpu.memory_space<vmem>>[vector<16xi32>], vector<16xf32>,
      %gather3A_115 = tpu.vector_load_idx %arg10[%get3A_114] : memref<10240xf32, #tpu.memory_space<vmem>>[vector<16xi32>], vector<16xf32>,
      %add3A_116 = arith.addf %gather3A, %gather3A_115 : vector<16xf32>
      %gt3A = arith.constant 0.000000e+00 : f32
      %gt3A_117 = vector.broadcast %gt3A : f32 to vector<16xf32>
      %gt3A_118 = arith.cmpf ogt, %add3A_116, %gt3A_117 : vector<16xf32>
      %mul3A_119 = arith.constant 2.000000e-01 : f32
      %mul3A_120 = vector.broadcast %mul3A_119 : f32 to vector<16xf32>
      %mul3A_121 = arith.mulf %mul3A_120, %add3A_116 : vector<16xf32>
      %select_n3A_122 = arith.select %gt3A_118, %add3A_116, %mul3A_121 : vector<16xi1>, vector<16xf32>
      %sub3A_123 = arith.subf %select_n3A_122, %get3A_0 : vector<16xf32>
      %exp3A = math.exp %sub3A_123 : vector<16xf32>
      %swap3A_124 = arith.constant 0 : index
      %swap3A_125 = tpu.vector_load %arg15[%swap3A_124] {strides = array<i32>} : memref<128xf32, #tpu.memory_space<vmem>>, vector<16xf32>,
      tpu.vector_store %arg15[%swap3A_124], %exp3A {strides = array<i32>} : memref<128xf32, #tpu.memory_space<vmem>>, vector<16xf32>,
      %get3A_126 = arith.constant 16 : index
      %get3A_127 = tpu.vector_load %arg12[%get3A_126] {strides = array<i32>} : memref<128xi32, #tpu.memory_space<vmem>>, vector<16xi32>,
      %get3A_128 = arith.constant 16 : index
      %get3A_129 = tpu.vector_load %arg13[%get3A_128] {strides = array<i32>} : memref<128xi32, #tpu.memory_space<vmem>>, vector<16xi32>,
      %gather3A_130 = tpu.vector_load_idx %arg9[%get3A_127] : memref<10240xf32, #tpu.memory_space<vmem>>[vector<16xi32>], vector<16xf32>,
      %gather3A_131 = tpu.vector_load_idx %arg10[%get3A_129] : memref<10240xf32, #tpu.memory_space<vmem>>[vector<16xi32>], vector<16xf32>,
      %add3A_132 = arith.addf %gather3A_130, %gather3A_131 : vector<16xf32>
      %gt3A_133 = arith.constant 0.000000e+00 : f32
      %gt3A_134 = vector.broadcast %gt3A_133 : f32 to vector<16xf32>
      %gt3A_135 = arith.cmpf ogt, %add3A_132, %gt3A_134 : vector<16xf32>
      %mul3A_136 = arith.constant 2.000000e-01 : f32
      %mul3A_137 = vector.broadcast %mul3A_136 : f32 to vector<16xf32>
      %mul3A_138 = arith.mulf %mul3A_137, %add3A_132 : vector<16xf32>
      %select_n3A_139 = arith.select %gt3A_135, %add3A_132, %mul3A_138 : vector<16xi1>, vector<16xf32>
      %sub3A_140 = arith.subf %select_n3A_139, %get3A_0 : vector<16xf32>
      %exp3A_141 = math.exp %sub3A_140 : vector<16xf32>
      %swap3A_142 = arith.constant 16 : index
      %swap3A_143 = tpu.vector_load %arg15[%swap3A_142] {strides = array<i32>} : memref<128xf32, #tpu.memory_space<vmem>>, vector<16xf32>,
      tpu.vector_store %arg15[%swap3A_142], %exp3A_141 {strides = array<i32>} : memref<128xf32, #tpu.memory_space<vmem>>, vector<16xf32>,
      %get3A_144 = arith.constant 32 : index
      %get3A_145 = tpu.vector_load %arg12[%get3A_144] {strides = array<i32>} : memref<128xi32, #tpu.memory_space<vmem>>, vector<16xi32>,
      %get3A_146 = arith.constant 32 : index
      %get3A_147 = tpu.vector_load %arg13[%get3A_146] {strides = array<i32>} : memref<128xi32, #tpu.memory_space<vmem>>, vector<16xi32>,
      %gather3A_148 = tpu.vector_load_idx %arg9[%get3A_145] : memref<10240xf32, #tpu.memory_space<vmem>>[vector<16xi32>], vector<16xf32>,
      %gather3A_149 = tpu.vector_load_idx %arg10[%get3A_147] : memref<10240xf32, #tpu.memory_space<vmem>>[vector<16xi32>], vector<16xf32>,
      %add3A_150 = arith.addf %gather3A_148, %gather3A_149 : vector<16xf32>
      %gt3A_151 = arith.constant 0.000000e+00 : f32
      %gt3A_152 = vector.broadcast %gt3A_151 : f32 to vector<16xf32>
      %gt3A_153 = arith.cmpf ogt, %add3A_150, %gt3A_152 : vector<16xf32>
      %mul3A_154 = arith.constant 2.000000e-01 : f32
      %mul3A_155 = vector.broadcast %mul3A_154 : f32 to vector<16xf32>
      %mul3A_156 = arith.mulf %mul3A_155, %add3A_150 : vector<16xf32>
      %select_n3A_157 = arith.select %gt3A_153, %add3A_150, %mul3A_156 : vector<16xi1>, vector<16xf32>
      %sub3A_158 = arith.subf %select_n3A_157, %get3A_0 : vector<16xf32>
      %exp3A_159 = math.exp %sub3A_158 : vector<16xf32>
      %swap3A_160 = arith.constant 32 : index
      %swap3A_161 = tpu.vector_load %arg15[%swap3A_160] {strides = array<i32>} : memref<128xf32, #tpu.memory_space<vmem>>, vector<16xf32>,
      tpu.vector_store %arg15[%swap3A_160], %exp3A_159 {strides = array<i32>} : memref<128xf32, #tpu.memory_space<vmem>>, vector<16xf32>,
      %get3A_162 = arith.constant 48 : index
      %get3A_163 = tpu.vector_load %arg12[%get3A_162] {strides = array<i32>} : memref<128xi32, #tpu.memory_space<vmem>>, vector<16xi32>,
      %get3A_164 = arith.constant 48 : index
      %get3A_165 = tpu.vector_load %arg13[%get3A_164] {strides = array<i32>} : memref<128xi32, #tpu.memory_space<vmem>>, vector<16xi32>,
      %gather3A_166 = tpu.vector_load_idx %arg9[%get3A_163] : memref<10240xf32, #tpu.memory_space<vmem>>[vector<16xi32>], vector<16xf32>,
      %gather3A_167 = tpu.vector_load_idx %arg10[%get3A_165] : memref<10240xf32, #tpu.memory_space<vmem>>[vector<16xi32>], vector<16xf32>,
      %add3A_168 = arith.addf %gather3A_166, %gather3A_167 : vector<16xf32>
      %gt3A_169 = arith.constant 0.000000e+00 : f32
      %gt3A_170 = vector.broadcast %gt3A_169 : f32 to vector<16xf32>
      %gt3A_171 = arith.cmpf ogt, %add3A_168, %gt3A_170 : vector<16xf32>
      %mul3A_172 = arith.constant 2.000000e-01 : f32
      %mul3A_173 = vector.broadcast %mul3A_172 : f32 to vector<16xf32>
      %mul3A_174 = arith.mulf %mul3A_173, %add3A_168 : vector<16xf32>
      %select_n3A_175 = arith.select %gt3A_171, %add3A_168, %mul3A_174 : vector<16xi1>, vector<16xf32>
      %sub3A_176 = arith.subf %select_n3A_175, %get3A_0 : vector<16xf32>
      %exp3A_177 = math.exp %sub3A_176 : vector<16xf32>
      %swap3A_178 = arith.constant 48 : index
      %swap3A_179 = tpu.vector_load %arg15[%swap3A_178] {strides = array<i32>} : memref<128xf32, #tpu.memory_space<vmem>>, vector<16xf32>,
      tpu.vector_store %arg15[%swap3A_178], %exp3A_177 {strides = array<i32>} : memref<128xf32, #tpu.memory_space<vmem>>, vector<16xf32>,
      %get3A_180 = arith.constant 64 : index
      %get3A_181 = tpu.vector_load %arg12[%get3A_180] {strides = array<i32>} : memref<128xi32, #tpu.memory_space<vmem>>, vector<16xi32>,
      %get3A_182 = arith.constant 64 : index
      %get3A_183 = tpu.vector_load %arg13[%get3A_182] {strides = array<i32>} : memref<128xi32, #tpu.memory_space<vmem>>, vector<16xi32>,
      %gather3A_184 = tpu.vector_load_idx %arg9[%get3A_181] : memref<10240xf32, #tpu.memory_space<vmem>>[vector<16xi32>], vector<16xf32>,
      %gather3A_185 = tpu.vector_load_idx %arg10[%get3A_183] : memref<10240xf32, #tpu.memory_space<vmem>>[vector<16xi32>], vector<16xf32>,
      %add3A_186 = arith.addf %gather3A_184, %gather3A_185 : vector<16xf32>
      %gt3A_187 = arith.constant 0.000000e+00 : f32
      %gt3A_188 = vector.broadcast %gt3A_187 : f32 to vector<16xf32>
      %gt3A_189 = arith.cmpf ogt, %add3A_186, %gt3A_188 : vector<16xf32>
      %mul3A_190 = arith.constant 2.000000e-01 : f32
      %mul3A_191 = vector.broadcast %mul3A_190 : f32 to vector<16xf32>
      %mul3A_192 = arith.mulf %mul3A_191, %add3A_186 : vector<16xf32>
      %select_n3A_193 = arith.select %gt3A_189, %add3A_186, %mul3A_192 : vector<16xi1>, vector<16xf32>
      %sub3A_194 = arith.subf %select_n3A_193, %get3A_0 : vector<16xf32>
      %exp3A_195 = math.exp %sub3A_194 : vector<16xf32>
      %swap3A_196 = arith.constant 64 : index
      %swap3A_197 = tpu.vector_load %arg15[%swap3A_196] {strides = array<i32>} : memref<128xf32, #tpu.memory_space<vmem>>, vector<16xf32>,
      tpu.vector_store %arg15[%swap3A_196], %exp3A_195 {strides = array<i32>} : memref<128xf32, #tpu.memory_space<vmem>>, vector<16xf32>,
      %get3A_198 = arith.constant 80 : index
      %get3A_199 = tpu.vector_load %arg12[%get3A_198] {strides = array<i32>} : memref<128xi32, #tpu.memory_space<vmem>>, vector<16xi32>,
      %get3A_200 = arith.constant 80 : index
      %get3A_201 = tpu.vector_load %arg13[%get3A_200] {strides = array<i32>} : memref<128xi32, #tpu.memory_space<vmem>>, vector<16xi32>,
      %gather3A_202 = tpu.vector_load_idx %arg9[%get3A_199] : memref<10240xf32, #tpu.memory_space<vmem>>[vector<16xi32>], vector<16xf32>,
      %gather3A_203 = tpu.vector_load_idx %arg10[%get3A_201] : memref<10240xf32, #tpu.memory_space<vmem>>[vector<16xi32>], vector<16xf32>,
      %add3A_204 = arith.addf %gather3A_202, %gather3A_203 : vector<16xf32>
      %gt3A_205 = arith.constant 0.000000e+00 : f32
      %gt3A_206 = vector.broadcast %gt3A_205 : f32 to vector<16xf32>
      %gt3A_207 = arith.cmpf ogt, %add3A_204, %gt3A_206 : vector<16xf32>
      %mul3A_208 = arith.constant 2.000000e-01 : f32
      %mul3A_209 = vector.broadcast %mul3A_208 : f32 to vector<16xf32>
      %mul3A_210 = arith.mulf %mul3A_209, %add3A_204 : vector<16xf32>
      %select_n3A_211 = arith.select %gt3A_207, %add3A_204, %mul3A_210 : vector<16xi1>, vector<16xf32>
      %sub3A_212 = arith.subf %select_n3A_211, %get3A_0 : vector<16xf32>
      %exp3A_213 = math.exp %sub3A_212 : vector<16xf32>
      %swap3A_214 = arith.constant 80 : index
      %swap3A_215 = tpu.vector_load %arg15[%swap3A_214] {strides = array<i32>} : memref<128xf32, #tpu.memory_space<vmem>>, vector<16xf32>,
      tpu.vector_store %arg15[%swap3A_214], %exp3A_213 {strides = array<i32>} : memref<128xf32, #tpu.memory_space<vmem>>, vector<16xf32>,
      %get3A_216 = arith.constant 96 : index
      %get3A_217 = tpu.vector_load %arg12[%get3A_216] {strides = array<i32>} : memref<128xi32, #tpu.memory_space<vmem>>, vector<16xi32>,
      %get3A_218 = arith.constant 96 : index
      %get3A_219 = tpu.vector_load %arg13[%get3A_218] {strides = array<i32>} : memref<128xi32, #tpu.memory_space<vmem>>, vector<16xi32>,
      %gather3A_220 = tpu.vector_load_idx %arg9[%get3A_217] : memref<10240xf32, #tpu.memory_space<vmem>>[vector<16xi32>], vector<16xf32>,
      %gather3A_221 = tpu.vector_load_idx %arg10[%get3A_219] : memref<10240xf32, #tpu.memory_space<vmem>>[vector<16xi32>], vector<16xf32>,
      %add3A_222 = arith.addf %gather3A_220, %gather3A_221 : vector<16xf32>
      %gt3A_223 = arith.constant 0.000000e+00 : f32
      %gt3A_224 = vector.broadcast %gt3A_223 : f32 to vector<16xf32>
      %gt3A_225 = arith.cmpf ogt, %add3A_222, %gt3A_224 : vector<16xf32>
      %mul3A_226 = arith.constant 2.000000e-01 : f32
      %mul3A_227 = vector.broadcast %mul3A_226 : f32 to vector<16xf32>
      %mul3A_228 = arith.mulf %mul3A_227, %add3A_222 : vector<16xf32>
      %select_n3A_229 = arith.select %gt3A_225, %add3A_222, %mul3A_228 : vector<16xi1>, vector<16xf32>
      %sub3A_230 = arith.subf %select_n3A_229, %get3A_0 : vector<16xf32>
      %exp3A_231 = math.exp %sub3A_230 : vector<16xf32>
      %swap3A_232 = arith.constant 96 : index
      %swap3A_233 = tpu.vector_load %arg15[%swap3A_232] {strides = array<i32>} : memref<128xf32, #tpu.memory_space<vmem>>, vector<16xf32>,
      tpu.vector_store %arg15[%swap3A_232], %exp3A_231 {strides = array<i32>} : memref<128xf32, #tpu.memory_space<vmem>>, vector<16xf32>,
      %get3A_234 = arith.constant 112 : index
      %get3A_235 = tpu.vector_load %arg12[%get3A_234] {strides = array<i32>} : memref<128xi32, #tpu.memory_space<vmem>>, vector<16xi32>,
      %get3A_236 = arith.constant 112 : index
      %get3A_237 = tpu.vector_load %arg13[%get3A_236] {strides = array<i32>} : memref<128xi32, #tpu.memory_space<vmem>>, vector<16xi32>,
      %gather3A_238 = tpu.vector_load_idx %arg9[%get3A_235] : memref<10240xf32, #tpu.memory_space<vmem>>[vector<16xi32>], vector<16xf32>,
      %gather3A_239 = tpu.vector_load_idx %arg10[%get3A_237] : memref<10240xf32, #tpu.memory_space<vmem>>[vector<16xi32>], vector<16xf32>,
      %add3A_240 = arith.addf %gather3A_238, %gather3A_239 : vector<16xf32>
      %gt3A_241 = arith.constant 0.000000e+00 : f32
      %gt3A_242 = vector.broadcast %gt3A_241 : f32 to vector<16xf32>
      %gt3A_243 = arith.cmpf ogt, %add3A_240, %gt3A_242 : vector<16xf32>
      %mul3A_244 = arith.constant 2.000000e-01 : f32
      %mul3A_245 = vector.broadcast %mul3A_244 : f32 to vector<16xf32>
      %mul3A_246 = arith.mulf %mul3A_245, %add3A_240 : vector<16xf32>
      %select_n3A_247 = arith.select %gt3A_243, %add3A_240, %mul3A_246 : vector<16xi1>, vector<16xf32>
      %sub3A_248 = arith.subf %select_n3A_247, %get3A_0 : vector<16xf32>
      %exp3A_249 = math.exp %sub3A_248 : vector<16xf32>
      %swap3A_250 = arith.constant 112 : index
      %swap3A_251 = tpu.vector_load %arg15[%swap3A_250] {strides = array<i32>} : memref<128xf32, #tpu.memory_space<vmem>>, vector<16xf32>,
      tpu.vector_store %arg15[%swap3A_250], %exp3A_249 {strides = array<i32>} : memref<128xf32, #tpu.memory_space<vmem>>, vector<16xf32>,
      "tpu.region"() ({
        %run_scoped3A = tpu.sem_alloc : memref<!tpu.dma_semaphore, #tpu.memory_space<semaphore_mem>>
        %dma_start3A = arith.constant 0 : i32
        %dma_start3A_252 = tpu.memref_slice %arg19[%dma_start3A] : memref<10240xf32, #tpu.memory_space<vmem_shared>> -> memref<10240xf32, #tpu.memory_space<vmem_shared>>
        tpu.enqueue_indirect_dma source(%arg15 : memref<128xf32, #tpu.memory_space<vmem>>) target(%dma_start3A_252 : memref<10240xf32, #tpu.memory_space<vmem_shared>>) offsets(%arg13 : memref<128xi32, #tpu.memory_space<vmem>>) semaphore(%run_scoped3A : memref<!tpu.dma_semaphore, #tpu.memory_space<semaphore_mem>>) {add = true}
        %dma_wait3A = arith.constant 0 : i32
        %dma_wait3A_253 = tpu.memref_slice %arg19[%dma_wait3A] : memref<10240xf32, #tpu.memory_space<vmem_shared>> -> memref<10240xf32, #tpu.memory_space<vmem_shared>>
        tpu.wait_indirect_dma semaphore(%run_scoped3A : memref<!tpu.dma_semaphore, #tpu.memory_space<semaphore_mem>>) src(%arg15 : memref<128xf32, #tpu.memory_space<vmem>>) dst(%dma_wait3A_253 : memref<10240xf32, #tpu.memory_space<vmem_shared>>)
        tpu.yield
      }) : () -> ()
    }
    %barrier3A_71 = arith.constant 0 : index
    tpu.barrier barrier_id(%barrier3A_71)
    "tpu.region"() ({
      %run_scoped3A = tpu.sem_alloc : memref<!tpu.dma_semaphore, #tpu.memory_space<semaphore_mem>>
      tpu.enqueue_dma source(%arg19 : memref<10240xf32, #tpu.memory_space<vmem_shared>>) target(%arg11 : memref<10240xf32, #tpu.memory_space<vmem>>) target_semaphore(%run_scoped3A : memref<!tpu.dma_semaphore, #tpu.memory_space<semaphore_mem>>)
      tpu.wait_dma2 semaphore(%run_scoped3A : memref<!tpu.dma_semaphore, #tpu.memory_space<semaphore_mem>>) src(%arg19 : memref<10240xf32, #tpu.memory_space<vmem_shared>>) dst(%arg11 : memref<10240xf32, #tpu.memory_space<vmem>>)
      tpu.yield
    }) : () -> ()
    %mul3A_72 = arith.constant 128 : i32
    %mul3A_73 = arith.muli %arg1, %mul3A_72 : i32
    %while3A_74 = arith.constant 0 : i32
    %while3A_75 = arith.constant 0 : i32
    %while3A_76 = arith.subi %select_n3A, %while3A_75 : i32
    %while3A_77 = arith.addi %while3A_75, %while3A_76 : i32
    %while3A_78 = arith.constant 1 : i32
    %while3A_79 = arith.divsi %while3A_76, %while3A_78 : i32
    %while3A_80 = arith.muli %while3A_79, %while3A_78 : i32
    %while3A_81 = arith.addi %while3A_75, %while3A_80 : i32
    %while3A_82 = arith.constant 1 : i32
    scf.for %while3A_105 = %while3A_75 to %while3A_81 step %while3A_82  : i32 {
      %mul3A_106 = arith.constant 16 : i32
      %mul3A_107 = arith.muli %while3A_105, %mul3A_106 : i32
      %mul3A_108 = arith.constant 128 : i32
      %mul3A_109 = arith.muli %mul3A_107, %mul3A_108 : i32
      %add3A_110 = arith.addi %mul3A_73, %mul3A_109 : i32
      "tpu.region"() ({
        %run_scoped3A = tpu.sem_alloc : memref<!tpu.dma_semaphore, #tpu.memory_space<semaphore_mem>>
        %dma_start3A_367 = tpu.memref_slice %arg6[%add3A_110] : memref<320000xi32, #tpu.memory_space<hbm>> -> memref<128xi32, #tpu.memory_space<hbm>>
        %dma_start3A_368 = tpu.memref_slice %arg6[%add3A_110] : memref<320000xi32, #tpu.memory_space<hbm>> -> memref<128xi32, #tpu.memory_space<hbm>>
        tpu.enqueue_dma source(%dma_start3A_368 : memref<128xi32, #tpu.memory_space<hbm>>) target(%arg12 : memref<128xi32, #tpu.memory_space<vmem>>) target_semaphore(%run_scoped3A : memref<!tpu.dma_semaphore, #tpu.memory_space<semaphore_mem>>)
        %dma_wait3A_369 = tpu.memref_slice %arg6[%add3A_110] : memref<320000xi32, #tpu.memory_space<hbm>> -> memref<128xi32, #tpu.memory_space<hbm>>
        %dma_wait3A_370 = tpu.memref_slice %arg6[%add3A_110] : memref<320000xi32, #tpu.memory_space<hbm>> -> memref<128xi32, #tpu.memory_space<hbm>>
        tpu.wait_dma2 semaphore(%run_scoped3A : memref<!tpu.dma_semaphore, #tpu.memory_space<semaphore_mem>>) src(%dma_wait3A_370 : memref<128xi32, #tpu.memory_space<hbm>>) dst(%arg12 : memref<128xi32, #tpu.memory_space<vmem>>)
        tpu.yield
      }) : () -> ()
      "tpu.region"() ({
        %run_scoped3A = tpu.sem_alloc : memref<!tpu.dma_semaphore, #tpu.memory_space<semaphore_mem>>
        %dma_start3A_367 = tpu.memref_slice %arg7[%add3A_110] : memref<320000xi32, #tpu.memory_space<hbm>> -> memref<128xi32, #tpu.memory_space<hbm>>
        %dma_start3A_368 = tpu.memref_slice %arg7[%add3A_110] : memref<320000xi32, #tpu.memory_space<hbm>> -> memref<128xi32, #tpu.memory_space<hbm>>
        tpu.enqueue_dma source(%dma_start3A_368 : memref<128xi32, #tpu.memory_space<hbm>>) target(%arg13 : memref<128xi32, #tpu.memory_space<vmem>>) target_semaphore(%run_scoped3A : memref<!tpu.dma_semaphore, #tpu.memory_space<semaphore_mem>>)
        %dma_wait3A_369 = tpu.memref_slice %arg7[%add3A_110] : memref<320000xi32, #tpu.memory_space<hbm>> -> memref<128xi32, #tpu.memory_space<hbm>>
        %dma_wait3A_370 = tpu.memref_slice %arg7[%add3A_110] : memref<320000xi32, #tpu.memory_space<hbm>> -> memref<128xi32, #tpu.memory_space<hbm>>
        tpu.wait_dma2 semaphore(%run_scoped3A : memref<!tpu.dma_semaphore, #tpu.memory_space<semaphore_mem>>) src(%dma_wait3A_370 : memref<128xi32, #tpu.memory_space<hbm>>) dst(%arg13 : memref<128xi32, #tpu.memory_space<vmem>>)
        tpu.yield
      }) : () -> ()
      %broadcast_in_dim3A_111 = vector.broadcast %arg0 : i32 to vector<16xi32>
      %get3A_112 = arith.constant 0 : index
      %get3A_113 = tpu.vector_load %arg12[%get3A_112] {strides = array<i32>} : memref<128xi32, #tpu.memory_space<vmem>>, vector<16xi32>,
      %mul3A_114 = arith.constant 2 : i32
      %mul3A_115 = vector.broadcast %mul3A_114 : i32 to vector<16xi32>
      %mul3A_116 = arith.muli %get3A_113, %mul3A_115 : vector<16xi32>
      %add3A_117 = arith.addi %mul3A_116, %broadcast_in_dim3A_111 : vector<16xi32>
      %swap3A_118 = arith.constant 0 : index
      %swap3A_119 = tpu.vector_load %arg14[%swap3A_118] {strides = array<i32>} : memref<128xi32, #tpu.memory_space<vmem>>, vector<16xi32>,
      tpu.vector_store %arg14[%swap3A_118], %add3A_117 {strides = array<i32>} : memref<128xi32, #tpu.memory_space<vmem>>, vector<16xi32>,
      %get3A_120 = arith.constant 16 : index
      %get3A_121 = tpu.vector_load %arg12[%get3A_120] {strides = array<i32>} : memref<128xi32, #tpu.memory_space<vmem>>, vector<16xi32>,
      %mul3A_122 = arith.constant 2 : i32
      %mul3A_123 = vector.broadcast %mul3A_122 : i32 to vector<16xi32>
      %mul3A_124 = arith.muli %get3A_121, %mul3A_123 : vector<16xi32>
      %add3A_125 = arith.addi %mul3A_124, %broadcast_in_dim3A_111 : vector<16xi32>
      %swap3A_126 = arith.constant 16 : index
      %swap3A_127 = tpu.vector_load %arg14[%swap3A_126] {strides = array<i32>} : memref<128xi32, #tpu.memory_space<vmem>>, vector<16xi32>,
      tpu.vector_store %arg14[%swap3A_126], %add3A_125 {strides = array<i32>} : memref<128xi32, #tpu.memory_space<vmem>>, vector<16xi32>,
      %get3A_128 = arith.constant 32 : index
      %get3A_129 = tpu.vector_load %arg12[%get3A_128] {strides = array<i32>} : memref<128xi32, #tpu.memory_space<vmem>>, vector<16xi32>,
      %mul3A_130 = arith.constant 2 : i32
      %mul3A_131 = vector.broadcast %mul3A_130 : i32 to vector<16xi32>
      %mul3A_132 = arith.muli %get3A_129, %mul3A_131 : vector<16xi32>
      %add3A_133 = arith.addi %mul3A_132, %broadcast_in_dim3A_111 : vector<16xi32>
      %swap3A_134 = arith.constant 32 : index
      %swap3A_135 = tpu.vector_load %arg14[%swap3A_134] {strides = array<i32>} : memref<128xi32, #tpu.memory_space<vmem>>, vector<16xi32>,
      tpu.vector_store %arg14[%swap3A_134], %add3A_133 {strides = array<i32>} : memref<128xi32, #tpu.memory_space<vmem>>, vector<16xi32>,
      %get3A_136 = arith.constant 48 : index
      %get3A_137 = tpu.vector_load %arg12[%get3A_136] {strides = array<i32>} : memref<128xi32, #tpu.memory_space<vmem>>, vector<16xi32>,
      %mul3A_138 = arith.constant 2 : i32
      %mul3A_139 = vector.broadcast %mul3A_138 : i32 to vector<16xi32>
      %mul3A_140 = arith.muli %get3A_137, %mul3A_139 : vector<16xi32>
      %add3A_141 = arith.addi %mul3A_140, %broadcast_in_dim3A_111 : vector<16xi32>
      %swap3A_142 = arith.constant 48 : index
      %swap3A_143 = tpu.vector_load %arg14[%swap3A_142] {strides = array<i32>} : memref<128xi32, #tpu.memory_space<vmem>>, vector<16xi32>,
      tpu.vector_store %arg14[%swap3A_142], %add3A_141 {strides = array<i32>} : memref<128xi32, #tpu.memory_space<vmem>>, vector<16xi32>,
      %get3A_144 = arith.constant 64 : index
      %get3A_145 = tpu.vector_load %arg12[%get3A_144] {strides = array<i32>} : memref<128xi32, #tpu.memory_space<vmem>>, vector<16xi32>,
      %mul3A_146 = arith.constant 2 : i32
      %mul3A_147 = vector.broadcast %mul3A_146 : i32 to vector<16xi32>
      %mul3A_148 = arith.muli %get3A_145, %mul3A_147 : vector<16xi32>
      %add3A_149 = arith.addi %mul3A_148, %broadcast_in_dim3A_111 : vector<16xi32>
      %swap3A_150 = arith.constant 64 : index
      %swap3A_151 = tpu.vector_load %arg14[%swap3A_150] {strides = array<i32>} : memref<128xi32, #tpu.memory_space<vmem>>, vector<16xi32>,
      tpu.vector_store %arg14[%swap3A_150], %add3A_149 {strides = array<i32>} : memref<128xi32, #tpu.memory_space<vmem>>, vector<16xi32>,
      %get3A_152 = arith.constant 80 : index
      %get3A_153 = tpu.vector_load %arg12[%get3A_152] {strides = array<i32>} : memref<128xi32, #tpu.memory_space<vmem>>, vector<16xi32>,
      %mul3A_154 = arith.constant 2 : i32
      %mul3A_155 = vector.broadcast %mul3A_154 : i32 to vector<16xi32>
      %mul3A_156 = arith.muli %get3A_153, %mul3A_155 : vector<16xi32>
      %add3A_157 = arith.addi %mul3A_156, %broadcast_in_dim3A_111 : vector<16xi32>
      %swap3A_158 = arith.constant 80 : index
      %swap3A_159 = tpu.vector_load %arg14[%swap3A_158] {strides = array<i32>} : memref<128xi32, #tpu.memory_space<vmem>>, vector<16xi32>,
      tpu.vector_store %arg14[%swap3A_158], %add3A_157 {strides = array<i32>} : memref<128xi32, #tpu.memory_space<vmem>>, vector<16xi32>,
      %get3A_160 = arith.constant 96 : index
      %get3A_161 = tpu.vector_load %arg12[%get3A_160] {strides = array<i32>} : memref<128xi32, #tpu.memory_space<vmem>>, vector<16xi32>,
      %mul3A_162 = arith.constant 2 : i32
      %mul3A_163 = vector.broadcast %mul3A_162 : i32 to vector<16xi32>
      %mul3A_164 = arith.muli %get3A_161, %mul3A_163 : vector<16xi32>
      %add3A_165 = arith.addi %mul3A_164, %broadcast_in_dim3A_111 : vector<16xi32>
      %swap3A_166 = arith.constant 96 : index
      %swap3A_167 = tpu.vector_load %arg14[%swap3A_166] {strides = array<i32>} : memref<128xi32, #tpu.memory_space<vmem>>, vector<16xi32>,
      tpu.vector_store %arg14[%swap3A_166], %add3A_165 {strides = array<i32>} : memref<128xi32, #tpu.memory_space<vmem>>, vector<16xi32>,
      %get3A_168 = arith.constant 112 : index
      %get3A_169 = tpu.vector_load %arg12[%get3A_168] {strides = array<i32>} : memref<128xi32, #tpu.memory_space<vmem>>, vector<16xi32>,
      %mul3A_170 = arith.constant 2 : i32
      %mul3A_171 = vector.broadcast %mul3A_170 : i32 to vector<16xi32>
      %mul3A_172 = arith.muli %get3A_169, %mul3A_171 : vector<16xi32>
      %add3A_173 = arith.addi %mul3A_172, %broadcast_in_dim3A_111 : vector<16xi32>
      %swap3A_174 = arith.constant 112 : index
      %swap3A_175 = tpu.vector_load %arg14[%swap3A_174] {strides = array<i32>} : memref<128xi32, #tpu.memory_space<vmem>>, vector<16xi32>,
      tpu.vector_store %arg14[%swap3A_174], %add3A_173 {strides = array<i32>} : memref<128xi32, #tpu.memory_space<vmem>>, vector<16xi32>,
      %dma_start3A = arith.constant 0 : i32
      %dma_start3A_176 = arith.constant 0 : i32
      %dma_start3A_177 = tpu.memref_slice %arg2[%dma_start3A, %dma_start3A_176] : memref<20480x128xf32, #tpu.memory_space<hbm>> -> memref<20480x128xf32, #tpu.memory_space<hbm>>
      tpu.enqueue_indirect_dma source(%dma_start3A_177 : memref<20480x128xf32, #tpu.memory_space<hbm>>) target(%arg16 : memref<128x128xf32, #tpu.memory_space<vmem>>) offsets(%arg14 : memref<128xi32, #tpu.memory_space<vmem>>) semaphore(%arg20 : memref<!tpu.dma_semaphore, #tpu.memory_space<semaphore_mem>>)
      %get3A_178 = arith.constant 0 : index
      %get3A_179 = tpu.vector_load %arg12[%get3A_178] {strides = array<i32>} : memref<128xi32, #tpu.memory_space<vmem>>, vector<16xi32>,
      %get3A_180 = arith.constant 0 : index
      %get3A_181 = tpu.vector_load %arg13[%get3A_180] {strides = array<i32>} : memref<128xi32, #tpu.memory_space<vmem>>, vector<16xi32>,
      %gather3A = tpu.vector_load_idx %arg9[%get3A_179] : memref<10240xf32, #tpu.memory_space<vmem>>[vector<16xi32>], vector<16xf32>,
      %gather3A_182 = tpu.vector_load_idx %arg10[%get3A_181] : memref<10240xf32, #tpu.memory_space<vmem>>[vector<16xi32>], vector<16xf32>,
      %add3A_183 = arith.addf %gather3A, %gather3A_182 : vector<16xf32>
      %gt3A = arith.constant 0.000000e+00 : f32
      %gt3A_184 = vector.broadcast %gt3A : f32 to vector<16xf32>
      %gt3A_185 = arith.cmpf ogt, %add3A_183, %gt3A_184 : vector<16xf32>
      %mul3A_186 = arith.constant 2.000000e-01 : f32
      %mul3A_187 = vector.broadcast %mul3A_186 : f32 to vector<16xf32>
      %mul3A_188 = arith.mulf %mul3A_187, %add3A_183 : vector<16xf32>
      %select_n3A_189 = arith.select %gt3A_185, %add3A_183, %mul3A_188 : vector<16xi1>, vector<16xf32>
      %sub3A_190 = arith.subf %select_n3A_189, %get3A_0 : vector<16xf32>
      %exp3A = math.exp %sub3A_190 : vector<16xf32>
      %gather3A_191 = tpu.vector_load_idx %arg11[%get3A_181] : memref<10240xf32, #tpu.memory_space<vmem>>[vector<16xi32>], vector<16xf32>,
      %add3A_192 = arith.constant 1.000000e-16 : f32
      %add3A_193 = vector.broadcast %add3A_192 : f32 to vector<16xf32>
      %add3A_194 = arith.addf %gather3A_191, %add3A_193 : vector<16xf32>
      %div3A_195 = arith.divf %exp3A, %add3A_194 : vector<16xf32>
      %swap3A_196 = arith.constant 0 : index
      %swap3A_197 = tpu.vector_load %arg15[%swap3A_196] {strides = array<i32>} : memref<128xf32, #tpu.memory_space<vmem>>, vector<16xf32>,
      tpu.vector_store %arg15[%swap3A_196], %div3A_195 {strides = array<i32>} : memref<128xf32, #tpu.memory_space<vmem>>, vector<16xf32>,
      %get3A_198 = arith.constant 16 : index
      %get3A_199 = tpu.vector_load %arg12[%get3A_198] {strides = array<i32>} : memref<128xi32, #tpu.memory_space<vmem>>, vector<16xi32>,
      %get3A_200 = arith.constant 16 : index
      %get3A_201 = tpu.vector_load %arg13[%get3A_200] {strides = array<i32>} : memref<128xi32, #tpu.memory_space<vmem>>, vector<16xi32>,
      %gather3A_202 = tpu.vector_load_idx %arg9[%get3A_199] : memref<10240xf32, #tpu.memory_space<vmem>>[vector<16xi32>], vector<16xf32>,
      %gather3A_203 = tpu.vector_load_idx %arg10[%get3A_201] : memref<10240xf32, #tpu.memory_space<vmem>>[vector<16xi32>], vector<16xf32>,
      %add3A_204 = arith.addf %gather3A_202, %gather3A_203 : vector<16xf32>
      %gt3A_205 = arith.constant 0.000000e+00 : f32
      %gt3A_206 = vector.broadcast %gt3A_205 : f32 to vector<16xf32>
      %gt3A_207 = arith.cmpf ogt, %add3A_204, %gt3A_206 : vector<16xf32>
      %mul3A_208 = arith.constant 2.000000e-01 : f32
      %mul3A_209 = vector.broadcast %mul3A_208 : f32 to vector<16xf32>
      %mul3A_210 = arith.mulf %mul3A_209, %add3A_204 : vector<16xf32>
      %select_n3A_211 = arith.select %gt3A_207, %add3A_204, %mul3A_210 : vector<16xi1>, vector<16xf32>
      %sub3A_212 = arith.subf %select_n3A_211, %get3A_0 : vector<16xf32>
      %exp3A_213 = math.exp %sub3A_212 : vector<16xf32>
      %gather3A_214 = tpu.vector_load_idx %arg11[%get3A_201] : memref<10240xf32, #tpu.memory_space<vmem>>[vector<16xi32>], vector<16xf32>,
      %add3A_215 = arith.constant 1.000000e-16 : f32
      %add3A_216 = vector.broadcast %add3A_215 : f32 to vector<16xf32>
      %add3A_217 = arith.addf %gather3A_214, %add3A_216 : vector<16xf32>
      %div3A_218 = arith.divf %exp3A_213, %add3A_217 : vector<16xf32>
      %swap3A_219 = arith.constant 16 : index
      %swap3A_220 = tpu.vector_load %arg15[%swap3A_219] {strides = array<i32>} : memref<128xf32, #tpu.memory_space<vmem>>, vector<16xf32>,
      tpu.vector_store %arg15[%swap3A_219], %div3A_218 {strides = array<i32>} : memref<128xf32, #tpu.memory_space<vmem>>, vector<16xf32>,
      %get3A_221 = arith.constant 32 : index
      %get3A_222 = tpu.vector_load %arg12[%get3A_221] {strides = array<i32>} : memref<128xi32, #tpu.memory_space<vmem>>, vector<16xi32>,
      %get3A_223 = arith.constant 32 : index
      %get3A_224 = tpu.vector_load %arg13[%get3A_223] {strides = array<i32>} : memref<128xi32, #tpu.memory_space<vmem>>, vector<16xi32>,
      %gather3A_225 = tpu.vector_load_idx %arg9[%get3A_222] : memref<10240xf32, #tpu.memory_space<vmem>>[vector<16xi32>], vector<16xf32>,
      %gather3A_226 = tpu.vector_load_idx %arg10[%get3A_224] : memref<10240xf32, #tpu.memory_space<vmem>>[vector<16xi32>], vector<16xf32>,
      %add3A_227 = arith.addf %gather3A_225, %gather3A_226 : vector<16xf32>
      %gt3A_228 = arith.constant 0.000000e+00 : f32
      %gt3A_229 = vector.broadcast %gt3A_228 : f32 to vector<16xf32>
      %gt3A_230 = arith.cmpf ogt, %add3A_227, %gt3A_229 : vector<16xf32>
      %mul3A_231 = arith.constant 2.000000e-01 : f32
      %mul3A_232 = vector.broadcast %mul3A_231 : f32 to vector<16xf32>
      %mul3A_233 = arith.mulf %mul3A_232, %add3A_227 : vector<16xf32>
      %select_n3A_234 = arith.select %gt3A_230, %add3A_227, %mul3A_233 : vector<16xi1>, vector<16xf32>
      %sub3A_235 = arith.subf %select_n3A_234, %get3A_0 : vector<16xf32>
      %exp3A_236 = math.exp %sub3A_235 : vector<16xf32>
      %gather3A_237 = tpu.vector_load_idx %arg11[%get3A_224] : memref<10240xf32, #tpu.memory_space<vmem>>[vector<16xi32>], vector<16xf32>,
      %add3A_238 = arith.constant 1.000000e-16 : f32
      %add3A_239 = vector.broadcast %add3A_238 : f32 to vector<16xf32>
      %add3A_240 = arith.addf %gather3A_237, %add3A_239 : vector<16xf32>
      %div3A_241 = arith.divf %exp3A_236, %add3A_240 : vector<16xf32>
      %swap3A_242 = arith.constant 32 : index
      %swap3A_243 = tpu.vector_load %arg15[%swap3A_242] {strides = array<i32>} : memref<128xf32, #tpu.memory_space<vmem>>, vector<16xf32>,
      tpu.vector_store %arg15[%swap3A_242], %div3A_241 {strides = array<i32>} : memref<128xf32, #tpu.memory_space<vmem>>, vector<16xf32>,
      %get3A_244 = arith.constant 48 : index
      %get3A_245 = tpu.vector_load %arg12[%get3A_244] {strides = array<i32>} : memref<128xi32, #tpu.memory_space<vmem>>, vector<16xi32>,
      %get3A_246 = arith.constant 48 : index
      %get3A_247 = tpu.vector_load %arg13[%get3A_246] {strides = array<i32>} : memref<128xi32, #tpu.memory_space<vmem>>, vector<16xi32>,
      %gather3A_248 = tpu.vector_load_idx %arg9[%get3A_245] : memref<10240xf32, #tpu.memory_space<vmem>>[vector<16xi32>], vector<16xf32>,
      %gather3A_249 = tpu.vector_load_idx %arg10[%get3A_247] : memref<10240xf32, #tpu.memory_space<vmem>>[vector<16xi32>], vector<16xf32>,
      %add3A_250 = arith.addf %gather3A_248, %gather3A_249 : vector<16xf32>
      %gt3A_251 = arith.constant 0.000000e+00 : f32
      %gt3A_252 = vector.broadcast %gt3A_251 : f32 to vector<16xf32>
      %gt3A_253 = arith.cmpf ogt, %add3A_250, %gt3A_252 : vector<16xf32>
      %mul3A_254 = arith.constant 2.000000e-01 : f32
      %mul3A_255 = vector.broadcast %mul3A_254 : f32 to vector<16xf32>
      %mul3A_256 = arith.mulf %mul3A_255, %add3A_250 : vector<16xf32>
      %select_n3A_257 = arith.select %gt3A_253, %add3A_250, %mul3A_256 : vector<16xi1>, vector<16xf32>
      %sub3A_258 = arith.subf %select_n3A_257, %get3A_0 : vector<16xf32>
      %exp3A_259 = math.exp %sub3A_258 : vector<16xf32>
      %gather3A_260 = tpu.vector_load_idx %arg11[%get3A_247] : memref<10240xf32, #tpu.memory_space<vmem>>[vector<16xi32>], vector<16xf32>,
      %add3A_261 = arith.constant 1.000000e-16 : f32
      %add3A_262 = vector.broadcast %add3A_261 : f32 to vector<16xf32>
      %add3A_263 = arith.addf %gather3A_260, %add3A_262 : vector<16xf32>
      %div3A_264 = arith.divf %exp3A_259, %add3A_263 : vector<16xf32>
      %swap3A_265 = arith.constant 48 : index
      %swap3A_266 = tpu.vector_load %arg15[%swap3A_265] {strides = array<i32>} : memref<128xf32, #tpu.memory_space<vmem>>, vector<16xf32>,
      tpu.vector_store %arg15[%swap3A_265], %div3A_264 {strides = array<i32>} : memref<128xf32, #tpu.memory_space<vmem>>, vector<16xf32>,
      %get3A_267 = arith.constant 64 : index
      %get3A_268 = tpu.vector_load %arg12[%get3A_267] {strides = array<i32>} : memref<128xi32, #tpu.memory_space<vmem>>, vector<16xi32>,
      %get3A_269 = arith.constant 64 : index
      %get3A_270 = tpu.vector_load %arg13[%get3A_269] {strides = array<i32>} : memref<128xi32, #tpu.memory_space<vmem>>, vector<16xi32>,
      %gather3A_271 = tpu.vector_load_idx %arg9[%get3A_268] : memref<10240xf32, #tpu.memory_space<vmem>>[vector<16xi32>], vector<16xf32>,
      %gather3A_272 = tpu.vector_load_idx %arg10[%get3A_270] : memref<10240xf32, #tpu.memory_space<vmem>>[vector<16xi32>], vector<16xf32>,
      %add3A_273 = arith.addf %gather3A_271, %gather3A_272 : vector<16xf32>
      %gt3A_274 = arith.constant 0.000000e+00 : f32
      %gt3A_275 = vector.broadcast %gt3A_274 : f32 to vector<16xf32>
      %gt3A_276 = arith.cmpf ogt, %add3A_273, %gt3A_275 : vector<16xf32>
      %mul3A_277 = arith.constant 2.000000e-01 : f32
      %mul3A_278 = vector.broadcast %mul3A_277 : f32 to vector<16xf32>
      %mul3A_279 = arith.mulf %mul3A_278, %add3A_273 : vector<16xf32>
      %select_n3A_280 = arith.select %gt3A_276, %add3A_273, %mul3A_279 : vector<16xi1>, vector<16xf32>
      %sub3A_281 = arith.subf %select_n3A_280, %get3A_0 : vector<16xf32>
      %exp3A_282 = math.exp %sub3A_281 : vector<16xf32>
      %gather3A_283 = tpu.vector_load_idx %arg11[%get3A_270] : memref<10240xf32, #tpu.memory_space<vmem>>[vector<16xi32>], vector<16xf32>,
      %add3A_284 = arith.constant 1.000000e-16 : f32
      %add3A_285 = vector.broadcast %add3A_284 : f32 to vector<16xf32>
      %add3A_286 = arith.addf %gather3A_283, %add3A_285 : vector<16xf32>
      %div3A_287 = arith.divf %exp3A_282, %add3A_286 : vector<16xf32>
      %swap3A_288 = arith.constant 64 : index
      %swap3A_289 = tpu.vector_load %arg15[%swap3A_288] {strides = array<i32>} : memref<128xf32, #tpu.memory_space<vmem>>, vector<16xf32>,
      tpu.vector_store %arg15[%swap3A_288], %div3A_287 {strides = array<i32>} : memref<128xf32, #tpu.memory_space<vmem>>, vector<16xf32>,
      %get3A_290 = arith.constant 80 : index
      %get3A_291 = tpu.vector_load %arg12[%get3A_290] {strides = array<i32>} : memref<128xi32, #tpu.memory_space<vmem>>, vector<16xi32>,
      %get3A_292 = arith.constant 80 : index
      %get3A_293 = tpu.vector_load %arg13[%get3A_292] {strides = array<i32>} : memref<128xi32, #tpu.memory_space<vmem>>, vector<16xi32>,
      %gather3A_294 = tpu.vector_load_idx %arg9[%get3A_291] : memref<10240xf32, #tpu.memory_space<vmem>>[vector<16xi32>], vector<16xf32>,
      %gather3A_295 = tpu.vector_load_idx %arg10[%get3A_293] : memref<10240xf32, #tpu.memory_space<vmem>>[vector<16xi32>], vector<16xf32>,
      %add3A_296 = arith.addf %gather3A_294, %gather3A_295 : vector<16xf32>
      %gt3A_297 = arith.constant 0.000000e+00 : f32
      %gt3A_298 = vector.broadcast %gt3A_297 : f32 to vector<16xf32>
      %gt3A_299 = arith.cmpf ogt, %add3A_296, %gt3A_298 : vector<16xf32>
      %mul3A_300 = arith.constant 2.000000e-01 : f32
      %mul3A_301 = vector.broadcast %mul3A_300 : f32 to vector<16xf32>
      %mul3A_302 = arith.mulf %mul3A_301, %add3A_296 : vector<16xf32>
      %select_n3A_303 = arith.select %gt3A_299, %add3A_296, %mul3A_302 : vector<16xi1>, vector<16xf32>
      %sub3A_304 = arith.subf %select_n3A_303, %get3A_0 : vector<16xf32>
      %exp3A_305 = math.exp %sub3A_304 : vector<16xf32>
      %gather3A_306 = tpu.vector_load_idx %arg11[%get3A_293] : memref<10240xf32, #tpu.memory_space<vmem>>[vector<16xi32>], vector<16xf32>,
      %add3A_307 = arith.constant 1.000000e-16 : f32
      %add3A_308 = vector.broadcast %add3A_307 : f32 to vector<16xf32>
      %add3A_309 = arith.addf %gather3A_306, %add3A_308 : vector<16xf32>
      %div3A_310 = arith.divf %exp3A_305, %add3A_309 : vector<16xf32>
      %swap3A_311 = arith.constant 80 : index
      %swap3A_312 = tpu.vector_load %arg15[%swap3A_311] {strides = array<i32>} : memref<128xf32, #tpu.memory_space<vmem>>, vector<16xf32>,
      tpu.vector_store %arg15[%swap3A_311], %div3A_310 {strides = array<i32>} : memref<128xf32, #tpu.memory_space<vmem>>, vector<16xf32>,
      %get3A_313 = arith.constant 96 : index
      %get3A_314 = tpu.vector_load %arg12[%get3A_313] {strides = array<i32>} : memref<128xi32, #tpu.memory_space<vmem>>, vector<16xi32>,
      %get3A_315 = arith.constant 96 : index
      %get3A_316 = tpu.vector_load %arg13[%get3A_315] {strides = array<i32>} : memref<128xi32, #tpu.memory_space<vmem>>, vector<16xi32>,
      %gather3A_317 = tpu.vector_load_idx %arg9[%get3A_314] : memref<10240xf32, #tpu.memory_space<vmem>>[vector<16xi32>], vector<16xf32>,
      %gather3A_318 = tpu.vector_load_idx %arg10[%get3A_316] : memref<10240xf32, #tpu.memory_space<vmem>>[vector<16xi32>], vector<16xf32>,
      %add3A_319 = arith.addf %gather3A_317, %gather3A_318 : vector<16xf32>
      %gt3A_320 = arith.constant 0.000000e+00 : f32
      %gt3A_321 = vector.broadcast %gt3A_320 : f32 to vector<16xf32>
      %gt3A_322 = arith.cmpf ogt, %add3A_319, %gt3A_321 : vector<16xf32>
      %mul3A_323 = arith.constant 2.000000e-01 : f32
      %mul3A_324 = vector.broadcast %mul3A_323 : f32 to vector<16xf32>
      %mul3A_325 = arith.mulf %mul3A_324, %add3A_319 : vector<16xf32>
      %select_n3A_326 = arith.select %gt3A_322, %add3A_319, %mul3A_325 : vector<16xi1>, vector<16xf32>
      %sub3A_327 = arith.subf %select_n3A_326, %get3A_0 : vector<16xf32>
      %exp3A_328 = math.exp %sub3A_327 : vector<16xf32>
      %gather3A_329 = tpu.vector_load_idx %arg11[%get3A_316] : memref<10240xf32, #tpu.memory_space<vmem>>[vector<16xi32>], vector<16xf32>,
      %add3A_330 = arith.constant 1.000000e-16 : f32
      %add3A_331 = vector.broadcast %add3A_330 : f32 to vector<16xf32>
      %add3A_332 = arith.addf %gather3A_329, %add3A_331 : vector<16xf32>
      %div3A_333 = arith.divf %exp3A_328, %add3A_332 : vector<16xf32>
      %swap3A_334 = arith.constant 96 : index
      %swap3A_335 = tpu.vector_load %arg15[%swap3A_334] {strides = array<i32>} : memref<128xf32, #tpu.memory_space<vmem>>, vector<16xf32>,
      tpu.vector_store %arg15[%swap3A_334], %div3A_333 {strides = array<i32>} : memref<128xf32, #tpu.memory_space<vmem>>, vector<16xf32>,
      %get3A_336 = arith.constant 112 : index
      %get3A_337 = tpu.vector_load %arg12[%get3A_336] {strides = array<i32>} : memref<128xi32, #tpu.memory_space<vmem>>, vector<16xi32>,
      %get3A_338 = arith.constant 112 : index
      %get3A_339 = tpu.vector_load %arg13[%get3A_338] {strides = array<i32>} : memref<128xi32, #tpu.memory_space<vmem>>, vector<16xi32>,
      %gather3A_340 = tpu.vector_load_idx %arg9[%get3A_337] : memref<10240xf32, #tpu.memory_space<vmem>>[vector<16xi32>], vector<16xf32>,
      %gather3A_341 = tpu.vector_load_idx %arg10[%get3A_339] : memref<10240xf32, #tpu.memory_space<vmem>>[vector<16xi32>], vector<16xf32>,
      %add3A_342 = arith.addf %gather3A_340, %gather3A_341 : vector<16xf32>
      %gt3A_343 = arith.constant 0.000000e+00 : f32
      %gt3A_344 = vector.broadcast %gt3A_343 : f32 to vector<16xf32>
      %gt3A_345 = arith.cmpf ogt, %add3A_342, %gt3A_344 : vector<16xf32>
      %mul3A_346 = arith.constant 2.000000e-01 : f32
      %mul3A_347 = vector.broadcast %mul3A_346 : f32 to vector<16xf32>
      %mul3A_348 = arith.mulf %mul3A_347, %add3A_342 : vector<16xf32>
      %select_n3A_349 = arith.select %gt3A_345, %add3A_342, %mul3A_348 : vector<16xi1>, vector<16xf32>
      %sub3A_350 = arith.subf %select_n3A_349, %get3A_0 : vector<16xf32>
      %exp3A_351 = math.exp %sub3A_350 : vector<16xf32>
      %gather3A_352 = tpu.vector_load_idx %arg11[%get3A_339] : memref<10240xf32, #tpu.memory_space<vmem>>[vector<16xi32>], vector<16xf32>,
      %add3A_353 = arith.constant 1.000000e-16 : f32
      %add3A_354 = vector.broadcast %add3A_353 : f32 to vector<16xf32>
      %add3A_355 = arith.addf %gather3A_352, %add3A_354 : vector<16xf32>
      %div3A_356 = arith.divf %exp3A_351, %add3A_355 : vector<16xf32>
      %swap3A_357 = arith.constant 112 : index
      %swap3A_358 = tpu.vector_load %arg15[%swap3A_357] {strides = array<i32>} : memref<128xf32, #tpu.memory_space<vmem>>, vector<16xf32>,
      tpu.vector_store %arg15[%swap3A_357], %div3A_356 {strides = array<i32>} : memref<128xf32, #tpu.memory_space<vmem>>, vector<16xf32>,
      %dma_wait3A = arith.constant 0 : i32
      %dma_wait3A_359 = arith.constant 0 : i32
      %dma_wait3A_360 = tpu.memref_slice %arg2[%dma_wait3A, %dma_wait3A_359] : memref<20480x128xf32, #tpu.memory_space<hbm>> -> memref<20480x128xf32, #tpu.memory_space<hbm>>
      tpu.wait_indirect_dma semaphore(%arg20 : memref<!tpu.dma_semaphore, #tpu.memory_space<semaphore_mem>>) src(%dma_wait3A_360 : memref<20480x128xf32, #tpu.memory_space<hbm>>) dst(%arg16 : memref<128x128xf32, #tpu.memory_space<vmem>>)
      %scan3A_361 = arith.constant 0 : i32
      %scan3A_362 = arith.constant 0 : i32
      %scan3A_363 = arith.constant 128 : i32
      %scan3A_364 = arith.addi %scan3A_362, %scan3A_363 : i32
      %scan3A_365 = arith.constant 1 : i32
      scf.for %scan3A_367 = %scan3A_362 to %scan3A_364 step %scan3A_365  : i32 {
        %broadcast_in_dim3A_368 = vector.broadcast %scan3A_367 : i32 to vector<16xi32>
        %gather3A_369 = tpu.vector_load_idx %arg15[%broadcast_in_dim3A_368] : memref<128xf32, #tpu.memory_space<vmem>>[vector<16xi32>], vector<16xf32>,
        %get3A_370 = arith.index_cast %scan3A_367 : i32 to index
        %get3A_371 = arith.constant 0 : index
        %get3A_372 = tpu.vector_load %arg16[%get3A_370, %get3A_371] {strides = array<i32>} : memref<128x128xf32, #tpu.memory_space<vmem>>, vector<16xf32>,
        %mul3A_373 = arith.mulf %get3A_372, %gather3A_369 : vector<16xf32>
        %swap3A_374 = arith.index_cast %scan3A_367 : i32 to index
        %swap3A_375 = arith.constant 0 : index
        %swap3A_376 = tpu.vector_load %arg16[%swap3A_374, %swap3A_375] {strides = array<i32>} : memref<128x128xf32, #tpu.memory_space<vmem>>, vector<16xf32>,
        tpu.vector_store %arg16[%swap3A_374, %swap3A_375], %mul3A_373 {strides = array<i32>} : memref<128x128xf32, #tpu.memory_space<vmem>>, vector<16xf32>,
        %get3A_377 = arith.index_cast %scan3A_367 : i32 to index
        %get3A_378 = arith.constant 16 : index
        %get3A_379 = tpu.vector_load %arg16[%get3A_377, %get3A_378] {strides = array<i32>} : memref<128x128xf32, #tpu.memory_space<vmem>>, vector<16xf32>,
        %mul3A_380 = arith.mulf %get3A_379, %gather3A_369 : vector<16xf32>
        %swap3A_381 = arith.index_cast %scan3A_367 : i32 to index
        %swap3A_382 = arith.constant 16 : index
        %swap3A_383 = tpu.vector_load %arg16[%swap3A_381, %swap3A_382] {strides = array<i32>} : memref<128x128xf32, #tpu.memory_space<vmem>>, vector<16xf32>,
        tpu.vector_store %arg16[%swap3A_381, %swap3A_382], %mul3A_380 {strides = array<i32>} : memref<128x128xf32, #tpu.memory_space<vmem>>, vector<16xf32>,
        %get3A_384 = arith.index_cast %scan3A_367 : i32 to index
        %get3A_385 = arith.constant 32 : index
        %get3A_386 = tpu.vector_load %arg16[%get3A_384, %get3A_385] {strides = array<i32>} : memref<128x128xf32, #tpu.memory_space<vmem>>, vector<16xf32>,
        %mul3A_387 = arith.mulf %get3A_386, %gather3A_369 : vector<16xf32>
        %swap3A_388 = arith.index_cast %scan3A_367 : i32 to index
        %swap3A_389 = arith.constant 32 : index
        %swap3A_390 = tpu.vector_load %arg16[%swap3A_388, %swap3A_389] {strides = array<i32>} : memref<128x128xf32, #tpu.memory_space<vmem>>, vector<16xf32>,
        tpu.vector_store %arg16[%swap3A_388, %swap3A_389], %mul3A_387 {strides = array<i32>} : memref<128x128xf32, #tpu.memory_space<vmem>>, vector<16xf32>,
        %get3A_391 = arith.index_cast %scan3A_367 : i32 to index
        %get3A_392 = arith.constant 48 : index
        %get3A_393 = tpu.vector_load %arg16[%get3A_391, %get3A_392] {strides = array<i32>} : memref<128x128xf32, #tpu.memory_space<vmem>>, vector<16xf32>,
        %mul3A_394 = arith.mulf %get3A_393, %gather3A_369 : vector<16xf32>
        %swap3A_395 = arith.index_cast %scan3A_367 : i32 to index
        %swap3A_396 = arith.constant 48 : index
        %swap3A_397 = tpu.vector_load %arg16[%swap3A_395, %swap3A_396] {strides = array<i32>} : memref<128x128xf32, #tpu.memory_space<vmem>>, vector<16xf32>,
        tpu.vector_store %arg16[%swap3A_395, %swap3A_396], %mul3A_394 {strides = array<i32>} : memref<128x128xf32, #tpu.memory_space<vmem>>, vector<16xf32>,
        %get3A_398 = arith.index_cast %scan3A_367 : i32 to index
        %get3A_399 = arith.constant 64 : index
        %get3A_400 = tpu.vector_load %arg16[%get3A_398, %get3A_399] {strides = array<i32>} : memref<128x128xf32, #tpu.memory_space<vmem>>, vector<16xf32>,
        %mul3A_401 = arith.mulf %get3A_400, %gather3A_369 : vector<16xf32>
        %swap3A_402 = arith.index_cast %scan3A_367 : i32 to index
        %swap3A_403 = arith.constant 64 : index
        %swap3A_404 = tpu.vector_load %arg16[%swap3A_402, %swap3A_403] {strides = array<i32>} : memref<128x128xf32, #tpu.memory_space<vmem>>, vector<16xf32>,
        tpu.vector_store %arg16[%swap3A_402, %swap3A_403], %mul3A_401 {strides = array<i32>} : memref<128x128xf32, #tpu.memory_space<vmem>>, vector<16xf32>,
        %get3A_405 = arith.index_cast %scan3A_367 : i32 to index
        %get3A_406 = arith.constant 80 : index
        %get3A_407 = tpu.vector_load %arg16[%get3A_405, %get3A_406] {strides = array<i32>} : memref<128x128xf32, #tpu.memory_space<vmem>>, vector<16xf32>,
        %mul3A_408 = arith.mulf %get3A_407, %gather3A_369 : vector<16xf32>
        %swap3A_409 = arith.index_cast %scan3A_367 : i32 to index
        %swap3A_410 = arith.constant 80 : index
        %swap3A_411 = tpu.vector_load %arg16[%swap3A_409, %swap3A_410] {strides = array<i32>} : memref<128x128xf32, #tpu.memory_space<vmem>>, vector<16xf32>,
        tpu.vector_store %arg16[%swap3A_409, %swap3A_410], %mul3A_408 {strides = array<i32>} : memref<128x128xf32, #tpu.memory_space<vmem>>, vector<16xf32>,
        %get3A_412 = arith.index_cast %scan3A_367 : i32 to index
        %get3A_413 = arith.constant 96 : index
        %get3A_414 = tpu.vector_load %arg16[%get3A_412, %get3A_413] {strides = array<i32>} : memref<128x128xf32, #tpu.memory_space<vmem>>, vector<16xf32>,
        %mul3A_415 = arith.mulf %get3A_414, %gather3A_369 : vector<16xf32>
        %swap3A_416 = arith.index_cast %scan3A_367 : i32 to index
        %swap3A_417 = arith.constant 96 : index
        %swap3A_418 = tpu.vector_load %arg16[%swap3A_416, %swap3A_417] {strides = array<i32>} : memref<128x128xf32, #tpu.memory_space<vmem>>, vector<16xf32>,
        tpu.vector_store %arg16[%swap3A_416, %swap3A_417], %mul3A_415 {strides = array<i32>} : memref<128x128xf32, #tpu.memory_space<vmem>>, vector<16xf32>,
        %get3A_419 = arith.index_cast %scan3A_367 : i32 to index
        %get3A_420 = arith.constant 112 : index
        %get3A_421 = tpu.vector_load %arg16[%get3A_419, %get3A_420] {strides = array<i32>} : memref<128x128xf32, #tpu.memory_space<vmem>>, vector<16xf32>,
        %mul3A_422 = arith.mulf %get3A_421, %gather3A_369 : vector<16xf32>
        %swap3A_423 = arith.index_cast %scan3A_367 : i32 to index
        %swap3A_424 = arith.constant 112 : index
        %swap3A_425 = tpu.vector_load %arg16[%swap3A_423, %swap3A_424] {strides = array<i32>} : memref<128x128xf32, #tpu.memory_space<vmem>>, vector<16xf32>,
        tpu.vector_store %arg16[%swap3A_423, %swap3A_424], %mul3A_422 {strides = array<i32>} : memref<128x128xf32, #tpu.memory_space<vmem>>, vector<16xf32>,
      }
      %scan3A_366 = arith.constant 128 : i32
      "tpu.region"() ({
        %run_scoped3A = tpu.sem_alloc : memref<!tpu.dma_semaphore, #tpu.memory_space<semaphore_mem>>
        %dma_start3A_367 = arith.constant 0 : i32
        %dma_start3A_368 = arith.constant 0 : i32
        %dma_start3A_369 = tpu.memref_slice %arg18[%dma_start3A_367, %dma_start3A_368] : memref<10240x128xf32, #tpu.memory_space<vmem_shared>> -> memref<10240x128xf32, #tpu.memory_space<vmem_shared>>
        tpu.enqueue_indirect_dma source(%arg16 : memref<128x128xf32, #tpu.memory_space<vmem>>) target(%dma_start3A_369 : memref<10240x128xf32, #tpu.memory_space<vmem_shared>>) offsets(%arg13 : memref<128xi32, #tpu.memory_space<vmem>>) semaphore(%run_scoped3A : memref<!tpu.dma_semaphore, #tpu.memory_space<semaphore_mem>>) {add = true}
        %dma_wait3A_370 = arith.constant 0 : i32
        %dma_wait3A_371 = arith.constant 0 : i32
        %dma_wait3A_372 = tpu.memref_slice %arg18[%dma_wait3A_370, %dma_wait3A_371] : memref<10240x128xf32, #tpu.memory_space<vmem_shared>> -> memref<10240x128xf32, #tpu.memory_space<vmem_shared>>
        tpu.wait_indirect_dma semaphore(%run_scoped3A : memref<!tpu.dma_semaphore, #tpu.memory_space<semaphore_mem>>) src(%arg16 : memref<128x128xf32, #tpu.memory_space<vmem>>) dst(%dma_wait3A_372 : memref<10240x128xf32, #tpu.memory_space<vmem_shared>>)
        tpu.yield
      }) : () -> ()
    }
    %while3A_83 = arith.constant 1 : i32
    scf.for %while3A_105 = %while3A_81 to %while3A_77 step %while3A_83  : i32 {
      %mul3A_106 = arith.constant 16 : i32
      %mul3A_107 = arith.muli %while3A_105, %mul3A_106 : i32
      %mul3A_108 = arith.constant 128 : i32
      %mul3A_109 = arith.muli %mul3A_107, %mul3A_108 : i32
      %add3A_110 = arith.addi %mul3A_73, %mul3A_109 : i32
      "tpu.region"() ({
        %run_scoped3A = tpu.sem_alloc : memref<!tpu.dma_semaphore, #tpu.memory_space<semaphore_mem>>
        %dma_start3A_367 = tpu.memref_slice %arg6[%add3A_110] : memref<320000xi32, #tpu.memory_space<hbm>> -> memref<128xi32, #tpu.memory_space<hbm>>
        %dma_start3A_368 = tpu.memref_slice %arg6[%add3A_110] : memref<320000xi32, #tpu.memory_space<hbm>> -> memref<128xi32, #tpu.memory_space<hbm>>
        tpu.enqueue_dma source(%dma_start3A_368 : memref<128xi32, #tpu.memory_space<hbm>>) target(%arg12 : memref<128xi32, #tpu.memory_space<vmem>>) target_semaphore(%run_scoped3A : memref<!tpu.dma_semaphore, #tpu.memory_space<semaphore_mem>>)
        %dma_wait3A_369 = tpu.memref_slice %arg6[%add3A_110] : memref<320000xi32, #tpu.memory_space<hbm>> -> memref<128xi32, #tpu.memory_space<hbm>>
        %dma_wait3A_370 = tpu.memref_slice %arg6[%add3A_110] : memref<320000xi32, #tpu.memory_space<hbm>> -> memref<128xi32, #tpu.memory_space<hbm>>
        tpu.wait_dma2 semaphore(%run_scoped3A : memref<!tpu.dma_semaphore, #tpu.memory_space<semaphore_mem>>) src(%dma_wait3A_370 : memref<128xi32, #tpu.memory_space<hbm>>) dst(%arg12 : memref<128xi32, #tpu.memory_space<vmem>>)
        tpu.yield
      }) : () -> ()
      "tpu.region"() ({
        %run_scoped3A = tpu.sem_alloc : memref<!tpu.dma_semaphore, #tpu.memory_space<semaphore_mem>>
        %dma_start3A_367 = tpu.memref_slice %arg7[%add3A_110] : memref<320000xi32, #tpu.memory_space<hbm>> -> memref<128xi32, #tpu.memory_space<hbm>>
        %dma_start3A_368 = tpu.memref_slice %arg7[%add3A_110] : memref<320000xi32, #tpu.memory_space<hbm>> -> memref<128xi32, #tpu.memory_space<hbm>>
        tpu.enqueue_dma source(%dma_start3A_368 : memref<128xi32, #tpu.memory_space<hbm>>) target(%arg13 : memref<128xi32, #tpu.memory_space<vmem>>) target_semaphore(%run_scoped3A : memref<!tpu.dma_semaphore, #tpu.memory_space<semaphore_mem>>)
        %dma_wait3A_369 = tpu.memref_slice %arg7[%add3A_110] : memref<320000xi32, #tpu.memory_space<hbm>> -> memref<128xi32, #tpu.memory_space<hbm>>
        %dma_wait3A_370 = tpu.memref_slice %arg7[%add3A_110] : memref<320000xi32, #tpu.memory_space<hbm>> -> memref<128xi32, #tpu.memory_space<hbm>>
        tpu.wait_dma2 semaphore(%run_scoped3A : memref<!tpu.dma_semaphore, #tpu.memory_space<semaphore_mem>>) src(%dma_wait3A_370 : memref<128xi32, #tpu.memory_space<hbm>>) dst(%arg13 : memref<128xi32, #tpu.memory_space<vmem>>)
        tpu.yield
      }) : () -> ()
      %broadcast_in_dim3A_111 = vector.broadcast %arg0 : i32 to vector<16xi32>
      %get3A_112 = arith.constant 0 : index
      %get3A_113 = tpu.vector_load %arg12[%get3A_112] {strides = array<i32>} : memref<128xi32, #tpu.memory_space<vmem>>, vector<16xi32>,
      %mul3A_114 = arith.constant 2 : i32
      %mul3A_115 = vector.broadcast %mul3A_114 : i32 to vector<16xi32>
      %mul3A_116 = arith.muli %get3A_113, %mul3A_115 : vector<16xi32>
      %add3A_117 = arith.addi %mul3A_116, %broadcast_in_dim3A_111 : vector<16xi32>
      %swap3A_118 = arith.constant 0 : index
      %swap3A_119 = tpu.vector_load %arg14[%swap3A_118] {strides = array<i32>} : memref<128xi32, #tpu.memory_space<vmem>>, vector<16xi32>,
      tpu.vector_store %arg14[%swap3A_118], %add3A_117 {strides = array<i32>} : memref<128xi32, #tpu.memory_space<vmem>>, vector<16xi32>,
      %get3A_120 = arith.constant 16 : index
      %get3A_121 = tpu.vector_load %arg12[%get3A_120] {strides = array<i32>} : memref<128xi32, #tpu.memory_space<vmem>>, vector<16xi32>,
      %mul3A_122 = arith.constant 2 : i32
      %mul3A_123 = vector.broadcast %mul3A_122 : i32 to vector<16xi32>
      %mul3A_124 = arith.muli %get3A_121, %mul3A_123 : vector<16xi32>
      %add3A_125 = arith.addi %mul3A_124, %broadcast_in_dim3A_111 : vector<16xi32>
      %swap3A_126 = arith.constant 16 : index
      %swap3A_127 = tpu.vector_load %arg14[%swap3A_126] {strides = array<i32>} : memref<128xi32, #tpu.memory_space<vmem>>, vector<16xi32>,
      tpu.vector_store %arg14[%swap3A_126], %add3A_125 {strides = array<i32>} : memref<128xi32, #tpu.memory_space<vmem>>, vector<16xi32>,
      %get3A_128 = arith.constant 32 : index
      %get3A_129 = tpu.vector_load %arg12[%get3A_128] {strides = array<i32>} : memref<128xi32, #tpu.memory_space<vmem>>, vector<16xi32>,
      %mul3A_130 = arith.constant 2 : i32
      %mul3A_131 = vector.broadcast %mul3A_130 : i32 to vector<16xi32>
      %mul3A_132 = arith.muli %get3A_129, %mul3A_131 : vector<16xi32>
      %add3A_133 = arith.addi %mul3A_132, %broadcast_in_dim3A_111 : vector<16xi32>
      %swap3A_134 = arith.constant 32 : index
      %swap3A_135 = tpu.vector_load %arg14[%swap3A_134] {strides = array<i32>} : memref<128xi32, #tpu.memory_space<vmem>>, vector<16xi32>,
      tpu.vector_store %arg14[%swap3A_134], %add3A_133 {strides = array<i32>} : memref<128xi32, #tpu.memory_space<vmem>>, vector<16xi32>,
      %get3A_136 = arith.constant 48 : index
      %get3A_137 = tpu.vector_load %arg12[%get3A_136] {strides = array<i32>} : memref<128xi32, #tpu.memory_space<vmem>>, vector<16xi32>,
      %mul3A_138 = arith.constant 2 : i32
      %mul3A_139 = vector.broadcast %mul3A_138 : i32 to vector<16xi32>
      %mul3A_140 = arith.muli %get3A_137, %mul3A_139 : vector<16xi32>
      %add3A_141 = arith.addi %mul3A_140, %broadcast_in_dim3A_111 : vector<16xi32>
      %swap3A_142 = arith.constant 48 : index
      %swap3A_143 = tpu.vector_load %arg14[%swap3A_142] {strides = array<i32>} : memref<128xi32, #tpu.memory_space<vmem>>, vector<16xi32>,
      tpu.vector_store %arg14[%swap3A_142], %add3A_141 {strides = array<i32>} : memref<128xi32, #tpu.memory_space<vmem>>, vector<16xi32>,
      %get3A_144 = arith.constant 64 : index
      %get3A_145 = tpu.vector_load %arg12[%get3A_144] {strides = array<i32>} : memref<128xi32, #tpu.memory_space<vmem>>, vector<16xi32>,
      %mul3A_146 = arith.constant 2 : i32
      %mul3A_147 = vector.broadcast %mul3A_146 : i32 to vector<16xi32>
      %mul3A_148 = arith.muli %get3A_145, %mul3A_147 : vector<16xi32>
      %add3A_149 = arith.addi %mul3A_148, %broadcast_in_dim3A_111 : vector<16xi32>
      %swap3A_150 = arith.constant 64 : index
      %swap3A_151 = tpu.vector_load %arg14[%swap3A_150] {strides = array<i32>} : memref<128xi32, #tpu.memory_space<vmem>>, vector<16xi32>,
      tpu.vector_store %arg14[%swap3A_150], %add3A_149 {strides = array<i32>} : memref<128xi32, #tpu.memory_space<vmem>>, vector<16xi32>,
      %get3A_152 = arith.constant 80 : index
      %get3A_153 = tpu.vector_load %arg12[%get3A_152] {strides = array<i32>} : memref<128xi32, #tpu.memory_space<vmem>>, vector<16xi32>,
      %mul3A_154 = arith.constant 2 : i32
      %mul3A_155 = vector.broadcast %mul3A_154 : i32 to vector<16xi32>
      %mul3A_156 = arith.muli %get3A_153, %mul3A_155 : vector<16xi32>
      %add3A_157 = arith.addi %mul3A_156, %broadcast_in_dim3A_111 : vector<16xi32>
      %swap3A_158 = arith.constant 80 : index
      %swap3A_159 = tpu.vector_load %arg14[%swap3A_158] {strides = array<i32>} : memref<128xi32, #tpu.memory_space<vmem>>, vector<16xi32>,
      tpu.vector_store %arg14[%swap3A_158], %add3A_157 {strides = array<i32>} : memref<128xi32, #tpu.memory_space<vmem>>, vector<16xi32>,
      %get3A_160 = arith.constant 96 : index
      %get3A_161 = tpu.vector_load %arg12[%get3A_160] {strides = array<i32>} : memref<128xi32, #tpu.memory_space<vmem>>, vector<16xi32>,
      %mul3A_162 = arith.constant 2 : i32
      %mul3A_163 = vector.broadcast %mul3A_162 : i32 to vector<16xi32>
      %mul3A_164 = arith.muli %get3A_161, %mul3A_163 : vector<16xi32>
      %add3A_165 = arith.addi %mul3A_164, %broadcast_in_dim3A_111 : vector<16xi32>
      %swap3A_166 = arith.constant 96 : index
      %swap3A_167 = tpu.vector_load %arg14[%swap3A_166] {strides = array<i32>} : memref<128xi32, #tpu.memory_space<vmem>>, vector<16xi32>,
      tpu.vector_store %arg14[%swap3A_166], %add3A_165 {strides = array<i32>} : memref<128xi32, #tpu.memory_space<vmem>>, vector<16xi32>,
      %get3A_168 = arith.constant 112 : index
      %get3A_169 = tpu.vector_load %arg12[%get3A_168] {strides = array<i32>} : memref<128xi32, #tpu.memory_space<vmem>>, vector<16xi32>,
      %mul3A_170 = arith.constant 2 : i32
      %mul3A_171 = vector.broadcast %mul3A_170 : i32 to vector<16xi32>
      %mul3A_172 = arith.muli %get3A_169, %mul3A_171 : vector<16xi32>
      %add3A_173 = arith.addi %mul3A_172, %broadcast_in_dim3A_111 : vector<16xi32>
      %swap3A_174 = arith.constant 112 : index
      %swap3A_175 = tpu.vector_load %arg14[%swap3A_174] {strides = array<i32>} : memref<128xi32, #tpu.memory_space<vmem>>, vector<16xi32>,
      tpu.vector_store %arg14[%swap3A_174], %add3A_173 {strides = array<i32>} : memref<128xi32, #tpu.memory_space<vmem>>, vector<16xi32>,
      %dma_start3A = arith.constant 0 : i32
      %dma_start3A_176 = arith.constant 0 : i32
      %dma_start3A_177 = tpu.memref_slice %arg2[%dma_start3A, %dma_start3A_176] : memref<20480x128xf32, #tpu.memory_space<hbm>> -> memref<20480x128xf32, #tpu.memory_space<hbm>>
      tpu.enqueue_indirect_dma source(%dma_start3A_177 : memref<20480x128xf32, #tpu.memory_space<hbm>>) target(%arg16 : memref<128x128xf32, #tpu.memory_space<vmem>>) offsets(%arg14 : memref<128xi32, #tpu.memory_space<vmem>>) semaphore(%arg20 : memref<!tpu.dma_semaphore, #tpu.memory_space<semaphore_mem>>)
      %get3A_178 = arith.constant 0 : index
      %get3A_179 = tpu.vector_load %arg12[%get3A_178] {strides = array<i32>} : memref<128xi32, #tpu.memory_space<vmem>>, vector<16xi32>,
      %get3A_180 = arith.constant 0 : index
      %get3A_181 = tpu.vector_load %arg13[%get3A_180] {strides = array<i32>} : memref<128xi32, #tpu.memory_space<vmem>>, vector<16xi32>,
      %gather3A = tpu.vector_load_idx %arg9[%get3A_179] : memref<10240xf32, #tpu.memory_space<vmem>>[vector<16xi32>], vector<16xf32>,
      %gather3A_182 = tpu.vector_load_idx %arg10[%get3A_181] : memref<10240xf32, #tpu.memory_space<vmem>>[vector<16xi32>], vector<16xf32>,
      %add3A_183 = arith.addf %gather3A, %gather3A_182 : vector<16xf32>
      %gt3A = arith.constant 0.000000e+00 : f32
      %gt3A_184 = vector.broadcast %gt3A : f32 to vector<16xf32>
      %gt3A_185 = arith.cmpf ogt, %add3A_183, %gt3A_184 : vector<16xf32>
      %mul3A_186 = arith.constant 2.000000e-01 : f32
      %mul3A_187 = vector.broadcast %mul3A_186 : f32 to vector<16xf32>
      %mul3A_188 = arith.mulf %mul3A_187, %add3A_183 : vector<16xf32>
      %select_n3A_189 = arith.select %gt3A_185, %add3A_183, %mul3A_188 : vector<16xi1>, vector<16xf32>
      %sub3A_190 = arith.subf %select_n3A_189, %get3A_0 : vector<16xf32>
      %exp3A = math.exp %sub3A_190 : vector<16xf32>
      %gather3A_191 = tpu.vector_load_idx %arg11[%get3A_181] : memref<10240xf32, #tpu.memory_space<vmem>>[vector<16xi32>], vector<16xf32>,
      %add3A_192 = arith.constant 1.000000e-16 : f32
      %add3A_193 = vector.broadcast %add3A_192 : f32 to vector<16xf32>
      %add3A_194 = arith.addf %gather3A_191, %add3A_193 : vector<16xf32>
      %div3A_195 = arith.divf %exp3A, %add3A_194 : vector<16xf32>
      %swap3A_196 = arith.constant 0 : index
      %swap3A_197 = tpu.vector_load %arg15[%swap3A_196] {strides = array<i32>} : memref<128xf32, #tpu.memory_space<vmem>>, vector<16xf32>,
      tpu.vector_store %arg15[%swap3A_196], %div3A_195 {strides = array<i32>} : memref<128xf32, #tpu.memory_space<vmem>>, vector<16xf32>,
      %get3A_198 = arith.constant 16 : index
      %get3A_199 = tpu.vector_load %arg12[%get3A_198] {strides = array<i32>} : memref<128xi32, #tpu.memory_space<vmem>>, vector<16xi32>,
      %get3A_200 = arith.constant 16 : index
      %get3A_201 = tpu.vector_load %arg13[%get3A_200] {strides = array<i32>} : memref<128xi32, #tpu.memory_space<vmem>>, vector<16xi32>,
      %gather3A_202 = tpu.vector_load_idx %arg9[%get3A_199] : memref<10240xf32, #tpu.memory_space<vmem>>[vector<16xi32>], vector<16xf32>,
      %gather3A_203 = tpu.vector_load_idx %arg10[%get3A_201] : memref<10240xf32, #tpu.memory_space<vmem>>[vector<16xi32>], vector<16xf32>,
      %add3A_204 = arith.addf %gather3A_202, %gather3A_203 : vector<16xf32>
      %gt3A_205 = arith.constant 0.000000e+00 : f32
      %gt3A_206 = vector.broadcast %gt3A_205 : f32 to vector<16xf32>
      %gt3A_207 = arith.cmpf ogt, %add3A_204, %gt3A_206 : vector<16xf32>
      %mul3A_208 = arith.constant 2.000000e-01 : f32
      %mul3A_209 = vector.broadcast %mul3A_208 : f32 to vector<16xf32>
      %mul3A_210 = arith.mulf %mul3A_209, %add3A_204 : vector<16xf32>
      %select_n3A_211 = arith.select %gt3A_207, %add3A_204, %mul3A_210 : vector<16xi1>, vector<16xf32>
      %sub3A_212 = arith.subf %select_n3A_211, %get3A_0 : vector<16xf32>
      %exp3A_213 = math.exp %sub3A_212 : vector<16xf32>
      %gather3A_214 = tpu.vector_load_idx %arg11[%get3A_201] : memref<10240xf32, #tpu.memory_space<vmem>>[vector<16xi32>], vector<16xf32>,
      %add3A_215 = arith.constant 1.000000e-16 : f32
      %add3A_216 = vector.broadcast %add3A_215 : f32 to vector<16xf32>
      %add3A_217 = arith.addf %gather3A_214, %add3A_216 : vector<16xf32>
      %div3A_218 = arith.divf %exp3A_213, %add3A_217 : vector<16xf32>
      %swap3A_219 = arith.constant 16 : index
      %swap3A_220 = tpu.vector_load %arg15[%swap3A_219] {strides = array<i32>} : memref<128xf32, #tpu.memory_space<vmem>>, vector<16xf32>,
      tpu.vector_store %arg15[%swap3A_219], %div3A_218 {strides = array<i32>} : memref<128xf32, #tpu.memory_space<vmem>>, vector<16xf32>,
      %get3A_221 = arith.constant 32 : index
      %get3A_222 = tpu.vector_load %arg12[%get3A_221] {strides = array<i32>} : memref<128xi32, #tpu.memory_space<vmem>>, vector<16xi32>,
      %get3A_223 = arith.constant 32 : index
      %get3A_224 = tpu.vector_load %arg13[%get3A_223] {strides = array<i32>} : memref<128xi32, #tpu.memory_space<vmem>>, vector<16xi32>,
      %gather3A_225 = tpu.vector_load_idx %arg9[%get3A_222] : memref<10240xf32, #tpu.memory_space<vmem>>[vector<16xi32>], vector<16xf32>,
      %gather3A_226 = tpu.vector_load_idx %arg10[%get3A_224] : memref<10240xf32, #tpu.memory_space<vmem>>[vector<16xi32>], vector<16xf32>,
      %add3A_227 = arith.addf %gather3A_225, %gather3A_226 : vector<16xf32>
      %gt3A_228 = arith.constant 0.000000e+00 : f32
      %gt3A_229 = vector.broadcast %gt3A_228 : f32 to vector<16xf32>
      %gt3A_230 = arith.cmpf ogt, %add3A_227, %gt3A_229 : vector<16xf32>
      %mul3A_231 = arith.constant 2.000000e-01 : f32
      %mul3A_232 = vector.broadcast %mul3A_231 : f32 to vector<16xf32>
      %mul3A_233 = arith.mulf %mul3A_232, %add3A_227 : vector<16xf32>
      %select_n3A_234 = arith.select %gt3A_230, %add3A_227, %mul3A_233 : vector<16xi1>, vector<16xf32>
      %sub3A_235 = arith.subf %select_n3A_234, %get3A_0 : vector<16xf32>
      %exp3A_236 = math.exp %sub3A_235 : vector<16xf32>
      %gather3A_237 = tpu.vector_load_idx %arg11[%get3A_224] : memref<10240xf32, #tpu.memory_space<vmem>>[vector<16xi32>], vector<16xf32>,
      %add3A_238 = arith.constant 1.000000e-16 : f32
      %add3A_239 = vector.broadcast %add3A_238 : f32 to vector<16xf32>
      %add3A_240 = arith.addf %gather3A_237, %add3A_239 : vector<16xf32>
      %div3A_241 = arith.divf %exp3A_236, %add3A_240 : vector<16xf32>
      %swap3A_242 = arith.constant 32 : index
      %swap3A_243 = tpu.vector_load %arg15[%swap3A_242] {strides = array<i32>} : memref<128xf32, #tpu.memory_space<vmem>>, vector<16xf32>,
      tpu.vector_store %arg15[%swap3A_242], %div3A_241 {strides = array<i32>} : memref<128xf32, #tpu.memory_space<vmem>>, vector<16xf32>,
      %get3A_244 = arith.constant 48 : index
      %get3A_245 = tpu.vector_load %arg12[%get3A_244] {strides = array<i32>} : memref<128xi32, #tpu.memory_space<vmem>>, vector<16xi32>,
      %get3A_246 = arith.constant 48 : index
      %get3A_247 = tpu.vector_load %arg13[%get3A_246] {strides = array<i32>} : memref<128xi32, #tpu.memory_space<vmem>>, vector<16xi32>,
      %gather3A_248 = tpu.vector_load_idx %arg9[%get3A_245] : memref<10240xf32, #tpu.memory_space<vmem>>[vector<16xi32>], vector<16xf32>,
      %gather3A_249 = tpu.vector_load_idx %arg10[%get3A_247] : memref<10240xf32, #tpu.memory_space<vmem>>[vector<16xi32>], vector<16xf32>,
      %add3A_250 = arith.addf %gather3A_248, %gather3A_249 : vector<16xf32>
      %gt3A_251 = arith.constant 0.000000e+00 : f32
      %gt3A_252 = vector.broadcast %gt3A_251 : f32 to vector<16xf32>
      %gt3A_253 = arith.cmpf ogt, %add3A_250, %gt3A_252 : vector<16xf32>
      %mul3A_254 = arith.constant 2.000000e-01 : f32
      %mul3A_255 = vector.broadcast %mul3A_254 : f32 to vector<16xf32>
      %mul3A_256 = arith.mulf %mul3A_255, %add3A_250 : vector<16xf32>
      %select_n3A_257 = arith.select %gt3A_253, %add3A_250, %mul3A_256 : vector<16xi1>, vector<16xf32>
      %sub3A_258 = arith.subf %select_n3A_257, %get3A_0 : vector<16xf32>
      %exp3A_259 = math.exp %sub3A_258 : vector<16xf32>
      %gather3A_260 = tpu.vector_load_idx %arg11[%get3A_247] : memref<10240xf32, #tpu.memory_space<vmem>>[vector<16xi32>], vector<16xf32>,
      %add3A_261 = arith.constant 1.000000e-16 : f32
      %add3A_262 = vector.broadcast %add3A_261 : f32 to vector<16xf32>
      %add3A_263 = arith.addf %gather3A_260, %add3A_262 : vector<16xf32>
      %div3A_264 = arith.divf %exp3A_259, %add3A_263 : vector<16xf32>
      %swap3A_265 = arith.constant 48 : index
      %swap3A_266 = tpu.vector_load %arg15[%swap3A_265] {strides = array<i32>} : memref<128xf32, #tpu.memory_space<vmem>>, vector<16xf32>,
      tpu.vector_store %arg15[%swap3A_265], %div3A_264 {strides = array<i32>} : memref<128xf32, #tpu.memory_space<vmem>>, vector<16xf32>,
      %get3A_267 = arith.constant 64 : index
      %get3A_268 = tpu.vector_load %arg12[%get3A_267] {strides = array<i32>} : memref<128xi32, #tpu.memory_space<vmem>>, vector<16xi32>,
      %get3A_269 = arith.constant 64 : index
      %get3A_270 = tpu.vector_load %arg13[%get3A_269] {strides = array<i32>} : memref<128xi32, #tpu.memory_space<vmem>>, vector<16xi32>,
      %gather3A_271 = tpu.vector_load_idx %arg9[%get3A_268] : memref<10240xf32, #tpu.memory_space<vmem>>[vector<16xi32>], vector<16xf32>,
      %gather3A_272 = tpu.vector_load_idx %arg10[%get3A_270] : memref<10240xf32, #tpu.memory_space<vmem>>[vector<16xi32>], vector<16xf32>,
      %add3A_273 = arith.addf %gather3A_271, %gather3A_272 : vector<16xf32>
      %gt3A_274 = arith.constant 0.000000e+00 : f32
      %gt3A_275 = vector.broadcast %gt3A_274 : f32 to vector<16xf32>
      %gt3A_276 = arith.cmpf ogt, %add3A_273, %gt3A_275 : vector<16xf32>
      %mul3A_277 = arith.constant 2.000000e-01 : f32
      %mul3A_278 = vector.broadcast %mul3A_277 : f32 to vector<16xf32>
      %mul3A_279 = arith.mulf %mul3A_278, %add3A_273 : vector<16xf32>
      %select_n3A_280 = arith.select %gt3A_276, %add3A_273, %mul3A_279 : vector<16xi1>, vector<16xf32>
      %sub3A_281 = arith.subf %select_n3A_280, %get3A_0 : vector<16xf32>
      %exp3A_282 = math.exp %sub3A_281 : vector<16xf32>
      %gather3A_283 = tpu.vector_load_idx %arg11[%get3A_270] : memref<10240xf32, #tpu.memory_space<vmem>>[vector<16xi32>], vector<16xf32>,
      %add3A_284 = arith.constant 1.000000e-16 : f32
      %add3A_285 = vector.broadcast %add3A_284 : f32 to vector<16xf32>
      %add3A_286 = arith.addf %gather3A_283, %add3A_285 : vector<16xf32>
      %div3A_287 = arith.divf %exp3A_282, %add3A_286 : vector<16xf32>
      %swap3A_288 = arith.constant 64 : index
      %swap3A_289 = tpu.vector_load %arg15[%swap3A_288] {strides = array<i32>} : memref<128xf32, #tpu.memory_space<vmem>>, vector<16xf32>,
      tpu.vector_store %arg15[%swap3A_288], %div3A_287 {strides = array<i32>} : memref<128xf32, #tpu.memory_space<vmem>>, vector<16xf32>,
      %get3A_290 = arith.constant 80 : index
      %get3A_291 = tpu.vector_load %arg12[%get3A_290] {strides = array<i32>} : memref<128xi32, #tpu.memory_space<vmem>>, vector<16xi32>,
      %get3A_292 = arith.constant 80 : index
      %get3A_293 = tpu.vector_load %arg13[%get3A_292] {strides = array<i32>} : memref<128xi32, #tpu.memory_space<vmem>>, vector<16xi32>,
      %gather3A_294 = tpu.vector_load_idx %arg9[%get3A_291] : memref<10240xf32, #tpu.memory_space<vmem>>[vector<16xi32>], vector<16xf32>,
      %gather3A_295 = tpu.vector_load_idx %arg10[%get3A_293] : memref<10240xf32, #tpu.memory_space<vmem>>[vector<16xi32>], vector<16xf32>,
      %add3A_296 = arith.addf %gather3A_294, %gather3A_295 : vector<16xf32>
      %gt3A_297 = arith.constant 0.000000e+00 : f32
      %gt3A_298 = vector.broadcast %gt3A_297 : f32 to vector<16xf32>
      %gt3A_299 = arith.cmpf ogt, %add3A_296, %gt3A_298 : vector<16xf32>
      %mul3A_300 = arith.constant 2.000000e-01 : f32
      %mul3A_301 = vector.broadcast %mul3A_300 : f32 to vector<16xf32>
      %mul3A_302 = arith.mulf %mul3A_301, %add3A_296 : vector<16xf32>
      %select_n3A_303 = arith.select %gt3A_299, %add3A_296, %mul3A_302 : vector<16xi1>, vector<16xf32>
      %sub3A_304 = arith.subf %select_n3A_303, %get3A_0 : vector<16xf32>
      %exp3A_305 = math.exp %sub3A_304 : vector<16xf32>
      %gather3A_306 = tpu.vector_load_idx %arg11[%get3A_293] : memref<10240xf32, #tpu.memory_space<vmem>>[vector<16xi32>], vector<16xf32>,
      %add3A_307 = arith.constant 1.000000e-16 : f32
      %add3A_308 = vector.broadcast %add3A_307 : f32 to vector<16xf32>
      %add3A_309 = arith.addf %gather3A_306, %add3A_308 : vector<16xf32>
      %div3A_310 = arith.divf %exp3A_305, %add3A_309 : vector<16xf32>
      %swap3A_311 = arith.constant 80 : index
      %swap3A_312 = tpu.vector_load %arg15[%swap3A_311] {strides = array<i32>} : memref<128xf32, #tpu.memory_space<vmem>>, vector<16xf32>,
      tpu.vector_store %arg15[%swap3A_311], %div3A_310 {strides = array<i32>} : memref<128xf32, #tpu.memory_space<vmem>>, vector<16xf32>,
      %get3A_313 = arith.constant 96 : index
      %get3A_314 = tpu.vector_load %arg12[%get3A_313] {strides = array<i32>} : memref<128xi32, #tpu.memory_space<vmem>>, vector<16xi32>,
      %get3A_315 = arith.constant 96 : index
      %get3A_316 = tpu.vector_load %arg13[%get3A_315] {strides = array<i32>} : memref<128xi32, #tpu.memory_space<vmem>>, vector<16xi32>,
      %gather3A_317 = tpu.vector_load_idx %arg9[%get3A_314] : memref<10240xf32, #tpu.memory_space<vmem>>[vector<16xi32>], vector<16xf32>,
      %gather3A_318 = tpu.vector_load_idx %arg10[%get3A_316] : memref<10240xf32, #tpu.memory_space<vmem>>[vector<16xi32>], vector<16xf32>,
      %add3A_319 = arith.addf %gather3A_317, %gather3A_318 : vector<16xf32>
      %gt3A_320 = arith.constant 0.000000e+00 : f32
      %gt3A_321 = vector.broadcast %gt3A_320 : f32 to vector<16xf32>
      %gt3A_322 = arith.cmpf ogt, %add3A_319, %gt3A_321 : vector<16xf32>
      %mul3A_323 = arith.constant 2.000000e-01 : f32
      %mul3A_324 = vector.broadcast %mul3A_323 : f32 to vector<16xf32>
      %mul3A_325 = arith.mulf %mul3A_324, %add3A_319 : vector<16xf32>
      %select_n3A_326 = arith.select %gt3A_322, %add3A_319, %mul3A_325 : vector<16xi1>, vector<16xf32>
      %sub3A_327 = arith.subf %select_n3A_326, %get3A_0 : vector<16xf32>
      %exp3A_328 = math.exp %sub3A_327 : vector<16xf32>
      %gather3A_329 = tpu.vector_load_idx %arg11[%get3A_316] : memref<10240xf32, #tpu.memory_space<vmem>>[vector<16xi32>], vector<16xf32>,
      %add3A_330 = arith.constant 1.000000e-16 : f32
      %add3A_331 = vector.broadcast %add3A_330 : f32 to vector<16xf32>
      %add3A_332 = arith.addf %gather3A_329, %add3A_331 : vector<16xf32>
      %div3A_333 = arith.divf %exp3A_328, %add3A_332 : vector<16xf32>
      %swap3A_334 = arith.constant 96 : index
      %swap3A_335 = tpu.vector_load %arg15[%swap3A_334] {strides = array<i32>} : memref<128xf32, #tpu.memory_space<vmem>>, vector<16xf32>,
      tpu.vector_store %arg15[%swap3A_334], %div3A_333 {strides = array<i32>} : memref<128xf32, #tpu.memory_space<vmem>>, vector<16xf32>,
      %get3A_336 = arith.constant 112 : index
      %get3A_337 = tpu.vector_load %arg12[%get3A_336] {strides = array<i32>} : memref<128xi32, #tpu.memory_space<vmem>>, vector<16xi32>,
      %get3A_338 = arith.constant 112 : index
      %get3A_339 = tpu.vector_load %arg13[%get3A_338] {strides = array<i32>} : memref<128xi32, #tpu.memory_space<vmem>>, vector<16xi32>,
      %gather3A_340 = tpu.vector_load_idx %arg9[%get3A_337] : memref<10240xf32, #tpu.memory_space<vmem>>[vector<16xi32>], vector<16xf32>,
      %gather3A_341 = tpu.vector_load_idx %arg10[%get3A_339] : memref<10240xf32, #tpu.memory_space<vmem>>[vector<16xi32>], vector<16xf32>,
      %add3A_342 = arith.addf %gather3A_340, %gather3A_341 : vector<16xf32>
      %gt3A_343 = arith.constant 0.000000e+00 : f32
      %gt3A_344 = vector.broadcast %gt3A_343 : f32 to vector<16xf32>
      %gt3A_345 = arith.cmpf ogt, %add3A_342, %gt3A_344 : vector<16xf32>
      %mul3A_346 = arith.constant 2.000000e-01 : f32
      %mul3A_347 = vector.broadcast %mul3A_346 : f32 to vector<16xf32>
      %mul3A_348 = arith.mulf %mul3A_347, %add3A_342 : vector<16xf32>
      %select_n3A_349 = arith.select %gt3A_345, %add3A_342, %mul3A_348 : vector<16xi1>, vector<16xf32>
      %sub3A_350 = arith.subf %select_n3A_349, %get3A_0 : vector<16xf32>
      %exp3A_351 = math.exp %sub3A_350 : vector<16xf32>
      %gather3A_352 = tpu.vector_load_idx %arg11[%get3A_339] : memref<10240xf32, #tpu.memory_space<vmem>>[vector<16xi32>], vector<16xf32>,
      %add3A_353 = arith.constant 1.000000e-16 : f32
      %add3A_354 = vector.broadcast %add3A_353 : f32 to vector<16xf32>
      %add3A_355 = arith.addf %gather3A_352, %add3A_354 : vector<16xf32>
      %div3A_356 = arith.divf %exp3A_351, %add3A_355 : vector<16xf32>
      %swap3A_357 = arith.constant 112 : index
      %swap3A_358 = tpu.vector_load %arg15[%swap3A_357] {strides = array<i32>} : memref<128xf32, #tpu.memory_space<vmem>>, vector<16xf32>,
      tpu.vector_store %arg15[%swap3A_357], %div3A_356 {strides = array<i32>} : memref<128xf32, #tpu.memory_space<vmem>>, vector<16xf32>,
      %dma_wait3A = arith.constant 0 : i32
      %dma_wait3A_359 = arith.constant 0 : i32
      %dma_wait3A_360 = tpu.memref_slice %arg2[%dma_wait3A, %dma_wait3A_359] : memref<20480x128xf32, #tpu.memory_space<hbm>> -> memref<20480x128xf32, #tpu.memory_space<hbm>>
      tpu.wait_indirect_dma semaphore(%arg20 : memref<!tpu.dma_semaphore, #tpu.memory_space<semaphore_mem>>) src(%dma_wait3A_360 : memref<20480x128xf32, #tpu.memory_space<hbm>>) dst(%arg16 : memref<128x128xf32, #tpu.memory_space<vmem>>)
      %scan3A_361 = arith.constant 0 : i32
      %scan3A_362 = arith.constant 0 : i32
      %scan3A_363 = arith.constant 128 : i32
      %scan3A_364 = arith.addi %scan3A_362, %scan3A_363 : i32
      %scan3A_365 = arith.constant 1 : i32
      scf.for %scan3A_367 = %scan3A_362 to %scan3A_364 step %scan3A_365  : i32 {
        %broadcast_in_dim3A_368 = vector.broadcast %scan3A_367 : i32 to vector<16xi32>
        %gather3A_369 = tpu.vector_load_idx %arg15[%broadcast_in_dim3A_368] : memref<128xf32, #tpu.memory_space<vmem>>[vector<16xi32>], vector<16xf32>,
        %get3A_370 = arith.index_cast %scan3A_367 : i32 to index
        %get3A_371 = arith.constant 0 : index
        %get3A_372 = tpu.vector_load %arg16[%get3A_370, %get3A_371] {strides = array<i32>} : memref<128x128xf32, #tpu.memory_space<vmem>>, vector<16xf32>,
        %mul3A_373 = arith.mulf %get3A_372, %gather3A_369 : vector<16xf32>
        %swap3A_374 = arith.index_cast %scan3A_367 : i32 to index
        %swap3A_375 = arith.constant 0 : index
        %swap3A_376 = tpu.vector_load %arg16[%swap3A_374, %swap3A_375] {strides = array<i32>} : memref<128x128xf32, #tpu.memory_space<vmem>>, vector<16xf32>,
        tpu.vector_store %arg16[%swap3A_374, %swap3A_375], %mul3A_373 {strides = array<i32>} : memref<128x128xf32, #tpu.memory_space<vmem>>, vector<16xf32>,
        %get3A_377 = arith.index_cast %scan3A_367 : i32 to index
        %get3A_378 = arith.constant 16 : index
        %get3A_379 = tpu.vector_load %arg16[%get3A_377, %get3A_378] {strides = array<i32>} : memref<128x128xf32, #tpu.memory_space<vmem>>, vector<16xf32>,
        %mul3A_380 = arith.mulf %get3A_379, %gather3A_369 : vector<16xf32>
        %swap3A_381 = arith.index_cast %scan3A_367 : i32 to index
        %swap3A_382 = arith.constant 16 : index
        %swap3A_383 = tpu.vector_load %arg16[%swap3A_381, %swap3A_382] {strides = array<i32>} : memref<128x128xf32, #tpu.memory_space<vmem>>, vector<16xf32>,
        tpu.vector_store %arg16[%swap3A_381, %swap3A_382], %mul3A_380 {strides = array<i32>} : memref<128x128xf32, #tpu.memory_space<vmem>>, vector<16xf32>,
        %get3A_384 = arith.index_cast %scan3A_367 : i32 to index
        %get3A_385 = arith.constant 32 : index
        %get3A_386 = tpu.vector_load %arg16[%get3A_384, %get3A_385] {strides = array<i32>} : memref<128x128xf32, #tpu.memory_space<vmem>>, vector<16xf32>,
        %mul3A_387 = arith.mulf %get3A_386, %gather3A_369 : vector<16xf32>
        %swap3A_388 = arith.index_cast %scan3A_367 : i32 to index
        %swap3A_389 = arith.constant 32 : index
        %swap3A_390 = tpu.vector_load %arg16[%swap3A_388, %swap3A_389] {strides = array<i32>} : memref<128x128xf32, #tpu.memory_space<vmem>>, vector<16xf32>,
        tpu.vector_store %arg16[%swap3A_388, %swap3A_389], %mul3A_387 {strides = array<i32>} : memref<128x128xf32, #tpu.memory_space<vmem>>, vector<16xf32>,
        %get3A_391 = arith.index_cast %scan3A_367 : i32 to index
        %get3A_392 = arith.constant 48 : index
        %get3A_393 = tpu.vector_load %arg16[%get3A_391, %get3A_392] {strides = array<i32>} : memref<128x128xf32, #tpu.memory_space<vmem>>, vector<16xf32>,
        %mul3A_394 = arith.mulf %get3A_393, %gather3A_369 : vector<16xf32>
        %swap3A_395 = arith.index_cast %scan3A_367 : i32 to index
        %swap3A_396 = arith.constant 48 : index
        %swap3A_397 = tpu.vector_load %arg16[%swap3A_395, %swap3A_396] {strides = array<i32>} : memref<128x128xf32, #tpu.memory_space<vmem>>, vector<16xf32>,
        tpu.vector_store %arg16[%swap3A_395, %swap3A_396], %mul3A_394 {strides = array<i32>} : memref<128x128xf32, #tpu.memory_space<vmem>>, vector<16xf32>,
        %get3A_398 = arith.index_cast %scan3A_367 : i32 to index
        %get3A_399 = arith.constant 64 : index
        %get3A_400 = tpu.vector_load %arg16[%get3A_398, %get3A_399] {strides = array<i32>} : memref<128x128xf32, #tpu.memory_space<vmem>>, vector<16xf32>,
        %mul3A_401 = arith.mulf %get3A_400, %gather3A_369 : vector<16xf32>
        %swap3A_402 = arith.index_cast %scan3A_367 : i32 to index
        %swap3A_403 = arith.constant 64 : index
        %swap3A_404 = tpu.vector_load %arg16[%swap3A_402, %swap3A_403] {strides = array<i32>} : memref<128x128xf32, #tpu.memory_space<vmem>>, vector<16xf32>,
        tpu.vector_store %arg16[%swap3A_402, %swap3A_403], %mul3A_401 {strides = array<i32>} : memref<128x128xf32, #tpu.memory_space<vmem>>, vector<16xf32>,
        %get3A_405 = arith.index_cast %scan3A_367 : i32 to index
        %get3A_406 = arith.constant 80 : index
        %get3A_407 = tpu.vector_load %arg16[%get3A_405, %get3A_406] {strides = array<i32>} : memref<128x128xf32, #tpu.memory_space<vmem>>, vector<16xf32>,
        %mul3A_408 = arith.mulf %get3A_407, %gather3A_369 : vector<16xf32>
        %swap3A_409 = arith.index_cast %scan3A_367 : i32 to index
        %swap3A_410 = arith.constant 80 : index
        %swap3A_411 = tpu.vector_load %arg16[%swap3A_409, %swap3A_410] {strides = array<i32>} : memref<128x128xf32, #tpu.memory_space<vmem>>, vector<16xf32>,
        tpu.vector_store %arg16[%swap3A_409, %swap3A_410], %mul3A_408 {strides = array<i32>} : memref<128x128xf32, #tpu.memory_space<vmem>>, vector<16xf32>,
        %get3A_412 = arith.index_cast %scan3A_367 : i32 to index
        %get3A_413 = arith.constant 96 : index
        %get3A_414 = tpu.vector_load %arg16[%get3A_412, %get3A_413] {strides = array<i32>} : memref<128x128xf32, #tpu.memory_space<vmem>>, vector<16xf32>,
        %mul3A_415 = arith.mulf %get3A_414, %gather3A_369 : vector<16xf32>
        %swap3A_416 = arith.index_cast %scan3A_367 : i32 to index
        %swap3A_417 = arith.constant 96 : index
        %swap3A_418 = tpu.vector_load %arg16[%swap3A_416, %swap3A_417] {strides = array<i32>} : memref<128x128xf32, #tpu.memory_space<vmem>>, vector<16xf32>,
        tpu.vector_store %arg16[%swap3A_416, %swap3A_417], %mul3A_415 {strides = array<i32>} : memref<128x128xf32, #tpu.memory_space<vmem>>, vector<16xf32>,
        %get3A_419 = arith.index_cast %scan3A_367 : i32 to index
        %get3A_420 = arith.constant 112 : index
        %get3A_421 = tpu.vector_load %arg16[%get3A_419, %get3A_420] {strides = array<i32>} : memref<128x128xf32, #tpu.memory_space<vmem>>, vector<16xf32>,
        %mul3A_422 = arith.mulf %get3A_421, %gather3A_369 : vector<16xf32>
        %swap3A_423 = arith.index_cast %scan3A_367 : i32 to index
        %swap3A_424 = arith.constant 112 : index
        %swap3A_425 = tpu.vector_load %arg16[%swap3A_423, %swap3A_424] {strides = array<i32>} : memref<128x128xf32, #tpu.memory_space<vmem>>, vector<16xf32>,
        tpu.vector_store %arg16[%swap3A_423, %swap3A_424], %mul3A_422 {strides = array<i32>} : memref<128x128xf32, #tpu.memory_space<vmem>>, vector<16xf32>,
      }
      %scan3A_366 = arith.constant 128 : i32
      "tpu.region"() ({
        %run_scoped3A = tpu.sem_alloc : memref<!tpu.dma_semaphore, #tpu.memory_space<semaphore_mem>>
        %dma_start3A_367 = arith.constant 0 : i32
        %dma_start3A_368 = arith.constant 0 : i32
        %dma_start3A_369 = tpu.memref_slice %arg18[%dma_start3A_367, %dma_start3A_368] : memref<10240x128xf32, #tpu.memory_space<vmem_shared>> -> memref<10240x128xf32, #tpu.memory_space<vmem_shared>>
        tpu.enqueue_indirect_dma source(%arg16 : memref<128x128xf32, #tpu.memory_space<vmem>>) target(%dma_start3A_369 : memref<10240x128xf32, #tpu.memory_space<vmem_shared>>) offsets(%arg13 : memref<128xi32, #tpu.memory_space<vmem>>) semaphore(%run_scoped3A : memref<!tpu.dma_semaphore, #tpu.memory_space<semaphore_mem>>) {add = true}
        %dma_wait3A_370 = arith.constant 0 : i32
        %dma_wait3A_371 = arith.constant 0 : i32
        %dma_wait3A_372 = tpu.memref_slice %arg18[%dma_wait3A_370, %dma_wait3A_371] : memref<10240x128xf32, #tpu.memory_space<vmem_shared>> -> memref<10240x128xf32, #tpu.memory_space<vmem_shared>>
        tpu.wait_indirect_dma semaphore(%run_scoped3A : memref<!tpu.dma_semaphore, #tpu.memory_space<semaphore_mem>>) src(%arg16 : memref<128x128xf32, #tpu.memory_space<vmem>>) dst(%dma_wait3A_372 : memref<10240x128xf32, #tpu.memory_space<vmem_shared>>)
        tpu.yield
      }) : () -> ()
    }
    %barrier3A_84 = arith.constant 0 : index
    tpu.barrier barrier_id(%barrier3A_84)
    %mul3A_85 = arith.constant 640 : i32
    %mul3A_86 = arith.muli %arg1, %mul3A_85 : i32
    %add3A_87 = arith.constant 0 : i32
    %add3A_88 = arith.addi %mul3A_86, %add3A_87 : i32
    "tpu.region"() ({
      %run_scoped3A = tpu.sem_alloc : memref<!tpu.dma_semaphore, #tpu.memory_space<semaphore_mem>>
      %dma_start3A = arith.constant 0 : i32
      %dma_start3A_105 = tpu.memref_slice %arg8[%arg0, %add3A_88, %dma_start3A] : memref<2x10240x128xf32, #tpu.memory_space<hbm>> -> memref<1x128x128xf32, #tpu.memory_space<hbm>>
      %dma_start3A_106 = tpu.memref_squeeze %dma_start3A_105 : memref<1x128x128xf32, #tpu.memory_space<hbm>> -> memref<128x128xf32, #tpu.memory_space<hbm>>
      %dma_start3A_107 = arith.constant 0 : i32
      %dma_start3A_108 = tpu.memref_slice %arg18[%add3A_88, %dma_start3A_107] : memref<10240x128xf32, #tpu.memory_space<vmem_shared>> -> memref<128x128xf32, #tpu.memory_space<vmem_shared>>
      tpu.enqueue_dma source(%dma_start3A_108 : memref<128x128xf32, #tpu.memory_space<vmem_shared>>) target(%dma_start3A_106 : memref<128x128xf32, #tpu.memory_space<hbm>>) target_semaphore(%run_scoped3A : memref<!tpu.dma_semaphore, #tpu.memory_space<semaphore_mem>>)
      %dma_wait3A = arith.constant 0 : i32
      %dma_wait3A_109 = tpu.memref_slice %arg8[%arg0, %add3A_88, %dma_wait3A] : memref<2x10240x128xf32, #tpu.memory_space<hbm>> -> memref<1x128x128xf32, #tpu.memory_space<hbm>>
      %dma_wait3A_110 = tpu.memref_squeeze %dma_wait3A_109 : memref<1x128x128xf32, #tpu.memory_space<hbm>> -> memref<128x128xf32, #tpu.memory_space<hbm>>
      %dma_wait3A_111 = arith.constant 0 : i32
      %dma_wait3A_112 = tpu.memref_slice %arg18[%add3A_88, %dma_wait3A_111] : memref<10240x128xf32, #tpu.memory_space<vmem_shared>> -> memref<128x128xf32, #tpu.memory_space<vmem_shared>>
      tpu.wait_dma2 semaphore(%run_scoped3A : memref<!tpu.dma_semaphore, #tpu.memory_space<semaphore_mem>>) src(%dma_wait3A_112 : memref<128x128xf32, #tpu.memory_space<vmem_shared>>) dst(%dma_wait3A_110 : memref<128x128xf32, #tpu.memory_space<hbm>>)
      tpu.yield
    }) : () -> ()
    %mul3A_89 = arith.constant 640 : i32
    %mul3A_90 = arith.muli %arg1, %mul3A_89 : i32
    %add3A_91 = arith.constant 128 : i32
    %add3A_92 = arith.addi %mul3A_90, %add3A_91 : i32
    "tpu.region"() ({
      %run_scoped3A = tpu.sem_alloc : memref<!tpu.dma_semaphore, #tpu.memory_space<semaphore_mem>>
      %dma_start3A = arith.constant 0 : i32
      %dma_start3A_105 = tpu.memref_slice %arg8[%arg0, %add3A_92, %dma_start3A] : memref<2x10240x128xf32, #tpu.memory_space<hbm>> -> memref<1x128x128xf32, #tpu.memory_space<hbm>>
      %dma_start3A_106 = tpu.memref_squeeze %dma_start3A_105 : memref<1x128x128xf32, #tpu.memory_space<hbm>> -> memref<128x128xf32, #tpu.memory_space<hbm>>
      %dma_start3A_107 = arith.constant 0 : i32
      %dma_start3A_108 = tpu.memref_slice %arg18[%add3A_92, %dma_start3A_107] : memref<10240x128xf32, #tpu.memory_space<vmem_shared>> -> memref<128x128xf32, #tpu.memory_space<vmem_shared>>
      tpu.enqueue_dma source(%dma_start3A_108 : memref<128x128xf32, #tpu.memory_space<vmem_shared>>) target(%dma_start3A_106 : memref<128x128xf32, #tpu.memory_space<hbm>>) target_semaphore(%run_scoped3A : memref<!tpu.dma_semaphore, #tpu.memory_space<semaphore_mem>>)
      %dma_wait3A = arith.constant 0 : i32
      %dma_wait3A_109 = tpu.memref_slice %arg8[%arg0, %add3A_92, %dma_wait3A] : memref<2x10240x128xf32, #tpu.memory_space<hbm>> -> memref<1x128x128xf32, #tpu.memory_space<hbm>>
      %dma_wait3A_110 = tpu.memref_squeeze %dma_wait3A_109 : memref<1x128x128xf32, #tpu.memory_space<hbm>> -> memref<128x128xf32, #tpu.memory_space<hbm>>
      %dma_wait3A_111 = arith.constant 0 : i32
      %dma_wait3A_112 = tpu.memref_slice %arg18[%add3A_92, %dma_wait3A_111] : memref<10240x128xf32, #tpu.memory_space<vmem_shared>> -> memref<128x128xf32, #tpu.memory_space<vmem_shared>>
      tpu.wait_dma2 semaphore(%run_scoped3A : memref<!tpu.dma_semaphore, #tpu.memory_space<semaphore_mem>>) src(%dma_wait3A_112 : memref<128x128xf32, #tpu.memory_space<vmem_shared>>) dst(%dma_wait3A_110 : memref<128x128xf32, #tpu.memory_space<hbm>>)
      tpu.yield
    }) : () -> ()
    %mul3A_93 = arith.constant 640 : i32
    %mul3A_94 = arith.muli %arg1, %mul3A_93 : i32
    %add3A_95 = arith.constant 256 : i32
    %add3A_96 = arith.addi %mul3A_94, %add3A_95 : i32
    "tpu.region"() ({
      %run_scoped3A = tpu.sem_alloc : memref<!tpu.dma_semaphore, #tpu.memory_space<semaphore_mem>>
      %dma_start3A = arith.constant 0 : i32
      %dma_start3A_105 = tpu.memref_slice %arg8[%arg0, %add3A_96, %dma_start3A] : memref<2x10240x128xf32, #tpu.memory_space<hbm>> -> memref<1x128x128xf32, #tpu.memory_space<hbm>>
      %dma_start3A_106 = tpu.memref_squeeze %dma_start3A_105 : memref<1x128x128xf32, #tpu.memory_space<hbm>> -> memref<128x128xf32, #tpu.memory_space<hbm>>
      %dma_start3A_107 = arith.constant 0 : i32
      %dma_start3A_108 = tpu.memref_slice %arg18[%add3A_96, %dma_start3A_107] : memref<10240x128xf32, #tpu.memory_space<vmem_shared>> -> memref<128x128xf32, #tpu.memory_space<vmem_shared>>
      tpu.enqueue_dma source(%dma_start3A_108 : memref<128x128xf32, #tpu.memory_space<vmem_shared>>) target(%dma_start3A_106 : memref<128x128xf32, #tpu.memory_space<hbm>>) target_semaphore(%run_scoped3A : memref<!tpu.dma_semaphore, #tpu.memory_space<semaphore_mem>>)
      %dma_wait3A = arith.constant 0 : i32
      %dma_wait3A_109 = tpu.memref_slice %arg8[%arg0, %add3A_96, %dma_wait3A] : memref<2x10240x128xf32, #tpu.memory_space<hbm>> -> memref<1x128x128xf32, #tpu.memory_space<hbm>>
      %dma_wait3A_110 = tpu.memref_squeeze %dma_wait3A_109 : memref<1x128x128xf32, #tpu.memory_space<hbm>> -> memref<128x128xf32, #tpu.memory_space<hbm>>
      %dma_wait3A_111 = arith.constant 0 : i32
      %dma_wait3A_112 = tpu.memref_slice %arg18[%add3A_96, %dma_wait3A_111] : memref<10240x128xf32, #tpu.memory_space<vmem_shared>> -> memref<128x128xf32, #tpu.memory_space<vmem_shared>>
      tpu.wait_dma2 semaphore(%run_scoped3A : memref<!tpu.dma_semaphore, #tpu.memory_space<semaphore_mem>>) src(%dma_wait3A_112 : memref<128x128xf32, #tpu.memory_space<vmem_shared>>) dst(%dma_wait3A_110 : memref<128x128xf32, #tpu.memory_space<hbm>>)
      tpu.yield
    }) : () -> ()
    %mul3A_97 = arith.constant 640 : i32
    %mul3A_98 = arith.muli %arg1, %mul3A_97 : i32
    %add3A_99 = arith.constant 384 : i32
    %add3A_100 = arith.addi %mul3A_98, %add3A_99 : i32
    "tpu.region"() ({
      %run_scoped3A = tpu.sem_alloc : memref<!tpu.dma_semaphore, #tpu.memory_space<semaphore_mem>>
      %dma_start3A = arith.constant 0 : i32
      %dma_start3A_105 = tpu.memref_slice %arg8[%arg0, %add3A_100, %dma_start3A] : memref<2x10240x128xf32, #tpu.memory_space<hbm>> -> memref<1x128x128xf32, #tpu.memory_space<hbm>>
      %dma_start3A_106 = tpu.memref_squeeze %dma_start3A_105 : memref<1x128x128xf32, #tpu.memory_space<hbm>> -> memref<128x128xf32, #tpu.memory_space<hbm>>
      %dma_start3A_107 = arith.constant 0 : i32
      %dma_start3A_108 = tpu.memref_slice %arg18[%add3A_100, %dma_start3A_107] : memref<10240x128xf32, #tpu.memory_space<vmem_shared>> -> memref<128x128xf32, #tpu.memory_space<vmem_shared>>
      tpu.enqueue_dma source(%dma_start3A_108 : memref<128x128xf32, #tpu.memory_space<vmem_shared>>) target(%dma_start3A_106 : memref<128x128xf32, #tpu.memory_space<hbm>>) target_semaphore(%run_scoped3A : memref<!tpu.dma_semaphore, #tpu.memory_space<semaphore_mem>>)
      %dma_wait3A = arith.constant 0 : i32
      %dma_wait3A_109 = tpu.memref_slice %arg8[%arg0, %add3A_100, %dma_wait3A] : memref<2x10240x128xf32, #tpu.memory_space<hbm>> -> memref<1x128x128xf32, #tpu.memory_space<hbm>>
      %dma_wait3A_110 = tpu.memref_squeeze %dma_wait3A_109 : memref<1x128x128xf32, #tpu.memory_space<hbm>> -> memref<128x128xf32, #tpu.memory_space<hbm>>
      %dma_wait3A_111 = arith.constant 0 : i32
      %dma_wait3A_112 = tpu.memref_slice %arg18[%add3A_100, %dma_wait3A_111] : memref<10240x128xf32, #tpu.memory_space<vmem_shared>> -> memref<128x128xf32, #tpu.memory_space<vmem_shared>>
      tpu.wait_dma2 semaphore(%run_scoped3A : memref<!tpu.dma_semaphore, #tpu.memory_space<semaphore_mem>>) src(%dma_wait3A_112 : memref<128x128xf32, #tpu.memory_space<vmem_shared>>) dst(%dma_wait3A_110 : memref<128x128xf32, #tpu.memory_space<hbm>>)
      tpu.yield
    }) : () -> ()
    %mul3A_101 = arith.constant 640 : i32
    %mul3A_102 = arith.muli %arg1, %mul3A_101 : i32
    %add3A_103 = arith.constant 512 : i32
    %add3A_104 = arith.addi %mul3A_102, %add3A_103 : i32
    "tpu.region"() ({
      %run_scoped3A = tpu.sem_alloc : memref<!tpu.dma_semaphore, #tpu.memory_space<semaphore_mem>>
      %dma_start3A = arith.constant 0 : i32
      %dma_start3A_105 = tpu.memref_slice %arg8[%arg0, %add3A_104, %dma_start3A] : memref<2x10240x128xf32, #tpu.memory_space<hbm>> -> memref<1x128x128xf32, #tpu.memory_space<hbm>>
      %dma_start3A_106 = tpu.memref_squeeze %dma_start3A_105 : memref<1x128x128xf32, #tpu.memory_space<hbm>> -> memref<128x128xf32, #tpu.memory_space<hbm>>
      %dma_start3A_107 = arith.constant 0 : i32
      %dma_start3A_108 = tpu.memref_slice %arg18[%add3A_104, %dma_start3A_107] : memref<10240x128xf32, #tpu.memory_space<vmem_shared>> -> memref<128x128xf32, #tpu.memory_space<vmem_shared>>
      tpu.enqueue_dma source(%dma_start3A_108 : memref<128x128xf32, #tpu.memory_space<vmem_shared>>) target(%dma_start3A_106 : memref<128x128xf32, #tpu.memory_space<hbm>>) target_semaphore(%run_scoped3A : memref<!tpu.dma_semaphore, #tpu.memory_space<semaphore_mem>>)
      %dma_wait3A = arith.constant 0 : i32
      %dma_wait3A_109 = tpu.memref_slice %arg8[%arg0, %add3A_104, %dma_wait3A] : memref<2x10240x128xf32, #tpu.memory_space<hbm>> -> memref<1x128x128xf32, #tpu.memory_space<hbm>>
      %dma_wait3A_110 = tpu.memref_squeeze %dma_wait3A_109 : memref<1x128x128xf32, #tpu.memory_space<hbm>> -> memref<128x128xf32, #tpu.memory_space<hbm>>
      %dma_wait3A_111 = arith.constant 0 : i32
      %dma_wait3A_112 = tpu.memref_slice %arg18[%add3A_104, %dma_wait3A_111] : memref<10240x128xf32, #tpu.memory_space<vmem_shared>> -> memref<128x128xf32, #tpu.memory_space<vmem_shared>>
      tpu.wait_dma2 semaphore(%run_scoped3A : memref<!tpu.dma_semaphore, #tpu.memory_space<semaphore_mem>>) src(%dma_wait3A_112 : memref<128x128xf32, #tpu.memory_space<vmem_shared>>) dst(%dma_wait3A_110 : memref<128x128xf32, #tpu.memory_space<hbm>>)
      tpu.yield
    }) : () -> ()
    return
  }
}

#map = affine_map<(d0, d1) -> (0, 0)>
#map1 = affine_map<(d0, d1) -> (0)>
#map2 = affine_map<(d0, d1) -> (0, 0, 0)>
module attributes {stable_mosaic.version = 14 : i64} {
  func.func @sc_layer(%arg0: i32, %arg1: i32, %arg2: memref<10240x128xf32, #tpu.memory_space<hbm>>, %arg3: memref<1x10240xf32, #tpu.memory_space<hbm>>, %arg4: memref<1x10240xf32, #tpu.memory_space<hbm>>, %arg5: memref<1x16xf32, #tpu.memory_space<hbm>>, %arg6: memref<320000xi32, #tpu.memory_space<hbm>>, %arg7: memref<320000xi32, #tpu.memory_space<hbm>>, %arg8: memref<2x10240x128xf32, #tpu.memory_space<hbm>>, %arg9: memref<10240xf32, #tpu.memory_space<vmem>>, %arg10: memref<10240xf32, #tpu.memory_space<vmem>>, %arg11: memref<10240xf32, #tpu.memory_space<vmem>>, %arg12: memref<128xi32, #tpu.memory_space<vmem>>, %arg13: memref<128xi32, #tpu.memory_space<vmem>>, %arg14: memref<128xi32, #tpu.memory_space<vmem>>, %arg15: memref<128xf32, #tpu.memory_space<vmem>>, %arg16: memref<128x128xf32, #tpu.memory_space<vmem>>, %arg17: memref<16xf32, #tpu.memory_space<vmem>>, %arg18: memref<10240x128xf32, #tpu.memory_space<vmem_shared>>, %arg19: memref<10240xf32, #tpu.memory_space<vmem_shared>>, %arg20: memref<!tpu.dma_semaphore, #tpu.memory_space<semaphore_mem>>) attributes {dimension_semantics = [#tpu.dimension_semantics<core_parallel>, #tpu.dimension_semantics<subcore_parallel>], iteration_bounds = array<i64: 2, 16>, scalar_prefetch = 0 : i64, scratch_operands = 12 : i64, tpu.core_type = #tpu.core_type<sc_vector_subcore>, window_params = [{transform_indices = #map}, {transform_indices = #map}, {transform_indices = #map}, {transform_indices = #map}, {transform_indices = #map1}, {transform_indices = #map1}, {transform_indices = #map2}]} {
    %run_scoped3A = arith.constant 0 : i32
    "tpu.region"() ({
      %run_scoped3A_140 = tpu.sem_alloc : memref<!tpu.dma_semaphore, #tpu.memory_space<semaphore_mem>>
      %dma_start3A = arith.constant 0 : i32
      %dma_start3A_141 = tpu.memref_slice %arg3[%run_scoped3A, %dma_start3A] : memref<1x10240xf32, #tpu.memory_space<hbm>> -> memref<1x10240xf32, #tpu.memory_space<hbm>>
      %dma_start3A_142 = tpu.memref_squeeze %dma_start3A_141 : memref<1x10240xf32, #tpu.memory_space<hbm>> -> memref<10240xf32, #tpu.memory_space<hbm>>
      %dma_start3A_143 = arith.constant 0 : i32
      %dma_start3A_144 = tpu.memref_slice %arg3[%run_scoped3A, %dma_start3A_143] : memref<1x10240xf32, #tpu.memory_space<hbm>> -> memref<1x10240xf32, #tpu.memory_space<hbm>>
      %dma_start3A_145 = tpu.memref_squeeze %dma_start3A_144 : memref<1x10240xf32, #tpu.memory_space<hbm>> -> memref<10240xf32, #tpu.memory_space<hbm>>
      tpu.enqueue_dma source(%dma_start3A_145 : memref<10240xf32, #tpu.memory_space<hbm>>) target(%arg9 : memref<10240xf32, #tpu.memory_space<vmem>>) target_semaphore(%run_scoped3A_140 : memref<!tpu.dma_semaphore, #tpu.memory_space<semaphore_mem>>)
      %dma_wait3A = arith.constant 0 : i32
      %dma_wait3A_146 = tpu.memref_slice %arg3[%run_scoped3A, %dma_wait3A] : memref<1x10240xf32, #tpu.memory_space<hbm>> -> memref<1x10240xf32, #tpu.memory_space<hbm>>
      %dma_wait3A_147 = tpu.memref_squeeze %dma_wait3A_146 : memref<1x10240xf32, #tpu.memory_space<hbm>> -> memref<10240xf32, #tpu.memory_space<hbm>>
      %dma_wait3A_148 = arith.constant 0 : i32
      %dma_wait3A_149 = tpu.memref_slice %arg3[%run_scoped3A, %dma_wait3A_148] : memref<1x10240xf32, #tpu.memory_space<hbm>> -> memref<1x10240xf32, #tpu.memory_space<hbm>>
      %dma_wait3A_150 = tpu.memref_squeeze %dma_wait3A_149 : memref<1x10240xf32, #tpu.memory_space<hbm>> -> memref<10240xf32, #tpu.memory_space<hbm>>
      tpu.wait_dma2 semaphore(%run_scoped3A_140 : memref<!tpu.dma_semaphore, #tpu.memory_space<semaphore_mem>>) src(%dma_wait3A_150 : memref<10240xf32, #tpu.memory_space<hbm>>) dst(%arg9 : memref<10240xf32, #tpu.memory_space<vmem>>)
      tpu.yield
    }) : () -> ()
    %run_scoped3A_0 = arith.constant 0 : i32
    "tpu.region"() ({
      %run_scoped3A_140 = tpu.sem_alloc : memref<!tpu.dma_semaphore, #tpu.memory_space<semaphore_mem>>
      %dma_start3A = arith.constant 0 : i32
      %dma_start3A_141 = tpu.memref_slice %arg4[%run_scoped3A_0, %dma_start3A] : memref<1x10240xf32, #tpu.memory_space<hbm>> -> memref<1x10240xf32, #tpu.memory_space<hbm>>
      %dma_start3A_142 = tpu.memref_squeeze %dma_start3A_141 : memref<1x10240xf32, #tpu.memory_space<hbm>> -> memref<10240xf32, #tpu.memory_space<hbm>>
      %dma_start3A_143 = arith.constant 0 : i32
      %dma_start3A_144 = tpu.memref_slice %arg4[%run_scoped3A_0, %dma_start3A_143] : memref<1x10240xf32, #tpu.memory_space<hbm>> -> memref<1x10240xf32, #tpu.memory_space<hbm>>
      %dma_start3A_145 = tpu.memref_squeeze %dma_start3A_144 : memref<1x10240xf32, #tpu.memory_space<hbm>> -> memref<10240xf32, #tpu.memory_space<hbm>>
      tpu.enqueue_dma source(%dma_start3A_145 : memref<10240xf32, #tpu.memory_space<hbm>>) target(%arg10 : memref<10240xf32, #tpu.memory_space<vmem>>) target_semaphore(%run_scoped3A_140 : memref<!tpu.dma_semaphore, #tpu.memory_space<semaphore_mem>>)
      %dma_wait3A = arith.constant 0 : i32
      %dma_wait3A_146 = tpu.memref_slice %arg4[%run_scoped3A_0, %dma_wait3A] : memref<1x10240xf32, #tpu.memory_space<hbm>> -> memref<1x10240xf32, #tpu.memory_space<hbm>>
      %dma_wait3A_147 = tpu.memref_squeeze %dma_wait3A_146 : memref<1x10240xf32, #tpu.memory_space<hbm>> -> memref<10240xf32, #tpu.memory_space<hbm>>
      %dma_wait3A_148 = arith.constant 0 : i32
      %dma_wait3A_149 = tpu.memref_slice %arg4[%run_scoped3A_0, %dma_wait3A_148] : memref<1x10240xf32, #tpu.memory_space<hbm>> -> memref<1x10240xf32, #tpu.memory_space<hbm>>
      %dma_wait3A_150 = tpu.memref_squeeze %dma_wait3A_149 : memref<1x10240xf32, #tpu.memory_space<hbm>> -> memref<10240xf32, #tpu.memory_space<hbm>>
      tpu.wait_dma2 semaphore(%run_scoped3A_140 : memref<!tpu.dma_semaphore, #tpu.memory_space<semaphore_mem>>) src(%dma_wait3A_150 : memref<10240xf32, #tpu.memory_space<hbm>>) dst(%arg10 : memref<10240xf32, #tpu.memory_space<vmem>>)
      tpu.yield
    }) : () -> ()
    %run_scoped3A_1 = arith.constant 0 : i32
    "tpu.region"() ({
      %run_scoped3A_140 = tpu.sem_alloc : memref<!tpu.dma_semaphore, #tpu.memory_space<semaphore_mem>>
      %dma_start3A = arith.constant 0 : i32
      %dma_start3A_141 = tpu.memref_slice %arg5[%run_scoped3A_1, %dma_start3A] : memref<1x16xf32, #tpu.memory_space<hbm>> -> memref<1x16xf32, #tpu.memory_space<hbm>>
      %dma_start3A_142 = tpu.memref_squeeze %dma_start3A_141 : memref<1x16xf32, #tpu.memory_space<hbm>> -> memref<16xf32, #tpu.memory_space<hbm>>
      %dma_start3A_143 = arith.constant 0 : i32
      %dma_start3A_144 = tpu.memref_slice %arg5[%run_scoped3A_1, %dma_start3A_143] : memref<1x16xf32, #tpu.memory_space<hbm>> -> memref<1x16xf32, #tpu.memory_space<hbm>>
      %dma_start3A_145 = tpu.memref_squeeze %dma_start3A_144 : memref<1x16xf32, #tpu.memory_space<hbm>> -> memref<16xf32, #tpu.memory_space<hbm>>
      tpu.enqueue_dma source(%dma_start3A_145 : memref<16xf32, #tpu.memory_space<hbm>>) target(%arg17 : memref<16xf32, #tpu.memory_space<vmem>>) target_semaphore(%run_scoped3A_140 : memref<!tpu.dma_semaphore, #tpu.memory_space<semaphore_mem>>)
      %dma_wait3A = arith.constant 0 : i32
      %dma_wait3A_146 = tpu.memref_slice %arg5[%run_scoped3A_1, %dma_wait3A] : memref<1x16xf32, #tpu.memory_space<hbm>> -> memref<1x16xf32, #tpu.memory_space<hbm>>
      %dma_wait3A_147 = tpu.memref_squeeze %dma_wait3A_146 : memref<1x16xf32, #tpu.memory_space<hbm>> -> memref<16xf32, #tpu.memory_space<hbm>>
      %dma_wait3A_148 = arith.constant 0 : i32
      %dma_wait3A_149 = tpu.memref_slice %arg5[%run_scoped3A_1, %dma_wait3A_148] : memref<1x16xf32, #tpu.memory_space<hbm>> -> memref<1x16xf32, #tpu.memory_space<hbm>>
      %dma_wait3A_150 = tpu.memref_squeeze %dma_wait3A_149 : memref<1x16xf32, #tpu.memory_space<hbm>> -> memref<16xf32, #tpu.memory_space<hbm>>
      tpu.wait_dma2 semaphore(%run_scoped3A_140 : memref<!tpu.dma_semaphore, #tpu.memory_space<semaphore_mem>>) src(%dma_wait3A_150 : memref<16xf32, #tpu.memory_space<hbm>>) dst(%arg17 : memref<16xf32, #tpu.memory_space<vmem>>)
      tpu.yield
    }) : () -> ()
    %get3A = arith.constant 0 : index
    %get3A_2 = tpu.vector_load %arg17[%get3A] {strides = array<i32>} : memref<16xf32, #tpu.memory_space<vmem>>, vector<16xf32>,
    %broadcast_in_dim3A = arith.constant 0.000000e+00 : f32
    %broadcast_in_dim3A_3 = vector.broadcast %broadcast_in_dim3A : f32 to vector<16xf32>
    %scan3A = arith.constant 0 : i32
    %scan3A_4 = arith.constant 0 : i32
    %scan3A_5 = arith.constant 128 : i32
    %scan3A_6 = arith.addi %scan3A_4, %scan3A_5 : i32
    %scan3A_7 = arith.constant 1 : i32
    scf.for %scan3A_140 = %scan3A_4 to %scan3A_6 step %scan3A_7  : i32 {
      %swap3A_141 = arith.index_cast %scan3A_140 : i32 to index
      %swap3A_142 = arith.constant 0 : index
      %swap3A_143 = tpu.vector_load %arg16[%swap3A_141, %swap3A_142] {strides = array<i32>} : memref<128x128xf32, #tpu.memory_space<vmem>>, vector<16xf32>,
      tpu.vector_store %arg16[%swap3A_141, %swap3A_142], %broadcast_in_dim3A_3 {strides = array<i32>} : memref<128x128xf32, #tpu.memory_space<vmem>>, vector<16xf32>,
      %swap3A_144 = arith.index_cast %scan3A_140 : i32 to index
      %swap3A_145 = arith.constant 16 : index
      %swap3A_146 = tpu.vector_load %arg16[%swap3A_144, %swap3A_145] {strides = array<i32>} : memref<128x128xf32, #tpu.memory_space<vmem>>, vector<16xf32>,
      tpu.vector_store %arg16[%swap3A_144, %swap3A_145], %broadcast_in_dim3A_3 {strides = array<i32>} : memref<128x128xf32, #tpu.memory_space<vmem>>, vector<16xf32>,
      %swap3A_147 = arith.index_cast %scan3A_140 : i32 to index
      %swap3A_148 = arith.constant 32 : index
      %swap3A_149 = tpu.vector_load %arg16[%swap3A_147, %swap3A_148] {strides = array<i32>} : memref<128x128xf32, #tpu.memory_space<vmem>>, vector<16xf32>,
      tpu.vector_store %arg16[%swap3A_147, %swap3A_148], %broadcast_in_dim3A_3 {strides = array<i32>} : memref<128x128xf32, #tpu.memory_space<vmem>>, vector<16xf32>,
      %swap3A_150 = arith.index_cast %scan3A_140 : i32 to index
      %swap3A_151 = arith.constant 48 : index
      %swap3A_152 = tpu.vector_load %arg16[%swap3A_150, %swap3A_151] {strides = array<i32>} : memref<128x128xf32, #tpu.memory_space<vmem>>, vector<16xf32>,
      tpu.vector_store %arg16[%swap3A_150, %swap3A_151], %broadcast_in_dim3A_3 {strides = array<i32>} : memref<128x128xf32, #tpu.memory_space<vmem>>, vector<16xf32>,
      %swap3A_153 = arith.index_cast %scan3A_140 : i32 to index
      %swap3A_154 = arith.constant 64 : index
      %swap3A_155 = tpu.vector_load %arg16[%swap3A_153, %swap3A_154] {strides = array<i32>} : memref<128x128xf32, #tpu.memory_space<vmem>>, vector<16xf32>,
      tpu.vector_store %arg16[%swap3A_153, %swap3A_154], %broadcast_in_dim3A_3 {strides = array<i32>} : memref<128x128xf32, #tpu.memory_space<vmem>>, vector<16xf32>,
      %swap3A_156 = arith.index_cast %scan3A_140 : i32 to index
      %swap3A_157 = arith.constant 80 : index
      %swap3A_158 = tpu.vector_load %arg16[%swap3A_156, %swap3A_157] {strides = array<i32>} : memref<128x128xf32, #tpu.memory_space<vmem>>, vector<16xf32>,
      tpu.vector_store %arg16[%swap3A_156, %swap3A_157], %broadcast_in_dim3A_3 {strides = array<i32>} : memref<128x128xf32, #tpu.memory_space<vmem>>, vector<16xf32>,
      %swap3A_159 = arith.index_cast %scan3A_140 : i32 to index
      %swap3A_160 = arith.constant 96 : index
      %swap3A_161 = tpu.vector_load %arg16[%swap3A_159, %swap3A_160] {strides = array<i32>} : memref<128x128xf32, #tpu.memory_space<vmem>>, vector<16xf32>,
      tpu.vector_store %arg16[%swap3A_159, %swap3A_160], %broadcast_in_dim3A_3 {strides = array<i32>} : memref<128x128xf32, #tpu.memory_space<vmem>>, vector<16xf32>,
      %swap3A_162 = arith.index_cast %scan3A_140 : i32 to index
      %swap3A_163 = arith.constant 112 : index
      %swap3A_164 = tpu.vector_load %arg16[%swap3A_162, %swap3A_163] {strides = array<i32>} : memref<128x128xf32, #tpu.memory_space<vmem>>, vector<16xf32>,
      tpu.vector_store %arg16[%swap3A_162, %swap3A_163], %broadcast_in_dim3A_3 {strides = array<i32>} : memref<128x128xf32, #tpu.memory_space<vmem>>, vector<16xf32>,
    }
    %scan3A_8 = arith.constant 128 : i32
    %swap3A = arith.constant 0 : index
    %swap3A_9 = tpu.vector_load %arg15[%swap3A] {strides = array<i32>} : memref<128xf32, #tpu.memory_space<vmem>>, vector<16xf32>,
    tpu.vector_store %arg15[%swap3A], %broadcast_in_dim3A_3 {strides = array<i32>} : memref<128xf32, #tpu.memory_space<vmem>>, vector<16xf32>,
    %swap3A_10 = arith.constant 16 : index
    %swap3A_11 = tpu.vector_load %arg15[%swap3A_10] {strides = array<i32>} : memref<128xf32, #tpu.memory_space<vmem>>, vector<16xf32>,
    tpu.vector_store %arg15[%swap3A_10], %broadcast_in_dim3A_3 {strides = array<i32>} : memref<128xf32, #tpu.memory_space<vmem>>, vector<16xf32>,
    %swap3A_12 = arith.constant 32 : index
    %swap3A_13 = tpu.vector_load %arg15[%swap3A_12] {strides = array<i32>} : memref<128xf32, #tpu.memory_space<vmem>>, vector<16xf32>,
    tpu.vector_store %arg15[%swap3A_12], %broadcast_in_dim3A_3 {strides = array<i32>} : memref<128xf32, #tpu.memory_space<vmem>>, vector<16xf32>,
    %swap3A_14 = arith.constant 48 : index
    %swap3A_15 = tpu.vector_load %arg15[%swap3A_14] {strides = array<i32>} : memref<128xf32, #tpu.memory_space<vmem>>, vector<16xf32>,
    tpu.vector_store %arg15[%swap3A_14], %broadcast_in_dim3A_3 {strides = array<i32>} : memref<128xf32, #tpu.memory_space<vmem>>, vector<16xf32>,
    %swap3A_16 = arith.constant 64 : index
    %swap3A_17 = tpu.vector_load %arg15[%swap3A_16] {strides = array<i32>} : memref<128xf32, #tpu.memory_space<vmem>>, vector<16xf32>,
    tpu.vector_store %arg15[%swap3A_16], %broadcast_in_dim3A_3 {strides = array<i32>} : memref<128xf32, #tpu.memory_space<vmem>>, vector<16xf32>,
    %swap3A_18 = arith.constant 80 : index
    %swap3A_19 = tpu.vector_load %arg15[%swap3A_18] {strides = array<i32>} : memref<128xf32, #tpu.memory_space<vmem>>, vector<16xf32>,
    tpu.vector_store %arg15[%swap3A_18], %broadcast_in_dim3A_3 {strides = array<i32>} : memref<128xf32, #tpu.memory_space<vmem>>, vector<16xf32>,
    %swap3A_20 = arith.constant 96 : index
    %swap3A_21 = tpu.vector_load %arg15[%swap3A_20] {strides = array<i32>} : memref<128xf32, #tpu.memory_space<vmem>>, vector<16xf32>,
    tpu.vector_store %arg15[%swap3A_20], %broadcast_in_dim3A_3 {strides = array<i32>} : memref<128xf32, #tpu.memory_space<vmem>>, vector<16xf32>,
    %swap3A_22 = arith.constant 112 : index
    %swap3A_23 = tpu.vector_load %arg15[%swap3A_22] {strides = array<i32>} : memref<128xf32, #tpu.memory_space<vmem>>, vector<16xf32>,
    tpu.vector_store %arg15[%swap3A_22], %broadcast_in_dim3A_3 {strides = array<i32>} : memref<128xf32, #tpu.memory_space<vmem>>, vector<16xf32>,
    %mul3A = arith.constant 640 : i32
    %mul3A_24 = arith.muli %arg1, %mul3A : i32
    %add3A = arith.constant 0 : i32
    %add3A_25 = arith.addi %mul3A_24, %add3A : i32
    "tpu.region"() ({
      %run_scoped3A_140 = tpu.sem_alloc : memref<!tpu.dma_semaphore, #tpu.memory_space<semaphore_mem>>
      %dma_start3A = arith.constant 0 : i32
      %dma_start3A_141 = tpu.memref_slice %arg18[%add3A_25, %dma_start3A] : memref<10240x128xf32, #tpu.memory_space<vmem_shared>> -> memref<128x128xf32, #tpu.memory_space<vmem_shared>>
      %dma_start3A_142 = arith.constant 0 : i32
      %dma_start3A_143 = tpu.memref_slice %arg18[%add3A_25, %dma_start3A_142] : memref<10240x128xf32, #tpu.memory_space<vmem_shared>> -> memref<128x128xf32, #tpu.memory_space<vmem_shared>>
      tpu.enqueue_dma source(%arg16 : memref<128x128xf32, #tpu.memory_space<vmem>>) target(%dma_start3A_143 : memref<128x128xf32, #tpu.memory_space<vmem_shared>>) target_semaphore(%run_scoped3A_140 : memref<!tpu.dma_semaphore, #tpu.memory_space<semaphore_mem>>)
      %dma_wait3A = arith.constant 0 : i32
      %dma_wait3A_144 = tpu.memref_slice %arg18[%add3A_25, %dma_wait3A] : memref<10240x128xf32, #tpu.memory_space<vmem_shared>> -> memref<128x128xf32, #tpu.memory_space<vmem_shared>>
      %dma_wait3A_145 = arith.constant 0 : i32
      %dma_wait3A_146 = tpu.memref_slice %arg18[%add3A_25, %dma_wait3A_145] : memref<10240x128xf32, #tpu.memory_space<vmem_shared>> -> memref<128x128xf32, #tpu.memory_space<vmem_shared>>
      tpu.wait_dma2 semaphore(%run_scoped3A_140 : memref<!tpu.dma_semaphore, #tpu.memory_space<semaphore_mem>>) src(%arg16 : memref<128x128xf32, #tpu.memory_space<vmem>>) dst(%dma_wait3A_146 : memref<128x128xf32, #tpu.memory_space<vmem_shared>>)
      tpu.yield
    }) : () -> ()
    "tpu.region"() ({
      %run_scoped3A_140 = tpu.sem_alloc : memref<!tpu.dma_semaphore, #tpu.memory_space<semaphore_mem>>
      %dma_start3A = tpu.memref_slice %arg19[%add3A_25] : memref<10240xf32, #tpu.memory_space<vmem_shared>> -> memref<128xf32, #tpu.memory_space<vmem_shared>>
      %dma_start3A_141 = tpu.memref_slice %arg19[%add3A_25] : memref<10240xf32, #tpu.memory_space<vmem_shared>> -> memref<128xf32, #tpu.memory_space<vmem_shared>>
      tpu.enqueue_dma source(%arg15 : memref<128xf32, #tpu.memory_space<vmem>>) target(%dma_start3A_141 : memref<128xf32, #tpu.memory_space<vmem_shared>>) target_semaphore(%run_scoped3A_140 : memref<!tpu.dma_semaphore, #tpu.memory_space<semaphore_mem>>)
      %dma_wait3A = tpu.memref_slice %arg19[%add3A_25] : memref<10240xf32, #tpu.memory_space<vmem_shared>> -> memref<128xf32, #tpu.memory_space<vmem_shared>>
      %dma_wait3A_142 = tpu.memref_slice %arg19[%add3A_25] : memref<10240xf32, #tpu.memory_space<vmem_shared>> -> memref<128xf32, #tpu.memory_space<vmem_shared>>
      tpu.wait_dma2 semaphore(%run_scoped3A_140 : memref<!tpu.dma_semaphore, #tpu.memory_space<semaphore_mem>>) src(%arg15 : memref<128xf32, #tpu.memory_space<vmem>>) dst(%dma_wait3A_142 : memref<128xf32, #tpu.memory_space<vmem_shared>>)
      tpu.yield
    }) : () -> ()
    %mul3A_26 = arith.constant 640 : i32
    %mul3A_27 = arith.muli %arg1, %mul3A_26 : i32
    %add3A_28 = arith.constant 128 : i32
    %add3A_29 = arith.addi %mul3A_27, %add3A_28 : i32
    "tpu.region"() ({
      %run_scoped3A_140 = tpu.sem_alloc : memref<!tpu.dma_semaphore, #tpu.memory_space<semaphore_mem>>
      %dma_start3A = arith.constant 0 : i32
      %dma_start3A_141 = tpu.memref_slice %arg18[%add3A_29, %dma_start3A] : memref<10240x128xf32, #tpu.memory_space<vmem_shared>> -> memref<128x128xf32, #tpu.memory_space<vmem_shared>>
      %dma_start3A_142 = arith.constant 0 : i32
      %dma_start3A_143 = tpu.memref_slice %arg18[%add3A_29, %dma_start3A_142] : memref<10240x128xf32, #tpu.memory_space<vmem_shared>> -> memref<128x128xf32, #tpu.memory_space<vmem_shared>>
      tpu.enqueue_dma source(%arg16 : memref<128x128xf32, #tpu.memory_space<vmem>>) target(%dma_start3A_143 : memref<128x128xf32, #tpu.memory_space<vmem_shared>>) target_semaphore(%run_scoped3A_140 : memref<!tpu.dma_semaphore, #tpu.memory_space<semaphore_mem>>)
      %dma_wait3A = arith.constant 0 : i32
      %dma_wait3A_144 = tpu.memref_slice %arg18[%add3A_29, %dma_wait3A] : memref<10240x128xf32, #tpu.memory_space<vmem_shared>> -> memref<128x128xf32, #tpu.memory_space<vmem_shared>>
      %dma_wait3A_145 = arith.constant 0 : i32
      %dma_wait3A_146 = tpu.memref_slice %arg18[%add3A_29, %dma_wait3A_145] : memref<10240x128xf32, #tpu.memory_space<vmem_shared>> -> memref<128x128xf32, #tpu.memory_space<vmem_shared>>
      tpu.wait_dma2 semaphore(%run_scoped3A_140 : memref<!tpu.dma_semaphore, #tpu.memory_space<semaphore_mem>>) src(%arg16 : memref<128x128xf32, #tpu.memory_space<vmem>>) dst(%dma_wait3A_146 : memref<128x128xf32, #tpu.memory_space<vmem_shared>>)
      tpu.yield
    }) : () -> ()
    "tpu.region"() ({
      %run_scoped3A_140 = tpu.sem_alloc : memref<!tpu.dma_semaphore, #tpu.memory_space<semaphore_mem>>
      %dma_start3A = tpu.memref_slice %arg19[%add3A_29] : memref<10240xf32, #tpu.memory_space<vmem_shared>> -> memref<128xf32, #tpu.memory_space<vmem_shared>>
      %dma_start3A_141 = tpu.memref_slice %arg19[%add3A_29] : memref<10240xf32, #tpu.memory_space<vmem_shared>> -> memref<128xf32, #tpu.memory_space<vmem_shared>>
      tpu.enqueue_dma source(%arg15 : memref<128xf32, #tpu.memory_space<vmem>>) target(%dma_start3A_141 : memref<128xf32, #tpu.memory_space<vmem_shared>>) target_semaphore(%run_scoped3A_140 : memref<!tpu.dma_semaphore, #tpu.memory_space<semaphore_mem>>)
      %dma_wait3A = tpu.memref_slice %arg19[%add3A_29] : memref<10240xf32, #tpu.memory_space<vmem_shared>> -> memref<128xf32, #tpu.memory_space<vmem_shared>>
      %dma_wait3A_142 = tpu.memref_slice %arg19[%add3A_29] : memref<10240xf32, #tpu.memory_space<vmem_shared>> -> memref<128xf32, #tpu.memory_space<vmem_shared>>
      tpu.wait_dma2 semaphore(%run_scoped3A_140 : memref<!tpu.dma_semaphore, #tpu.memory_space<semaphore_mem>>) src(%arg15 : memref<128xf32, #tpu.memory_space<vmem>>) dst(%dma_wait3A_142 : memref<128xf32, #tpu.memory_space<vmem_shared>>)
      tpu.yield
    }) : () -> ()
    %mul3A_30 = arith.constant 640 : i32
    %mul3A_31 = arith.muli %arg1, %mul3A_30 : i32
    %add3A_32 = arith.constant 256 : i32
    %add3A_33 = arith.addi %mul3A_31, %add3A_32 : i32
    "tpu.region"() ({
      %run_scoped3A_140 = tpu.sem_alloc : memref<!tpu.dma_semaphore, #tpu.memory_space<semaphore_mem>>
      %dma_start3A = arith.constant 0 : i32
      %dma_start3A_141 = tpu.memref_slice %arg18[%add3A_33, %dma_start3A] : memref<10240x128xf32, #tpu.memory_space<vmem_shared>> -> memref<128x128xf32, #tpu.memory_space<vmem_shared>>
      %dma_start3A_142 = arith.constant 0 : i32
      %dma_start3A_143 = tpu.memref_slice %arg18[%add3A_33, %dma_start3A_142] : memref<10240x128xf32, #tpu.memory_space<vmem_shared>> -> memref<128x128xf32, #tpu.memory_space<vmem_shared>>
      tpu.enqueue_dma source(%arg16 : memref<128x128xf32, #tpu.memory_space<vmem>>) target(%dma_start3A_143 : memref<128x128xf32, #tpu.memory_space<vmem_shared>>) target_semaphore(%run_scoped3A_140 : memref<!tpu.dma_semaphore, #tpu.memory_space<semaphore_mem>>)
      %dma_wait3A = arith.constant 0 : i32
      %dma_wait3A_144 = tpu.memref_slice %arg18[%add3A_33, %dma_wait3A] : memref<10240x128xf32, #tpu.memory_space<vmem_shared>> -> memref<128x128xf32, #tpu.memory_space<vmem_shared>>
      %dma_wait3A_145 = arith.constant 0 : i32
      %dma_wait3A_146 = tpu.memref_slice %arg18[%add3A_33, %dma_wait3A_145] : memref<10240x128xf32, #tpu.memory_space<vmem_shared>> -> memref<128x128xf32, #tpu.memory_space<vmem_shared>>
      tpu.wait_dma2 semaphore(%run_scoped3A_140 : memref<!tpu.dma_semaphore, #tpu.memory_space<semaphore_mem>>) src(%arg16 : memref<128x128xf32, #tpu.memory_space<vmem>>) dst(%dma_wait3A_146 : memref<128x128xf32, #tpu.memory_space<vmem_shared>>)
      tpu.yield
    }) : () -> ()
    "tpu.region"() ({
      %run_scoped3A_140 = tpu.sem_alloc : memref<!tpu.dma_semaphore, #tpu.memory_space<semaphore_mem>>
      %dma_start3A = tpu.memref_slice %arg19[%add3A_33] : memref<10240xf32, #tpu.memory_space<vmem_shared>> -> memref<128xf32, #tpu.memory_space<vmem_shared>>
      %dma_start3A_141 = tpu.memref_slice %arg19[%add3A_33] : memref<10240xf32, #tpu.memory_space<vmem_shared>> -> memref<128xf32, #tpu.memory_space<vmem_shared>>
      tpu.enqueue_dma source(%arg15 : memref<128xf32, #tpu.memory_space<vmem>>) target(%dma_start3A_141 : memref<128xf32, #tpu.memory_space<vmem_shared>>) target_semaphore(%run_scoped3A_140 : memref<!tpu.dma_semaphore, #tpu.memory_space<semaphore_mem>>)
      %dma_wait3A = tpu.memref_slice %arg19[%add3A_33] : memref<10240xf32, #tpu.memory_space<vmem_shared>> -> memref<128xf32, #tpu.memory_space<vmem_shared>>
      %dma_wait3A_142 = tpu.memref_slice %arg19[%add3A_33] : memref<10240xf32, #tpu.memory_space<vmem_shared>> -> memref<128xf32, #tpu.memory_space<vmem_shared>>
      tpu.wait_dma2 semaphore(%run_scoped3A_140 : memref<!tpu.dma_semaphore, #tpu.memory_space<semaphore_mem>>) src(%arg15 : memref<128xf32, #tpu.memory_space<vmem>>) dst(%dma_wait3A_142 : memref<128xf32, #tpu.memory_space<vmem_shared>>)
      tpu.yield
    }) : () -> ()
    %mul3A_34 = arith.constant 640 : i32
    %mul3A_35 = arith.muli %arg1, %mul3A_34 : i32
    %add3A_36 = arith.constant 384 : i32
    %add3A_37 = arith.addi %mul3A_35, %add3A_36 : i32
    "tpu.region"() ({
      %run_scoped3A_140 = tpu.sem_alloc : memref<!tpu.dma_semaphore, #tpu.memory_space<semaphore_mem>>
      %dma_start3A = arith.constant 0 : i32
      %dma_start3A_141 = tpu.memref_slice %arg18[%add3A_37, %dma_start3A] : memref<10240x128xf32, #tpu.memory_space<vmem_shared>> -> memref<128x128xf32, #tpu.memory_space<vmem_shared>>
      %dma_start3A_142 = arith.constant 0 : i32
      %dma_start3A_143 = tpu.memref_slice %arg18[%add3A_37, %dma_start3A_142] : memref<10240x128xf32, #tpu.memory_space<vmem_shared>> -> memref<128x128xf32, #tpu.memory_space<vmem_shared>>
      tpu.enqueue_dma source(%arg16 : memref<128x128xf32, #tpu.memory_space<vmem>>) target(%dma_start3A_143 : memref<128x128xf32, #tpu.memory_space<vmem_shared>>) target_semaphore(%run_scoped3A_140 : memref<!tpu.dma_semaphore, #tpu.memory_space<semaphore_mem>>)
      %dma_wait3A = arith.constant 0 : i32
      %dma_wait3A_144 = tpu.memref_slice %arg18[%add3A_37, %dma_wait3A] : memref<10240x128xf32, #tpu.memory_space<vmem_shared>> -> memref<128x128xf32, #tpu.memory_space<vmem_shared>>
      %dma_wait3A_145 = arith.constant 0 : i32
      %dma_wait3A_146 = tpu.memref_slice %arg18[%add3A_37, %dma_wait3A_145] : memref<10240x128xf32, #tpu.memory_space<vmem_shared>> -> memref<128x128xf32, #tpu.memory_space<vmem_shared>>
      tpu.wait_dma2 semaphore(%run_scoped3A_140 : memref<!tpu.dma_semaphore, #tpu.memory_space<semaphore_mem>>) src(%arg16 : memref<128x128xf32, #tpu.memory_space<vmem>>) dst(%dma_wait3A_146 : memref<128x128xf32, #tpu.memory_space<vmem_shared>>)
      tpu.yield
    }) : () -> ()
    "tpu.region"() ({
      %run_scoped3A_140 = tpu.sem_alloc : memref<!tpu.dma_semaphore, #tpu.memory_space<semaphore_mem>>
      %dma_start3A = tpu.memref_slice %arg19[%add3A_37] : memref<10240xf32, #tpu.memory_space<vmem_shared>> -> memref<128xf32, #tpu.memory_space<vmem_shared>>
      %dma_start3A_141 = tpu.memref_slice %arg19[%add3A_37] : memref<10240xf32, #tpu.memory_space<vmem_shared>> -> memref<128xf32, #tpu.memory_space<vmem_shared>>
      tpu.enqueue_dma source(%arg15 : memref<128xf32, #tpu.memory_space<vmem>>) target(%dma_start3A_141 : memref<128xf32, #tpu.memory_space<vmem_shared>>) target_semaphore(%run_scoped3A_140 : memref<!tpu.dma_semaphore, #tpu.memory_space<semaphore_mem>>)
      %dma_wait3A = tpu.memref_slice %arg19[%add3A_37] : memref<10240xf32, #tpu.memory_space<vmem_shared>> -> memref<128xf32, #tpu.memory_space<vmem_shared>>
      %dma_wait3A_142 = tpu.memref_slice %arg19[%add3A_37] : memref<10240xf32, #tpu.memory_space<vmem_shared>> -> memref<128xf32, #tpu.memory_space<vmem_shared>>
      tpu.wait_dma2 semaphore(%run_scoped3A_140 : memref<!tpu.dma_semaphore, #tpu.memory_space<semaphore_mem>>) src(%arg15 : memref<128xf32, #tpu.memory_space<vmem>>) dst(%dma_wait3A_142 : memref<128xf32, #tpu.memory_space<vmem_shared>>)
      tpu.yield
    }) : () -> ()
    %mul3A_38 = arith.constant 640 : i32
    %mul3A_39 = arith.muli %arg1, %mul3A_38 : i32
    %add3A_40 = arith.constant 512 : i32
    %add3A_41 = arith.addi %mul3A_39, %add3A_40 : i32
    "tpu.region"() ({
      %run_scoped3A_140 = tpu.sem_alloc : memref<!tpu.dma_semaphore, #tpu.memory_space<semaphore_mem>>
      %dma_start3A = arith.constant 0 : i32
      %dma_start3A_141 = tpu.memref_slice %arg18[%add3A_41, %dma_start3A] : memref<10240x128xf32, #tpu.memory_space<vmem_shared>> -> memref<128x128xf32, #tpu.memory_space<vmem_shared>>
      %dma_start3A_142 = arith.constant 0 : i32
      %dma_start3A_143 = tpu.memref_slice %arg18[%add3A_41, %dma_start3A_142] : memref<10240x128xf32, #tpu.memory_space<vmem_shared>> -> memref<128x128xf32, #tpu.memory_space<vmem_shared>>
      tpu.enqueue_dma source(%arg16 : memref<128x128xf32, #tpu.memory_space<vmem>>) target(%dma_start3A_143 : memref<128x128xf32, #tpu.memory_space<vmem_shared>>) target_semaphore(%run_scoped3A_140 : memref<!tpu.dma_semaphore, #tpu.memory_space<semaphore_mem>>)
      %dma_wait3A = arith.constant 0 : i32
      %dma_wait3A_144 = tpu.memref_slice %arg18[%add3A_41, %dma_wait3A] : memref<10240x128xf32, #tpu.memory_space<vmem_shared>> -> memref<128x128xf32, #tpu.memory_space<vmem_shared>>
      %dma_wait3A_145 = arith.constant 0 : i32
      %dma_wait3A_146 = tpu.memref_slice %arg18[%add3A_41, %dma_wait3A_145] : memref<10240x128xf32, #tpu.memory_space<vmem_shared>> -> memref<128x128xf32, #tpu.memory_space<vmem_shared>>
      tpu.wait_dma2 semaphore(%run_scoped3A_140 : memref<!tpu.dma_semaphore, #tpu.memory_space<semaphore_mem>>) src(%arg16 : memref<128x128xf32, #tpu.memory_space<vmem>>) dst(%dma_wait3A_146 : memref<128x128xf32, #tpu.memory_space<vmem_shared>>)
      tpu.yield
    }) : () -> ()
    "tpu.region"() ({
      %run_scoped3A_140 = tpu.sem_alloc : memref<!tpu.dma_semaphore, #tpu.memory_space<semaphore_mem>>
      %dma_start3A = tpu.memref_slice %arg19[%add3A_41] : memref<10240xf32, #tpu.memory_space<vmem_shared>> -> memref<128xf32, #tpu.memory_space<vmem_shared>>
      %dma_start3A_141 = tpu.memref_slice %arg19[%add3A_41] : memref<10240xf32, #tpu.memory_space<vmem_shared>> -> memref<128xf32, #tpu.memory_space<vmem_shared>>
      tpu.enqueue_dma source(%arg15 : memref<128xf32, #tpu.memory_space<vmem>>) target(%dma_start3A_141 : memref<128xf32, #tpu.memory_space<vmem_shared>>) target_semaphore(%run_scoped3A_140 : memref<!tpu.dma_semaphore, #tpu.memory_space<semaphore_mem>>)
      %dma_wait3A = tpu.memref_slice %arg19[%add3A_41] : memref<10240xf32, #tpu.memory_space<vmem_shared>> -> memref<128xf32, #tpu.memory_space<vmem_shared>>
      %dma_wait3A_142 = tpu.memref_slice %arg19[%add3A_41] : memref<10240xf32, #tpu.memory_space<vmem_shared>> -> memref<128xf32, #tpu.memory_space<vmem_shared>>
      tpu.wait_dma2 semaphore(%run_scoped3A_140 : memref<!tpu.dma_semaphore, #tpu.memory_space<semaphore_mem>>) src(%arg15 : memref<128xf32, #tpu.memory_space<vmem>>) dst(%dma_wait3A_142 : memref<128xf32, #tpu.memory_space<vmem_shared>>)
      tpu.yield
    }) : () -> ()
    %barrier3A = arith.constant 0 : index
    tpu.barrier barrier_id(%barrier3A)
    %sub3A = arith.constant 2500 : i32
    %sub3A_42 = arith.subi %sub3A, %arg1 : i32
    %add3A_43 = arith.constant 16 : i32
    %add3A_44 = arith.addi %sub3A_42, %add3A_43 : i32
    %sub3A_45 = arith.constant 1 : i32
    %sub3A_46 = arith.subi %add3A_44, %sub3A_45 : i32
    %jit3A = arith.constant 16 : i32
    %div3A = arith.divsi %sub3A_46, %jit3A : i32
    %sign3A = arith.constant 0 : i32
    %sign3A_47 = arith.cmpi sgt, %sub3A_46, %sign3A : i32
    %sign3A_48 = arith.extui %sign3A_47 : i1 to i32
    %sign3A_49 = arith.constant 0 : i32
    %sign3A_50 = arith.cmpi slt, %sub3A_46, %sign3A_49 : i32
    %sign3A_51 = arith.extui %sign3A_50 : i1 to i32
    %sign3A_52 = arith.subi %sign3A_48, %sign3A_51 : i32
    %sign3A_53 = arith.constant 0 : i32
    %sign3A_54 = arith.cmpi sgt, %jit3A, %sign3A_53 : i32
    %sign3A_55 = arith.extui %sign3A_54 : i1 to i32
    %sign3A_56 = arith.constant 0 : i32
    %sign3A_57 = arith.cmpi slt, %jit3A, %sign3A_56 : i32
    %sign3A_58 = arith.extui %sign3A_57 : i1 to i32
    %sign3A_59 = arith.subi %sign3A_55, %sign3A_58 : i32
    %ne3A = arith.cmpi ne, %sign3A_52, %sign3A_59 : i32
    %rem3A = arith.remsi %sub3A_46, %jit3A : i32
    %ne3A_60 = arith.constant 0 : i32
    %ne3A_61 = arith.cmpi ne, %rem3A, %ne3A_60 : i32
    %and3A = arith.andi %ne3A, %ne3A_61 : i1
    %sub3A_62 = arith.constant 1 : i32
    %sub3A_63 = arith.subi %div3A, %sub3A_62 : i32
    %select_n3A = arith.select %and3A, %sub3A_63, %div3A : i32
    %while3A = arith.constant 0 : i32
    %while3A_64 = arith.constant 0 : i32
    %while3A_65 = arith.subi %select_n3A, %while3A_64 : i32
    %while3A_66 = arith.addi %while3A_64, %while3A_65 : i32
    %while3A_67 = arith.constant 1 : i32
    %while3A_68 = arith.divsi %while3A_65, %while3A_67 : i32
    %while3A_69 = arith.muli %while3A_68, %while3A_67 : i32
    %while3A_70 = arith.addi %while3A_64, %while3A_69 : i32
    %while3A_71 = arith.constant 1 : i32
    scf.for %while3A_140 = %while3A_64 to %while3A_70 step %while3A_71  : i32 {
      %mul3A_141 = arith.constant 16 : i32
      %mul3A_142 = arith.muli %while3A_140, %mul3A_141 : i32
      %add3A_143 = arith.addi %arg1, %mul3A_142 : i32
      %mul3A_144 = arith.constant 128 : i32
      %mul3A_145 = arith.muli %add3A_143, %mul3A_144 : i32
      "tpu.region"() ({
        %run_scoped3A_287 = tpu.sem_alloc : memref<!tpu.dma_semaphore, #tpu.memory_space<semaphore_mem>>
        %dma_start3A = tpu.memref_slice %arg6[%mul3A_145] : memref<320000xi32, #tpu.memory_space<hbm>> -> memref<128xi32, #tpu.memory_space<hbm>>
        %dma_start3A_288 = tpu.memref_slice %arg6[%mul3A_145] : memref<320000xi32, #tpu.memory_space<hbm>> -> memref<128xi32, #tpu.memory_space<hbm>>
        tpu.enqueue_dma source(%dma_start3A_288 : memref<128xi32, #tpu.memory_space<hbm>>) target(%arg12 : memref<128xi32, #tpu.memory_space<vmem>>) target_semaphore(%run_scoped3A_287 : memref<!tpu.dma_semaphore, #tpu.memory_space<semaphore_mem>>)
        %dma_wait3A = tpu.memref_slice %arg6[%mul3A_145] : memref<320000xi32, #tpu.memory_space<hbm>> -> memref<128xi32, #tpu.memory_space<hbm>>
        %dma_wait3A_289 = tpu.memref_slice %arg6[%mul3A_145] : memref<320000xi32, #tpu.memory_space<hbm>> -> memref<128xi32, #tpu.memory_space<hbm>>
        tpu.wait_dma2 semaphore(%run_scoped3A_287 : memref<!tpu.dma_semaphore, #tpu.memory_space<semaphore_mem>>) src(%dma_wait3A_289 : memref<128xi32, #tpu.memory_space<hbm>>) dst(%arg12 : memref<128xi32, #tpu.memory_space<vmem>>)
        tpu.yield
      }) : () -> ()
      "tpu.region"() ({
        %run_scoped3A_287 = tpu.sem_alloc : memref<!tpu.dma_semaphore, #tpu.memory_space<semaphore_mem>>
        %dma_start3A = tpu.memref_slice %arg7[%mul3A_145] : memref<320000xi32, #tpu.memory_space<hbm>> -> memref<128xi32, #tpu.memory_space<hbm>>
        %dma_start3A_288 = tpu.memref_slice %arg7[%mul3A_145] : memref<320000xi32, #tpu.memory_space<hbm>> -> memref<128xi32, #tpu.memory_space<hbm>>
        tpu.enqueue_dma source(%dma_start3A_288 : memref<128xi32, #tpu.memory_space<hbm>>) target(%arg13 : memref<128xi32, #tpu.memory_space<vmem>>) target_semaphore(%run_scoped3A_287 : memref<!tpu.dma_semaphore, #tpu.memory_space<semaphore_mem>>)
        %dma_wait3A = tpu.memref_slice %arg7[%mul3A_145] : memref<320000xi32, #tpu.memory_space<hbm>> -> memref<128xi32, #tpu.memory_space<hbm>>
        %dma_wait3A_289 = tpu.memref_slice %arg7[%mul3A_145] : memref<320000xi32, #tpu.memory_space<hbm>> -> memref<128xi32, #tpu.memory_space<hbm>>
        tpu.wait_dma2 semaphore(%run_scoped3A_287 : memref<!tpu.dma_semaphore, #tpu.memory_space<semaphore_mem>>) src(%dma_wait3A_289 : memref<128xi32, #tpu.memory_space<hbm>>) dst(%arg13 : memref<128xi32, #tpu.memory_space<vmem>>)
        tpu.yield
      }) : () -> ()
      %get3A_146 = arith.constant 0 : index
      %get3A_147 = tpu.vector_load %arg12[%get3A_146] {strides = array<i32>} : memref<128xi32, #tpu.memory_space<vmem>>, vector<16xi32>,
      %get3A_148 = arith.constant 0 : index
      %get3A_149 = tpu.vector_load %arg13[%get3A_148] {strides = array<i32>} : memref<128xi32, #tpu.memory_space<vmem>>, vector<16xi32>,
      %gather3A = tpu.vector_load_idx %arg9[%get3A_147] : memref<10240xf32, #tpu.memory_space<vmem>>[vector<16xi32>], vector<16xf32>,
      %gather3A_150 = tpu.vector_load_idx %arg10[%get3A_149] : memref<10240xf32, #tpu.memory_space<vmem>>[vector<16xi32>], vector<16xf32>,
      %add3A_151 = arith.addf %gather3A, %gather3A_150 : vector<16xf32>
      %gt3A = arith.constant 0.000000e+00 : f32
      %gt3A_152 = vector.broadcast %gt3A : f32 to vector<16xf32>
      %gt3A_153 = arith.cmpf ogt, %add3A_151, %gt3A_152 : vector<16xf32>
      %mul3A_154 = arith.constant 2.000000e-01 : f32
      %mul3A_155 = vector.broadcast %mul3A_154 : f32 to vector<16xf32>
      %mul3A_156 = arith.mulf %mul3A_155, %add3A_151 : vector<16xf32>
      %select_n3A_157 = arith.select %gt3A_153, %add3A_151, %mul3A_156 : vector<16xi1>, vector<16xf32>
      %sub3A_158 = arith.subf %select_n3A_157, %get3A_2 : vector<16xf32>
      %exp3A = math.exp %sub3A_158 : vector<16xf32>
      %swap3A_159 = arith.constant 0 : index
      %swap3A_160 = tpu.vector_load %arg15[%swap3A_159] {strides = array<i32>} : memref<128xf32, #tpu.memory_space<vmem>>, vector<16xf32>,
      tpu.vector_store %arg15[%swap3A_159], %exp3A {strides = array<i32>} : memref<128xf32, #tpu.memory_space<vmem>>, vector<16xf32>,
      %get3A_161 = arith.constant 16 : index
      %get3A_162 = tpu.vector_load %arg12[%get3A_161] {strides = array<i32>} : memref<128xi32, #tpu.memory_space<vmem>>, vector<16xi32>,
      %get3A_163 = arith.constant 16 : index
      %get3A_164 = tpu.vector_load %arg13[%get3A_163] {strides = array<i32>} : memref<128xi32, #tpu.memory_space<vmem>>, vector<16xi32>,
      %gather3A_165 = tpu.vector_load_idx %arg9[%get3A_162] : memref<10240xf32, #tpu.memory_space<vmem>>[vector<16xi32>], vector<16xf32>,
      %gather3A_166 = tpu.vector_load_idx %arg10[%get3A_164] : memref<10240xf32, #tpu.memory_space<vmem>>[vector<16xi32>], vector<16xf32>,
      %add3A_167 = arith.addf %gather3A_165, %gather3A_166 : vector<16xf32>
      %gt3A_168 = arith.constant 0.000000e+00 : f32
      %gt3A_169 = vector.broadcast %gt3A_168 : f32 to vector<16xf32>
      %gt3A_170 = arith.cmpf ogt, %add3A_167, %gt3A_169 : vector<16xf32>
      %mul3A_171 = arith.constant 2.000000e-01 : f32
      %mul3A_172 = vector.broadcast %mul3A_171 : f32 to vector<16xf32>
      %mul3A_173 = arith.mulf %mul3A_172, %add3A_167 : vector<16xf32>
      %select_n3A_174 = arith.select %gt3A_170, %add3A_167, %mul3A_173 : vector<16xi1>, vector<16xf32>
      %sub3A_175 = arith.subf %select_n3A_174, %get3A_2 : vector<16xf32>
      %exp3A_176 = math.exp %sub3A_175 : vector<16xf32>
      %swap3A_177 = arith.constant 16 : index
      %swap3A_178 = tpu.vector_load %arg15[%swap3A_177] {strides = array<i32>} : memref<128xf32, #tpu.memory_space<vmem>>, vector<16xf32>,
      tpu.vector_store %arg15[%swap3A_177], %exp3A_176 {strides = array<i32>} : memref<128xf32, #tpu.memory_space<vmem>>, vector<16xf32>,
      %get3A_179 = arith.constant 32 : index
      %get3A_180 = tpu.vector_load %arg12[%get3A_179] {strides = array<i32>} : memref<128xi32, #tpu.memory_space<vmem>>, vector<16xi32>,
      %get3A_181 = arith.constant 32 : index
      %get3A_182 = tpu.vector_load %arg13[%get3A_181] {strides = array<i32>} : memref<128xi32, #tpu.memory_space<vmem>>, vector<16xi32>,
      %gather3A_183 = tpu.vector_load_idx %arg9[%get3A_180] : memref<10240xf32, #tpu.memory_space<vmem>>[vector<16xi32>], vector<16xf32>,
      %gather3A_184 = tpu.vector_load_idx %arg10[%get3A_182] : memref<10240xf32, #tpu.memory_space<vmem>>[vector<16xi32>], vector<16xf32>,
      %add3A_185 = arith.addf %gather3A_183, %gather3A_184 : vector<16xf32>
      %gt3A_186 = arith.constant 0.000000e+00 : f32
      %gt3A_187 = vector.broadcast %gt3A_186 : f32 to vector<16xf32>
      %gt3A_188 = arith.cmpf ogt, %add3A_185, %gt3A_187 : vector<16xf32>
      %mul3A_189 = arith.constant 2.000000e-01 : f32
      %mul3A_190 = vector.broadcast %mul3A_189 : f32 to vector<16xf32>
      %mul3A_191 = arith.mulf %mul3A_190, %add3A_185 : vector<16xf32>
      %select_n3A_192 = arith.select %gt3A_188, %add3A_185, %mul3A_191 : vector<16xi1>, vector<16xf32>
      %sub3A_193 = arith.subf %select_n3A_192, %get3A_2 : vector<16xf32>
      %exp3A_194 = math.exp %sub3A_193 : vector<16xf32>
      %swap3A_195 = arith.constant 32 : index
      %swap3A_196 = tpu.vector_load %arg15[%swap3A_195] {strides = array<i32>} : memref<128xf32, #tpu.memory_space<vmem>>, vector<16xf32>,
      tpu.vector_store %arg15[%swap3A_195], %exp3A_194 {strides = array<i32>} : memref<128xf32, #tpu.memory_space<vmem>>, vector<16xf32>,
      %get3A_197 = arith.constant 48 : index
      %get3A_198 = tpu.vector_load %arg12[%get3A_197] {strides = array<i32>} : memref<128xi32, #tpu.memory_space<vmem>>, vector<16xi32>,
      %get3A_199 = arith.constant 48 : index
      %get3A_200 = tpu.vector_load %arg13[%get3A_199] {strides = array<i32>} : memref<128xi32, #tpu.memory_space<vmem>>, vector<16xi32>,
      %gather3A_201 = tpu.vector_load_idx %arg9[%get3A_198] : memref<10240xf32, #tpu.memory_space<vmem>>[vector<16xi32>], vector<16xf32>,
      %gather3A_202 = tpu.vector_load_idx %arg10[%get3A_200] : memref<10240xf32, #tpu.memory_space<vmem>>[vector<16xi32>], vector<16xf32>,
      %add3A_203 = arith.addf %gather3A_201, %gather3A_202 : vector<16xf32>
      %gt3A_204 = arith.constant 0.000000e+00 : f32
      %gt3A_205 = vector.broadcast %gt3A_204 : f32 to vector<16xf32>
      %gt3A_206 = arith.cmpf ogt, %add3A_203, %gt3A_205 : vector<16xf32>
      %mul3A_207 = arith.constant 2.000000e-01 : f32
      %mul3A_208 = vector.broadcast %mul3A_207 : f32 to vector<16xf32>
      %mul3A_209 = arith.mulf %mul3A_208, %add3A_203 : vector<16xf32>
      %select_n3A_210 = arith.select %gt3A_206, %add3A_203, %mul3A_209 : vector<16xi1>, vector<16xf32>
      %sub3A_211 = arith.subf %select_n3A_210, %get3A_2 : vector<16xf32>
      %exp3A_212 = math.exp %sub3A_211 : vector<16xf32>
      %swap3A_213 = arith.constant 48 : index
      %swap3A_214 = tpu.vector_load %arg15[%swap3A_213] {strides = array<i32>} : memref<128xf32, #tpu.memory_space<vmem>>, vector<16xf32>,
      tpu.vector_store %arg15[%swap3A_213], %exp3A_212 {strides = array<i32>} : memref<128xf32, #tpu.memory_space<vmem>>, vector<16xf32>,
      %get3A_215 = arith.constant 64 : index
      %get3A_216 = tpu.vector_load %arg12[%get3A_215] {strides = array<i32>} : memref<128xi32, #tpu.memory_space<vmem>>, vector<16xi32>,
      %get3A_217 = arith.constant 64 : index
      %get3A_218 = tpu.vector_load %arg13[%get3A_217] {strides = array<i32>} : memref<128xi32, #tpu.memory_space<vmem>>, vector<16xi32>,
      %gather3A_219 = tpu.vector_load_idx %arg9[%get3A_216] : memref<10240xf32, #tpu.memory_space<vmem>>[vector<16xi32>], vector<16xf32>,
      %gather3A_220 = tpu.vector_load_idx %arg10[%get3A_218] : memref<10240xf32, #tpu.memory_space<vmem>>[vector<16xi32>], vector<16xf32>,
      %add3A_221 = arith.addf %gather3A_219, %gather3A_220 : vector<16xf32>
      %gt3A_222 = arith.constant 0.000000e+00 : f32
      %gt3A_223 = vector.broadcast %gt3A_222 : f32 to vector<16xf32>
      %gt3A_224 = arith.cmpf ogt, %add3A_221, %gt3A_223 : vector<16xf32>
      %mul3A_225 = arith.constant 2.000000e-01 : f32
      %mul3A_226 = vector.broadcast %mul3A_225 : f32 to vector<16xf32>
      %mul3A_227 = arith.mulf %mul3A_226, %add3A_221 : vector<16xf32>
      %select_n3A_228 = arith.select %gt3A_224, %add3A_221, %mul3A_227 : vector<16xi1>, vector<16xf32>
      %sub3A_229 = arith.subf %select_n3A_228, %get3A_2 : vector<16xf32>
      %exp3A_230 = math.exp %sub3A_229 : vector<16xf32>
      %swap3A_231 = arith.constant 64 : index
      %swap3A_232 = tpu.vector_load %arg15[%swap3A_231] {strides = array<i32>} : memref<128xf32, #tpu.memory_space<vmem>>, vector<16xf32>,
      tpu.vector_store %arg15[%swap3A_231], %exp3A_230 {strides = array<i32>} : memref<128xf32, #tpu.memory_space<vmem>>, vector<16xf32>,
      %get3A_233 = arith.constant 80 : index
      %get3A_234 = tpu.vector_load %arg12[%get3A_233] {strides = array<i32>} : memref<128xi32, #tpu.memory_space<vmem>>, vector<16xi32>,
      %get3A_235 = arith.constant 80 : index
      %get3A_236 = tpu.vector_load %arg13[%get3A_235] {strides = array<i32>} : memref<128xi32, #tpu.memory_space<vmem>>, vector<16xi32>,
      %gather3A_237 = tpu.vector_load_idx %arg9[%get3A_234] : memref<10240xf32, #tpu.memory_space<vmem>>[vector<16xi32>], vector<16xf32>,
      %gather3A_238 = tpu.vector_load_idx %arg10[%get3A_236] : memref<10240xf32, #tpu.memory_space<vmem>>[vector<16xi32>], vector<16xf32>,
      %add3A_239 = arith.addf %gather3A_237, %gather3A_238 : vector<16xf32>
      %gt3A_240 = arith.constant 0.000000e+00 : f32
      %gt3A_241 = vector.broadcast %gt3A_240 : f32 to vector<16xf32>
      %gt3A_242 = arith.cmpf ogt, %add3A_239, %gt3A_241 : vector<16xf32>
      %mul3A_243 = arith.constant 2.000000e-01 : f32
      %mul3A_244 = vector.broadcast %mul3A_243 : f32 to vector<16xf32>
      %mul3A_245 = arith.mulf %mul3A_244, %add3A_239 : vector<16xf32>
      %select_n3A_246 = arith.select %gt3A_242, %add3A_239, %mul3A_245 : vector<16xi1>, vector<16xf32>
      %sub3A_247 = arith.subf %select_n3A_246, %get3A_2 : vector<16xf32>
      %exp3A_248 = math.exp %sub3A_247 : vector<16xf32>
      %swap3A_249 = arith.constant 80 : index
      %swap3A_250 = tpu.vector_load %arg15[%swap3A_249] {strides = array<i32>} : memref<128xf32, #tpu.memory_space<vmem>>, vector<16xf32>,
      tpu.vector_store %arg15[%swap3A_249], %exp3A_248 {strides = array<i32>} : memref<128xf32, #tpu.memory_space<vmem>>, vector<16xf32>,
      %get3A_251 = arith.constant 96 : index
      %get3A_252 = tpu.vector_load %arg12[%get3A_251] {strides = array<i32>} : memref<128xi32, #tpu.memory_space<vmem>>, vector<16xi32>,
      %get3A_253 = arith.constant 96 : index
      %get3A_254 = tpu.vector_load %arg13[%get3A_253] {strides = array<i32>} : memref<128xi32, #tpu.memory_space<vmem>>, vector<16xi32>,
      %gather3A_255 = tpu.vector_load_idx %arg9[%get3A_252] : memref<10240xf32, #tpu.memory_space<vmem>>[vector<16xi32>], vector<16xf32>,
      %gather3A_256 = tpu.vector_load_idx %arg10[%get3A_254] : memref<10240xf32, #tpu.memory_space<vmem>>[vector<16xi32>], vector<16xf32>,
      %add3A_257 = arith.addf %gather3A_255, %gather3A_256 : vector<16xf32>
      %gt3A_258 = arith.constant 0.000000e+00 : f32
      %gt3A_259 = vector.broadcast %gt3A_258 : f32 to vector<16xf32>
      %gt3A_260 = arith.cmpf ogt, %add3A_257, %gt3A_259 : vector<16xf32>
      %mul3A_261 = arith.constant 2.000000e-01 : f32
      %mul3A_262 = vector.broadcast %mul3A_261 : f32 to vector<16xf32>
      %mul3A_263 = arith.mulf %mul3A_262, %add3A_257 : vector<16xf32>
      %select_n3A_264 = arith.select %gt3A_260, %add3A_257, %mul3A_263 : vector<16xi1>, vector<16xf32>
      %sub3A_265 = arith.subf %select_n3A_264, %get3A_2 : vector<16xf32>
      %exp3A_266 = math.exp %sub3A_265 : vector<16xf32>
      %swap3A_267 = arith.constant 96 : index
      %swap3A_268 = tpu.vector_load %arg15[%swap3A_267] {strides = array<i32>} : memref<128xf32, #tpu.memory_space<vmem>>, vector<16xf32>,
      tpu.vector_store %arg15[%swap3A_267], %exp3A_266 {strides = array<i32>} : memref<128xf32, #tpu.memory_space<vmem>>, vector<16xf32>,
      %get3A_269 = arith.constant 112 : index
      %get3A_270 = tpu.vector_load %arg12[%get3A_269] {strides = array<i32>} : memref<128xi32, #tpu.memory_space<vmem>>, vector<16xi32>,
      %get3A_271 = arith.constant 112 : index
      %get3A_272 = tpu.vector_load %arg13[%get3A_271] {strides = array<i32>} : memref<128xi32, #tpu.memory_space<vmem>>, vector<16xi32>,
      %gather3A_273 = tpu.vector_load_idx %arg9[%get3A_270] : memref<10240xf32, #tpu.memory_space<vmem>>[vector<16xi32>], vector<16xf32>,
      %gather3A_274 = tpu.vector_load_idx %arg10[%get3A_272] : memref<10240xf32, #tpu.memory_space<vmem>>[vector<16xi32>], vector<16xf32>,
      %add3A_275 = arith.addf %gather3A_273, %gather3A_274 : vector<16xf32>
      %gt3A_276 = arith.constant 0.000000e+00 : f32
      %gt3A_277 = vector.broadcast %gt3A_276 : f32 to vector<16xf32>
      %gt3A_278 = arith.cmpf ogt, %add3A_275, %gt3A_277 : vector<16xf32>
      %mul3A_279 = arith.constant 2.000000e-01 : f32
      %mul3A_280 = vector.broadcast %mul3A_279 : f32 to vector<16xf32>
      %mul3A_281 = arith.mulf %mul3A_280, %add3A_275 : vector<16xf32>
      %select_n3A_282 = arith.select %gt3A_278, %add3A_275, %mul3A_281 : vector<16xi1>, vector<16xf32>
      %sub3A_283 = arith.subf %select_n3A_282, %get3A_2 : vector<16xf32>
      %exp3A_284 = math.exp %sub3A_283 : vector<16xf32>
      %swap3A_285 = arith.constant 112 : index
      %swap3A_286 = tpu.vector_load %arg15[%swap3A_285] {strides = array<i32>} : memref<128xf32, #tpu.memory_space<vmem>>, vector<16xf32>,
      tpu.vector_store %arg15[%swap3A_285], %exp3A_284 {strides = array<i32>} : memref<128xf32, #tpu.memory_space<vmem>>, vector<16xf32>,
      "tpu.region"() ({
        %run_scoped3A_287 = tpu.sem_alloc : memref<!tpu.dma_semaphore, #tpu.memory_space<semaphore_mem>>
        %dma_start3A = arith.constant 0 : i32
        %dma_start3A_288 = tpu.memref_slice %arg19[%dma_start3A] : memref<10240xf32, #tpu.memory_space<vmem_shared>> -> memref<10240xf32, #tpu.memory_space<vmem_shared>>
        tpu.enqueue_indirect_dma source(%arg15 : memref<128xf32, #tpu.memory_space<vmem>>) target(%dma_start3A_288 : memref<10240xf32, #tpu.memory_space<vmem_shared>>) offsets(%arg13 : memref<128xi32, #tpu.memory_space<vmem>>) semaphore(%run_scoped3A_287 : memref<!tpu.dma_semaphore, #tpu.memory_space<semaphore_mem>>) {add = true}
        %dma_wait3A = arith.constant 0 : i32
        %dma_wait3A_289 = tpu.memref_slice %arg19[%dma_wait3A] : memref<10240xf32, #tpu.memory_space<vmem_shared>> -> memref<10240xf32, #tpu.memory_space<vmem_shared>>
        tpu.wait_indirect_dma semaphore(%run_scoped3A_287 : memref<!tpu.dma_semaphore, #tpu.memory_space<semaphore_mem>>) src(%arg15 : memref<128xf32, #tpu.memory_space<vmem>>) dst(%dma_wait3A_289 : memref<10240xf32, #tpu.memory_space<vmem_shared>>)
        tpu.yield
      }) : () -> ()
    }
    %while3A_72 = arith.constant 1 : i32
    scf.for %while3A_140 = %while3A_70 to %while3A_66 step %while3A_72  : i32 {
      %mul3A_141 = arith.constant 16 : i32
      %mul3A_142 = arith.muli %while3A_140, %mul3A_141 : i32
      %add3A_143 = arith.addi %arg1, %mul3A_142 : i32
      %mul3A_144 = arith.constant 128 : i32
      %mul3A_145 = arith.muli %add3A_143, %mul3A_144 : i32
      "tpu.region"() ({
        %run_scoped3A_287 = tpu.sem_alloc : memref<!tpu.dma_semaphore, #tpu.memory_space<semaphore_mem>>
        %dma_start3A = tpu.memref_slice %arg6[%mul3A_145] : memref<320000xi32, #tpu.memory_space<hbm>> -> memref<128xi32, #tpu.memory_space<hbm>>
        %dma_start3A_288 = tpu.memref_slice %arg6[%mul3A_145] : memref<320000xi32, #tpu.memory_space<hbm>> -> memref<128xi32, #tpu.memory_space<hbm>>
        tpu.enqueue_dma source(%dma_start3A_288 : memref<128xi32, #tpu.memory_space<hbm>>) target(%arg12 : memref<128xi32, #tpu.memory_space<vmem>>) target_semaphore(%run_scoped3A_287 : memref<!tpu.dma_semaphore, #tpu.memory_space<semaphore_mem>>)
        %dma_wait3A = tpu.memref_slice %arg6[%mul3A_145] : memref<320000xi32, #tpu.memory_space<hbm>> -> memref<128xi32, #tpu.memory_space<hbm>>
        %dma_wait3A_289 = tpu.memref_slice %arg6[%mul3A_145] : memref<320000xi32, #tpu.memory_space<hbm>> -> memref<128xi32, #tpu.memory_space<hbm>>
        tpu.wait_dma2 semaphore(%run_scoped3A_287 : memref<!tpu.dma_semaphore, #tpu.memory_space<semaphore_mem>>) src(%dma_wait3A_289 : memref<128xi32, #tpu.memory_space<hbm>>) dst(%arg12 : memref<128xi32, #tpu.memory_space<vmem>>)
        tpu.yield
      }) : () -> ()
      "tpu.region"() ({
        %run_scoped3A_287 = tpu.sem_alloc : memref<!tpu.dma_semaphore, #tpu.memory_space<semaphore_mem>>
        %dma_start3A = tpu.memref_slice %arg7[%mul3A_145] : memref<320000xi32, #tpu.memory_space<hbm>> -> memref<128xi32, #tpu.memory_space<hbm>>
        %dma_start3A_288 = tpu.memref_slice %arg7[%mul3A_145] : memref<320000xi32, #tpu.memory_space<hbm>> -> memref<128xi32, #tpu.memory_space<hbm>>
        tpu.enqueue_dma source(%dma_start3A_288 : memref<128xi32, #tpu.memory_space<hbm>>) target(%arg13 : memref<128xi32, #tpu.memory_space<vmem>>) target_semaphore(%run_scoped3A_287 : memref<!tpu.dma_semaphore, #tpu.memory_space<semaphore_mem>>)
        %dma_wait3A = tpu.memref_slice %arg7[%mul3A_145] : memref<320000xi32, #tpu.memory_space<hbm>> -> memref<128xi32, #tpu.memory_space<hbm>>
        %dma_wait3A_289 = tpu.memref_slice %arg7[%mul3A_145] : memref<320000xi32, #tpu.memory_space<hbm>> -> memref<128xi32, #tpu.memory_space<hbm>>
        tpu.wait_dma2 semaphore(%run_scoped3A_287 : memref<!tpu.dma_semaphore, #tpu.memory_space<semaphore_mem>>) src(%dma_wait3A_289 : memref<128xi32, #tpu.memory_space<hbm>>) dst(%arg13 : memref<128xi32, #tpu.memory_space<vmem>>)
        tpu.yield
      }) : () -> ()
      %get3A_146 = arith.constant 0 : index
      %get3A_147 = tpu.vector_load %arg12[%get3A_146] {strides = array<i32>} : memref<128xi32, #tpu.memory_space<vmem>>, vector<16xi32>,
      %get3A_148 = arith.constant 0 : index
      %get3A_149 = tpu.vector_load %arg13[%get3A_148] {strides = array<i32>} : memref<128xi32, #tpu.memory_space<vmem>>, vector<16xi32>,
      %gather3A = tpu.vector_load_idx %arg9[%get3A_147] : memref<10240xf32, #tpu.memory_space<vmem>>[vector<16xi32>], vector<16xf32>,
      %gather3A_150 = tpu.vector_load_idx %arg10[%get3A_149] : memref<10240xf32, #tpu.memory_space<vmem>>[vector<16xi32>], vector<16xf32>,
      %add3A_151 = arith.addf %gather3A, %gather3A_150 : vector<16xf32>
      %gt3A = arith.constant 0.000000e+00 : f32
      %gt3A_152 = vector.broadcast %gt3A : f32 to vector<16xf32>
      %gt3A_153 = arith.cmpf ogt, %add3A_151, %gt3A_152 : vector<16xf32>
      %mul3A_154 = arith.constant 2.000000e-01 : f32
      %mul3A_155 = vector.broadcast %mul3A_154 : f32 to vector<16xf32>
      %mul3A_156 = arith.mulf %mul3A_155, %add3A_151 : vector<16xf32>
      %select_n3A_157 = arith.select %gt3A_153, %add3A_151, %mul3A_156 : vector<16xi1>, vector<16xf32>
      %sub3A_158 = arith.subf %select_n3A_157, %get3A_2 : vector<16xf32>
      %exp3A = math.exp %sub3A_158 : vector<16xf32>
      %swap3A_159 = arith.constant 0 : index
      %swap3A_160 = tpu.vector_load %arg15[%swap3A_159] {strides = array<i32>} : memref<128xf32, #tpu.memory_space<vmem>>, vector<16xf32>,
      tpu.vector_store %arg15[%swap3A_159], %exp3A {strides = array<i32>} : memref<128xf32, #tpu.memory_space<vmem>>, vector<16xf32>,
      %get3A_161 = arith.constant 16 : index
      %get3A_162 = tpu.vector_load %arg12[%get3A_161] {strides = array<i32>} : memref<128xi32, #tpu.memory_space<vmem>>, vector<16xi32>,
      %get3A_163 = arith.constant 16 : index
      %get3A_164 = tpu.vector_load %arg13[%get3A_163] {strides = array<i32>} : memref<128xi32, #tpu.memory_space<vmem>>, vector<16xi32>,
      %gather3A_165 = tpu.vector_load_idx %arg9[%get3A_162] : memref<10240xf32, #tpu.memory_space<vmem>>[vector<16xi32>], vector<16xf32>,
      %gather3A_166 = tpu.vector_load_idx %arg10[%get3A_164] : memref<10240xf32, #tpu.memory_space<vmem>>[vector<16xi32>], vector<16xf32>,
      %add3A_167 = arith.addf %gather3A_165, %gather3A_166 : vector<16xf32>
      %gt3A_168 = arith.constant 0.000000e+00 : f32
      %gt3A_169 = vector.broadcast %gt3A_168 : f32 to vector<16xf32>
      %gt3A_170 = arith.cmpf ogt, %add3A_167, %gt3A_169 : vector<16xf32>
      %mul3A_171 = arith.constant 2.000000e-01 : f32
      %mul3A_172 = vector.broadcast %mul3A_171 : f32 to vector<16xf32>
      %mul3A_173 = arith.mulf %mul3A_172, %add3A_167 : vector<16xf32>
      %select_n3A_174 = arith.select %gt3A_170, %add3A_167, %mul3A_173 : vector<16xi1>, vector<16xf32>
      %sub3A_175 = arith.subf %select_n3A_174, %get3A_2 : vector<16xf32>
      %exp3A_176 = math.exp %sub3A_175 : vector<16xf32>
      %swap3A_177 = arith.constant 16 : index
      %swap3A_178 = tpu.vector_load %arg15[%swap3A_177] {strides = array<i32>} : memref<128xf32, #tpu.memory_space<vmem>>, vector<16xf32>,
      tpu.vector_store %arg15[%swap3A_177], %exp3A_176 {strides = array<i32>} : memref<128xf32, #tpu.memory_space<vmem>>, vector<16xf32>,
      %get3A_179 = arith.constant 32 : index
      %get3A_180 = tpu.vector_load %arg12[%get3A_179] {strides = array<i32>} : memref<128xi32, #tpu.memory_space<vmem>>, vector<16xi32>,
      %get3A_181 = arith.constant 32 : index
      %get3A_182 = tpu.vector_load %arg13[%get3A_181] {strides = array<i32>} : memref<128xi32, #tpu.memory_space<vmem>>, vector<16xi32>,
      %gather3A_183 = tpu.vector_load_idx %arg9[%get3A_180] : memref<10240xf32, #tpu.memory_space<vmem>>[vector<16xi32>], vector<16xf32>,
      %gather3A_184 = tpu.vector_load_idx %arg10[%get3A_182] : memref<10240xf32, #tpu.memory_space<vmem>>[vector<16xi32>], vector<16xf32>,
      %add3A_185 = arith.addf %gather3A_183, %gather3A_184 : vector<16xf32>
      %gt3A_186 = arith.constant 0.000000e+00 : f32
      %gt3A_187 = vector.broadcast %gt3A_186 : f32 to vector<16xf32>
      %gt3A_188 = arith.cmpf ogt, %add3A_185, %gt3A_187 : vector<16xf32>
      %mul3A_189 = arith.constant 2.000000e-01 : f32
      %mul3A_190 = vector.broadcast %mul3A_189 : f32 to vector<16xf32>
      %mul3A_191 = arith.mulf %mul3A_190, %add3A_185 : vector<16xf32>
      %select_n3A_192 = arith.select %gt3A_188, %add3A_185, %mul3A_191 : vector<16xi1>, vector<16xf32>
      %sub3A_193 = arith.subf %select_n3A_192, %get3A_2 : vector<16xf32>
      %exp3A_194 = math.exp %sub3A_193 : vector<16xf32>
      %swap3A_195 = arith.constant 32 : index
      %swap3A_196 = tpu.vector_load %arg15[%swap3A_195] {strides = array<i32>} : memref<128xf32, #tpu.memory_space<vmem>>, vector<16xf32>,
      tpu.vector_store %arg15[%swap3A_195], %exp3A_194 {strides = array<i32>} : memref<128xf32, #tpu.memory_space<vmem>>, vector<16xf32>,
      %get3A_197 = arith.constant 48 : index
      %get3A_198 = tpu.vector_load %arg12[%get3A_197] {strides = array<i32>} : memref<128xi32, #tpu.memory_space<vmem>>, vector<16xi32>,
      %get3A_199 = arith.constant 48 : index
      %get3A_200 = tpu.vector_load %arg13[%get3A_199] {strides = array<i32>} : memref<128xi32, #tpu.memory_space<vmem>>, vector<16xi32>,
      %gather3A_201 = tpu.vector_load_idx %arg9[%get3A_198] : memref<10240xf32, #tpu.memory_space<vmem>>[vector<16xi32>], vector<16xf32>,
      %gather3A_202 = tpu.vector_load_idx %arg10[%get3A_200] : memref<10240xf32, #tpu.memory_space<vmem>>[vector<16xi32>], vector<16xf32>,
      %add3A_203 = arith.addf %gather3A_201, %gather3A_202 : vector<16xf32>
      %gt3A_204 = arith.constant 0.000000e+00 : f32
      %gt3A_205 = vector.broadcast %gt3A_204 : f32 to vector<16xf32>
      %gt3A_206 = arith.cmpf ogt, %add3A_203, %gt3A_205 : vector<16xf32>
      %mul3A_207 = arith.constant 2.000000e-01 : f32
      %mul3A_208 = vector.broadcast %mul3A_207 : f32 to vector<16xf32>
      %mul3A_209 = arith.mulf %mul3A_208, %add3A_203 : vector<16xf32>
      %select_n3A_210 = arith.select %gt3A_206, %add3A_203, %mul3A_209 : vector<16xi1>, vector<16xf32>
      %sub3A_211 = arith.subf %select_n3A_210, %get3A_2 : vector<16xf32>
      %exp3A_212 = math.exp %sub3A_211 : vector<16xf32>
      %swap3A_213 = arith.constant 48 : index
      %swap3A_214 = tpu.vector_load %arg15[%swap3A_213] {strides = array<i32>} : memref<128xf32, #tpu.memory_space<vmem>>, vector<16xf32>,
      tpu.vector_store %arg15[%swap3A_213], %exp3A_212 {strides = array<i32>} : memref<128xf32, #tpu.memory_space<vmem>>, vector<16xf32>,
      %get3A_215 = arith.constant 64 : index
      %get3A_216 = tpu.vector_load %arg12[%get3A_215] {strides = array<i32>} : memref<128xi32, #tpu.memory_space<vmem>>, vector<16xi32>,
      %get3A_217 = arith.constant 64 : index
      %get3A_218 = tpu.vector_load %arg13[%get3A_217] {strides = array<i32>} : memref<128xi32, #tpu.memory_space<vmem>>, vector<16xi32>,
      %gather3A_219 = tpu.vector_load_idx %arg9[%get3A_216] : memref<10240xf32, #tpu.memory_space<vmem>>[vector<16xi32>], vector<16xf32>,
      %gather3A_220 = tpu.vector_load_idx %arg10[%get3A_218] : memref<10240xf32, #tpu.memory_space<vmem>>[vector<16xi32>], vector<16xf32>,
      %add3A_221 = arith.addf %gather3A_219, %gather3A_220 : vector<16xf32>
      %gt3A_222 = arith.constant 0.000000e+00 : f32
      %gt3A_223 = vector.broadcast %gt3A_222 : f32 to vector<16xf32>
      %gt3A_224 = arith.cmpf ogt, %add3A_221, %gt3A_223 : vector<16xf32>
      %mul3A_225 = arith.constant 2.000000e-01 : f32
      %mul3A_226 = vector.broadcast %mul3A_225 : f32 to vector<16xf32>
      %mul3A_227 = arith.mulf %mul3A_226, %add3A_221 : vector<16xf32>
      %select_n3A_228 = arith.select %gt3A_224, %add3A_221, %mul3A_227 : vector<16xi1>, vector<16xf32>
      %sub3A_229 = arith.subf %select_n3A_228, %get3A_2 : vector<16xf32>
      %exp3A_230 = math.exp %sub3A_229 : vector<16xf32>
      %swap3A_231 = arith.constant 64 : index
      %swap3A_232 = tpu.vector_load %arg15[%swap3A_231] {strides = array<i32>} : memref<128xf32, #tpu.memory_space<vmem>>, vector<16xf32>,
      tpu.vector_store %arg15[%swap3A_231], %exp3A_230 {strides = array<i32>} : memref<128xf32, #tpu.memory_space<vmem>>, vector<16xf32>,
      %get3A_233 = arith.constant 80 : index
      %get3A_234 = tpu.vector_load %arg12[%get3A_233] {strides = array<i32>} : memref<128xi32, #tpu.memory_space<vmem>>, vector<16xi32>,
      %get3A_235 = arith.constant 80 : index
      %get3A_236 = tpu.vector_load %arg13[%get3A_235] {strides = array<i32>} : memref<128xi32, #tpu.memory_space<vmem>>, vector<16xi32>,
      %gather3A_237 = tpu.vector_load_idx %arg9[%get3A_234] : memref<10240xf32, #tpu.memory_space<vmem>>[vector<16xi32>], vector<16xf32>,
      %gather3A_238 = tpu.vector_load_idx %arg10[%get3A_236] : memref<10240xf32, #tpu.memory_space<vmem>>[vector<16xi32>], vector<16xf32>,
      %add3A_239 = arith.addf %gather3A_237, %gather3A_238 : vector<16xf32>
      %gt3A_240 = arith.constant 0.000000e+00 : f32
      %gt3A_241 = vector.broadcast %gt3A_240 : f32 to vector<16xf32>
      %gt3A_242 = arith.cmpf ogt, %add3A_239, %gt3A_241 : vector<16xf32>
      %mul3A_243 = arith.constant 2.000000e-01 : f32
      %mul3A_244 = vector.broadcast %mul3A_243 : f32 to vector<16xf32>
      %mul3A_245 = arith.mulf %mul3A_244, %add3A_239 : vector<16xf32>
      %select_n3A_246 = arith.select %gt3A_242, %add3A_239, %mul3A_245 : vector<16xi1>, vector<16xf32>
      %sub3A_247 = arith.subf %select_n3A_246, %get3A_2 : vector<16xf32>
      %exp3A_248 = math.exp %sub3A_247 : vector<16xf32>
      %swap3A_249 = arith.constant 80 : index
      %swap3A_250 = tpu.vector_load %arg15[%swap3A_249] {strides = array<i32>} : memref<128xf32, #tpu.memory_space<vmem>>, vector<16xf32>,
      tpu.vector_store %arg15[%swap3A_249], %exp3A_248 {strides = array<i32>} : memref<128xf32, #tpu.memory_space<vmem>>, vector<16xf32>,
      %get3A_251 = arith.constant 96 : index
      %get3A_252 = tpu.vector_load %arg12[%get3A_251] {strides = array<i32>} : memref<128xi32, #tpu.memory_space<vmem>>, vector<16xi32>,
      %get3A_253 = arith.constant 96 : index
      %get3A_254 = tpu.vector_load %arg13[%get3A_253] {strides = array<i32>} : memref<128xi32, #tpu.memory_space<vmem>>, vector<16xi32>,
      %gather3A_255 = tpu.vector_load_idx %arg9[%get3A_252] : memref<10240xf32, #tpu.memory_space<vmem>>[vector<16xi32>], vector<16xf32>,
      %gather3A_256 = tpu.vector_load_idx %arg10[%get3A_254] : memref<10240xf32, #tpu.memory_space<vmem>>[vector<16xi32>], vector<16xf32>,
      %add3A_257 = arith.addf %gather3A_255, %gather3A_256 : vector<16xf32>
      %gt3A_258 = arith.constant 0.000000e+00 : f32
      %gt3A_259 = vector.broadcast %gt3A_258 : f32 to vector<16xf32>
      %gt3A_260 = arith.cmpf ogt, %add3A_257, %gt3A_259 : vector<16xf32>
      %mul3A_261 = arith.constant 2.000000e-01 : f32
      %mul3A_262 = vector.broadcast %mul3A_261 : f32 to vector<16xf32>
      %mul3A_263 = arith.mulf %mul3A_262, %add3A_257 : vector<16xf32>
      %select_n3A_264 = arith.select %gt3A_260, %add3A_257, %mul3A_263 : vector<16xi1>, vector<16xf32>
      %sub3A_265 = arith.subf %select_n3A_264, %get3A_2 : vector<16xf32>
      %exp3A_266 = math.exp %sub3A_265 : vector<16xf32>
      %swap3A_267 = arith.constant 96 : index
      %swap3A_268 = tpu.vector_load %arg15[%swap3A_267] {strides = array<i32>} : memref<128xf32, #tpu.memory_space<vmem>>, vector<16xf32>,
      tpu.vector_store %arg15[%swap3A_267], %exp3A_266 {strides = array<i32>} : memref<128xf32, #tpu.memory_space<vmem>>, vector<16xf32>,
      %get3A_269 = arith.constant 112 : index
      %get3A_270 = tpu.vector_load %arg12[%get3A_269] {strides = array<i32>} : memref<128xi32, #tpu.memory_space<vmem>>, vector<16xi32>,
      %get3A_271 = arith.constant 112 : index
      %get3A_272 = tpu.vector_load %arg13[%get3A_271] {strides = array<i32>} : memref<128xi32, #tpu.memory_space<vmem>>, vector<16xi32>,
      %gather3A_273 = tpu.vector_load_idx %arg9[%get3A_270] : memref<10240xf32, #tpu.memory_space<vmem>>[vector<16xi32>], vector<16xf32>,
      %gather3A_274 = tpu.vector_load_idx %arg10[%get3A_272] : memref<10240xf32, #tpu.memory_space<vmem>>[vector<16xi32>], vector<16xf32>,
      %add3A_275 = arith.addf %gather3A_273, %gather3A_274 : vector<16xf32>
      %gt3A_276 = arith.constant 0.000000e+00 : f32
      %gt3A_277 = vector.broadcast %gt3A_276 : f32 to vector<16xf32>
      %gt3A_278 = arith.cmpf ogt, %add3A_275, %gt3A_277 : vector<16xf32>
      %mul3A_279 = arith.constant 2.000000e-01 : f32
      %mul3A_280 = vector.broadcast %mul3A_279 : f32 to vector<16xf32>
      %mul3A_281 = arith.mulf %mul3A_280, %add3A_275 : vector<16xf32>
      %select_n3A_282 = arith.select %gt3A_278, %add3A_275, %mul3A_281 : vector<16xi1>, vector<16xf32>
      %sub3A_283 = arith.subf %select_n3A_282, %get3A_2 : vector<16xf32>
      %exp3A_284 = math.exp %sub3A_283 : vector<16xf32>
      %swap3A_285 = arith.constant 112 : index
      %swap3A_286 = tpu.vector_load %arg15[%swap3A_285] {strides = array<i32>} : memref<128xf32, #tpu.memory_space<vmem>>, vector<16xf32>,
      tpu.vector_store %arg15[%swap3A_285], %exp3A_284 {strides = array<i32>} : memref<128xf32, #tpu.memory_space<vmem>>, vector<16xf32>,
      "tpu.region"() ({
        %run_scoped3A_287 = tpu.sem_alloc : memref<!tpu.dma_semaphore, #tpu.memory_space<semaphore_mem>>
        %dma_start3A = arith.constant 0 : i32
        %dma_start3A_288 = tpu.memref_slice %arg19[%dma_start3A] : memref<10240xf32, #tpu.memory_space<vmem_shared>> -> memref<10240xf32, #tpu.memory_space<vmem_shared>>
        tpu.enqueue_indirect_dma source(%arg15 : memref<128xf32, #tpu.memory_space<vmem>>) target(%dma_start3A_288 : memref<10240xf32, #tpu.memory_space<vmem_shared>>) offsets(%arg13 : memref<128xi32, #tpu.memory_space<vmem>>) semaphore(%run_scoped3A_287 : memref<!tpu.dma_semaphore, #tpu.memory_space<semaphore_mem>>) {add = true}
        %dma_wait3A = arith.constant 0 : i32
        %dma_wait3A_289 = tpu.memref_slice %arg19[%dma_wait3A] : memref<10240xf32, #tpu.memory_space<vmem_shared>> -> memref<10240xf32, #tpu.memory_space<vmem_shared>>
        tpu.wait_indirect_dma semaphore(%run_scoped3A_287 : memref<!tpu.dma_semaphore, #tpu.memory_space<semaphore_mem>>) src(%arg15 : memref<128xf32, #tpu.memory_space<vmem>>) dst(%dma_wait3A_289 : memref<10240xf32, #tpu.memory_space<vmem_shared>>)
        tpu.yield
      }) : () -> ()
    }
    %barrier3A_73 = arith.constant 0 : index
    tpu.barrier barrier_id(%barrier3A_73)
    "tpu.region"() ({
      %run_scoped3A_140 = tpu.sem_alloc : memref<!tpu.dma_semaphore, #tpu.memory_space<semaphore_mem>>
      tpu.enqueue_dma source(%arg19 : memref<10240xf32, #tpu.memory_space<vmem_shared>>) target(%arg11 : memref<10240xf32, #tpu.memory_space<vmem>>) target_semaphore(%run_scoped3A_140 : memref<!tpu.dma_semaphore, #tpu.memory_space<semaphore_mem>>)
      tpu.wait_dma2 semaphore(%run_scoped3A_140 : memref<!tpu.dma_semaphore, #tpu.memory_space<semaphore_mem>>) src(%arg19 : memref<10240xf32, #tpu.memory_space<vmem_shared>>) dst(%arg11 : memref<10240xf32, #tpu.memory_space<vmem>>)
      tpu.yield
    }) : () -> ()
    %mul3A_74 = arith.constant 1250 : i32
    %mul3A_75 = arith.muli %arg0, %mul3A_74 : i32
    %add3A_76 = arith.addi %mul3A_75, %arg1 : i32
    %mul3A_77 = arith.constant 128 : i32
    %mul3A_78 = arith.muli %add3A_76, %mul3A_77 : i32
    %sub3A_79 = arith.constant 1250 : i32
    %sub3A_80 = arith.subi %sub3A_79, %arg1 : i32
    %add3A_81 = arith.constant 16 : i32
    %add3A_82 = arith.addi %sub3A_80, %add3A_81 : i32
    %sub3A_83 = arith.constant 1 : i32
    %sub3A_84 = arith.subi %add3A_82, %sub3A_83 : i32
    %jit3A_85 = arith.constant 16 : i32
    %div3A_86 = arith.divsi %sub3A_84, %jit3A_85 : i32
    %sign3A_87 = arith.constant 0 : i32
    %sign3A_88 = arith.cmpi sgt, %sub3A_84, %sign3A_87 : i32
    %sign3A_89 = arith.extui %sign3A_88 : i1 to i32
    %sign3A_90 = arith.constant 0 : i32
    %sign3A_91 = arith.cmpi slt, %sub3A_84, %sign3A_90 : i32
    %sign3A_92 = arith.extui %sign3A_91 : i1 to i32
    %sign3A_93 = arith.subi %sign3A_89, %sign3A_92 : i32
    %sign3A_94 = arith.constant 0 : i32
    %sign3A_95 = arith.cmpi sgt, %jit3A_85, %sign3A_94 : i32
    %sign3A_96 = arith.extui %sign3A_95 : i1 to i32
    %sign3A_97 = arith.constant 0 : i32
    %sign3A_98 = arith.cmpi slt, %jit3A_85, %sign3A_97 : i32
    %sign3A_99 = arith.extui %sign3A_98 : i1 to i32
    %sign3A_100 = arith.subi %sign3A_96, %sign3A_99 : i32
    %ne3A_101 = arith.cmpi ne, %sign3A_93, %sign3A_100 : i32
    %rem3A_102 = arith.remsi %sub3A_84, %jit3A_85 : i32
    %ne3A_103 = arith.constant 0 : i32
    %ne3A_104 = arith.cmpi ne, %rem3A_102, %ne3A_103 : i32
    %and3A_105 = arith.andi %ne3A_101, %ne3A_104 : i1
    %sub3A_106 = arith.constant 1 : i32
    %sub3A_107 = arith.subi %div3A_86, %sub3A_106 : i32
    %select_n3A_108 = arith.select %and3A_105, %sub3A_107, %div3A_86 : i32
    %while3A_109 = arith.constant 0 : i32
    %while3A_110 = arith.constant 0 : i32
    %while3A_111 = arith.subi %select_n3A_108, %while3A_110 : i32
    %while3A_112 = arith.addi %while3A_110, %while3A_111 : i32
    %while3A_113 = arith.constant 1 : i32
    %while3A_114 = arith.divsi %while3A_111, %while3A_113 : i32
    %while3A_115 = arith.muli %while3A_114, %while3A_113 : i32
    %while3A_116 = arith.addi %while3A_110, %while3A_115 : i32
    %while3A_117 = arith.constant 1 : i32
    scf.for %while3A_140 = %while3A_110 to %while3A_116 step %while3A_117  : i32 {
      %mul3A_141 = arith.constant 16 : i32
      %mul3A_142 = arith.muli %while3A_140, %mul3A_141 : i32
      %mul3A_143 = arith.constant 128 : i32
      %mul3A_144 = arith.muli %mul3A_142, %mul3A_143 : i32
      %add3A_145 = arith.addi %mul3A_78, %mul3A_144 : i32
      "tpu.region"() ({
        %run_scoped3A_337 = tpu.sem_alloc : memref<!tpu.dma_semaphore, #tpu.memory_space<semaphore_mem>>
        %dma_start3A_338 = tpu.memref_slice %arg6[%add3A_145] : memref<320000xi32, #tpu.memory_space<hbm>> -> memref<128xi32, #tpu.memory_space<hbm>>
        %dma_start3A_339 = tpu.memref_slice %arg6[%add3A_145] : memref<320000xi32, #tpu.memory_space<hbm>> -> memref<128xi32, #tpu.memory_space<hbm>>
        tpu.enqueue_dma source(%dma_start3A_339 : memref<128xi32, #tpu.memory_space<hbm>>) target(%arg12 : memref<128xi32, #tpu.memory_space<vmem>>) target_semaphore(%run_scoped3A_337 : memref<!tpu.dma_semaphore, #tpu.memory_space<semaphore_mem>>)
        %dma_wait3A_340 = tpu.memref_slice %arg6[%add3A_145] : memref<320000xi32, #tpu.memory_space<hbm>> -> memref<128xi32, #tpu.memory_space<hbm>>
        %dma_wait3A_341 = tpu.memref_slice %arg6[%add3A_145] : memref<320000xi32, #tpu.memory_space<hbm>> -> memref<128xi32, #tpu.memory_space<hbm>>
        tpu.wait_dma2 semaphore(%run_scoped3A_337 : memref<!tpu.dma_semaphore, #tpu.memory_space<semaphore_mem>>) src(%dma_wait3A_341 : memref<128xi32, #tpu.memory_space<hbm>>) dst(%arg12 : memref<128xi32, #tpu.memory_space<vmem>>)
        tpu.yield
      }) : () -> ()
      "tpu.region"() ({
        %run_scoped3A_337 = tpu.sem_alloc : memref<!tpu.dma_semaphore, #tpu.memory_space<semaphore_mem>>
        %dma_start3A_338 = tpu.memref_slice %arg7[%add3A_145] : memref<320000xi32, #tpu.memory_space<hbm>> -> memref<128xi32, #tpu.memory_space<hbm>>
        %dma_start3A_339 = tpu.memref_slice %arg7[%add3A_145] : memref<320000xi32, #tpu.memory_space<hbm>> -> memref<128xi32, #tpu.memory_space<hbm>>
        tpu.enqueue_dma source(%dma_start3A_339 : memref<128xi32, #tpu.memory_space<hbm>>) target(%arg13 : memref<128xi32, #tpu.memory_space<vmem>>) target_semaphore(%run_scoped3A_337 : memref<!tpu.dma_semaphore, #tpu.memory_space<semaphore_mem>>)
        %dma_wait3A_340 = tpu.memref_slice %arg7[%add3A_145] : memref<320000xi32, #tpu.memory_space<hbm>> -> memref<128xi32, #tpu.memory_space<hbm>>
        %dma_wait3A_341 = tpu.memref_slice %arg7[%add3A_145] : memref<320000xi32, #tpu.memory_space<hbm>> -> memref<128xi32, #tpu.memory_space<hbm>>
        tpu.wait_dma2 semaphore(%run_scoped3A_337 : memref<!tpu.dma_semaphore, #tpu.memory_space<semaphore_mem>>) src(%dma_wait3A_341 : memref<128xi32, #tpu.memory_space<hbm>>) dst(%arg13 : memref<128xi32, #tpu.memory_space<vmem>>)
        tpu.yield
      }) : () -> ()
      %dma_start3A = arith.constant 0 : i32
      %dma_start3A_146 = arith.constant 0 : i32
      %dma_start3A_147 = tpu.memref_slice %arg2[%dma_start3A, %dma_start3A_146] : memref<10240x128xf32, #tpu.memory_space<hbm>> -> memref<10240x128xf32, #tpu.memory_space<hbm>>
      tpu.enqueue_indirect_dma source(%dma_start3A_147 : memref<10240x128xf32, #tpu.memory_space<hbm>>) target(%arg16 : memref<128x128xf32, #tpu.memory_space<vmem>>) offsets(%arg12 : memref<128xi32, #tpu.memory_space<vmem>>) semaphore(%arg20 : memref<!tpu.dma_semaphore, #tpu.memory_space<semaphore_mem>>)
      %get3A_148 = arith.constant 0 : index
      %get3A_149 = tpu.vector_load %arg12[%get3A_148] {strides = array<i32>} : memref<128xi32, #tpu.memory_space<vmem>>, vector<16xi32>,
      %get3A_150 = arith.constant 0 : index
      %get3A_151 = tpu.vector_load %arg13[%get3A_150] {strides = array<i32>} : memref<128xi32, #tpu.memory_space<vmem>>, vector<16xi32>,
      %gather3A = tpu.vector_load_idx %arg9[%get3A_149] : memref<10240xf32, #tpu.memory_space<vmem>>[vector<16xi32>], vector<16xf32>,
      %gather3A_152 = tpu.vector_load_idx %arg10[%get3A_151] : memref<10240xf32, #tpu.memory_space<vmem>>[vector<16xi32>], vector<16xf32>,
      %add3A_153 = arith.addf %gather3A, %gather3A_152 : vector<16xf32>
      %gt3A = arith.constant 0.000000e+00 : f32
      %gt3A_154 = vector.broadcast %gt3A : f32 to vector<16xf32>
      %gt3A_155 = arith.cmpf ogt, %add3A_153, %gt3A_154 : vector<16xf32>
      %mul3A_156 = arith.constant 2.000000e-01 : f32
      %mul3A_157 = vector.broadcast %mul3A_156 : f32 to vector<16xf32>
      %mul3A_158 = arith.mulf %mul3A_157, %add3A_153 : vector<16xf32>
      %select_n3A_159 = arith.select %gt3A_155, %add3A_153, %mul3A_158 : vector<16xi1>, vector<16xf32>
      %sub3A_160 = arith.subf %select_n3A_159, %get3A_2 : vector<16xf32>
      %exp3A = math.exp %sub3A_160 : vector<16xf32>
      %gather3A_161 = tpu.vector_load_idx %arg11[%get3A_151] : memref<10240xf32, #tpu.memory_space<vmem>>[vector<16xi32>], vector<16xf32>,
      %add3A_162 = arith.constant 1.000000e-16 : f32
      %add3A_163 = vector.broadcast %add3A_162 : f32 to vector<16xf32>
      %add3A_164 = arith.addf %gather3A_161, %add3A_163 : vector<16xf32>
      %div3A_165 = arith.divf %exp3A, %add3A_164 : vector<16xf32>
      %swap3A_166 = arith.constant 0 : index
      %swap3A_167 = tpu.vector_load %arg15[%swap3A_166] {strides = array<i32>} : memref<128xf32, #tpu.memory_space<vmem>>, vector<16xf32>,
      tpu.vector_store %arg15[%swap3A_166], %div3A_165 {strides = array<i32>} : memref<128xf32, #tpu.memory_space<vmem>>, vector<16xf32>,
      %get3A_168 = arith.constant 16 : index
      %get3A_169 = tpu.vector_load %arg12[%get3A_168] {strides = array<i32>} : memref<128xi32, #tpu.memory_space<vmem>>, vector<16xi32>,
      %get3A_170 = arith.constant 16 : index
      %get3A_171 = tpu.vector_load %arg13[%get3A_170] {strides = array<i32>} : memref<128xi32, #tpu.memory_space<vmem>>, vector<16xi32>,
      %gather3A_172 = tpu.vector_load_idx %arg9[%get3A_169] : memref<10240xf32, #tpu.memory_space<vmem>>[vector<16xi32>], vector<16xf32>,
      %gather3A_173 = tpu.vector_load_idx %arg10[%get3A_171] : memref<10240xf32, #tpu.memory_space<vmem>>[vector<16xi32>], vector<16xf32>,
      %add3A_174 = arith.addf %gather3A_172, %gather3A_173 : vector<16xf32>
      %gt3A_175 = arith.constant 0.000000e+00 : f32
      %gt3A_176 = vector.broadcast %gt3A_175 : f32 to vector<16xf32>
      %gt3A_177 = arith.cmpf ogt, %add3A_174, %gt3A_176 : vector<16xf32>
      %mul3A_178 = arith.constant 2.000000e-01 : f32
      %mul3A_179 = vector.broadcast %mul3A_178 : f32 to vector<16xf32>
      %mul3A_180 = arith.mulf %mul3A_179, %add3A_174 : vector<16xf32>
      %select_n3A_181 = arith.select %gt3A_177, %add3A_174, %mul3A_180 : vector<16xi1>, vector<16xf32>
      %sub3A_182 = arith.subf %select_n3A_181, %get3A_2 : vector<16xf32>
      %exp3A_183 = math.exp %sub3A_182 : vector<16xf32>
      %gather3A_184 = tpu.vector_load_idx %arg11[%get3A_171] : memref<10240xf32, #tpu.memory_space<vmem>>[vector<16xi32>], vector<16xf32>,
      %add3A_185 = arith.constant 1.000000e-16 : f32
      %add3A_186 = vector.broadcast %add3A_185 : f32 to vector<16xf32>
      %add3A_187 = arith.addf %gather3A_184, %add3A_186 : vector<16xf32>
      %div3A_188 = arith.divf %exp3A_183, %add3A_187 : vector<16xf32>
      %swap3A_189 = arith.constant 16 : index
      %swap3A_190 = tpu.vector_load %arg15[%swap3A_189] {strides = array<i32>} : memref<128xf32, #tpu.memory_space<vmem>>, vector<16xf32>,
      tpu.vector_store %arg15[%swap3A_189], %div3A_188 {strides = array<i32>} : memref<128xf32, #tpu.memory_space<vmem>>, vector<16xf32>,
      %get3A_191 = arith.constant 32 : index
      %get3A_192 = tpu.vector_load %arg12[%get3A_191] {strides = array<i32>} : memref<128xi32, #tpu.memory_space<vmem>>, vector<16xi32>,
      %get3A_193 = arith.constant 32 : index
      %get3A_194 = tpu.vector_load %arg13[%get3A_193] {strides = array<i32>} : memref<128xi32, #tpu.memory_space<vmem>>, vector<16xi32>,
      %gather3A_195 = tpu.vector_load_idx %arg9[%get3A_192] : memref<10240xf32, #tpu.memory_space<vmem>>[vector<16xi32>], vector<16xf32>,
      %gather3A_196 = tpu.vector_load_idx %arg10[%get3A_194] : memref<10240xf32, #tpu.memory_space<vmem>>[vector<16xi32>], vector<16xf32>,
      %add3A_197 = arith.addf %gather3A_195, %gather3A_196 : vector<16xf32>
      %gt3A_198 = arith.constant 0.000000e+00 : f32
      %gt3A_199 = vector.broadcast %gt3A_198 : f32 to vector<16xf32>
      %gt3A_200 = arith.cmpf ogt, %add3A_197, %gt3A_199 : vector<16xf32>
      %mul3A_201 = arith.constant 2.000000e-01 : f32
      %mul3A_202 = vector.broadcast %mul3A_201 : f32 to vector<16xf32>
      %mul3A_203 = arith.mulf %mul3A_202, %add3A_197 : vector<16xf32>
      %select_n3A_204 = arith.select %gt3A_200, %add3A_197, %mul3A_203 : vector<16xi1>, vector<16xf32>
      %sub3A_205 = arith.subf %select_n3A_204, %get3A_2 : vector<16xf32>
      %exp3A_206 = math.exp %sub3A_205 : vector<16xf32>
      %gather3A_207 = tpu.vector_load_idx %arg11[%get3A_194] : memref<10240xf32, #tpu.memory_space<vmem>>[vector<16xi32>], vector<16xf32>,
      %add3A_208 = arith.constant 1.000000e-16 : f32
      %add3A_209 = vector.broadcast %add3A_208 : f32 to vector<16xf32>
      %add3A_210 = arith.addf %gather3A_207, %add3A_209 : vector<16xf32>
      %div3A_211 = arith.divf %exp3A_206, %add3A_210 : vector<16xf32>
      %swap3A_212 = arith.constant 32 : index
      %swap3A_213 = tpu.vector_load %arg15[%swap3A_212] {strides = array<i32>} : memref<128xf32, #tpu.memory_space<vmem>>, vector<16xf32>,
      tpu.vector_store %arg15[%swap3A_212], %div3A_211 {strides = array<i32>} : memref<128xf32, #tpu.memory_space<vmem>>, vector<16xf32>,
      %get3A_214 = arith.constant 48 : index
      %get3A_215 = tpu.vector_load %arg12[%get3A_214] {strides = array<i32>} : memref<128xi32, #tpu.memory_space<vmem>>, vector<16xi32>,
      %get3A_216 = arith.constant 48 : index
      %get3A_217 = tpu.vector_load %arg13[%get3A_216] {strides = array<i32>} : memref<128xi32, #tpu.memory_space<vmem>>, vector<16xi32>,
      %gather3A_218 = tpu.vector_load_idx %arg9[%get3A_215] : memref<10240xf32, #tpu.memory_space<vmem>>[vector<16xi32>], vector<16xf32>,
      %gather3A_219 = tpu.vector_load_idx %arg10[%get3A_217] : memref<10240xf32, #tpu.memory_space<vmem>>[vector<16xi32>], vector<16xf32>,
      %add3A_220 = arith.addf %gather3A_218, %gather3A_219 : vector<16xf32>
      %gt3A_221 = arith.constant 0.000000e+00 : f32
      %gt3A_222 = vector.broadcast %gt3A_221 : f32 to vector<16xf32>
      %gt3A_223 = arith.cmpf ogt, %add3A_220, %gt3A_222 : vector<16xf32>
      %mul3A_224 = arith.constant 2.000000e-01 : f32
      %mul3A_225 = vector.broadcast %mul3A_224 : f32 to vector<16xf32>
      %mul3A_226 = arith.mulf %mul3A_225, %add3A_220 : vector<16xf32>
      %select_n3A_227 = arith.select %gt3A_223, %add3A_220, %mul3A_226 : vector<16xi1>, vector<16xf32>
      %sub3A_228 = arith.subf %select_n3A_227, %get3A_2 : vector<16xf32>
      %exp3A_229 = math.exp %sub3A_228 : vector<16xf32>
      %gather3A_230 = tpu.vector_load_idx %arg11[%get3A_217] : memref<10240xf32, #tpu.memory_space<vmem>>[vector<16xi32>], vector<16xf32>,
      %add3A_231 = arith.constant 1.000000e-16 : f32
      %add3A_232 = vector.broadcast %add3A_231 : f32 to vector<16xf32>
      %add3A_233 = arith.addf %gather3A_230, %add3A_232 : vector<16xf32>
      %div3A_234 = arith.divf %exp3A_229, %add3A_233 : vector<16xf32>
      %swap3A_235 = arith.constant 48 : index
      %swap3A_236 = tpu.vector_load %arg15[%swap3A_235] {strides = array<i32>} : memref<128xf32, #tpu.memory_space<vmem>>, vector<16xf32>,
      tpu.vector_store %arg15[%swap3A_235], %div3A_234 {strides = array<i32>} : memref<128xf32, #tpu.memory_space<vmem>>, vector<16xf32>,
      %get3A_237 = arith.constant 64 : index
      %get3A_238 = tpu.vector_load %arg12[%get3A_237] {strides = array<i32>} : memref<128xi32, #tpu.memory_space<vmem>>, vector<16xi32>,
      %get3A_239 = arith.constant 64 : index
      %get3A_240 = tpu.vector_load %arg13[%get3A_239] {strides = array<i32>} : memref<128xi32, #tpu.memory_space<vmem>>, vector<16xi32>,
      %gather3A_241 = tpu.vector_load_idx %arg9[%get3A_238] : memref<10240xf32, #tpu.memory_space<vmem>>[vector<16xi32>], vector<16xf32>,
      %gather3A_242 = tpu.vector_load_idx %arg10[%get3A_240] : memref<10240xf32, #tpu.memory_space<vmem>>[vector<16xi32>], vector<16xf32>,
      %add3A_243 = arith.addf %gather3A_241, %gather3A_242 : vector<16xf32>
      %gt3A_244 = arith.constant 0.000000e+00 : f32
      %gt3A_245 = vector.broadcast %gt3A_244 : f32 to vector<16xf32>
      %gt3A_246 = arith.cmpf ogt, %add3A_243, %gt3A_245 : vector<16xf32>
      %mul3A_247 = arith.constant 2.000000e-01 : f32
      %mul3A_248 = vector.broadcast %mul3A_247 : f32 to vector<16xf32>
      %mul3A_249 = arith.mulf %mul3A_248, %add3A_243 : vector<16xf32>
      %select_n3A_250 = arith.select %gt3A_246, %add3A_243, %mul3A_249 : vector<16xi1>, vector<16xf32>
      %sub3A_251 = arith.subf %select_n3A_250, %get3A_2 : vector<16xf32>
      %exp3A_252 = math.exp %sub3A_251 : vector<16xf32>
      %gather3A_253 = tpu.vector_load_idx %arg11[%get3A_240] : memref<10240xf32, #tpu.memory_space<vmem>>[vector<16xi32>], vector<16xf32>,
      %add3A_254 = arith.constant 1.000000e-16 : f32
      %add3A_255 = vector.broadcast %add3A_254 : f32 to vector<16xf32>
      %add3A_256 = arith.addf %gather3A_253, %add3A_255 : vector<16xf32>
      %div3A_257 = arith.divf %exp3A_252, %add3A_256 : vector<16xf32>
      %swap3A_258 = arith.constant 64 : index
      %swap3A_259 = tpu.vector_load %arg15[%swap3A_258] {strides = array<i32>} : memref<128xf32, #tpu.memory_space<vmem>>, vector<16xf32>,
      tpu.vector_store %arg15[%swap3A_258], %div3A_257 {strides = array<i32>} : memref<128xf32, #tpu.memory_space<vmem>>, vector<16xf32>,
      %get3A_260 = arith.constant 80 : index
      %get3A_261 = tpu.vector_load %arg12[%get3A_260] {strides = array<i32>} : memref<128xi32, #tpu.memory_space<vmem>>, vector<16xi32>,
      %get3A_262 = arith.constant 80 : index
      %get3A_263 = tpu.vector_load %arg13[%get3A_262] {strides = array<i32>} : memref<128xi32, #tpu.memory_space<vmem>>, vector<16xi32>,
      %gather3A_264 = tpu.vector_load_idx %arg9[%get3A_261] : memref<10240xf32, #tpu.memory_space<vmem>>[vector<16xi32>], vector<16xf32>,
      %gather3A_265 = tpu.vector_load_idx %arg10[%get3A_263] : memref<10240xf32, #tpu.memory_space<vmem>>[vector<16xi32>], vector<16xf32>,
      %add3A_266 = arith.addf %gather3A_264, %gather3A_265 : vector<16xf32>
      %gt3A_267 = arith.constant 0.000000e+00 : f32
      %gt3A_268 = vector.broadcast %gt3A_267 : f32 to vector<16xf32>
      %gt3A_269 = arith.cmpf ogt, %add3A_266, %gt3A_268 : vector<16xf32>
      %mul3A_270 = arith.constant 2.000000e-01 : f32
      %mul3A_271 = vector.broadcast %mul3A_270 : f32 to vector<16xf32>
      %mul3A_272 = arith.mulf %mul3A_271, %add3A_266 : vector<16xf32>
      %select_n3A_273 = arith.select %gt3A_269, %add3A_266, %mul3A_272 : vector<16xi1>, vector<16xf32>
      %sub3A_274 = arith.subf %select_n3A_273, %get3A_2 : vector<16xf32>
      %exp3A_275 = math.exp %sub3A_274 : vector<16xf32>
      %gather3A_276 = tpu.vector_load_idx %arg11[%get3A_263] : memref<10240xf32, #tpu.memory_space<vmem>>[vector<16xi32>], vector<16xf32>,
      %add3A_277 = arith.constant 1.000000e-16 : f32
      %add3A_278 = vector.broadcast %add3A_277 : f32 to vector<16xf32>
      %add3A_279 = arith.addf %gather3A_276, %add3A_278 : vector<16xf32>
      %div3A_280 = arith.divf %exp3A_275, %add3A_279 : vector<16xf32>
      %swap3A_281 = arith.constant 80 : index
      %swap3A_282 = tpu.vector_load %arg15[%swap3A_281] {strides = array<i32>} : memref<128xf32, #tpu.memory_space<vmem>>, vector<16xf32>,
      tpu.vector_store %arg15[%swap3A_281], %div3A_280 {strides = array<i32>} : memref<128xf32, #tpu.memory_space<vmem>>, vector<16xf32>,
      %get3A_283 = arith.constant 96 : index
      %get3A_284 = tpu.vector_load %arg12[%get3A_283] {strides = array<i32>} : memref<128xi32, #tpu.memory_space<vmem>>, vector<16xi32>,
      %get3A_285 = arith.constant 96 : index
      %get3A_286 = tpu.vector_load %arg13[%get3A_285] {strides = array<i32>} : memref<128xi32, #tpu.memory_space<vmem>>, vector<16xi32>,
      %gather3A_287 = tpu.vector_load_idx %arg9[%get3A_284] : memref<10240xf32, #tpu.memory_space<vmem>>[vector<16xi32>], vector<16xf32>,
      %gather3A_288 = tpu.vector_load_idx %arg10[%get3A_286] : memref<10240xf32, #tpu.memory_space<vmem>>[vector<16xi32>], vector<16xf32>,
      %add3A_289 = arith.addf %gather3A_287, %gather3A_288 : vector<16xf32>
      %gt3A_290 = arith.constant 0.000000e+00 : f32
      %gt3A_291 = vector.broadcast %gt3A_290 : f32 to vector<16xf32>
      %gt3A_292 = arith.cmpf ogt, %add3A_289, %gt3A_291 : vector<16xf32>
      %mul3A_293 = arith.constant 2.000000e-01 : f32
      %mul3A_294 = vector.broadcast %mul3A_293 : f32 to vector<16xf32>
      %mul3A_295 = arith.mulf %mul3A_294, %add3A_289 : vector<16xf32>
      %select_n3A_296 = arith.select %gt3A_292, %add3A_289, %mul3A_295 : vector<16xi1>, vector<16xf32>
      %sub3A_297 = arith.subf %select_n3A_296, %get3A_2 : vector<16xf32>
      %exp3A_298 = math.exp %sub3A_297 : vector<16xf32>
      %gather3A_299 = tpu.vector_load_idx %arg11[%get3A_286] : memref<10240xf32, #tpu.memory_space<vmem>>[vector<16xi32>], vector<16xf32>,
      %add3A_300 = arith.constant 1.000000e-16 : f32
      %add3A_301 = vector.broadcast %add3A_300 : f32 to vector<16xf32>
      %add3A_302 = arith.addf %gather3A_299, %add3A_301 : vector<16xf32>
      %div3A_303 = arith.divf %exp3A_298, %add3A_302 : vector<16xf32>
      %swap3A_304 = arith.constant 96 : index
      %swap3A_305 = tpu.vector_load %arg15[%swap3A_304] {strides = array<i32>} : memref<128xf32, #tpu.memory_space<vmem>>, vector<16xf32>,
      tpu.vector_store %arg15[%swap3A_304], %div3A_303 {strides = array<i32>} : memref<128xf32, #tpu.memory_space<vmem>>, vector<16xf32>,
      %get3A_306 = arith.constant 112 : index
      %get3A_307 = tpu.vector_load %arg12[%get3A_306] {strides = array<i32>} : memref<128xi32, #tpu.memory_space<vmem>>, vector<16xi32>,
      %get3A_308 = arith.constant 112 : index
      %get3A_309 = tpu.vector_load %arg13[%get3A_308] {strides = array<i32>} : memref<128xi32, #tpu.memory_space<vmem>>, vector<16xi32>,
      %gather3A_310 = tpu.vector_load_idx %arg9[%get3A_307] : memref<10240xf32, #tpu.memory_space<vmem>>[vector<16xi32>], vector<16xf32>,
      %gather3A_311 = tpu.vector_load_idx %arg10[%get3A_309] : memref<10240xf32, #tpu.memory_space<vmem>>[vector<16xi32>], vector<16xf32>,
      %add3A_312 = arith.addf %gather3A_310, %gather3A_311 : vector<16xf32>
      %gt3A_313 = arith.constant 0.000000e+00 : f32
      %gt3A_314 = vector.broadcast %gt3A_313 : f32 to vector<16xf32>
      %gt3A_315 = arith.cmpf ogt, %add3A_312, %gt3A_314 : vector<16xf32>
      %mul3A_316 = arith.constant 2.000000e-01 : f32
      %mul3A_317 = vector.broadcast %mul3A_316 : f32 to vector<16xf32>
      %mul3A_318 = arith.mulf %mul3A_317, %add3A_312 : vector<16xf32>
      %select_n3A_319 = arith.select %gt3A_315, %add3A_312, %mul3A_318 : vector<16xi1>, vector<16xf32>
      %sub3A_320 = arith.subf %select_n3A_319, %get3A_2 : vector<16xf32>
      %exp3A_321 = math.exp %sub3A_320 : vector<16xf32>
      %gather3A_322 = tpu.vector_load_idx %arg11[%get3A_309] : memref<10240xf32, #tpu.memory_space<vmem>>[vector<16xi32>], vector<16xf32>,
      %add3A_323 = arith.constant 1.000000e-16 : f32
      %add3A_324 = vector.broadcast %add3A_323 : f32 to vector<16xf32>
      %add3A_325 = arith.addf %gather3A_322, %add3A_324 : vector<16xf32>
      %div3A_326 = arith.divf %exp3A_321, %add3A_325 : vector<16xf32>
      %swap3A_327 = arith.constant 112 : index
      %swap3A_328 = tpu.vector_load %arg15[%swap3A_327] {strides = array<i32>} : memref<128xf32, #tpu.memory_space<vmem>>, vector<16xf32>,
      tpu.vector_store %arg15[%swap3A_327], %div3A_326 {strides = array<i32>} : memref<128xf32, #tpu.memory_space<vmem>>, vector<16xf32>,
      %dma_wait3A = arith.constant 0 : i32
      %dma_wait3A_329 = arith.constant 0 : i32
      %dma_wait3A_330 = tpu.memref_slice %arg2[%dma_wait3A, %dma_wait3A_329] : memref<10240x128xf32, #tpu.memory_space<hbm>> -> memref<10240x128xf32, #tpu.memory_space<hbm>>
      tpu.wait_indirect_dma semaphore(%arg20 : memref<!tpu.dma_semaphore, #tpu.memory_space<semaphore_mem>>) src(%dma_wait3A_330 : memref<10240x128xf32, #tpu.memory_space<hbm>>) dst(%arg16 : memref<128x128xf32, #tpu.memory_space<vmem>>)
      %scan3A_331 = arith.constant 0 : i32
      %scan3A_332 = arith.constant 0 : i32
      %scan3A_333 = arith.constant 128 : i32
      %scan3A_334 = arith.addi %scan3A_332, %scan3A_333 : i32
      %scan3A_335 = arith.constant 1 : i32
      scf.for %scan3A_337 = %scan3A_332 to %scan3A_334 step %scan3A_335  : i32 {
        %broadcast_in_dim3A_338 = vector.broadcast %scan3A_337 : i32 to vector<16xi32>
        %gather3A_339 = tpu.vector_load_idx %arg15[%broadcast_in_dim3A_338] : memref<128xf32, #tpu.memory_space<vmem>>[vector<16xi32>], vector<16xf32>,
        %get3A_340 = arith.index_cast %scan3A_337 : i32 to index
        %get3A_341 = arith.constant 0 : index
        %get3A_342 = tpu.vector_load %arg16[%get3A_340, %get3A_341] {strides = array<i32>} : memref<128x128xf32, #tpu.memory_space<vmem>>, vector<16xf32>,
        %mul3A_343 = arith.mulf %get3A_342, %gather3A_339 : vector<16xf32>
        %swap3A_344 = arith.index_cast %scan3A_337 : i32 to index
        %swap3A_345 = arith.constant 0 : index
        %swap3A_346 = tpu.vector_load %arg16[%swap3A_344, %swap3A_345] {strides = array<i32>} : memref<128x128xf32, #tpu.memory_space<vmem>>, vector<16xf32>,
        tpu.vector_store %arg16[%swap3A_344, %swap3A_345], %mul3A_343 {strides = array<i32>} : memref<128x128xf32, #tpu.memory_space<vmem>>, vector<16xf32>,
        %get3A_347 = arith.index_cast %scan3A_337 : i32 to index
        %get3A_348 = arith.constant 16 : index
        %get3A_349 = tpu.vector_load %arg16[%get3A_347, %get3A_348] {strides = array<i32>} : memref<128x128xf32, #tpu.memory_space<vmem>>, vector<16xf32>,
        %mul3A_350 = arith.mulf %get3A_349, %gather3A_339 : vector<16xf32>
        %swap3A_351 = arith.index_cast %scan3A_337 : i32 to index
        %swap3A_352 = arith.constant 16 : index
        %swap3A_353 = tpu.vector_load %arg16[%swap3A_351, %swap3A_352] {strides = array<i32>} : memref<128x128xf32, #tpu.memory_space<vmem>>, vector<16xf32>,
        tpu.vector_store %arg16[%swap3A_351, %swap3A_352], %mul3A_350 {strides = array<i32>} : memref<128x128xf32, #tpu.memory_space<vmem>>, vector<16xf32>,
        %get3A_354 = arith.index_cast %scan3A_337 : i32 to index
        %get3A_355 = arith.constant 32 : index
        %get3A_356 = tpu.vector_load %arg16[%get3A_354, %get3A_355] {strides = array<i32>} : memref<128x128xf32, #tpu.memory_space<vmem>>, vector<16xf32>,
        %mul3A_357 = arith.mulf %get3A_356, %gather3A_339 : vector<16xf32>
        %swap3A_358 = arith.index_cast %scan3A_337 : i32 to index
        %swap3A_359 = arith.constant 32 : index
        %swap3A_360 = tpu.vector_load %arg16[%swap3A_358, %swap3A_359] {strides = array<i32>} : memref<128x128xf32, #tpu.memory_space<vmem>>, vector<16xf32>,
        tpu.vector_store %arg16[%swap3A_358, %swap3A_359], %mul3A_357 {strides = array<i32>} : memref<128x128xf32, #tpu.memory_space<vmem>>, vector<16xf32>,
        %get3A_361 = arith.index_cast %scan3A_337 : i32 to index
        %get3A_362 = arith.constant 48 : index
        %get3A_363 = tpu.vector_load %arg16[%get3A_361, %get3A_362] {strides = array<i32>} : memref<128x128xf32, #tpu.memory_space<vmem>>, vector<16xf32>,
        %mul3A_364 = arith.mulf %get3A_363, %gather3A_339 : vector<16xf32>
        %swap3A_365 = arith.index_cast %scan3A_337 : i32 to index
        %swap3A_366 = arith.constant 48 : index
        %swap3A_367 = tpu.vector_load %arg16[%swap3A_365, %swap3A_366] {strides = array<i32>} : memref<128x128xf32, #tpu.memory_space<vmem>>, vector<16xf32>,
        tpu.vector_store %arg16[%swap3A_365, %swap3A_366], %mul3A_364 {strides = array<i32>} : memref<128x128xf32, #tpu.memory_space<vmem>>, vector<16xf32>,
        %get3A_368 = arith.index_cast %scan3A_337 : i32 to index
        %get3A_369 = arith.constant 64 : index
        %get3A_370 = tpu.vector_load %arg16[%get3A_368, %get3A_369] {strides = array<i32>} : memref<128x128xf32, #tpu.memory_space<vmem>>, vector<16xf32>,
        %mul3A_371 = arith.mulf %get3A_370, %gather3A_339 : vector<16xf32>
        %swap3A_372 = arith.index_cast %scan3A_337 : i32 to index
        %swap3A_373 = arith.constant 64 : index
        %swap3A_374 = tpu.vector_load %arg16[%swap3A_372, %swap3A_373] {strides = array<i32>} : memref<128x128xf32, #tpu.memory_space<vmem>>, vector<16xf32>,
        tpu.vector_store %arg16[%swap3A_372, %swap3A_373], %mul3A_371 {strides = array<i32>} : memref<128x128xf32, #tpu.memory_space<vmem>>, vector<16xf32>,
        %get3A_375 = arith.index_cast %scan3A_337 : i32 to index
        %get3A_376 = arith.constant 80 : index
        %get3A_377 = tpu.vector_load %arg16[%get3A_375, %get3A_376] {strides = array<i32>} : memref<128x128xf32, #tpu.memory_space<vmem>>, vector<16xf32>,
        %mul3A_378 = arith.mulf %get3A_377, %gather3A_339 : vector<16xf32>
        %swap3A_379 = arith.index_cast %scan3A_337 : i32 to index
        %swap3A_380 = arith.constant 80 : index
        %swap3A_381 = tpu.vector_load %arg16[%swap3A_379, %swap3A_380] {strides = array<i32>} : memref<128x128xf32, #tpu.memory_space<vmem>>, vector<16xf32>,
        tpu.vector_store %arg16[%swap3A_379, %swap3A_380], %mul3A_378 {strides = array<i32>} : memref<128x128xf32, #tpu.memory_space<vmem>>, vector<16xf32>,
        %get3A_382 = arith.index_cast %scan3A_337 : i32 to index
        %get3A_383 = arith.constant 96 : index
        %get3A_384 = tpu.vector_load %arg16[%get3A_382, %get3A_383] {strides = array<i32>} : memref<128x128xf32, #tpu.memory_space<vmem>>, vector<16xf32>,
        %mul3A_385 = arith.mulf %get3A_384, %gather3A_339 : vector<16xf32>
        %swap3A_386 = arith.index_cast %scan3A_337 : i32 to index
        %swap3A_387 = arith.constant 96 : index
        %swap3A_388 = tpu.vector_load %arg16[%swap3A_386, %swap3A_387] {strides = array<i32>} : memref<128x128xf32, #tpu.memory_space<vmem>>, vector<16xf32>,
        tpu.vector_store %arg16[%swap3A_386, %swap3A_387], %mul3A_385 {strides = array<i32>} : memref<128x128xf32, #tpu.memory_space<vmem>>, vector<16xf32>,
        %get3A_389 = arith.index_cast %scan3A_337 : i32 to index
        %get3A_390 = arith.constant 112 : index
        %get3A_391 = tpu.vector_load %arg16[%get3A_389, %get3A_390] {strides = array<i32>} : memref<128x128xf32, #tpu.memory_space<vmem>>, vector<16xf32>,
        %mul3A_392 = arith.mulf %get3A_391, %gather3A_339 : vector<16xf32>
        %swap3A_393 = arith.index_cast %scan3A_337 : i32 to index
        %swap3A_394 = arith.constant 112 : index
        %swap3A_395 = tpu.vector_load %arg16[%swap3A_393, %swap3A_394] {strides = array<i32>} : memref<128x128xf32, #tpu.memory_space<vmem>>, vector<16xf32>,
        tpu.vector_store %arg16[%swap3A_393, %swap3A_394], %mul3A_392 {strides = array<i32>} : memref<128x128xf32, #tpu.memory_space<vmem>>, vector<16xf32>,
      }
      %scan3A_336 = arith.constant 128 : i32
      "tpu.region"() ({
        %run_scoped3A_337 = tpu.sem_alloc : memref<!tpu.dma_semaphore, #tpu.memory_space<semaphore_mem>>
        %dma_start3A_338 = arith.constant 0 : i32
        %dma_start3A_339 = arith.constant 0 : i32
        %dma_start3A_340 = tpu.memref_slice %arg18[%dma_start3A_338, %dma_start3A_339] : memref<10240x128xf32, #tpu.memory_space<vmem_shared>> -> memref<10240x128xf32, #tpu.memory_space<vmem_shared>>
        tpu.enqueue_indirect_dma source(%arg16 : memref<128x128xf32, #tpu.memory_space<vmem>>) target(%dma_start3A_340 : memref<10240x128xf32, #tpu.memory_space<vmem_shared>>) offsets(%arg13 : memref<128xi32, #tpu.memory_space<vmem>>) semaphore(%run_scoped3A_337 : memref<!tpu.dma_semaphore, #tpu.memory_space<semaphore_mem>>) {add = true}
        %dma_wait3A_341 = arith.constant 0 : i32
        %dma_wait3A_342 = arith.constant 0 : i32
        %dma_wait3A_343 = tpu.memref_slice %arg18[%dma_wait3A_341, %dma_wait3A_342] : memref<10240x128xf32, #tpu.memory_space<vmem_shared>> -> memref<10240x128xf32, #tpu.memory_space<vmem_shared>>
        tpu.wait_indirect_dma semaphore(%run_scoped3A_337 : memref<!tpu.dma_semaphore, #tpu.memory_space<semaphore_mem>>) src(%arg16 : memref<128x128xf32, #tpu.memory_space<vmem>>) dst(%dma_wait3A_343 : memref<10240x128xf32, #tpu.memory_space<vmem_shared>>)
        tpu.yield
      }) : () -> ()
    }
    %while3A_118 = arith.constant 1 : i32
    scf.for %while3A_140 = %while3A_116 to %while3A_112 step %while3A_118  : i32 {
      %mul3A_141 = arith.constant 16 : i32
      %mul3A_142 = arith.muli %while3A_140, %mul3A_141 : i32
      %mul3A_143 = arith.constant 128 : i32
      %mul3A_144 = arith.muli %mul3A_142, %mul3A_143 : i32
      %add3A_145 = arith.addi %mul3A_78, %mul3A_144 : i32
      "tpu.region"() ({
        %run_scoped3A_337 = tpu.sem_alloc : memref<!tpu.dma_semaphore, #tpu.memory_space<semaphore_mem>>
        %dma_start3A_338 = tpu.memref_slice %arg6[%add3A_145] : memref<320000xi32, #tpu.memory_space<hbm>> -> memref<128xi32, #tpu.memory_space<hbm>>
        %dma_start3A_339 = tpu.memref_slice %arg6[%add3A_145] : memref<320000xi32, #tpu.memory_space<hbm>> -> memref<128xi32, #tpu.memory_space<hbm>>
        tpu.enqueue_dma source(%dma_start3A_339 : memref<128xi32, #tpu.memory_space<hbm>>) target(%arg12 : memref<128xi32, #tpu.memory_space<vmem>>) target_semaphore(%run_scoped3A_337 : memref<!tpu.dma_semaphore, #tpu.memory_space<semaphore_mem>>)
        %dma_wait3A_340 = tpu.memref_slice %arg6[%add3A_145] : memref<320000xi32, #tpu.memory_space<hbm>> -> memref<128xi32, #tpu.memory_space<hbm>>
        %dma_wait3A_341 = tpu.memref_slice %arg6[%add3A_145] : memref<320000xi32, #tpu.memory_space<hbm>> -> memref<128xi32, #tpu.memory_space<hbm>>
        tpu.wait_dma2 semaphore(%run_scoped3A_337 : memref<!tpu.dma_semaphore, #tpu.memory_space<semaphore_mem>>) src(%dma_wait3A_341 : memref<128xi32, #tpu.memory_space<hbm>>) dst(%arg12 : memref<128xi32, #tpu.memory_space<vmem>>)
        tpu.yield
      }) : () -> ()
      "tpu.region"() ({
        %run_scoped3A_337 = tpu.sem_alloc : memref<!tpu.dma_semaphore, #tpu.memory_space<semaphore_mem>>
        %dma_start3A_338 = tpu.memref_slice %arg7[%add3A_145] : memref<320000xi32, #tpu.memory_space<hbm>> -> memref<128xi32, #tpu.memory_space<hbm>>
        %dma_start3A_339 = tpu.memref_slice %arg7[%add3A_145] : memref<320000xi32, #tpu.memory_space<hbm>> -> memref<128xi32, #tpu.memory_space<hbm>>
        tpu.enqueue_dma source(%dma_start3A_339 : memref<128xi32, #tpu.memory_space<hbm>>) target(%arg13 : memref<128xi32, #tpu.memory_space<vmem>>) target_semaphore(%run_scoped3A_337 : memref<!tpu.dma_semaphore, #tpu.memory_space<semaphore_mem>>)
        %dma_wait3A_340 = tpu.memref_slice %arg7[%add3A_145] : memref<320000xi32, #tpu.memory_space<hbm>> -> memref<128xi32, #tpu.memory_space<hbm>>
        %dma_wait3A_341 = tpu.memref_slice %arg7[%add3A_145] : memref<320000xi32, #tpu.memory_space<hbm>> -> memref<128xi32, #tpu.memory_space<hbm>>
        tpu.wait_dma2 semaphore(%run_scoped3A_337 : memref<!tpu.dma_semaphore, #tpu.memory_space<semaphore_mem>>) src(%dma_wait3A_341 : memref<128xi32, #tpu.memory_space<hbm>>) dst(%arg13 : memref<128xi32, #tpu.memory_space<vmem>>)
        tpu.yield
      }) : () -> ()
      %dma_start3A = arith.constant 0 : i32
      %dma_start3A_146 = arith.constant 0 : i32
      %dma_start3A_147 = tpu.memref_slice %arg2[%dma_start3A, %dma_start3A_146] : memref<10240x128xf32, #tpu.memory_space<hbm>> -> memref<10240x128xf32, #tpu.memory_space<hbm>>
      tpu.enqueue_indirect_dma source(%dma_start3A_147 : memref<10240x128xf32, #tpu.memory_space<hbm>>) target(%arg16 : memref<128x128xf32, #tpu.memory_space<vmem>>) offsets(%arg12 : memref<128xi32, #tpu.memory_space<vmem>>) semaphore(%arg20 : memref<!tpu.dma_semaphore, #tpu.memory_space<semaphore_mem>>)
      %get3A_148 = arith.constant 0 : index
      %get3A_149 = tpu.vector_load %arg12[%get3A_148] {strides = array<i32>} : memref<128xi32, #tpu.memory_space<vmem>>, vector<16xi32>,
      %get3A_150 = arith.constant 0 : index
      %get3A_151 = tpu.vector_load %arg13[%get3A_150] {strides = array<i32>} : memref<128xi32, #tpu.memory_space<vmem>>, vector<16xi32>,
      %gather3A = tpu.vector_load_idx %arg9[%get3A_149] : memref<10240xf32, #tpu.memory_space<vmem>>[vector<16xi32>], vector<16xf32>,
      %gather3A_152 = tpu.vector_load_idx %arg10[%get3A_151] : memref<10240xf32, #tpu.memory_space<vmem>>[vector<16xi32>], vector<16xf32>,
      %add3A_153 = arith.addf %gather3A, %gather3A_152 : vector<16xf32>
      %gt3A = arith.constant 0.000000e+00 : f32
      %gt3A_154 = vector.broadcast %gt3A : f32 to vector<16xf32>
      %gt3A_155 = arith.cmpf ogt, %add3A_153, %gt3A_154 : vector<16xf32>
      %mul3A_156 = arith.constant 2.000000e-01 : f32
      %mul3A_157 = vector.broadcast %mul3A_156 : f32 to vector<16xf32>
      %mul3A_158 = arith.mulf %mul3A_157, %add3A_153 : vector<16xf32>
      %select_n3A_159 = arith.select %gt3A_155, %add3A_153, %mul3A_158 : vector<16xi1>, vector<16xf32>
      %sub3A_160 = arith.subf %select_n3A_159, %get3A_2 : vector<16xf32>
      %exp3A = math.exp %sub3A_160 : vector<16xf32>
      %gather3A_161 = tpu.vector_load_idx %arg11[%get3A_151] : memref<10240xf32, #tpu.memory_space<vmem>>[vector<16xi32>], vector<16xf32>,
      %add3A_162 = arith.constant 1.000000e-16 : f32
      %add3A_163 = vector.broadcast %add3A_162 : f32 to vector<16xf32>
      %add3A_164 = arith.addf %gather3A_161, %add3A_163 : vector<16xf32>
      %div3A_165 = arith.divf %exp3A, %add3A_164 : vector<16xf32>
      %swap3A_166 = arith.constant 0 : index
      %swap3A_167 = tpu.vector_load %arg15[%swap3A_166] {strides = array<i32>} : memref<128xf32, #tpu.memory_space<vmem>>, vector<16xf32>,
      tpu.vector_store %arg15[%swap3A_166], %div3A_165 {strides = array<i32>} : memref<128xf32, #tpu.memory_space<vmem>>, vector<16xf32>,
      %get3A_168 = arith.constant 16 : index
      %get3A_169 = tpu.vector_load %arg12[%get3A_168] {strides = array<i32>} : memref<128xi32, #tpu.memory_space<vmem>>, vector<16xi32>,
      %get3A_170 = arith.constant 16 : index
      %get3A_171 = tpu.vector_load %arg13[%get3A_170] {strides = array<i32>} : memref<128xi32, #tpu.memory_space<vmem>>, vector<16xi32>,
      %gather3A_172 = tpu.vector_load_idx %arg9[%get3A_169] : memref<10240xf32, #tpu.memory_space<vmem>>[vector<16xi32>], vector<16xf32>,
      %gather3A_173 = tpu.vector_load_idx %arg10[%get3A_171] : memref<10240xf32, #tpu.memory_space<vmem>>[vector<16xi32>], vector<16xf32>,
      %add3A_174 = arith.addf %gather3A_172, %gather3A_173 : vector<16xf32>
      %gt3A_175 = arith.constant 0.000000e+00 : f32
      %gt3A_176 = vector.broadcast %gt3A_175 : f32 to vector<16xf32>
      %gt3A_177 = arith.cmpf ogt, %add3A_174, %gt3A_176 : vector<16xf32>
      %mul3A_178 = arith.constant 2.000000e-01 : f32
      %mul3A_179 = vector.broadcast %mul3A_178 : f32 to vector<16xf32>
      %mul3A_180 = arith.mulf %mul3A_179, %add3A_174 : vector<16xf32>
      %select_n3A_181 = arith.select %gt3A_177, %add3A_174, %mul3A_180 : vector<16xi1>, vector<16xf32>
      %sub3A_182 = arith.subf %select_n3A_181, %get3A_2 : vector<16xf32>
      %exp3A_183 = math.exp %sub3A_182 : vector<16xf32>
      %gather3A_184 = tpu.vector_load_idx %arg11[%get3A_171] : memref<10240xf32, #tpu.memory_space<vmem>>[vector<16xi32>], vector<16xf32>,
      %add3A_185 = arith.constant 1.000000e-16 : f32
      %add3A_186 = vector.broadcast %add3A_185 : f32 to vector<16xf32>
      %add3A_187 = arith.addf %gather3A_184, %add3A_186 : vector<16xf32>
      %div3A_188 = arith.divf %exp3A_183, %add3A_187 : vector<16xf32>
      %swap3A_189 = arith.constant 16 : index
      %swap3A_190 = tpu.vector_load %arg15[%swap3A_189] {strides = array<i32>} : memref<128xf32, #tpu.memory_space<vmem>>, vector<16xf32>,
      tpu.vector_store %arg15[%swap3A_189], %div3A_188 {strides = array<i32>} : memref<128xf32, #tpu.memory_space<vmem>>, vector<16xf32>,
      %get3A_191 = arith.constant 32 : index
      %get3A_192 = tpu.vector_load %arg12[%get3A_191] {strides = array<i32>} : memref<128xi32, #tpu.memory_space<vmem>>, vector<16xi32>,
      %get3A_193 = arith.constant 32 : index
      %get3A_194 = tpu.vector_load %arg13[%get3A_193] {strides = array<i32>} : memref<128xi32, #tpu.memory_space<vmem>>, vector<16xi32>,
      %gather3A_195 = tpu.vector_load_idx %arg9[%get3A_192] : memref<10240xf32, #tpu.memory_space<vmem>>[vector<16xi32>], vector<16xf32>,
      %gather3A_196 = tpu.vector_load_idx %arg10[%get3A_194] : memref<10240xf32, #tpu.memory_space<vmem>>[vector<16xi32>], vector<16xf32>,
      %add3A_197 = arith.addf %gather3A_195, %gather3A_196 : vector<16xf32>
      %gt3A_198 = arith.constant 0.000000e+00 : f32
      %gt3A_199 = vector.broadcast %gt3A_198 : f32 to vector<16xf32>
      %gt3A_200 = arith.cmpf ogt, %add3A_197, %gt3A_199 : vector<16xf32>
      %mul3A_201 = arith.constant 2.000000e-01 : f32
      %mul3A_202 = vector.broadcast %mul3A_201 : f32 to vector<16xf32>
      %mul3A_203 = arith.mulf %mul3A_202, %add3A_197 : vector<16xf32>
      %select_n3A_204 = arith.select %gt3A_200, %add3A_197, %mul3A_203 : vector<16xi1>, vector<16xf32>
      %sub3A_205 = arith.subf %select_n3A_204, %get3A_2 : vector<16xf32>
      %exp3A_206 = math.exp %sub3A_205 : vector<16xf32>
      %gather3A_207 = tpu.vector_load_idx %arg11[%get3A_194] : memref<10240xf32, #tpu.memory_space<vmem>>[vector<16xi32>], vector<16xf32>,
      %add3A_208 = arith.constant 1.000000e-16 : f32
      %add3A_209 = vector.broadcast %add3A_208 : f32 to vector<16xf32>
      %add3A_210 = arith.addf %gather3A_207, %add3A_209 : vector<16xf32>
      %div3A_211 = arith.divf %exp3A_206, %add3A_210 : vector<16xf32>
      %swap3A_212 = arith.constant 32 : index
      %swap3A_213 = tpu.vector_load %arg15[%swap3A_212] {strides = array<i32>} : memref<128xf32, #tpu.memory_space<vmem>>, vector<16xf32>,
      tpu.vector_store %arg15[%swap3A_212], %div3A_211 {strides = array<i32>} : memref<128xf32, #tpu.memory_space<vmem>>, vector<16xf32>,
      %get3A_214 = arith.constant 48 : index
      %get3A_215 = tpu.vector_load %arg12[%get3A_214] {strides = array<i32>} : memref<128xi32, #tpu.memory_space<vmem>>, vector<16xi32>,
      %get3A_216 = arith.constant 48 : index
      %get3A_217 = tpu.vector_load %arg13[%get3A_216] {strides = array<i32>} : memref<128xi32, #tpu.memory_space<vmem>>, vector<16xi32>,
      %gather3A_218 = tpu.vector_load_idx %arg9[%get3A_215] : memref<10240xf32, #tpu.memory_space<vmem>>[vector<16xi32>], vector<16xf32>,
      %gather3A_219 = tpu.vector_load_idx %arg10[%get3A_217] : memref<10240xf32, #tpu.memory_space<vmem>>[vector<16xi32>], vector<16xf32>,
      %add3A_220 = arith.addf %gather3A_218, %gather3A_219 : vector<16xf32>
      %gt3A_221 = arith.constant 0.000000e+00 : f32
      %gt3A_222 = vector.broadcast %gt3A_221 : f32 to vector<16xf32>
      %gt3A_223 = arith.cmpf ogt, %add3A_220, %gt3A_222 : vector<16xf32>
      %mul3A_224 = arith.constant 2.000000e-01 : f32
      %mul3A_225 = vector.broadcast %mul3A_224 : f32 to vector<16xf32>
      %mul3A_226 = arith.mulf %mul3A_225, %add3A_220 : vector<16xf32>
      %select_n3A_227 = arith.select %gt3A_223, %add3A_220, %mul3A_226 : vector<16xi1>, vector<16xf32>
      %sub3A_228 = arith.subf %select_n3A_227, %get3A_2 : vector<16xf32>
      %exp3A_229 = math.exp %sub3A_228 : vector<16xf32>
      %gather3A_230 = tpu.vector_load_idx %arg11[%get3A_217] : memref<10240xf32, #tpu.memory_space<vmem>>[vector<16xi32>], vector<16xf32>,
      %add3A_231 = arith.constant 1.000000e-16 : f32
      %add3A_232 = vector.broadcast %add3A_231 : f32 to vector<16xf32>
      %add3A_233 = arith.addf %gather3A_230, %add3A_232 : vector<16xf32>
      %div3A_234 = arith.divf %exp3A_229, %add3A_233 : vector<16xf32>
      %swap3A_235 = arith.constant 48 : index
      %swap3A_236 = tpu.vector_load %arg15[%swap3A_235] {strides = array<i32>} : memref<128xf32, #tpu.memory_space<vmem>>, vector<16xf32>,
      tpu.vector_store %arg15[%swap3A_235], %div3A_234 {strides = array<i32>} : memref<128xf32, #tpu.memory_space<vmem>>, vector<16xf32>,
      %get3A_237 = arith.constant 64 : index
      %get3A_238 = tpu.vector_load %arg12[%get3A_237] {strides = array<i32>} : memref<128xi32, #tpu.memory_space<vmem>>, vector<16xi32>,
      %get3A_239 = arith.constant 64 : index
      %get3A_240 = tpu.vector_load %arg13[%get3A_239] {strides = array<i32>} : memref<128xi32, #tpu.memory_space<vmem>>, vector<16xi32>,
      %gather3A_241 = tpu.vector_load_idx %arg9[%get3A_238] : memref<10240xf32, #tpu.memory_space<vmem>>[vector<16xi32>], vector<16xf32>,
      %gather3A_242 = tpu.vector_load_idx %arg10[%get3A_240] : memref<10240xf32, #tpu.memory_space<vmem>>[vector<16xi32>], vector<16xf32>,
      %add3A_243 = arith.addf %gather3A_241, %gather3A_242 : vector<16xf32>
      %gt3A_244 = arith.constant 0.000000e+00 : f32
      %gt3A_245 = vector.broadcast %gt3A_244 : f32 to vector<16xf32>
      %gt3A_246 = arith.cmpf ogt, %add3A_243, %gt3A_245 : vector<16xf32>
      %mul3A_247 = arith.constant 2.000000e-01 : f32
      %mul3A_248 = vector.broadcast %mul3A_247 : f32 to vector<16xf32>
      %mul3A_249 = arith.mulf %mul3A_248, %add3A_243 : vector<16xf32>
      %select_n3A_250 = arith.select %gt3A_246, %add3A_243, %mul3A_249 : vector<16xi1>, vector<16xf32>
      %sub3A_251 = arith.subf %select_n3A_250, %get3A_2 : vector<16xf32>
      %exp3A_252 = math.exp %sub3A_251 : vector<16xf32>
      %gather3A_253 = tpu.vector_load_idx %arg11[%get3A_240] : memref<10240xf32, #tpu.memory_space<vmem>>[vector<16xi32>], vector<16xf32>,
      %add3A_254 = arith.constant 1.000000e-16 : f32
      %add3A_255 = vector.broadcast %add3A_254 : f32 to vector<16xf32>
      %add3A_256 = arith.addf %gather3A_253, %add3A_255 : vector<16xf32>
      %div3A_257 = arith.divf %exp3A_252, %add3A_256 : vector<16xf32>
      %swap3A_258 = arith.constant 64 : index
      %swap3A_259 = tpu.vector_load %arg15[%swap3A_258] {strides = array<i32>} : memref<128xf32, #tpu.memory_space<vmem>>, vector<16xf32>,
      tpu.vector_store %arg15[%swap3A_258], %div3A_257 {strides = array<i32>} : memref<128xf32, #tpu.memory_space<vmem>>, vector<16xf32>,
      %get3A_260 = arith.constant 80 : index
      %get3A_261 = tpu.vector_load %arg12[%get3A_260] {strides = array<i32>} : memref<128xi32, #tpu.memory_space<vmem>>, vector<16xi32>,
      %get3A_262 = arith.constant 80 : index
      %get3A_263 = tpu.vector_load %arg13[%get3A_262] {strides = array<i32>} : memref<128xi32, #tpu.memory_space<vmem>>, vector<16xi32>,
      %gather3A_264 = tpu.vector_load_idx %arg9[%get3A_261] : memref<10240xf32, #tpu.memory_space<vmem>>[vector<16xi32>], vector<16xf32>,
      %gather3A_265 = tpu.vector_load_idx %arg10[%get3A_263] : memref<10240xf32, #tpu.memory_space<vmem>>[vector<16xi32>], vector<16xf32>,
      %add3A_266 = arith.addf %gather3A_264, %gather3A_265 : vector<16xf32>
      %gt3A_267 = arith.constant 0.000000e+00 : f32
      %gt3A_268 = vector.broadcast %gt3A_267 : f32 to vector<16xf32>
      %gt3A_269 = arith.cmpf ogt, %add3A_266, %gt3A_268 : vector<16xf32>
      %mul3A_270 = arith.constant 2.000000e-01 : f32
      %mul3A_271 = vector.broadcast %mul3A_270 : f32 to vector<16xf32>
      %mul3A_272 = arith.mulf %mul3A_271, %add3A_266 : vector<16xf32>
      %select_n3A_273 = arith.select %gt3A_269, %add3A_266, %mul3A_272 : vector<16xi1>, vector<16xf32>
      %sub3A_274 = arith.subf %select_n3A_273, %get3A_2 : vector<16xf32>
      %exp3A_275 = math.exp %sub3A_274 : vector<16xf32>
      %gather3A_276 = tpu.vector_load_idx %arg11[%get3A_263] : memref<10240xf32, #tpu.memory_space<vmem>>[vector<16xi32>], vector<16xf32>,
      %add3A_277 = arith.constant 1.000000e-16 : f32
      %add3A_278 = vector.broadcast %add3A_277 : f32 to vector<16xf32>
      %add3A_279 = arith.addf %gather3A_276, %add3A_278 : vector<16xf32>
      %div3A_280 = arith.divf %exp3A_275, %add3A_279 : vector<16xf32>
      %swap3A_281 = arith.constant 80 : index
      %swap3A_282 = tpu.vector_load %arg15[%swap3A_281] {strides = array<i32>} : memref<128xf32, #tpu.memory_space<vmem>>, vector<16xf32>,
      tpu.vector_store %arg15[%swap3A_281], %div3A_280 {strides = array<i32>} : memref<128xf32, #tpu.memory_space<vmem>>, vector<16xf32>,
      %get3A_283 = arith.constant 96 : index
      %get3A_284 = tpu.vector_load %arg12[%get3A_283] {strides = array<i32>} : memref<128xi32, #tpu.memory_space<vmem>>, vector<16xi32>,
      %get3A_285 = arith.constant 96 : index
      %get3A_286 = tpu.vector_load %arg13[%get3A_285] {strides = array<i32>} : memref<128xi32, #tpu.memory_space<vmem>>, vector<16xi32>,
      %gather3A_287 = tpu.vector_load_idx %arg9[%get3A_284] : memref<10240xf32, #tpu.memory_space<vmem>>[vector<16xi32>], vector<16xf32>,
      %gather3A_288 = tpu.vector_load_idx %arg10[%get3A_286] : memref<10240xf32, #tpu.memory_space<vmem>>[vector<16xi32>], vector<16xf32>,
      %add3A_289 = arith.addf %gather3A_287, %gather3A_288 : vector<16xf32>
      %gt3A_290 = arith.constant 0.000000e+00 : f32
      %gt3A_291 = vector.broadcast %gt3A_290 : f32 to vector<16xf32>
      %gt3A_292 = arith.cmpf ogt, %add3A_289, %gt3A_291 : vector<16xf32>
      %mul3A_293 = arith.constant 2.000000e-01 : f32
      %mul3A_294 = vector.broadcast %mul3A_293 : f32 to vector<16xf32>
      %mul3A_295 = arith.mulf %mul3A_294, %add3A_289 : vector<16xf32>
      %select_n3A_296 = arith.select %gt3A_292, %add3A_289, %mul3A_295 : vector<16xi1>, vector<16xf32>
      %sub3A_297 = arith.subf %select_n3A_296, %get3A_2 : vector<16xf32>
      %exp3A_298 = math.exp %sub3A_297 : vector<16xf32>
      %gather3A_299 = tpu.vector_load_idx %arg11[%get3A_286] : memref<10240xf32, #tpu.memory_space<vmem>>[vector<16xi32>], vector<16xf32>,
      %add3A_300 = arith.constant 1.000000e-16 : f32
      %add3A_301 = vector.broadcast %add3A_300 : f32 to vector<16xf32>
      %add3A_302 = arith.addf %gather3A_299, %add3A_301 : vector<16xf32>
      %div3A_303 = arith.divf %exp3A_298, %add3A_302 : vector<16xf32>
      %swap3A_304 = arith.constant 96 : index
      %swap3A_305 = tpu.vector_load %arg15[%swap3A_304] {strides = array<i32>} : memref<128xf32, #tpu.memory_space<vmem>>, vector<16xf32>,
      tpu.vector_store %arg15[%swap3A_304], %div3A_303 {strides = array<i32>} : memref<128xf32, #tpu.memory_space<vmem>>, vector<16xf32>,
      %get3A_306 = arith.constant 112 : index
      %get3A_307 = tpu.vector_load %arg12[%get3A_306] {strides = array<i32>} : memref<128xi32, #tpu.memory_space<vmem>>, vector<16xi32>,
      %get3A_308 = arith.constant 112 : index
      %get3A_309 = tpu.vector_load %arg13[%get3A_308] {strides = array<i32>} : memref<128xi32, #tpu.memory_space<vmem>>, vector<16xi32>,
      %gather3A_310 = tpu.vector_load_idx %arg9[%get3A_307] : memref<10240xf32, #tpu.memory_space<vmem>>[vector<16xi32>], vector<16xf32>,
      %gather3A_311 = tpu.vector_load_idx %arg10[%get3A_309] : memref<10240xf32, #tpu.memory_space<vmem>>[vector<16xi32>], vector<16xf32>,
      %add3A_312 = arith.addf %gather3A_310, %gather3A_311 : vector<16xf32>
      %gt3A_313 = arith.constant 0.000000e+00 : f32
      %gt3A_314 = vector.broadcast %gt3A_313 : f32 to vector<16xf32>
      %gt3A_315 = arith.cmpf ogt, %add3A_312, %gt3A_314 : vector<16xf32>
      %mul3A_316 = arith.constant 2.000000e-01 : f32
      %mul3A_317 = vector.broadcast %mul3A_316 : f32 to vector<16xf32>
      %mul3A_318 = arith.mulf %mul3A_317, %add3A_312 : vector<16xf32>
      %select_n3A_319 = arith.select %gt3A_315, %add3A_312, %mul3A_318 : vector<16xi1>, vector<16xf32>
      %sub3A_320 = arith.subf %select_n3A_319, %get3A_2 : vector<16xf32>
      %exp3A_321 = math.exp %sub3A_320 : vector<16xf32>
      %gather3A_322 = tpu.vector_load_idx %arg11[%get3A_309] : memref<10240xf32, #tpu.memory_space<vmem>>[vector<16xi32>], vector<16xf32>,
      %add3A_323 = arith.constant 1.000000e-16 : f32
      %add3A_324 = vector.broadcast %add3A_323 : f32 to vector<16xf32>
      %add3A_325 = arith.addf %gather3A_322, %add3A_324 : vector<16xf32>
      %div3A_326 = arith.divf %exp3A_321, %add3A_325 : vector<16xf32>
      %swap3A_327 = arith.constant 112 : index
      %swap3A_328 = tpu.vector_load %arg15[%swap3A_327] {strides = array<i32>} : memref<128xf32, #tpu.memory_space<vmem>>, vector<16xf32>,
      tpu.vector_store %arg15[%swap3A_327], %div3A_326 {strides = array<i32>} : memref<128xf32, #tpu.memory_space<vmem>>, vector<16xf32>,
      %dma_wait3A = arith.constant 0 : i32
      %dma_wait3A_329 = arith.constant 0 : i32
      %dma_wait3A_330 = tpu.memref_slice %arg2[%dma_wait3A, %dma_wait3A_329] : memref<10240x128xf32, #tpu.memory_space<hbm>> -> memref<10240x128xf32, #tpu.memory_space<hbm>>
      tpu.wait_indirect_dma semaphore(%arg20 : memref<!tpu.dma_semaphore, #tpu.memory_space<semaphore_mem>>) src(%dma_wait3A_330 : memref<10240x128xf32, #tpu.memory_space<hbm>>) dst(%arg16 : memref<128x128xf32, #tpu.memory_space<vmem>>)
      %scan3A_331 = arith.constant 0 : i32
      %scan3A_332 = arith.constant 0 : i32
      %scan3A_333 = arith.constant 128 : i32
      %scan3A_334 = arith.addi %scan3A_332, %scan3A_333 : i32
      %scan3A_335 = arith.constant 1 : i32
      scf.for %scan3A_337 = %scan3A_332 to %scan3A_334 step %scan3A_335  : i32 {
        %broadcast_in_dim3A_338 = vector.broadcast %scan3A_337 : i32 to vector<16xi32>
        %gather3A_339 = tpu.vector_load_idx %arg15[%broadcast_in_dim3A_338] : memref<128xf32, #tpu.memory_space<vmem>>[vector<16xi32>], vector<16xf32>,
        %get3A_340 = arith.index_cast %scan3A_337 : i32 to index
        %get3A_341 = arith.constant 0 : index
        %get3A_342 = tpu.vector_load %arg16[%get3A_340, %get3A_341] {strides = array<i32>} : memref<128x128xf32, #tpu.memory_space<vmem>>, vector<16xf32>,
        %mul3A_343 = arith.mulf %get3A_342, %gather3A_339 : vector<16xf32>
        %swap3A_344 = arith.index_cast %scan3A_337 : i32 to index
        %swap3A_345 = arith.constant 0 : index
        %swap3A_346 = tpu.vector_load %arg16[%swap3A_344, %swap3A_345] {strides = array<i32>} : memref<128x128xf32, #tpu.memory_space<vmem>>, vector<16xf32>,
        tpu.vector_store %arg16[%swap3A_344, %swap3A_345], %mul3A_343 {strides = array<i32>} : memref<128x128xf32, #tpu.memory_space<vmem>>, vector<16xf32>,
        %get3A_347 = arith.index_cast %scan3A_337 : i32 to index
        %get3A_348 = arith.constant 16 : index
        %get3A_349 = tpu.vector_load %arg16[%get3A_347, %get3A_348] {strides = array<i32>} : memref<128x128xf32, #tpu.memory_space<vmem>>, vector<16xf32>,
        %mul3A_350 = arith.mulf %get3A_349, %gather3A_339 : vector<16xf32>
        %swap3A_351 = arith.index_cast %scan3A_337 : i32 to index
        %swap3A_352 = arith.constant 16 : index
        %swap3A_353 = tpu.vector_load %arg16[%swap3A_351, %swap3A_352] {strides = array<i32>} : memref<128x128xf32, #tpu.memory_space<vmem>>, vector<16xf32>,
        tpu.vector_store %arg16[%swap3A_351, %swap3A_352], %mul3A_350 {strides = array<i32>} : memref<128x128xf32, #tpu.memory_space<vmem>>, vector<16xf32>,
        %get3A_354 = arith.index_cast %scan3A_337 : i32 to index
        %get3A_355 = arith.constant 32 : index
        %get3A_356 = tpu.vector_load %arg16[%get3A_354, %get3A_355] {strides = array<i32>} : memref<128x128xf32, #tpu.memory_space<vmem>>, vector<16xf32>,
        %mul3A_357 = arith.mulf %get3A_356, %gather3A_339 : vector<16xf32>
        %swap3A_358 = arith.index_cast %scan3A_337 : i32 to index
        %swap3A_359 = arith.constant 32 : index
        %swap3A_360 = tpu.vector_load %arg16[%swap3A_358, %swap3A_359] {strides = array<i32>} : memref<128x128xf32, #tpu.memory_space<vmem>>, vector<16xf32>,
        tpu.vector_store %arg16[%swap3A_358, %swap3A_359], %mul3A_357 {strides = array<i32>} : memref<128x128xf32, #tpu.memory_space<vmem>>, vector<16xf32>,
        %get3A_361 = arith.index_cast %scan3A_337 : i32 to index
        %get3A_362 = arith.constant 48 : index
        %get3A_363 = tpu.vector_load %arg16[%get3A_361, %get3A_362] {strides = array<i32>} : memref<128x128xf32, #tpu.memory_space<vmem>>, vector<16xf32>,
        %mul3A_364 = arith.mulf %get3A_363, %gather3A_339 : vector<16xf32>
        %swap3A_365 = arith.index_cast %scan3A_337 : i32 to index
        %swap3A_366 = arith.constant 48 : index
        %swap3A_367 = tpu.vector_load %arg16[%swap3A_365, %swap3A_366] {strides = array<i32>} : memref<128x128xf32, #tpu.memory_space<vmem>>, vector<16xf32>,
        tpu.vector_store %arg16[%swap3A_365, %swap3A_366], %mul3A_364 {strides = array<i32>} : memref<128x128xf32, #tpu.memory_space<vmem>>, vector<16xf32>,
        %get3A_368 = arith.index_cast %scan3A_337 : i32 to index
        %get3A_369 = arith.constant 64 : index
        %get3A_370 = tpu.vector_load %arg16[%get3A_368, %get3A_369] {strides = array<i32>} : memref<128x128xf32, #tpu.memory_space<vmem>>, vector<16xf32>,
        %mul3A_371 = arith.mulf %get3A_370, %gather3A_339 : vector<16xf32>
        %swap3A_372 = arith.index_cast %scan3A_337 : i32 to index
        %swap3A_373 = arith.constant 64 : index
        %swap3A_374 = tpu.vector_load %arg16[%swap3A_372, %swap3A_373] {strides = array<i32>} : memref<128x128xf32, #tpu.memory_space<vmem>>, vector<16xf32>,
        tpu.vector_store %arg16[%swap3A_372, %swap3A_373], %mul3A_371 {strides = array<i32>} : memref<128x128xf32, #tpu.memory_space<vmem>>, vector<16xf32>,
        %get3A_375 = arith.index_cast %scan3A_337 : i32 to index
        %get3A_376 = arith.constant 80 : index
        %get3A_377 = tpu.vector_load %arg16[%get3A_375, %get3A_376] {strides = array<i32>} : memref<128x128xf32, #tpu.memory_space<vmem>>, vector<16xf32>,
        %mul3A_378 = arith.mulf %get3A_377, %gather3A_339 : vector<16xf32>
        %swap3A_379 = arith.index_cast %scan3A_337 : i32 to index
        %swap3A_380 = arith.constant 80 : index
        %swap3A_381 = tpu.vector_load %arg16[%swap3A_379, %swap3A_380] {strides = array<i32>} : memref<128x128xf32, #tpu.memory_space<vmem>>, vector<16xf32>,
        tpu.vector_store %arg16[%swap3A_379, %swap3A_380], %mul3A_378 {strides = array<i32>} : memref<128x128xf32, #tpu.memory_space<vmem>>, vector<16xf32>,
        %get3A_382 = arith.index_cast %scan3A_337 : i32 to index
        %get3A_383 = arith.constant 96 : index
        %get3A_384 = tpu.vector_load %arg16[%get3A_382, %get3A_383] {strides = array<i32>} : memref<128x128xf32, #tpu.memory_space<vmem>>, vector<16xf32>,
        %mul3A_385 = arith.mulf %get3A_384, %gather3A_339 : vector<16xf32>
        %swap3A_386 = arith.index_cast %scan3A_337 : i32 to index
        %swap3A_387 = arith.constant 96 : index
        %swap3A_388 = tpu.vector_load %arg16[%swap3A_386, %swap3A_387] {strides = array<i32>} : memref<128x128xf32, #tpu.memory_space<vmem>>, vector<16xf32>,
        tpu.vector_store %arg16[%swap3A_386, %swap3A_387], %mul3A_385 {strides = array<i32>} : memref<128x128xf32, #tpu.memory_space<vmem>>, vector<16xf32>,
        %get3A_389 = arith.index_cast %scan3A_337 : i32 to index
        %get3A_390 = arith.constant 112 : index
        %get3A_391 = tpu.vector_load %arg16[%get3A_389, %get3A_390] {strides = array<i32>} : memref<128x128xf32, #tpu.memory_space<vmem>>, vector<16xf32>,
        %mul3A_392 = arith.mulf %get3A_391, %gather3A_339 : vector<16xf32>
        %swap3A_393 = arith.index_cast %scan3A_337 : i32 to index
        %swap3A_394 = arith.constant 112 : index
        %swap3A_395 = tpu.vector_load %arg16[%swap3A_393, %swap3A_394] {strides = array<i32>} : memref<128x128xf32, #tpu.memory_space<vmem>>, vector<16xf32>,
        tpu.vector_store %arg16[%swap3A_393, %swap3A_394], %mul3A_392 {strides = array<i32>} : memref<128x128xf32, #tpu.memory_space<vmem>>, vector<16xf32>,
      }
      %scan3A_336 = arith.constant 128 : i32
      "tpu.region"() ({
        %run_scoped3A_337 = tpu.sem_alloc : memref<!tpu.dma_semaphore, #tpu.memory_space<semaphore_mem>>
        %dma_start3A_338 = arith.constant 0 : i32
        %dma_start3A_339 = arith.constant 0 : i32
        %dma_start3A_340 = tpu.memref_slice %arg18[%dma_start3A_338, %dma_start3A_339] : memref<10240x128xf32, #tpu.memory_space<vmem_shared>> -> memref<10240x128xf32, #tpu.memory_space<vmem_shared>>
        tpu.enqueue_indirect_dma source(%arg16 : memref<128x128xf32, #tpu.memory_space<vmem>>) target(%dma_start3A_340 : memref<10240x128xf32, #tpu.memory_space<vmem_shared>>) offsets(%arg13 : memref<128xi32, #tpu.memory_space<vmem>>) semaphore(%run_scoped3A_337 : memref<!tpu.dma_semaphore, #tpu.memory_space<semaphore_mem>>) {add = true}
        %dma_wait3A_341 = arith.constant 0 : i32
        %dma_wait3A_342 = arith.constant 0 : i32
        %dma_wait3A_343 = tpu.memref_slice %arg18[%dma_wait3A_341, %dma_wait3A_342] : memref<10240x128xf32, #tpu.memory_space<vmem_shared>> -> memref<10240x128xf32, #tpu.memory_space<vmem_shared>>
        tpu.wait_indirect_dma semaphore(%run_scoped3A_337 : memref<!tpu.dma_semaphore, #tpu.memory_space<semaphore_mem>>) src(%arg16 : memref<128x128xf32, #tpu.memory_space<vmem>>) dst(%dma_wait3A_343 : memref<10240x128xf32, #tpu.memory_space<vmem_shared>>)
        tpu.yield
      }) : () -> ()
    }
    %barrier3A_119 = arith.constant 0 : index
    tpu.barrier barrier_id(%barrier3A_119)
    %mul3A_120 = arith.constant 640 : i32
    %mul3A_121 = arith.muli %arg1, %mul3A_120 : i32
    %add3A_122 = arith.constant 0 : i32
    %add3A_123 = arith.addi %mul3A_121, %add3A_122 : i32
    "tpu.region"() ({
      %run_scoped3A_140 = tpu.sem_alloc : memref<!tpu.dma_semaphore, #tpu.memory_space<semaphore_mem>>
      %dma_start3A = arith.constant 0 : i32
      %dma_start3A_141 = tpu.memref_slice %arg8[%arg0, %add3A_123, %dma_start3A] : memref<2x10240x128xf32, #tpu.memory_space<hbm>> -> memref<1x128x128xf32, #tpu.memory_space<hbm>>
      %dma_start3A_142 = tpu.memref_squeeze %dma_start3A_141 : memref<1x128x128xf32, #tpu.memory_space<hbm>> -> memref<128x128xf32, #tpu.memory_space<hbm>>
      %dma_start3A_143 = arith.constant 0 : i32
      %dma_start3A_144 = tpu.memref_slice %arg18[%add3A_123, %dma_start3A_143] : memref<10240x128xf32, #tpu.memory_space<vmem_shared>> -> memref<128x128xf32, #tpu.memory_space<vmem_shared>>
      tpu.enqueue_dma source(%dma_start3A_144 : memref<128x128xf32, #tpu.memory_space<vmem_shared>>) target(%dma_start3A_142 : memref<128x128xf32, #tpu.memory_space<hbm>>) target_semaphore(%run_scoped3A_140 : memref<!tpu.dma_semaphore, #tpu.memory_space<semaphore_mem>>)
      %dma_wait3A = arith.constant 0 : i32
      %dma_wait3A_145 = tpu.memref_slice %arg8[%arg0, %add3A_123, %dma_wait3A] : memref<2x10240x128xf32, #tpu.memory_space<hbm>> -> memref<1x128x128xf32, #tpu.memory_space<hbm>>
      %dma_wait3A_146 = tpu.memref_squeeze %dma_wait3A_145 : memref<1x128x128xf32, #tpu.memory_space<hbm>> -> memref<128x128xf32, #tpu.memory_space<hbm>>
      %dma_wait3A_147 = arith.constant 0 : i32
      %dma_wait3A_148 = tpu.memref_slice %arg18[%add3A_123, %dma_wait3A_147] : memref<10240x128xf32, #tpu.memory_space<vmem_shared>> -> memref<128x128xf32, #tpu.memory_space<vmem_shared>>
      tpu.wait_dma2 semaphore(%run_scoped3A_140 : memref<!tpu.dma_semaphore, #tpu.memory_space<semaphore_mem>>) src(%dma_wait3A_148 : memref<128x128xf32, #tpu.memory_space<vmem_shared>>) dst(%dma_wait3A_146 : memref<128x128xf32, #tpu.memory_space<hbm>>)
      tpu.yield
    }) : () -> ()
    %mul3A_124 = arith.constant 640 : i32
    %mul3A_125 = arith.muli %arg1, %mul3A_124 : i32
    %add3A_126 = arith.constant 128 : i32
    %add3A_127 = arith.addi %mul3A_125, %add3A_126 : i32
    "tpu.region"() ({
      %run_scoped3A_140 = tpu.sem_alloc : memref<!tpu.dma_semaphore, #tpu.memory_space<semaphore_mem>>
      %dma_start3A = arith.constant 0 : i32
      %dma_start3A_141 = tpu.memref_slice %arg8[%arg0, %add3A_127, %dma_start3A] : memref<2x10240x128xf32, #tpu.memory_space<hbm>> -> memref<1x128x128xf32, #tpu.memory_space<hbm>>
      %dma_start3A_142 = tpu.memref_squeeze %dma_start3A_141 : memref<1x128x128xf32, #tpu.memory_space<hbm>> -> memref<128x128xf32, #tpu.memory_space<hbm>>
      %dma_start3A_143 = arith.constant 0 : i32
      %dma_start3A_144 = tpu.memref_slice %arg18[%add3A_127, %dma_start3A_143] : memref<10240x128xf32, #tpu.memory_space<vmem_shared>> -> memref<128x128xf32, #tpu.memory_space<vmem_shared>>
      tpu.enqueue_dma source(%dma_start3A_144 : memref<128x128xf32, #tpu.memory_space<vmem_shared>>) target(%dma_start3A_142 : memref<128x128xf32, #tpu.memory_space<hbm>>) target_semaphore(%run_scoped3A_140 : memref<!tpu.dma_semaphore, #tpu.memory_space<semaphore_mem>>)
      %dma_wait3A = arith.constant 0 : i32
      %dma_wait3A_145 = tpu.memref_slice %arg8[%arg0, %add3A_127, %dma_wait3A] : memref<2x10240x128xf32, #tpu.memory_space<hbm>> -> memref<1x128x128xf32, #tpu.memory_space<hbm>>
      %dma_wait3A_146 = tpu.memref_squeeze %dma_wait3A_145 : memref<1x128x128xf32, #tpu.memory_space<hbm>> -> memref<128x128xf32, #tpu.memory_space<hbm>>
      %dma_wait3A_147 = arith.constant 0 : i32
      %dma_wait3A_148 = tpu.memref_slice %arg18[%add3A_127, %dma_wait3A_147] : memref<10240x128xf32, #tpu.memory_space<vmem_shared>> -> memref<128x128xf32, #tpu.memory_space<vmem_shared>>
      tpu.wait_dma2 semaphore(%run_scoped3A_140 : memref<!tpu.dma_semaphore, #tpu.memory_space<semaphore_mem>>) src(%dma_wait3A_148 : memref<128x128xf32, #tpu.memory_space<vmem_shared>>) dst(%dma_wait3A_146 : memref<128x128xf32, #tpu.memory_space<hbm>>)
      tpu.yield
    }) : () -> ()
    %mul3A_128 = arith.constant 640 : i32
    %mul3A_129 = arith.muli %arg1, %mul3A_128 : i32
    %add3A_130 = arith.constant 256 : i32
    %add3A_131 = arith.addi %mul3A_129, %add3A_130 : i32
    "tpu.region"() ({
      %run_scoped3A_140 = tpu.sem_alloc : memref<!tpu.dma_semaphore, #tpu.memory_space<semaphore_mem>>
      %dma_start3A = arith.constant 0 : i32
      %dma_start3A_141 = tpu.memref_slice %arg8[%arg0, %add3A_131, %dma_start3A] : memref<2x10240x128xf32, #tpu.memory_space<hbm>> -> memref<1x128x128xf32, #tpu.memory_space<hbm>>
      %dma_start3A_142 = tpu.memref_squeeze %dma_start3A_141 : memref<1x128x128xf32, #tpu.memory_space<hbm>> -> memref<128x128xf32, #tpu.memory_space<hbm>>
      %dma_start3A_143 = arith.constant 0 : i32
      %dma_start3A_144 = tpu.memref_slice %arg18[%add3A_131, %dma_start3A_143] : memref<10240x128xf32, #tpu.memory_space<vmem_shared>> -> memref<128x128xf32, #tpu.memory_space<vmem_shared>>
      tpu.enqueue_dma source(%dma_start3A_144 : memref<128x128xf32, #tpu.memory_space<vmem_shared>>) target(%dma_start3A_142 : memref<128x128xf32, #tpu.memory_space<hbm>>) target_semaphore(%run_scoped3A_140 : memref<!tpu.dma_semaphore, #tpu.memory_space<semaphore_mem>>)
      %dma_wait3A = arith.constant 0 : i32
      %dma_wait3A_145 = tpu.memref_slice %arg8[%arg0, %add3A_131, %dma_wait3A] : memref<2x10240x128xf32, #tpu.memory_space<hbm>> -> memref<1x128x128xf32, #tpu.memory_space<hbm>>
      %dma_wait3A_146 = tpu.memref_squeeze %dma_wait3A_145 : memref<1x128x128xf32, #tpu.memory_space<hbm>> -> memref<128x128xf32, #tpu.memory_space<hbm>>
      %dma_wait3A_147 = arith.constant 0 : i32
      %dma_wait3A_148 = tpu.memref_slice %arg18[%add3A_131, %dma_wait3A_147] : memref<10240x128xf32, #tpu.memory_space<vmem_shared>> -> memref<128x128xf32, #tpu.memory_space<vmem_shared>>
      tpu.wait_dma2 semaphore(%run_scoped3A_140 : memref<!tpu.dma_semaphore, #tpu.memory_space<semaphore_mem>>) src(%dma_wait3A_148 : memref<128x128xf32, #tpu.memory_space<vmem_shared>>) dst(%dma_wait3A_146 : memref<128x128xf32, #tpu.memory_space<hbm>>)
      tpu.yield
    }) : () -> ()
    %mul3A_132 = arith.constant 640 : i32
    %mul3A_133 = arith.muli %arg1, %mul3A_132 : i32
    %add3A_134 = arith.constant 384 : i32
    %add3A_135 = arith.addi %mul3A_133, %add3A_134 : i32
    "tpu.region"() ({
      %run_scoped3A_140 = tpu.sem_alloc : memref<!tpu.dma_semaphore, #tpu.memory_space<semaphore_mem>>
      %dma_start3A = arith.constant 0 : i32
      %dma_start3A_141 = tpu.memref_slice %arg8[%arg0, %add3A_135, %dma_start3A] : memref<2x10240x128xf32, #tpu.memory_space<hbm>> -> memref<1x128x128xf32, #tpu.memory_space<hbm>>
      %dma_start3A_142 = tpu.memref_squeeze %dma_start3A_141 : memref<1x128x128xf32, #tpu.memory_space<hbm>> -> memref<128x128xf32, #tpu.memory_space<hbm>>
      %dma_start3A_143 = arith.constant 0 : i32
      %dma_start3A_144 = tpu.memref_slice %arg18[%add3A_135, %dma_start3A_143] : memref<10240x128xf32, #tpu.memory_space<vmem_shared>> -> memref<128x128xf32, #tpu.memory_space<vmem_shared>>
      tpu.enqueue_dma source(%dma_start3A_144 : memref<128x128xf32, #tpu.memory_space<vmem_shared>>) target(%dma_start3A_142 : memref<128x128xf32, #tpu.memory_space<hbm>>) target_semaphore(%run_scoped3A_140 : memref<!tpu.dma_semaphore, #tpu.memory_space<semaphore_mem>>)
      %dma_wait3A = arith.constant 0 : i32
      %dma_wait3A_145 = tpu.memref_slice %arg8[%arg0, %add3A_135, %dma_wait3A] : memref<2x10240x128xf32, #tpu.memory_space<hbm>> -> memref<1x128x128xf32, #tpu.memory_space<hbm>>
      %dma_wait3A_146 = tpu.memref_squeeze %dma_wait3A_145 : memref<1x128x128xf32, #tpu.memory_space<hbm>> -> memref<128x128xf32, #tpu.memory_space<hbm>>
      %dma_wait3A_147 = arith.constant 0 : i32
      %dma_wait3A_148 = tpu.memref_slice %arg18[%add3A_135, %dma_wait3A_147] : memref<10240x128xf32, #tpu.memory_space<vmem_shared>> -> memref<128x128xf32, #tpu.memory_space<vmem_shared>>
      tpu.wait_dma2 semaphore(%run_scoped3A_140 : memref<!tpu.dma_semaphore, #tpu.memory_space<semaphore_mem>>) src(%dma_wait3A_148 : memref<128x128xf32, #tpu.memory_space<vmem_shared>>) dst(%dma_wait3A_146 : memref<128x128xf32, #tpu.memory_space<hbm>>)
      tpu.yield
    }) : () -> ()
    %mul3A_136 = arith.constant 640 : i32
    %mul3A_137 = arith.muli %arg1, %mul3A_136 : i32
    %add3A_138 = arith.constant 512 : i32
    %add3A_139 = arith.addi %mul3A_137, %add3A_138 : i32
    "tpu.region"() ({
      %run_scoped3A_140 = tpu.sem_alloc : memref<!tpu.dma_semaphore, #tpu.memory_space<semaphore_mem>>
      %dma_start3A = arith.constant 0 : i32
      %dma_start3A_141 = tpu.memref_slice %arg8[%arg0, %add3A_139, %dma_start3A] : memref<2x10240x128xf32, #tpu.memory_space<hbm>> -> memref<1x128x128xf32, #tpu.memory_space<hbm>>
      %dma_start3A_142 = tpu.memref_squeeze %dma_start3A_141 : memref<1x128x128xf32, #tpu.memory_space<hbm>> -> memref<128x128xf32, #tpu.memory_space<hbm>>
      %dma_start3A_143 = arith.constant 0 : i32
      %dma_start3A_144 = tpu.memref_slice %arg18[%add3A_139, %dma_start3A_143] : memref<10240x128xf32, #tpu.memory_space<vmem_shared>> -> memref<128x128xf32, #tpu.memory_space<vmem_shared>>
      tpu.enqueue_dma source(%dma_start3A_144 : memref<128x128xf32, #tpu.memory_space<vmem_shared>>) target(%dma_start3A_142 : memref<128x128xf32, #tpu.memory_space<hbm>>) target_semaphore(%run_scoped3A_140 : memref<!tpu.dma_semaphore, #tpu.memory_space<semaphore_mem>>)
      %dma_wait3A = arith.constant 0 : i32
      %dma_wait3A_145 = tpu.memref_slice %arg8[%arg0, %add3A_139, %dma_wait3A] : memref<2x10240x128xf32, #tpu.memory_space<hbm>> -> memref<1x128x128xf32, #tpu.memory_space<hbm>>
      %dma_wait3A_146 = tpu.memref_squeeze %dma_wait3A_145 : memref<1x128x128xf32, #tpu.memory_space<hbm>> -> memref<128x128xf32, #tpu.memory_space<hbm>>
      %dma_wait3A_147 = arith.constant 0 : i32
      %dma_wait3A_148 = tpu.memref_slice %arg18[%add3A_139, %dma_wait3A_147] : memref<10240x128xf32, #tpu.memory_space<vmem_shared>> -> memref<128x128xf32, #tpu.memory_space<vmem_shared>>
      tpu.wait_dma2 semaphore(%run_scoped3A_140 : memref<!tpu.dma_semaphore, #tpu.memory_space<semaphore_mem>>) src(%dma_wait3A_148 : memref<128x128xf32, #tpu.memory_space<vmem_shared>>) dst(%dma_wait3A_146 : memref<128x128xf32, #tpu.memory_space<hbm>>)
      tpu.yield
    }) : () -> ()
    return
  }
}

module attributes {stable_mosaic.version = 14 : i64} {
  func.func @_tc1_body(%arg0: i32, %arg1: memref<1024x128xf32, #tpu.memory_space<vmem>>, %arg2: memref<128x256xf32, #tpu.memory_space<vmem>>, %arg3: memref<256x128xf32, #tpu.memory_space<vmem>>, %arg4: memref<1024x256xf32, #tpu.memory_space<vmem>>, %arg5: memref<1024x128xf32, #tpu.memory_space<vmem>>) attributes {dimension_semantics = [#tpu.dimension_semantics<arbitrary>], iteration_bounds = array<i64: 10>, scalar_prefetch = 0 : i64, scratch_operands = 0 : i64, tpu.core_type = #tpu.core_type<tc>, window_params = [{transform_indices = @transform_0, window_bounds = array<i64: 1024, 128>}, {pipeline_mode = #tpu.pipeline_mode<synchronous>, transform_indices = @transform_1, window_bounds = array<i64: 128, 256>}, {pipeline_mode = #tpu.pipeline_mode<synchronous>, transform_indices = @transform_2, window_bounds = array<i64: 256, 128>}, {transform_indices = @transform_3, window_bounds = array<i64: 1024, 256>}, {transform_indices = @transform_4, window_bounds = array<i64: 1024, 128>}]} {
    %get3A = arith.constant 0 : index
    %get3A_0 = arith.constant 0 : index
    %get3A_1 = vector.load %arg1[%get3A, %get3A_0] : memref<1024x128xf32, #tpu.memory_space<vmem>>, vector<1024x128xf32>
    %get3A_2 = arith.constant 0 : index
    %get3A_3 = arith.constant 0 : index
    %get3A_4 = vector.load %arg2[%get3A_2, %get3A_3] : memref<128x256xf32, #tpu.memory_space<vmem>>, vector<128x256xf32>
    %dot_general3A = arith.constant dense<0.000000e+00> : vector<1024x256xf32>
    %dot_general3A_5 = tpu.matmul %get3A_1, %get3A_4, %dot_general3A {dimension_numbers = #tpu.dot_dimension_numbers<[1], [0], [0], [1], [0, 0, 1, 1], [], []>, transpose_lhs_hint = false} : vector<1024x128xf32>, vector<128x256xf32>, vector<1024x256xf32> -> vector<1024x256xf32>
    %swap3A = arith.constant 0 : index
    %swap3A_6 = arith.constant 0 : index
    %swap3A_7 = vector.load %arg4[%swap3A, %swap3A_6] : memref<1024x256xf32, #tpu.memory_space<vmem>>, vector<1024x256xf32>
    tpu.vector_store %arg4[%swap3A, %swap3A_6], %dot_general3A_5 {strides = array<i32>} : memref<1024x256xf32, #tpu.memory_space<vmem>>, vector<1024x256xf32>,
    %get3A_8 = arith.constant 0 : index
    %get3A_9 = arith.constant 0 : index
    %get3A_10 = vector.load %arg3[%get3A_8, %get3A_9] : memref<256x128xf32, #tpu.memory_space<vmem>>, vector<256x128xf32>
    %dot_general3A_11 = arith.constant dense<0.000000e+00> : vector<1024x128xf32>
    %dot_general3A_12 = tpu.matmul %dot_general3A_5, %get3A_10, %dot_general3A_11 {dimension_numbers = #tpu.dot_dimension_numbers<[1], [0], [0], [1], [0, 0, 1, 1], [], []>, precision = #tpu.contract_precision<fp32>, transpose_lhs_hint = false} : vector<1024x256xf32>, vector<256x128xf32>, vector<1024x128xf32> -> vector<1024x128xf32>
    %swap3A_13 = arith.constant 0 : index
    %swap3A_14 = arith.constant 0 : index
    %swap3A_15 = vector.load %arg5[%swap3A_13, %swap3A_14] : memref<1024x128xf32, #tpu.memory_space<vmem>>, vector<1024x128xf32>
    tpu.vector_store %arg5[%swap3A_13, %swap3A_14], %dot_general3A_12 {strides = array<i32>} : memref<1024x128xf32, #tpu.memory_space<vmem>>, vector<1024x128xf32>,
    return
  }
  func.func @transform_0(%arg0: i32) -> (i32, i32) {
    %c0_i32 = arith.constant 0 : i32
    %c0_i32_0 = arith.constant 0 : i32
    return %arg0, %c0_i32 : i32, i32
  }
  func.func @transform_1(%arg0: i32) -> (i32, i32) {
    %c0_i32 = arith.constant 0 : i32
    %c0_i32_0 = arith.constant 0 : i32
    %c0_i32_1 = arith.constant 0 : i32
    return %c0_i32, %c0_i32_0 : i32, i32
  }
  func.func @transform_2(%arg0: i32) -> (i32, i32) {
    %c0_i32 = arith.constant 0 : i32
    %c0_i32_0 = arith.constant 0 : i32
    %c0_i32_1 = arith.constant 0 : i32
    return %c0_i32, %c0_i32_0 : i32, i32
  }
  func.func @transform_3(%arg0: i32) -> (i32, i32) {
    %c0_i32 = arith.constant 0 : i32
    %c0_i32_0 = arith.constant 0 : i32
    return %arg0, %c0_i32 : i32, i32
  }
  func.func @transform_4(%arg0: i32) -> (i32, i32) {
    %c0_i32 = arith.constant 0 : i32
    %c0_i32_0 = arith.constant 0 : i32
    return %arg0, %c0_i32 : i32, i32
  }
}

module attributes {stable_mosaic.version = 14 : i64} {
  func.func @_tc2_body(%arg0: i32, %arg1: memref<1024x128xf32, #tpu.memory_space<vmem>>, %arg2: memref<1024x128xf32, #tpu.memory_space<vmem>>, %arg3: memref<1x128xf32, #tpu.memory_space<vmem>>, %arg4: memref<128x128xf32, #tpu.memory_space<vmem>>, %arg5: memref<128x128xf32, #tpu.memory_space<vmem>>, %arg6: memref<1024x128xf32, #tpu.memory_space<vmem>>, %arg7: memref<1024x128xf32, #tpu.memory_space<vmem>>) attributes {dimension_semantics = [#tpu.dimension_semantics<arbitrary>], iteration_bounds = array<i64: 10>, scalar_prefetch = 0 : i64, scratch_operands = 0 : i64, tpu.core_type = #tpu.core_type<tc>, window_params = [{transform_indices = @transform_0, window_bounds = array<i64: 1024, 128>}, {transform_indices = @transform_1, window_bounds = array<i64: 1024, 128>}, {pipeline_mode = #tpu.pipeline_mode<synchronous>, transform_indices = @transform_2, window_bounds = array<i64: 1, 128>}, {pipeline_mode = #tpu.pipeline_mode<synchronous>, transform_indices = @transform_3, window_bounds = array<i64: 128, 128>}, {pipeline_mode = #tpu.pipeline_mode<synchronous>, transform_indices = @transform_4, window_bounds = array<i64: 128, 128>}, {transform_indices = @transform_5, window_bounds = array<i64: 1024, 128>}, {transform_indices = @transform_6, window_bounds = array<i64: 1024, 128>}]} {
    %get3A = arith.constant 0 : index
    %get3A_0 = arith.constant 0 : index
    %get3A_1 = vector.load %arg1[%get3A, %get3A_0] : memref<1024x128xf32, #tpu.memory_space<vmem>>, vector<1024x128xf32>
    %get3A_2 = arith.constant 0 : index
    %get3A_3 = arith.constant 0 : index
    %get3A_4 = vector.load %arg2[%get3A_2, %get3A_3] : memref<1024x128xf32, #tpu.memory_space<vmem>>, vector<1024x128xf32>
    %add3A = arith.addf %get3A_1, %get3A_4 : vector<1024x128xf32>
    %mul3A = arith.constant 5.000000e-01 : f32
    %mul3A_5 = vector.broadcast %mul3A : f32 to vector<1024x128xf32>
    %mul3A_6 = arith.mulf %mul3A_5, %add3A : vector<1024x128xf32>
    %get3A_7 = arith.constant 0 : index
    %get3A_8 = arith.constant 0 : index
    %get3A_9 = vector.load %arg3[%get3A_7, %get3A_8] : memref<1x128xf32, #tpu.memory_space<vmem>>, vector<1x128xf32>
    %add3A_10 = vector.broadcast %get3A_9 : vector<1x128xf32> to vector<1024x128xf32>
    %add3A_11 = arith.addf %mul3A_6, %add3A_10 : vector<1024x128xf32>
    %gt3A = arith.constant 0.000000e+00 : f32
    %gt3A_12 = vector.broadcast %gt3A : f32 to vector<1024x128xf32>
    %gt3A_13 = arith.cmpf ogt, %add3A_11, %gt3A_12 : vector<1024x128xf32>
    %exp3A = math.exp %add3A_11 : vector<1024x128xf32>
    %sub3A = arith.constant 1.000000e+00 : f32
    %sub3A_14 = vector.broadcast %sub3A : f32 to vector<1024x128xf32>
    %sub3A_15 = arith.subf %exp3A, %sub3A_14 : vector<1024x128xf32>
    %select_n3A = arith.select %gt3A_13, %add3A_11, %sub3A_15 : vector<1024x128xi1>, vector<1024x128xf32>
    %get3A_16 = arith.constant 0 : index
    %get3A_17 = arith.constant 0 : index
    %get3A_18 = vector.load %arg4[%get3A_16, %get3A_17] : memref<128x128xf32, #tpu.memory_space<vmem>>, vector<128x128xf32>
    %dot_general3A = arith.constant dense<0.000000e+00> : vector<1024x128xf32>
    %dot_general3A_19 = tpu.matmul %select_n3A, %get3A_18, %dot_general3A {dimension_numbers = #tpu.dot_dimension_numbers<[1], [0], [0], [1], [0, 0, 1, 1], [], []>, transpose_lhs_hint = false} : vector<1024x128xf32>, vector<128x128xf32>, vector<1024x128xf32> -> vector<1024x128xf32>
    %swap3A = arith.constant 0 : index
    %swap3A_20 = arith.constant 0 : index
    %swap3A_21 = vector.load %arg6[%swap3A, %swap3A_20] : memref<1024x128xf32, #tpu.memory_space<vmem>>, vector<1024x128xf32>
    tpu.vector_store %arg6[%swap3A, %swap3A_20], %dot_general3A_19 {strides = array<i32>} : memref<1024x128xf32, #tpu.memory_space<vmem>>, vector<1024x128xf32>,
    %get3A_22 = arith.constant 0 : index
    %get3A_23 = arith.constant 0 : index
    %get3A_24 = vector.load %arg5[%get3A_22, %get3A_23] : memref<128x128xf32, #tpu.memory_space<vmem>>, vector<128x128xf32>
    %dot_general3A_25 = arith.constant dense<0.000000e+00> : vector<1024x128xf32>
    %dot_general3A_26 = tpu.matmul %dot_general3A_19, %get3A_24, %dot_general3A_25 {dimension_numbers = #tpu.dot_dimension_numbers<[1], [0], [0], [1], [0, 0, 1, 1], [], []>, precision = #tpu.contract_precision<fp32>, transpose_lhs_hint = false} : vector<1024x128xf32>, vector<128x128xf32>, vector<1024x128xf32> -> vector<1024x128xf32>
    %swap3A_27 = arith.constant 0 : index
    %swap3A_28 = arith.constant 0 : index
    %swap3A_29 = vector.load %arg7[%swap3A_27, %swap3A_28] : memref<1024x128xf32, #tpu.memory_space<vmem>>, vector<1024x128xf32>
    tpu.vector_store %arg7[%swap3A_27, %swap3A_28], %dot_general3A_26 {strides = array<i32>} : memref<1024x128xf32, #tpu.memory_space<vmem>>, vector<1024x128xf32>,
    return
  }
  func.func @transform_0(%arg0: i32) -> (i32, i32) {
    %c0_i32 = arith.constant 0 : i32
    %c0_i32_0 = arith.constant 0 : i32
    return %arg0, %c0_i32 : i32, i32
  }
  func.func @transform_1(%arg0: i32) -> (i32, i32) {
    %c0_i32 = arith.constant 0 : i32
    %c0_i32_0 = arith.constant 0 : i32
    return %arg0, %c0_i32 : i32, i32
  }
  func.func @transform_2(%arg0: i32) -> (i32, i32) {
    %c0_i32 = arith.constant 0 : i32
    %c0_i32_0 = arith.constant 0 : i32
    %c0_i32_1 = arith.constant 0 : i32
    return %c0_i32, %c0_i32_0 : i32, i32
  }
  func.func @transform_3(%arg0: i32) -> (i32, i32) {
    %c0_i32 = arith.constant 0 : i32
    %c0_i32_0 = arith.constant 0 : i32
    %c0_i32_1 = arith.constant 0 : i32
    return %c0_i32, %c0_i32_0 : i32, i32
  }
  func.func @transform_4(%arg0: i32) -> (i32, i32) {
    %c0_i32 = arith.constant 0 : i32
    %c0_i32_0 = arith.constant 0 : i32
    %c0_i32_1 = arith.constant 0 : i32
    return %c0_i32, %c0_i32_0 : i32, i32
  }
  func.func @transform_5(%arg0: i32) -> (i32, i32) {
    %c0_i32 = arith.constant 0 : i32
    %c0_i32_0 = arith.constant 0 : i32
    return %arg0, %c0_i32 : i32, i32
  }
  func.func @transform_6(%arg0: i32) -> (i32, i32) {
    %c0_i32 = arith.constant 0 : i32
    %c0_i32_0 = arith.constant 0 : i32
    return %arg0, %c0_i32 : i32, i32
  }
}

module attributes {stable_mosaic.version = 14 : i64} {
  func.func @_tc3_body(%arg0: i32, %arg1: memref<1024x128xf32, #tpu.memory_space<vmem>>, %arg2: memref<1024x128xf32, #tpu.memory_space<vmem>>, %arg3: memref<1x128xf32, #tpu.memory_space<vmem>>, %arg4: memref<1024x1xi32, #tpu.memory_space<vmem>>, %arg5: memref<128x128xf32, #tpu.memory_space<vmem>>, %arg6: memref<1x128xf32, #tpu.memory_space<vmem>>, %arg7: memref<128x128xf32, #tpu.memory_space<vmem>>, %arg8: memref<1x128xf32, #tpu.memory_space<vmem>>, %arg9: memref<16x128xf32, #tpu.memory_space<vmem>>, %arg10: memref<16x128xf32, #tpu.memory_space<vmem>>, %arg11: memref<16x128xf32, #tpu.memory_space<vmem>>) attributes {dimension_semantics = [#tpu.dimension_semantics<arbitrary>], iteration_bounds = array<i64: 10>, scalar_prefetch = 0 : i64, scratch_operands = 2 : i64, tpu.core_type = #tpu.core_type<tc>, window_params = [{transform_indices = @transform_0, window_bounds = array<i64: 1024, 128>}, {transform_indices = @transform_1, window_bounds = array<i64: 1024, 128>}, {pipeline_mode = #tpu.pipeline_mode<synchronous>, transform_indices = @transform_2, window_bounds = array<i64: 1, 128>}, {transform_indices = @transform_3, window_bounds = array<i64: 1024, 1>}, {pipeline_mode = #tpu.pipeline_mode<synchronous>, transform_indices = @transform_4, window_bounds = array<i64: 128, 128>}, {pipeline_mode = #tpu.pipeline_mode<synchronous>, transform_indices = @transform_5, window_bounds = array<i64: 1, 128>}, {pipeline_mode = #tpu.pipeline_mode<synchronous>, transform_indices = @transform_6, window_bounds = array<i64: 128, 128>}, {pipeline_mode = #tpu.pipeline_mode<synchronous>, transform_indices = @transform_7, window_bounds = array<i64: 1, 128>}, {pipeline_mode = #tpu.pipeline_mode<synchronous>, transform_indices = @transform_8, window_bounds = array<i64: 16, 128>}]} {
    %eq3A = arith.constant 0 : i32
    %eq3A_0 = arith.cmpi eq, %arg0, %eq3A : i32
    %convert_element_type3A = arith.extui %eq3A_0 : i1 to i32
    %cond3A = arith.constant 0 : i32
    %cond3A_1 = arith.cmpi ne, %convert_element_type3A, %cond3A : i32
    scf.if %cond3A_1 {
      %broadcast_in_dim3A_46 = arith.constant 0.000000e+00 : f32
      %broadcast_in_dim3A_47 = vector.broadcast %broadcast_in_dim3A_46 : f32 to vector<16x128xf32>
      %swap3A_48 = arith.constant 0 : index
      %swap3A_49 = arith.constant 0 : index
      %swap3A_50 = vector.load %arg10[%swap3A_48, %swap3A_49] : memref<16x128xf32, #tpu.memory_space<vmem>>, vector<16x128xf32>
      tpu.vector_store %arg10[%swap3A_48, %swap3A_49], %broadcast_in_dim3A_47 {strides = array<i32>} : memref<16x128xf32, #tpu.memory_space<vmem>>, vector<16x128xf32>,
      %broadcast_in_dim3A_51 = arith.constant 0.000000e+00 : f32
      %broadcast_in_dim3A_52 = vector.broadcast %broadcast_in_dim3A_51 : f32 to vector<16x128xf32>
      %swap3A_53 = arith.constant 0 : index
      %swap3A_54 = arith.constant 0 : index
      %swap3A_55 = vector.load %arg11[%swap3A_53, %swap3A_54] : memref<16x128xf32, #tpu.memory_space<vmem>>, vector<16x128xf32>
      tpu.vector_store %arg11[%swap3A_53, %swap3A_54], %broadcast_in_dim3A_52 {strides = array<i32>} : memref<16x128xf32, #tpu.memory_space<vmem>>, vector<16x128xf32>,
    } else {
    }
    %get3A = arith.constant 0 : index
    %get3A_2 = arith.constant 0 : index
    %get3A_3 = vector.load %arg1[%get3A, %get3A_2] : memref<1024x128xf32, #tpu.memory_space<vmem>>, vector<1024x128xf32>
    %get3A_4 = arith.constant 0 : index
    %get3A_5 = arith.constant 0 : index
    %get3A_6 = vector.load %arg2[%get3A_4, %get3A_5] : memref<1024x128xf32, #tpu.memory_space<vmem>>, vector<1024x128xf32>
    %add3A = arith.addf %get3A_3, %get3A_6 : vector<1024x128xf32>
    %get3A_7 = arith.constant 0 : index
    %get3A_8 = arith.constant 0 : index
    %get3A_9 = vector.load %arg3[%get3A_7, %get3A_8] : memref<1x128xf32, #tpu.memory_space<vmem>>, vector<1x128xf32>
    %add3A_10 = vector.broadcast %get3A_9 : vector<1x128xf32> to vector<1024x128xf32>
    %add3A_11 = arith.addf %add3A, %add3A_10 : vector<1024x128xf32>
    %gt3A = arith.constant 0.000000e+00 : f32
    %gt3A_12 = vector.broadcast %gt3A : f32 to vector<1024x128xf32>
    %gt3A_13 = arith.cmpf ogt, %add3A_11, %gt3A_12 : vector<1024x128xf32>
    %exp3A = math.exp %add3A_11 : vector<1024x128xf32>
    %sub3A = arith.constant 1.000000e+00 : f32
    %sub3A_14 = vector.broadcast %sub3A : f32 to vector<1024x128xf32>
    %sub3A_15 = arith.subf %exp3A, %sub3A_14 : vector<1024x128xf32>
    %select_n3A = arith.select %gt3A_13, %add3A_11, %sub3A_15 : vector<1024x128xi1>, vector<1024x128xf32>
    %get3A_16 = arith.constant 0 : index
    %get3A_17 = arith.constant 0 : index
    %get3A_18 = vector.load %arg4[%get3A_16, %get3A_17] : memref<1024x1xi32, #tpu.memory_space<vmem>>, vector<1024x1xi32>
    %iota3A = tpu.iota {dimensions = array<i32: 1>} : vector<1x16xi32>
    %eq3A_19 = vector.broadcast %get3A_18 : vector<1024x1xi32> to vector<1024x16xi32>
    %eq3A_20 = vector.broadcast %iota3A : vector<1x16xi32> to vector<1024x16xi32>
    %eq3A_21 = arith.cmpi eq, %eq3A_19, %eq3A_20 : vector<1024x16xi32>
    %convert_element_type3A_22 = arith.extui %eq3A_21 : vector<1024x16xi1> to vector<1024x16xi32>
    %convert_element_type3A_23 = arith.sitofp %convert_element_type3A_22 : vector<1024x16xi32> to vector<1024x16xf32>
    %get3A_24 = arith.constant 0 : index
    %get3A_25 = arith.constant 0 : index
    %get3A_26 = vector.load %arg10[%get3A_24, %get3A_25] : memref<16x128xf32, #tpu.memory_space<vmem>>, vector<16x128xf32>
    %dot_general3A = arith.constant dense<0.000000e+00> : vector<16x128xf32>
    %dot_general3A_27 = tpu.matmul %convert_element_type3A_23, %select_n3A, %dot_general3A {dimension_numbers = #tpu.dot_dimension_numbers<[0], [0], [1], [1], [0, 1, 1, 1], [], []>, precision = #tpu.contract_precision<fp32>, transpose_lhs_hint = false} : vector<1024x16xf32>, vector<1024x128xf32>, vector<16x128xf32> -> vector<16x128xf32>
    %add3A_28 = arith.addf %get3A_26, %dot_general3A_27 : vector<16x128xf32>
    %swap3A = arith.constant 0 : index
    %swap3A_29 = arith.constant 0 : index
    %swap3A_30 = vector.load %arg10[%swap3A, %swap3A_29] : memref<16x128xf32, #tpu.memory_space<vmem>>, vector<16x128xf32>
    tpu.vector_store %arg10[%swap3A, %swap3A_29], %add3A_28 {strides = array<i32>} : memref<16x128xf32, #tpu.memory_space<vmem>>, vector<16x128xf32>,
    %get3A_31 = arith.constant 0 : index
    %get3A_32 = arith.constant 0 : index
    %get3A_33 = vector.load %arg11[%get3A_31, %get3A_32] : memref<16x128xf32, #tpu.memory_space<vmem>>, vector<16x128xf32>
    %broadcast_in_dim3A = arith.constant 1.000000e+00 : f32
    %broadcast_in_dim3A_34 = vector.broadcast %broadcast_in_dim3A : f32 to vector<1024x128xf32>
    %dot_general3A_35 = arith.constant dense<0.000000e+00> : vector<16x128xf32>
    %dot_general3A_36 = tpu.matmul %convert_element_type3A_23, %broadcast_in_dim3A_34, %dot_general3A_35 {dimension_numbers = #tpu.dot_dimension_numbers<[0], [0], [1], [1], [0, 1, 1, 1], [], []>, precision = #tpu.contract_precision<fp32>, transpose_lhs_hint = false} : vector<1024x16xf32>, vector<1024x128xf32>, vector<16x128xf32> -> vector<16x128xf32>
    %add3A_37 = arith.addf %get3A_33, %dot_general3A_36 : vector<16x128xf32>
    %swap3A_38 = arith.constant 0 : index
    %swap3A_39 = arith.constant 0 : index
    %swap3A_40 = vector.load %arg11[%swap3A_38, %swap3A_39] : memref<16x128xf32, #tpu.memory_space<vmem>>, vector<16x128xf32>
    tpu.vector_store %arg11[%swap3A_38, %swap3A_39], %add3A_37 {strides = array<i32>} : memref<16x128xf32, #tpu.memory_space<vmem>>, vector<16x128xf32>,
    %eq3A_41 = arith.constant 9 : i32
    %eq3A_42 = arith.cmpi eq, %arg0, %eq3A_41 : i32
    %convert_element_type3A_43 = arith.extui %eq3A_42 : i1 to i32
    %cond3A_44 = arith.constant 0 : i32
    %cond3A_45 = arith.cmpi ne, %convert_element_type3A_43, %cond3A_44 : i32
    scf.if %cond3A_45 {
      %get3A_46 = arith.constant 0 : index
      %get3A_47 = arith.constant 0 : index
      %get3A_48 = vector.load %arg10[%get3A_46, %get3A_47] : memref<16x128xf32, #tpu.memory_space<vmem>>, vector<16x128xf32>
      %get3A_49 = arith.constant 0 : index
      %get3A_50 = arith.constant 0 : index
      %get3A_51 = vector.load %arg11[%get3A_49, %get3A_50] : memref<16x128xf32, #tpu.memory_space<vmem>>, vector<16x128xf32>
      %max3A = arith.constant 1.000000e+00 : f32
      %max3A_52 = vector.broadcast %max3A : f32 to vector<16x128xf32>
      %max3A_53 = arith.maximumf %get3A_51, %max3A_52 : vector<16x128xf32>
      %div3A = arith.divf %get3A_48, %max3A_53 : vector<16x128xf32>
      %get3A_54 = arith.constant 0 : index
      %get3A_55 = arith.constant 0 : index
      %get3A_56 = vector.load %arg5[%get3A_54, %get3A_55] : memref<128x128xf32, #tpu.memory_space<vmem>>, vector<128x128xf32>
      %dot_general3A_57 = arith.constant dense<0.000000e+00> : vector<16x128xf32>
      %dot_general3A_58 = tpu.matmul %div3A, %get3A_56, %dot_general3A_57 {dimension_numbers = #tpu.dot_dimension_numbers<[1], [0], [0], [1], [0, 0, 1, 1], [], []>, transpose_lhs_hint = false} : vector<16x128xf32>, vector<128x128xf32>, vector<16x128xf32> -> vector<16x128xf32>
      %get3A_59 = arith.constant 0 : index
      %get3A_60 = arith.constant 0 : index
      %get3A_61 = vector.load %arg6[%get3A_59, %get3A_60] : memref<1x128xf32, #tpu.memory_space<vmem>>, vector<1x128xf32>
      %add3A_62 = vector.broadcast %get3A_61 : vector<1x128xf32> to vector<16x128xf32>
      %add3A_63 = arith.addf %dot_general3A_58, %add3A_62 : vector<16x128xf32>
      %max3A_64 = arith.constant 0.000000e+00 : f32
      %max3A_65 = vector.broadcast %max3A_64 : f32 to vector<16x128xf32>
      %max3A_66 = arith.maximumf %add3A_63, %max3A_65 : vector<16x128xf32>
      %get3A_67 = arith.constant 0 : index
      %get3A_68 = arith.constant 0 : index
      %get3A_69 = vector.load %arg7[%get3A_67, %get3A_68] : memref<128x128xf32, #tpu.memory_space<vmem>>, vector<128x128xf32>
      %dot_general3A_70 = arith.constant dense<0.000000e+00> : vector<16x128xf32>
      %dot_general3A_71 = tpu.matmul %max3A_66, %get3A_69, %dot_general3A_70 {dimension_numbers = #tpu.dot_dimension_numbers<[1], [0], [0], [1], [0, 0, 1, 1], [], []>, transpose_lhs_hint = false} : vector<16x128xf32>, vector<128x128xf32>, vector<16x128xf32> -> vector<16x128xf32>
      %get3A_72 = arith.constant 0 : index
      %get3A_73 = arith.constant 0 : index
      %get3A_74 = vector.load %arg8[%get3A_72, %get3A_73] : memref<1x128xf32, #tpu.memory_space<vmem>>, vector<1x128xf32>
      %add3A_75 = vector.broadcast %get3A_74 : vector<1x128xf32> to vector<16x128xf32>
      %add3A_76 = arith.addf %dot_general3A_71, %add3A_75 : vector<16x128xf32>
      %swap3A_77 = arith.constant 0 : index
      %swap3A_78 = arith.constant 0 : index
      %swap3A_79 = vector.load %arg9[%swap3A_77, %swap3A_78] : memref<16x128xf32, #tpu.memory_space<vmem>>, vector<16x128xf32>
      tpu.vector_store %arg9[%swap3A_77, %swap3A_78], %add3A_76 {strides = array<i32>} : memref<16x128xf32, #tpu.memory_space<vmem>>, vector<16x128xf32>,
    } else {
    }
    return
  }
  func.func @transform_0(%arg0: i32) -> (i32, i32) {
    %c0_i32 = arith.constant 0 : i32
    %c0_i32_0 = arith.constant 0 : i32
    return %arg0, %c0_i32 : i32, i32
  }
  func.func @transform_1(%arg0: i32) -> (i32, i32) {
    %c0_i32 = arith.constant 0 : i32
    %c0_i32_0 = arith.constant 0 : i32
    return %arg0, %c0_i32 : i32, i32
  }
  func.func @transform_2(%arg0: i32) -> (i32, i32) {
    %c0_i32 = arith.constant 0 : i32
    %c0_i32_0 = arith.constant 0 : i32
    %c0_i32_1 = arith.constant 0 : i32
    return %c0_i32, %c0_i32_0 : i32, i32
  }
  func.func @transform_3(%arg0: i32) -> (i32, i32) {
    %c0_i32 = arith.constant 0 : i32
    %c0_i32_0 = arith.constant 0 : i32
    return %arg0, %c0_i32 : i32, i32
  }
  func.func @transform_4(%arg0: i32) -> (i32, i32) {
    %c0_i32 = arith.constant 0 : i32
    %c0_i32_0 = arith.constant 0 : i32
    %c0_i32_1 = arith.constant 0 : i32
    return %c0_i32, %c0_i32_0 : i32, i32
  }
  func.func @transform_5(%arg0: i32) -> (i32, i32) {
    %c0_i32 = arith.constant 0 : i32
    %c0_i32_0 = arith.constant 0 : i32
    %c0_i32_1 = arith.constant 0 : i32
    return %c0_i32, %c0_i32_0 : i32, i32
  }
  func.func @transform_6(%arg0: i32) -> (i32, i32) {
    %c0_i32 = arith.constant 0 : i32
    %c0_i32_0 = arith.constant 0 : i32
    %c0_i32_1 = arith.constant 0 : i32
    return %c0_i32, %c0_i32_0 : i32, i32
  }
  func.func @transform_7(%arg0: i32) -> (i32, i32) {
    %c0_i32 = arith.constant 0 : i32
    %c0_i32_0 = arith.constant 0 : i32
    %c0_i32_1 = arith.constant 0 : i32
    return %c0_i32, %c0_i32_0 : i32, i32
  }
  func.func @transform_8(%arg0: i32) -> (i32, i32) {
    %c0_i32 = arith.constant 0 : i32
    %c0_i32_0 = arith.constant 0 : i32
    %c0_i32_1 = arith.constant 0 : i32
    return %c0_i32, %c0_i32_0 : i32, i32
  }
}

</mosaic_0001>

<sc_bundles>
// kernel: kernel.10.cloned.1.call-start
scs
__scs_entry_jumppad:
0x0: {  	(pc) =	sbr.rel $0x88, $3  }
0x1: {  	(tag) =	ssettag $0x0;
	lr =	simm.s32 $0x1  }
0x2: {  	[smem:$0x3F92] =	sst lr;
	_ =	strace $0xD0000000  }
0x3: {  	_ = 	snop  }
0x4: {  	_ = 	snop  }
0x5: {  	_ = 	snop  }
0x6: {  	_ = 	snop  }
0x7: {  	_ = 	snop  }
__scs_overlays_trampoline_lowered:
0x8: {  	[smem:$0x3FA1] =	sst s0  }
0x9: {  	[smem:$0x3FA2] =	sst s1  }
0xa: {  	[smem:$0x3FA3] =	sst s2  }
0xb: {  	[smem:$0x3FA4] =	sst s3  }
0xc: {  	[smem:$0x3FA5] =	sst s4  }
0xd: {  	[smem:$0x3FA6] =	sst s5  }
0xe: {  	[smem:$0x3FA7] =	sst s6  }
0xf: {  	[smem:$0x3FA8] =	sst s7  }
0x10: {  	[smem:$0x3FA9] =	sst s8  }
0x11: {  	[smem:$0x3FAA] =	sst s9;
	s0 =	simm.s32 @!p0 $0x0  }
0x12: {  	s1 =	sld [smem:$0x3F90];
	s0 =	simm.s32 @p0 $0x1  }
0x13: {  	[smem:$0x3FAB] =	sst s0;
	s0 =	simm.s32 @!p1 $0x0  }
0x14: {  	s2 =	sld [smem:$0x3F8F];
	s0 =	simm.s32 @p1 $0x1  }
0x15: {  	[smem:$0x3FAC] =	sst s0;
	s0 =	simm.s32 @!p2 $0x0  }
0x16: {  	s3 =	sld [smem:$0x3FDB];
	s0 =	simm.s32 @p2 $0x1  }
0x17: {  	s4 =	simm.s32 $0x1BF5;
	[smem:$0x3FAE] =	sst s0  }
0x18: {  	s0 =	sld [smem:$0x3F91];
	_ =	swait.ge [sflag:s4], $0x0  }
0x19: {  	s7 =	sld [smem:$0x3F92]  }
0x1a: {  	s8 =	sadd.s32 $0xFFFFE003, lr  }
0x1b: {  	s9 =	sadd.s32 $0xFFFFFEF7, lr;
	s5 =	simm.s32 $0xFFFFFFFF;
	p2 =	slt.u32 s8, $0xFFFFF086  }
0x1c: {  	p1 =	slt.u32 s9, $0xF7A;
	s5 =	simm.s32 @!p2 $0x0  }
0x1d: {  	s5 =	simm.s32 @p1 $0x1;
	p0 =	seq.s32 s7, s2  }
0x1e: {  	s7 =	smul.u32 @!p0 $0xF7A, s2;
	p2 =	seq.s32 @!p0 s5, $0x0  }
0x1f: {  	s9 =	smul.u32 $0xF7A, s1;
	s8 =	simm.s32 @!p0 $0x1BF5;
	p2 =	por !p2, p0  }
0x20: {  	[sflag:s8] =	ssyncset.s32 @!p0 $0xFFFFF086;
	s6 =	sadd.s32 @!p0 s3, s7;
	s7 =	simm.s32 @!p0 $0x108  }
0x21: {  	s3 =	sadd.s32 s3, s9;
	s6 =	sadd.s32 @!p0 $0x88, s6;
	s7 =	simm.s32 @p2 $0x1082  }
0x22: {  	[simem:s7], [sflag:s8] =	dma.local @!p0 [hbm:s6], $0xF7A  }
0x23: {  	s9 =	sor.u32 $0xD0000000, s2;
	s6 =	simm.s32 $0x108;
	_ =	swait.ge @!p0 [sflag:s8], $0x0  }
0x24: {  	s3 =	sadd.s32 $0x88, s3;
	s6 =	simm.s32 @!p1 $0x1082;
	[sflag:s4] =	ssyncset.s32 $0xFFFFF086  }
0x25: {  	[simem:s6], [sflag:s4] =	dma.local [hbm:s3], $0xF7A  }
0x26: {  	[smem:$0x3F92] =	sst s1;
	(tag) =	ssettag s2;
	_ =	strace s9  }
0x27: {  	s1 =	sld [smem:$0x3FA2]  }
0x28: {  	s2 =	sld [smem:$0x3FA3]  }
0x29: {  	s4 =	sld [smem:$0x3FA5]  }
0x2a: {  	p0 =	seq.s32 s5, $0x0;
	s5 =	sld [smem:$0x3FA6]  }
0x2b: {  	s6 =	sld [smem:$0x3FA7]  }
0x2c: {  	s7 =	sld [smem:$0x3FA8]  }
0x2d: {  	s3 =	simm.s32 $0x108;
	s8 =	sld [smem:$0x3FA9]  }
0x2e: {  	s3 =	simm.s32 @!p0 $0x1082;
	s9 =	sld [smem:$0x3FAA]  }
0x2f: {  	lr =	sadd.s32 s0, s3;
	s0 =	sld [smem:$0x3FA1]  }
0x30: {  	s3 =	sld [smem:$0x3FA4]  }
0x31: {  	[smem:$0x3FAD] =	sst s10  }
0x32: {  	s10 =	sld [smem:$0x3FAB];
	_ =	sdelay $0x3  }
0x33: {  	p0 =	seq.s32 s10, $0x1;
	s10 =	sld [smem:$0x3FAD];
	_ =	sdelay $0x3  }
0x34: {  	[smem:$0x3FAD] =	sst s10  }
0x35: {  	s10 =	sld [smem:$0x3FAC];
	_ =	sdelay $0x3  }
0x36: {  	p1 =	seq.s32 s10, $0x1;
	s10 =	sld [smem:$0x3FAD];
	_ =	sdelay $0x3  }
0x37: {  	[smem:$0x3FAD] =	sst s10  }
0x38: {  	s10 =	sld [smem:$0x3FAE]  }
0x39: {  	_ = 	snop;
	(pc) =	sbr.ind lr, $3  }
0x3a: {  	_ = 	snop  }
0x3b: {  	_ = 	snop  }
0x3c: {  	p2 =	seq.s32 s10, $0x1;
	s10 =	sld [smem:$0x3FAD]  }
0x3d: {  	_ =	shalt  }
0x3e: {  	_ =	shalt  }
0x3f: {  	_ =	shalt  }
0x40: {  	_ =	shalt  }
0x41: {  	_ =	shalt  }
0x42: {  	_ =	shalt  }
0x43: {  	_ =	shalt  }
0x44: {  	_ =	shalt  }
0x45: {  	_ =	shalt  }
0x46: {  	_ =	shalt  }
0x47: {  	_ =	shalt  }
0x48: {  	_ =	shalt  }
0x49: {  	_ =	shalt  }
0x4a: {  	_ =	shalt  }
0x4b: {  	_ =	shalt  }
0x4c: {  	_ =	shalt  }
0x4d: {  	_ =	shalt  }
0x4e: {  	_ =	shalt  }
0x4f: {  	_ =	shalt  }
0x50: {  	_ =	shalt  }
0x51: {  	_ =	shalt  }
0x52: {  	_ =	shalt  }
0x53: {  	_ =	shalt  }
0x54: {  	_ =	shalt  }
0x55: {  	_ =	shalt  }
0x56: {  	_ =	shalt  }
0x57: {  	_ =	shalt  }
0x58: {  	_ =	shalt  }
0x59: {  	_ =	shalt  }
0x5a: {  	_ =	shalt  }
0x5b: {  	_ =	shalt  }
0x5c: {  	_ =	shalt  }
0x5d: {  	_ =	shalt  }
0x5e: {  	_ =	shalt  }
0x5f: {  	_ =	shalt  }
0x60: {  	_ =	shalt  }
0x61: {  	_ =	shalt  }
0x62: {  	_ =	shalt  }
0x63: {  	_ =	shalt  }
0x64: {  	_ =	shalt  }
0x65: {  	_ =	shalt  }
0x66: {  	_ =	shalt  }
0x67: {  	_ =	shalt  }
0x68: {  	_ =	shalt  }
0x69: {  	_ =	shalt  }
0x6a: {  	_ =	shalt  }
0x6b: {  	_ =	shalt  }
0x6c: {  	_ =	shalt  }
0x6d: {  	_ =	shalt  }
0x6e: {  	_ =	shalt  }
0x6f: {  	_ =	shalt  }
0x70: {  	_ =	shalt  }
0x71: {  	_ =	shalt  }
0x72: {  	_ =	shalt  }
0x73: {  	_ =	shalt  }
0x74: {  	_ =	shalt  }
0x75: {  	_ =	shalt  }
0x76: {  	_ =	shalt  }
0x77: {  	_ =	shalt  }
0x78: {  	_ =	shalt  }
0x79: {  	_ =	shalt  }
0x7a: {  	_ =	shalt  }
0x7b: {  	_ =	shalt  }
0x7c: {  	_ =	shalt  }
0x7d: {  	_ =	shalt  }
0x7e: {  	_ =	shalt  }
0x7f: {  	_ =	shalt  }
0x80: {  	_ =	shalt  }
0x81: {  	_ =	shalt  }
0x82: {  	_ =	shalt  }
0x83: {  	_ =	shalt  }
0x84: {  	_ =	shalt  }
0x85: {  	_ =	shalt  }
0x86: {  	_ =	shalt  }
0x87: {  	_ =	shalt  }
.Lfunc_end0:
.L_simem_size_0:
called_computation.1_lowered:
.L_overlay_start_0:
0x88: {  	s2 =	sld [smem:$0x3FD9]  }
0x89: {  	s3 =	sld [smem:$0x3FFE];
	_ =	sdelay $0x1  }
0x8a: {  	s1 =	srdreg.scid  }
0x8b: {  	s0 =	sand.u32 $0x1, s1  }
0x8c: {  	s17 =	sshll.u32 s0, $0xA;
	s2 =	sadd.s32 s3, s2  }
0x8d: {  	s2 =	sadd.s32 s2, s17  }
0x8e: {  	[smem:$0x3FB9] =	sst s2  }
0x8f: {  	_ = 	snop  }
0x90: {  	s2 =	sld [smem:$0x3FD0];
	(tm) =	ssettm $0x1  }
0x91: {  	s18 =	sld [smem:$0x3FFB];
	_ =	sdelay $0x3  }
0x92: {  	_ =	strace s18  }
0x93: {  	s3 =	sld [smem:$0x3FFC];
	_ =	sdelay $0x3  }
0x94: {  	_ =	strace s3  }
0x95: {  	s3 =	sld [smem:$0x3FFD];
	_ =	sdelay $0x3  }
0x96: {  	_ =	strace s3  }
0x97: {  	_ =	strace $0x8FFFFFFF  }
0x98: {  	s19 =	sld [smem:$0x3FDB];
	_ =	sdelay $0x1  }
0x99: {  	s4 =	simm.s32 $_scs_section_size  }
0x9a: {  	s5 =	simm.s32 $_size__tile_overlayer_lowered;
	s6 =	simm.s32 $_tile_overlayer_lowered  }
0x9b: {  	s22 =	simm.s32 $0x1BFF;
	s21 =	sshll.u32 s6, $0x1;
	s3 =	sadd.s32 s4, s19  }
0x9c: {  	s7 =	simm.s32 $0x0;
	s20 =	sshll.u32 s5, $0x1;
	s5 =	sadd.s32 s21, s3  }
0x9d: {  	[timem:s7], [sflag:s22] =	dma.local [hbm:s5], s20  }
0x9e: {  	_ =	swait.ge [sflag:s22], s20  }
0x9f: {  	s4 =	ssub.s32 $0x0, s20;
	[sflag:s22] =	ssyncset.done $0x0  }
0xa0: {  	[sflag:s22] =	ssyncadd.s32 s4;
	_ =	sdelay $0x1  }
0xa1: {  	s23 =	simm.s32 $0x1B8B  }
0xa2: {  	_ =	swait.ge [sflag:s23], $0x1  }
0xa3: {  	[sflag:s23] =	ssyncset.done $0x0  }
0xa4: {  	s25 =	simm.s32 $0x1B8E;
	s24 =	sld [smem:$0x3FFE];
	[sflag:s23] =	ssyncadd.s32 $0xFFFFFFFF  }
0xa5: {  	s26 =	simm.s32 $execute0_lowered;
	[smem:$0x3FD2] =	sst s25  }
0xa6: {  	s5 =	sshll.u32 s26, $0x1;
	_ =	strace $0x80000049;
	[dreg:$0x1] =	wrdreg $0xFFFFFFFF  }
0xa7: {  	s28 =	simm.s32 $_size_execute0_lowered;
	s3 =	sadd.s32 s3, s5;
	[dreg:$0x0] =	wrdreg $0x0  }
0xa8: {  	s5 =	sshll.u32 s28, $0x1;
	[dreg:$0x2] =	wrdreg s3  }
0xa9: {  	[dreg:$0x3] =	wrdreg s5  }
0xaa: {  	[dreg:$0x4] =	wrdreg $0xC0  }
0xab: {  	_ =	task [dreg:s7], $0x5FFFF  }
0xac: {  	[dreg:$0x1] =	wrdreg $0xFFFFFFFF  }
0xad: {  	[dreg:$0x0] =	wrdreg $0x60  }
0xae: {  	[dreg:$0x2] =	wrdreg s24  }
0xaf: {  	[dreg:$0x3] =	wrdreg s2  }
0xb0: {  	[dreg:$0x4] =	wrdreg $0xBA000  }
0xb1: {  	[dreg:$0x5] =	wrdreg $0x1FA000  }
0xb2: {  	[dreg:$0x6] =	wrdreg $0x9  }
0xb3: {  	_ =	task.clear_ibuf [dreg:s7], $0x7FFFF;
	_ =	strace $0x90000049  }
0xb4: {  	s29 =	simm.s32 $0x9;
	_ =	strace $0x8000004B  }
0xb5: {  	_ =	swait.ge [sflag:s29], $0x1  }
0xb6: {  	[sflag:s29] =	ssyncadd.s32 $0xFFFFFFFF  }
0xb7: {  	_ =	strace $0x9000004B  }
0xb8: {  	_ =	sfence  }
0xb9: {  	s30 =	sld [smem:$0x0];
	_ =	sdelay $0x2  }
0xba: {  	s31 =	sshll.u32 s1, $0xD;
	s1 =	sshrl.u32 s1, $0x2  }
0xbb: {  	s3 =	sand.u32 $0x4000, s31;
	s1 =	sadd.s32 s1, s30  }
0xbc: {  	s0 =	sor.u32 s3, s0;
	s1 =	sshll.u32 s1, $0x11  }
0xbd: {  	s0 =	sor.u32 s1, s0  }
0xbe: {  	s0 =	sadd.s32 $0x8F2B, s0  }
0xbf: {  	[sflag:s0] =	ssyncadd.remote.s32 $0x1  }
0xc0: {  	_ =	sfence.sel $0xFFFF  }
0xc1: {  	[dreg:$0x0] =	wrdreg $0xFFFFFFFF;
	(pc) =	sbr.abs _section_cstart, $3  }
0xc2: {  	[dreg:$0x1] =	wrdreg $0xFFFFFFFF  }
0xc3: {  	_ =	task.clear_ibuf [dreg:s7], $0x2FFFF;
	_ =	strace $0x9FFFFFFF  }
0xc4: {  	(tm) =	ssettm $0x7FFFFFFF  }
0xc5: {  	_ =	shalt  }
tec
execute0_lowered:
.L_overlay_start_1:
0x0: {  	(tag) =	ssettag $0x1  }
0x1: {  	s1 =	rddreg [dreg:$0x0]  }
0x2: {  	s4 =	rddreg [dreg:$0x2]  }
0x3: {  	s5 =	rddreg [dreg:$0x3];
	s21 =	stileid.u32  }
0x4: {  	s0 =	srdreg.scid;
	s2 =	smul.u32 $0x280, s21  }
0x5: {  	s6 =	simm.s32 $0x0;
	s0 =	sand.u32 $0x1, s0;
	s7 =	smul.u32 $0x50000, s21  }
0x6: {  	[smem:$0x7FF] =	sst s6;
	s8 =	sadd.s32 $0x63C00, s1;
	s17 =	smul.u32 $0x14000, s21  }
0x7: {  	s18 =	ssub.s32 $0x9D3, s21;
	s28 =	sadd.s32 $0x50000, s1;
	s16 =	smul.u32 $0x140000, s0  }
0x8: {  	s3 =	ssub.s32 $0x2, s0;
	_ =	strace $0x8000004A;
	s0 =	smul.u32 $0x4E2, s0  }
0x9: {  	s9 =	sshrl.u32 s3, $0x1;
	s7 =	sshrl.u32 s7, $0x2;
	s10 =	sadd.s32 $0x80, s2  }
0xa: {  	s13 =	sadd.s32 $0x100, s2;
	s19 =	sadd.s32 s2, s5;
	s22 =	sadd.s32 $0x180, s2  }
0xb: {  	s2 =	sadd.s32 $0x200, s2;
	s3 =	ssub.s32 s3, s9;
	s29 =	sadd.s32 s7, s4  }
0xc: {  	s12 =	sshll.u32 s10, $0x7;
	[dreg:$0x5] =	wrdreg s19;
	s14 =	sshll.u32 s13, $0x7  }
0xd: {  	s20 =	sadd.s32 s10, s5;
	s23 =	sadd.s32 s13, s5;
	s15 =	sshll.u32 s22, $0x7  }
0xe: {  	s25 =	sadd.s32 s22, s5;
	s26 =	sshll.u32 s2, $0x7;
	s19 =	sadd.s32 s17, s16  }
0xf: {  	s2 =	sadd.s32 s2, s5;
	s17 =	sshrl.u32 s18, $0x4;
	[dreg:$0x6] =	wrdreg s20  }
0x10: {  	s0 =	sadd.s32 s21, s0;
	s30 =	sadd.s32 s12, s4;
	[dreg:$0x7] =	wrdreg s23  }
0x11: {  	s31 =	sadd.s32 s14, s4;
	s24 =	sadd.s32 s15, s4;
	[dreg:$0x9] =	wrdreg s25  }
0x12: {  	s12 =	sadd.s32 s16, s12;
	s14 =	sadd.s32 s16, s14;
	s20 =	sadd.s32 s16, s15  }
0x13: {  	s16 =	sadd.s32 s16, s26;
	s15 =	sadd.s32 s26, s4;
	[dreg:$0xa] =	wrdreg s2  }
0x14: {  	s7 =	sshrl.u32 s19, $0x3;
	s18 =	smax.u32 s3, $0x1;
	s26 =	sadd.s32 $0x59E00, s1  }
0x15: {  	s19 =	sshll.u32 s21, $0x4;
	s3 =	simm.s32 $0x2800;
	[dreg:$0x8] =	wrdreg s24  }
0x16: {  	s9 =	sshrl.u32 s12, $0x3;
	s2 =	sadd.s32 s8, s7;
	s11 =	sshrl.u32 s14, $0x3  }
0x17: {  	s12 =	sshrl.u32 s20, $0x3;
	s13 =	sshrl.u32 s16, $0x3;
	s16 =	ssub.s32 $0x4F1, s21  }
0x18: {  	s24 =	sshll.u32 s0, $0x7;
	[dreg:$0x10] =	wrdreg s18;
	s22 =	sadd.s32 s19, s28  }
0x19: {  	s25 =	sadd.s32 s19, s26;
	s20 =	sadd.s32 $0x28800, s1;
	[dreg:$0xb] =	wrdreg s2  }
0x1a: {  	s21 =	sadd.s32 $0x28200, s1;
	s18 =	simm.s32 $0x5000;
	[dreg:$0x11] =	wrdreg s20  }
0x1b: {  	s19 =	simm.s32 $0x1;
	s10 =	sadd.s32 s8, s9;
	[dreg:$0x12] =	wrdreg s21  }
0x1c: {  	s2 =	sadd.s32 s8, s11;
	s14 =	sadd.s32 s8, s13;
	[dreg:$0xc] =	wrdreg s10  }
0x1d: {  	s23 =	sshrl.u32 s16, $0x4;
	s16 =	simm.s32 $0x80;
	[dreg:$0xd] =	wrdreg s2  }
0x1e: {  	s20 =	simm.s32 $0x0;
	s2 =	sadd.s32 s8, s12;
	[dreg:$0xf] =	wrdreg s14  }
0x1f: {  	s8 =	simm.s32 $0x7980;
	s10 =	simm.s32 $0x7900;
	s12 =	simm.s32 $0x7800  }
0x20: {  	v0 =	vimm.f32 $0.0e+00;
	s14 =	simm.s32 $0x7880;
	[dreg:$0xe] =	wrdreg s2;
	s2 =	simm.s32 $0x2  }
.LBB2_1:
0x21: {  	s0 =	rddreg [dreg:$0x11]  }
0x22: {  	[tilespmem:s6], [sflag:$0x2] =	stream.linear.gather [hbm4b:s0+s6], $0x2800, $0x38;
	[tilespmem:$0x1FC80] =	vst v63  }
0x23: {  	_ =	swait.ge [sflag:s2], $0x2800  }
0x24: {  	[sflag:s2] =	ssyncset.done $0x0  }
0x25: {  	s13 =	rddreg [dreg:$0x12];
	[sflag:s2] =	ssyncadd.s32 $0xFFFFD800  }
0x26: {  	[tilespmem:s3], [sflag:$0x2] =	stream.linear.gather [hbm4b:s13+s6], $0x2800, $0x38;
	[tilespmem:$0x1FC80] =	vst v63  }
0x27: {  	_ =	swait.ge [sflag:s2], $0x2800  }
0x28: {  	[sflag:s2] =	ssyncset.done $0x0  }
0x29: {  	[sflag:s2] =	ssyncadd.s32 $0xFFFFD800  }
0x2a: {  	s7 =	simm.s32 $0xB980;
	s21 =	rddreg [dreg:$0x1]  }
0x2b: {  	[tilespmem:s7], [sflag:$0x2] =	stream.linear.gather [hbm4b:s21+s6], $0x80, $0x38;
	[tilespmem:$0x1FC80] =	vst v63  }
0x2c: {  	_ =	swait.ge [sflag:s2], $0x80  }
0x2d: {  	[sflag:s2] =	ssyncset.done $0x0  }
0x2e: {  	[sflag:s2] =	ssyncadd.s32 $0xFFFFFF80  }
0x2f: {  	s0 =	simm.s32 $0x0;
	s21 =	simm.s32 $0x200;
	v1 =	vld [tilespmem:$0xB980]  }
.LBB2_2:
0x30: {  	p0 =	sne.s32 s21, $0xFE00;
	[tilespmem:s0+$0x79F0] =	vst v0  }
0x31: {  	[tilespmem:s0+$0x7980] =	vst v0  }
0x32: {  	[tilespmem:s0+$0x7990] =	vst v0  }
.Ltmp0:
0x33: {  	[tilespmem:s0+$0x79A0] =	vst v0;
	(pc) =	sbr.rel @p0 .LBB2_2-.Ltmp0, $4  }
0x34: {  	[tilespmem:s0+$0x79B0] =	vst v0  }
0x35: {  	[tilespmem:s0+$0x79C0] =	vst v0  }
0x36: {  	[tilespmem:s0+$0x79D0] =	vst v0  }
0x37: {  	[tilespmem:s0+$0x79E0] =	vst v0;
	s0 =	sshra.s32 s21, $0x2;
	s21 =	sadd.s32 $0x200, s21  }
0x38: {  	[tilespmem:s0+$0x79F0] =	vst v0  }
0x39: {  	[tilespmem:s0+$0x7980] =	vst v0  }
0x3a: {  	[tilespmem:s0+$0x7990] =	vst v0  }
0x3b: {  	[tilespmem:s0+$0x79A0] =	vst v0  }
0x3c: {  	[tilespmem:s0+$0x79B0] =	vst v0  }
0x3d: {  	[tilespmem:s0+$0x79C0] =	vst v0  }
0x3e: {  	[tilespmem:s0+$0x79D0] =	vst v0  }
0x3f: {  	[tilespmem:s0+$0x79E0] =	vst v0  }
0x40: {  	[tilespmem:$0x7900] =	vst v0  }
0x41: {  	[tilespmem:$0x7910] =	vst v0  }
0x42: {  	[tilespmem:$0x7920] =	vst v0  }
0x43: {  	[tilespmem:$0x7930] =	vst v0  }
0x44: {  	[tilespmem:$0x7940] =	vst v0  }
0x45: {  	[tilespmem:$0x7950] =	vst v0  }
0x46: {  	[tilespmem:$0x7960] =	vst v0  }
0x47: {  	[tilespmem:$0x7970] =	vst v0  }
0x48: {  	[spmem:s29] =	stream.linear.scatter [tilespmem:s8], [sflag:$0x2], $0x4000, $0x38;
	[tilespmem:$0x1FC80] =	vst v63  }
0x49: {  	_ =	swait.ge [sflag:s2], $0x4000  }
0x4a: {  	[sflag:s2] =	ssyncset.done $0x0  }
0x4b: {  	s13 =	rddreg [dreg:$0x5];
	[sflag:s2] =	ssyncadd.s32 $0xFFFFC000  }
0x4c: {  	[spmem:s13] =	stream.linear.scatter [tilespmem:s10], [sflag:$0x2], $0x80, $0x38;
	[tilespmem:$0x1FC80] =	vst v63  }
0x4d: {  	_ =	swait.ge [sflag:s2], $0x80  }
0x4e: {  	[sflag:s2] =	ssyncset.done $0x0  }
0x4f: {  	[sflag:s2] =	ssyncadd.s32 $0xFFFFFF80  }
0x50: {  	[spmem:s30] =	stream.linear.scatter [tilespmem:s8], [sflag:$0x2], $0x4000, $0x38;
	[tilespmem:$0x1FC80] =	vst v63  }
0x51: {  	_ =	swait.ge [sflag:s2], $0x4000  }
0x52: {  	[sflag:s2] =	ssyncset.done $0x0  }
0x53: {  	s21 =	rddreg [dreg:$0x6];
	[sflag:s2] =	ssyncadd.s32 $0xFFFFC000  }
0x54: {  	[spmem:s21] =	stream.linear.scatter [tilespmem:s10], [sflag:$0x2], $0x80, $0x38;
	[tilespmem:$0x1FC80] =	vst v63  }
0x55: {  	_ =	swait.ge [sflag:s2], $0x80  }
0x56: {  	[sflag:s2] =	ssyncset.done $0x0  }
0x57: {  	[sflag:s2] =	ssyncadd.s32 $0xFFFFFF80  }
0x58: {  	[spmem:s31] =	stream.linear.scatter [tilespmem:s8], [sflag:$0x2], $0x4000, $0x38;
	[tilespmem:$0x1FC80] =	vst v63  }
0x59: {  	_ =	swait.ge [sflag:s2], $0x4000  }
0x5a: {  	[sflag:s2] =	ssyncset.done $0x0  }
0x5b: {  	s13 =	smov.u32 s31;
	s31 =	rddreg [dreg:$0x7];
	[sflag:s2] =	ssyncadd.s32 $0xFFFFC000  }
0x5c: {  	[spmem:s31] =	stream.linear.scatter [tilespmem:s10], [sflag:$0x2], $0x80, $0x38;
	[tilespmem:$0x1FC80] =	vst v63  }
0x5d: {  	_ =	swait.ge [sflag:s2], $0x80  }
0x5e: {  	[sflag:s2] =	ssyncset.done $0x0  }
0x5f: {  	s7 =	rddreg [dreg:$0x8];
	[sflag:s2] =	ssyncadd.s32 $0xFFFFFF80  }
0x60: {  	[spmem:s7] =	stream.linear.scatter [tilespmem:s8], [sflag:$0x2], $0x4000, $0x38;
	[tilespmem:$0x1FC80] =	vst v63  }
0x61: {  	_ =	swait.ge [sflag:s2], $0x4000  }
0x62: {  	[sflag:s2] =	ssyncset.done $0x0  }
0x63: {  	s21 =	rddreg [dreg:$0x9];
	[sflag:s2] =	ssyncadd.s32 $0xFFFFC000  }
0x64: {  	[spmem:s21] =	stream.linear.scatter [tilespmem:s10], [sflag:$0x2], $0x80, $0x38;
	[tilespmem:$0x1FC80] =	vst v63  }
0x65: {  	_ =	swait.ge [sflag:s2], $0x80  }
0x66: {  	[sflag:s2] =	ssyncset.done $0x0  }
0x67: {  	[sflag:s2] =	ssyncadd.s32 $0xFFFFFF80  }
0x68: {  	[spmem:s15] =	stream.linear.scatter [tilespmem:s8], [sflag:$0x2], $0x4000, $0x38;
	[tilespmem:$0x1FC80] =	vst v63  }
0x69: {  	_ =	swait.ge [sflag:s2], $0x4000  }
0x6a: {  	[sflag:s2] =	ssyncset.done $0x0  }
0x6b: {  	s31 =	rddreg [dreg:$0xa];
	[sflag:s2] =	ssyncadd.s32 $0xFFFFC000  }
0x6c: {  	[spmem:s31] =	stream.linear.scatter [tilespmem:s10], [sflag:$0x2], $0x80, $0x38;
	[tilespmem:$0x1FC80] =	vst v63  }
0x6d: {  	_ =	swait.ge [sflag:s2], $0x80  }
0x6e: {  	[sflag:s2] =	ssyncset.done $0x0  }
0x6f: {  	[sflag:s2] =	ssyncadd.s32 $0xFFFFFF80  }
0x70: {  	[bflag:$0x0] =	sbarrier.arrive $0xFFFF  }
0x71: {  	[tilespmem:s12], [sflag:$0x2] =	stream.linear.gather [hbm4b:s25+s6], $0x80, $0x38;
	[tilespmem:$0x1FC80] =	vst v63  }
0x72: {  	_ =	swait.ge [sflag:s2], $0x80  }
0x73: {  	[sflag:s2] =	ssyncset.done $0x0  }
0x74: {  	[sflag:s2] =	ssyncadd.s32 $0xFFFFFF80  }
0x75: {  	[tilespmem:s14], [sflag:$0x2] =	stream.linear.gather [hbm4b:s22+s6], $0x80, $0x38;
	[tilespmem:$0x1FC80] =	vst v63  }
0x76: {  	_ =	swait.ge [sflag:s2], $0x80  }
0x77: {  	[sflag:s2] =	ssyncset.done $0x0  }
0x78: {  	[sflag:s2] =	ssyncadd.s32 $0xFFFFFF80  }
0x79: {  	v2 =	vld [tilespmem:$0x7800]  }
0x7a: {  	v3 =	vld [tilespmem:$0x7880];
	_ =	sdelay $0x6  }
0x7b: {  	v2 =	vld.idx.msk [tilespmem:v2+s6+$0x0], $0xffff  }
0x7c: {  	v3 =	vld.idx.msk [tilespmem:v3+s3+$0x0], $0xffff;
	_ =	sdelay $0x4  }
0x7d: {  	v2 =	vadd.f32 v3, v2;
	_ =	sdelay $0x1  }
0x7e: {  	v3 =	vmul.f32 $2.000000030e-01, v2  }
0x7f: {  	vm0 =	vgt.f32 v2, $0.0e+00  }
0x80: {  	v2 =	vsel vm0, v2, v3  }
0x81: {  	v2 =	vsub.f32 v2, v1;
	_ =	sdelay $0x1  }
0x82: {  	v2 =	vmul.f32 $1.442695020e+00, v2;
	_ =	sdelay $0x1  }
0x83: {  	(erf) = vpow2.f32 v2;
	_ =	sdelay $0x2  }
0x84: {  	v2 =	vld [tilespmem:$0x7810]  }
0x85: {  	v3 =	vld [tilespmem:$0x7890];
	_ =	sdelay $0x4  }
0x86: {  	v4 =	vpop (erf)  }
0x87: {  	[tilespmem:$0x7900] =	vst v4  }
0x88: {  	v2 =	vld.idx.msk [tilespmem:v2+s6+$0x0], $0xffff  }
0x89: {  	v3 =	vld.idx.msk [tilespmem:v3+s3+$0x0], $0xffff;
	_ =	sdelay $0x4  }
0x8a: {  	v2 =	vadd.f32 v3, v2;
	_ =	sdelay $0x1  }
0x8b: {  	v3 =	vmul.f32 $2.000000030e-01, v2  }
0x8c: {  	vm9 =	vgt.f32 v2, $0.0e+00  }
0x8d: {  	v2 =	vsel vm9, v2, v3  }
0x8e: {  	v2 =	vsub.f32 v2, v1;
	_ =	sdelay $0x1  }
0x8f: {  	v2 =	vmul.f32 $1.442695020e+00, v2;
	_ =	sdelay $0x1  }
0x90: {  	(erf) = vpow2.f32 v2;
	_ =	sdelay $0x2  }
0x91: {  	v2 =	vld [tilespmem:$0x7820]  }
0x92: {  	v3 =	vld [tilespmem:$0x78A0];
	_ =	sdelay $0x4  }
0x93: {  	v58 =	vpop (erf)  }
0x94: {  	[tilespmem:$0x7910] =	vst v58  }
0x95: {  	v2 =	vld.idx.msk [tilespmem:v2+s6+$0x0], $0xffff  }
0x96: {  	v3 =	vld.idx.msk [tilespmem:v3+s3+$0x0], $0xffff;
	_ =	sdelay $0x4  }
0x97: {  	v2 =	vadd.f32 v3, v2;
	_ =	sdelay $0x1  }
0x98: {  	v3 =	vmul.f32 $2.000000030e-01, v2  }
0x99: {  	vm10 =	vgt.f32 v2, $0.0e+00  }
0x9a: {  	v2 =	vsel vm10, v2, v3  }
0x9b: {  	v2 =	vsub.f32 v2, v1;
	_ =	sdelay $0x1  }
0x9c: {  	v2 =	vmul.f32 $1.442695020e+00, v2;
	_ =	sdelay $0x1  }
0x9d: {  	(erf) = vpow2.f32 v2;
	_ =	sdelay $0x2  }
0x9e: {  	v2 =	vld [tilespmem:$0x7830]  }
0x9f: {  	v3 =	vld [tilespmem:$0x78B0];
	_ =	sdelay $0x4  }
0xa0: {  	v59 =	vpop (erf)  }
0xa1: {  	[tilespmem:$0x7920] =	vst v59  }
0xa2: {  	v2 =	vld.idx.msk [tilespmem:v2+s6+$0x0], $0xffff  }
0xa3: {  	v3 =	vld.idx.msk [tilespmem:v3+s3+$0x0], $0xffff;
	_ =	sdelay $0x4  }
0xa4: {  	v2 =	vadd.f32 v3, v2;
	_ =	sdelay $0x1  }
0xa5: {  	v3 =	vmul.f32 $2.000000030e-01, v2  }
0xa6: {  	vm11 =	vgt.f32 v2, $0.0e+00  }
0xa7: {  	v2 =	vsel vm11, v2, v3  }
0xa8: {  	v2 =	vsub.f32 v2, v1;
	_ =	sdelay $0x1  }
0xa9: {  	v2 =	vmul.f32 $1.442695020e+00, v2;
	_ =	sdelay $0x1  }
0xaa: {  	(erf) = vpow2.f32 v2;
	_ =	sdelay $0x2  }
0xab: {  	v2 =	vld [tilespmem:$0x7840]  }
0xac: {  	v3 =	vld [tilespmem:$0x78C0];
	_ =	sdelay $0x4  }
0xad: {  	v60 =	vpop (erf)  }
0xae: {  	[tilespmem:$0x7930] =	vst v60  }
0xaf: {  	v2 =	vld.idx.msk [tilespmem:v2+s6+$0x0], $0xffff  }
0xb0: {  	v3 =	vld.idx.msk [tilespmem:v3+s3+$0x0], $0xffff;
	_ =	sdelay $0x4  }
0xb1: {  	v2 =	vadd.f32 v3, v2;
	_ =	sdelay $0x1  }
0xb2: {  	v3 =	vmul.f32 $2.000000030e-01, v2  }
0xb3: {  	vm12 =	vgt.f32 v2, $0.0e+00  }
0xb4: {  	v2 =	vsel vm12, v2, v3  }
0xb5: {  	v2 =	vsub.f32 v2, v1;
	_ =	sdelay $0x1  }
0xb6: {  	v2 =	vmul.f32 $1.442695020e+00, v2;
	_ =	sdelay $0x1  }
0xb7: {  	(erf) = vpow2.f32 v2;
	_ =	sdelay $0x2  }
0xb8: {  	v2 =	vld [tilespmem:$0x7850]  }
0xb9: {  	v3 =	vld [tilespmem:$0x78D0];
	_ =	sdelay $0x4  }
0xba: {  	v61 =	vpop (erf)  }
0xbb: {  	[tilespmem:$0x7940] =	vst v61  }
0xbc: {  	v2 =	vld.idx.msk [tilespmem:v2+s6+$0x0], $0xffff  }
0xbd: {  	v3 =	vld.idx.msk [tilespmem:v3+s3+$0x0], $0xffff;
	_ =	sdelay $0x4  }
0xbe: {  	v2 =	vadd.f32 v3, v2;
	_ =	sdelay $0x1  }
0xbf: {  	v3 =	vmul.f32 $2.000000030e-01, v2  }
0xc0: {  	vm13 =	vgt.f32 v2, $0.0e+00  }
0xc1: {  	v2 =	vsel vm13, v2, v3  }
0xc2: {  	v2 =	vsub.f32 v2, v1;
	_ =	sdelay $0x1  }
0xc3: {  	v2 =	vmul.f32 $1.442695020e+00, v2;
	_ =	sdelay $0x1  }
0xc4: {  	(erf) = vpow2.f32 v2;
	_ =	sdelay $0x2  }
0xc5: {  	v2 =	vld [tilespmem:$0x7860]  }
0xc6: {  	v3 =	vld [tilespmem:$0x78E0];
	_ =	sdelay $0x4  }
0xc7: {  	v62 =	vpop (erf)  }
0xc8: {  	[tilespmem:$0x7950] =	vst v62  }
0xc9: {  	v2 =	vld.idx.msk [tilespmem:v2+s6+$0x0], $0xffff  }
0xca: {  	v3 =	vld.idx.msk [tilespmem:v3+s3+$0x0], $0xffff;
	_ =	sdelay $0x4  }
0xcb: {  	v2 =	vadd.f32 v3, v2;
	_ =	sdelay $0x1  }
0xcc: {  	v3 =	vmul.f32 $2.000000030e-01, v2  }
0xcd: {  	vm14 =	vgt.f32 v2, $0.0e+00  }
0xce: {  	v2 =	vsel vm14, v2, v3  }
0xcf: {  	v2 =	vsub.f32 v2, v1;
	_ =	sdelay $0x1  }
0xd0: {  	v2 =	vmul.f32 $1.442695020e+00, v2;
	_ =	sdelay $0x1  }
0xd1: {  	(erf) = vpow2.f32 v2;
	_ =	sdelay $0x2  }
0xd2: {  	v2 =	vld [tilespmem:$0x7870]  }
0xd3: {  	v3 =	vld [tilespmem:$0x78F0];
	_ =	sdelay $0x4  }
0xd4: {  	v63 =	vpop (erf)  }
0xd5: {  	[tilespmem:$0x7960] =	vst v63  }
0xd6: {  	v2 =	vld.idx.msk [tilespmem:v2+s6+$0x0], $0xffff  }
0xd7: {  	v3 =	vld.idx.msk [tilespmem:v3+s3+$0x0], $0xffff;
	_ =	sdelay $0x4  }
0xd8: {  	v2 =	vadd.f32 v3, v2;
	_ =	sdelay $0x1  }
0xd9: {  	v3 =	vmul.f32 $2.000000030e-01, v2  }
0xda: {  	vm15 =	vgt.f32 v2, $0.0e+00  }
0xdb: {  	p0 =	sne.s32 s17, $0x1;
	v2 =	vsel vm15, v2, v3  }
.Ltmp1:
0xdc: {  	v2 =	vsub.f32 v2, v1;
	(pc) =	sbr.rel @!p0 .LBB2_5-.Ltmp1, $4  }
0xdd: {  	_ = 	snop  }
0xde: {  	v2 =	vmul.f32 $1.442695020e+00, v2  }
0xdf: {  	s9 =	smov.u32 s29;
	s11 =	smov.u32 s30  }
0xe0: {  	s29 =	smov.u32 s22;
	s30 =	smov.u32 s25;
	s21 =	sadd.s32 $0xFFFFFFFF, s17;
	(erf) = vpow2.f32 v2  }
.LBB2_4:
0xe1: {  	_ =	sdelay $0x4  }
0xe2: {  	p0 =	sne.s32 s21, $0x1;
	s29 =	sadd.s32 $0x100, s29;
	s30 =	sadd.s32 $0x100, s30  }
0xe3: {  	s21 =	sadd.s32 $0xFFFFFFFF, s21;
	_ =	sdelay $0x1  }
0xe4: {  	v2 =	vpop (erf)  }
0xe5: {  	[tilespmem:$0x7970] =	vst v2  }
0xe6: {  	[spmem:s5] =	stream.indirect.scatter.add.f32 [tilespmem:s10], [sflag:$0x2], $0x1, s14, s16, $0xb8;
	[tilespmem:$0x1FC80] =	vst v63  }
0xe7: {  	_ =	swait.ge [sflag:s2], $0x80  }
0xe8: {  	[sflag:s2] =	ssyncset.done $0x0  }
0xe9: {  	[sflag:s2] =	ssyncadd.s32 $0xFFFFFF80  }
0xea: {  	[tilespmem:s12], [sflag:$0x2] =	stream.linear.gather [hbm4b:s30+s6], $0x80, $0x38;
	[tilespmem:$0x1FC80] =	vst v63  }
0xeb: {  	_ =	swait.ge [sflag:s2], $0x80  }
0xec: {  	[sflag:s2] =	ssyncset.done $0x0  }
0xed: {  	[sflag:s2] =	ssyncadd.s32 $0xFFFFFF80  }
0xee: {  	[tilespmem:s14], [sflag:$0x2] =	stream.linear.gather [hbm4b:s29+s6], $0x80, $0x38;
	[tilespmem:$0x1FC80] =	vst v63  }
0xef: {  	_ =	swait.ge [sflag:s2], $0x80  }
0xf0: {  	[sflag:s2] =	ssyncset.done $0x0  }
0xf1: {  	[sflag:s2] =	ssyncadd.s32 $0xFFFFFF80  }
0xf2: {  	v2 =	vld [tilespmem:$0x7800]  }
0xf3: {  	v3 =	vld [tilespmem:$0x7880];
	_ =	sdelay $0x6  }
0xf4: {  	v2 =	vld.idx.msk [tilespmem:v2+s6+$0x0], $0xffff  }
0xf5: {  	v3 =	vld.idx.msk [tilespmem:v3+s3+$0x0], $0xffff;
	_ =	sdelay $0x5  }
0xf6: {  	v2 =	vadd.f32 v3, v2;
	_ =	sdelay $0x1  }
0xf7: {  	vm0 =	vgt.f32 v2, $0.0e+00;
	v3 =	vmul.f32 $2.000000030e-01, v2;
	_ =	sdelay $0x1  }
0xf8: {  	v2 =	vsel vm0, v2, v3  }
0xf9: {  	v2 =	vsub.f32 v2, v1;
	_ =	sdelay $0x1  }
0xfa: {  	v2 =	vmul.f32 $1.442695020e+00, v2;
	_ =	sdelay $0x1  }
0xfb: {  	(erf) = vpow2.f32 v2;
	_ =	sdelay $0x1  }
0xfc: {  	v2 =	vld [tilespmem:$0x7890]  }
0xfd: {  	v3 =	vld [tilespmem:$0x7810];
	_ =	sdelay $0x5  }
0xfe: {  	v4 =	vpop (erf)  }
0xff: {  	[tilespmem:$0x7900] =	vst v4  }
0x100: {  	v3 =	vld.idx.msk [tilespmem:v3+s6+$0x0], $0xffff  }
0x101: {  	v2 =	vld.idx.msk [tilespmem:v2+s3+$0x0], $0xffff;
	_ =	sdelay $0x5  }
0x102: {  	v2 =	vadd.f32 v2, v3;
	_ =	sdelay $0x1  }
0x103: {  	vm0 =	vgt.f32 v2, $0.0e+00;
	v3 =	vmul.f32 $2.000000030e-01, v2;
	_ =	sdelay $0x1  }
0x104: {  	v2 =	vsel vm0, v2, v3  }
0x105: {  	v2 =	vsub.f32 v2, v1;
	_ =	sdelay $0x1  }
0x106: {  	v2 =	vmul.f32 $1.442695020e+00, v2;
	_ =	sdelay $0x1  }
0x107: {  	(erf) = vpow2.f32 v2;
	_ =	sdelay $0x1  }
0x108: {  	v2 =	vld [tilespmem:$0x78A0]  }
0x109: {  	v3 =	vld [tilespmem:$0x7820];
	_ =	sdelay $0x5  }
0x10a: {  	v4 =	vpop (erf)  }
0x10b: {  	[tilespmem:$0x7910] =	vst v4  }
0x10c: {  	v3 =	vld.idx.msk [tilespmem:v3+s6+$0x0], $0xffff  }
0x10d: {  	v2 =	vld.idx.msk [tilespmem:v2+s3+$0x0], $0xffff;
	_ =	sdelay $0x5  }
0x10e: {  	v2 =	vadd.f32 v2, v3;
	_ =	sdelay $0x1  }
0x10f: {  	vm0 =	vgt.f32 v2, $0.0e+00;
	v3 =	vmul.f32 $2.000000030e-01, v2;
	_ =	sdelay $0x1  }
0x110: {  	v2 =	vsel vm0, v2, v3  }
0x111: {  	v2 =	vsub.f32 v2, v1;
	_ =	sdelay $0x1  }
0x112: {  	v2 =	vmul.f32 $1.442695020e+00, v2;
	_ =	sdelay $0x1  }
0x113: {  	(erf) = vpow2.f32 v2;
	_ =	sdelay $0x1  }
0x114: {  	v2 =	vld [tilespmem:$0x78B0]  }
0x115: {  	v3 =	vld [tilespmem:$0x7830];
	_ =	sdelay $0x5  }
0x116: {  	v4 =	vpop (erf)  }
0x117: {  	[tilespmem:$0x7920] =	vst v4  }
0x118: {  	v3 =	vld.idx.msk [tilespmem:v3+s6+$0x0], $0xffff  }
0x119: {  	v2 =	vld.idx.msk [tilespmem:v2+s3+$0x0], $0xffff;
	_ =	sdelay $0x5  }
0x11a: {  	v2 =	vadd.f32 v2, v3;
	_ =	sdelay $0x1  }
0x11b: {  	vm0 =	vgt.f32 v2, $0.0e+00;
	v3 =	vmul.f32 $2.000000030e-01, v2;
	_ =	sdelay $0x1  }
0x11c: {  	v2 =	vsel vm0, v2, v3  }
0x11d: {  	v2 =	vsub.f32 v2, v1;
	_ =	sdelay $0x1  }
0x11e: {  	v2 =	vmul.f32 $1.442695020e+00, v2;
	_ =	sdelay $0x1  }
0x11f: {  	(erf) = vpow2.f32 v2;
	_ =	sdelay $0x1  }
0x120: {  	v2 =	vld [tilespmem:$0x78C0]  }
0x121: {  	v3 =	vld [tilespmem:$0x7840];
	_ =	sdelay $0x5  }
0x122: {  	v4 =	vpop (erf)  }
0x123: {  	[tilespmem:$0x7930] =	vst v4  }
0x124: {  	v3 =	vld.idx.msk [tilespmem:v3+s6+$0x0], $0xffff  }
0x125: {  	v2 =	vld.idx.msk [tilespmem:v2+s3+$0x0], $0xffff;
	_ =	sdelay $0x5  }
0x126: {  	v2 =	vadd.f32 v2, v3;
	_ =	sdelay $0x1  }
0x127: {  	vm0 =	vgt.f32 v2, $0.0e+00;
	v3 =	vmul.f32 $2.000000030e-01, v2;
	_ =	sdelay $0x1  }
0x128: {  	v2 =	vsel vm0, v2, v3  }
0x129: {  	v2 =	vsub.f32 v2, v1;
	_ =	sdelay $0x1  }
0x12a: {  	v2 =	vmul.f32 $1.442695020e+00, v2;
	_ =	sdelay $0x1  }
0x12b: {  	(erf) = vpow2.f32 v2;
	_ =	sdelay $0x1  }
0x12c: {  	v2 =	vld [tilespmem:$0x78D0]  }
0x12d: {  	v3 =	vld [tilespmem:$0x7850];
	_ =	sdelay $0x5  }
0x12e: {  	v4 =	vpop (erf)  }
0x12f: {  	[tilespmem:$0x7940] =	vst v4  }
0x130: {  	v3 =	vld.idx.msk [tilespmem:v3+s6+$0x0], $0xffff  }
0x131: {  	v2 =	vld.idx.msk [tilespmem:v2+s3+$0x0], $0xffff;
	_ =	sdelay $0x5  }
0x132: {  	v2 =	vadd.f32 v2, v3;
	_ =	sdelay $0x1  }
0x133: {  	vm0 =	vgt.f32 v2, $0.0e+00;
	v3 =	vmul.f32 $2.000000030e-01, v2;
	_ =	sdelay $0x1  }
0x134: {  	v2 =	vsel vm0, v2, v3  }
0x135: {  	v2 =	vsub.f32 v2, v1;
	_ =	sdelay $0x1  }
0x136: {  	v2 =	vmul.f32 $1.442695020e+00, v2;
	_ =	sdelay $0x1  }
0x137: {  	(erf) = vpow2.f32 v2;
	_ =	sdelay $0x1  }
0x138: {  	v2 =	vld [tilespmem:$0x78E0]  }
0x139: {  	v3 =	vld [tilespmem:$0x7860];
	_ =	sdelay $0x5  }
0x13a: {  	v4 =	vpop (erf)  }
0x13b: {  	[tilespmem:$0x7950] =	vst v4  }
0x13c: {  	v3 =	vld.idx.msk [tilespmem:v3+s6+$0x0], $0xffff  }
0x13d: {  	v2 =	vld.idx.msk [tilespmem:v2+s3+$0x0], $0xffff;
	_ =	sdelay $0x5  }
0x13e: {  	v2 =	vadd.f32 v2, v3;
	_ =	sdelay $0x1  }
0x13f: {  	vm0 =	vgt.f32 v2, $0.0e+00;
	v3 =	vmul.f32 $2.000000030e-01, v2;
	_ =	sdelay $0x1  }
0x140: {  	v2 =	vsel vm0, v2, v3  }
0x141: {  	v2 =	vsub.f32 v2, v1;
	_ =	sdelay $0x1  }
0x142: {  	v2 =	vmul.f32 $1.442695020e+00, v2;
	_ =	sdelay $0x1  }
0x143: {  	(erf) = vpow2.f32 v2;
	_ =	sdelay $0x1  }
0x144: {  	v2 =	vld [tilespmem:$0x78F0]  }
0x145: {  	v3 =	vld [tilespmem:$0x7870];
	_ =	sdelay $0x5  }
0x146: {  	v4 =	vpop (erf)  }
0x147: {  	[tilespmem:$0x7960] =	vst v4  }
0x148: {  	v3 =	vld.idx.msk [tilespmem:v3+s6+$0x0], $0xffff  }
0x149: {  	v2 =	vld.idx.msk [tilespmem:v2+s3+$0x0], $0xffff;
	_ =	sdelay $0x5  }
0x14a: {  	v2 =	vadd.f32 v2, v3;
	_ =	sdelay $0x1  }
0x14b: {  	vm0 =	vgt.f32 v2, $0.0e+00;
	v3 =	vmul.f32 $2.000000030e-01, v2;
	_ =	sdelay $0x1  }
0x14c: {  	v2 =	vsel vm0, v2, v3  }
.Ltmp2:
0x14d: {  	v2 =	vsub.f32 v2, v1;
	(pc) =	sbr.rel @p0 .LBB2_4-.Ltmp2, $3  }
0x14e: {  	_ = 	snop  }
0x14f: {  	v2 =	vmul.f32 $1.442695020e+00, v2;
	_ =	sdelay $0x1  }
0x150: {  	(erf) = vpow2.f32 v2  }
.LBB2_5:
0x151: {  	_ =	sdelay $0x7  }
0x152: {  	v2 =	vpop (erf)  }
0x153: {  	[tilespmem:$0x7970] =	vst v2  }
0x154: {  	[spmem:s5] =	stream.indirect.scatter.add.f32 [tilespmem:s10], [sflag:$0x2], $0x1, s14, s16, $0xb8;
	[tilespmem:$0x1FC80] =	vst v63  }
0x155: {  	_ =	swait.ge [sflag:s2], $0x80  }
0x156: {  	[sflag:s2] =	ssyncset.done $0x0  }
0x157: {  	[sflag:s2] =	ssyncadd.s32 $0xFFFFFF80  }
0x158: {  	[bflag:$0x0] =	sbarrier.arrive $0xFFFF  }
0x159: {  	[tilespmem:s18], [sflag:$0x2] =	stream.linear.gather [spmem:s5], $0x2800, $0x38;
	[tilespmem:$0x1FC80] =	vst v63  }
0x15a: {  	_ =	swait.ge [sflag:s2], $0x2800  }
0x15b: {  	[sflag:s2] =	ssyncset.done $0x0  }
0x15c: {  	s21 =	simm.s32 $0x0;
	s29 =	simm.s32 $0x0;
	[sflag:s2] =	ssyncadd.s32 $0xFFFFD800  }
.LBB2_6:
0x15d: {  	s0 =	sshll.u32 s29, $0xB  }
0x15e: {  	s0 =	sadd.s32 s24, s0  }
0x15f: {  	s0 =	sshrl.u32 s0, $0x3  }
0x160: {  	s30 =	sadd.s32 s26, s0  }
0x161: {  	[tilespmem:s12], [sflag:$0x2] =	stream.linear.gather [hbm4b:s30+s21], $0x80, $0x38;
	[tilespmem:$0x1FC80] =	vst v63  }
0x162: {  	_ =	swait.ge [sflag:s2], $0x80  }
0x163: {  	[sflag:s2] =	ssyncset.done $0x0  }
0x164: {  	s0 =	sadd.s32 s28, s0;
	[sflag:s2] =	ssyncadd.s32 $0xFFFFFF80  }
0x165: {  	[tilespmem:s14], [sflag:$0x2] =	stream.linear.gather [hbm4b:s0+s21], $0x80, $0x38;
	[tilespmem:$0x1FC80] =	vst v63  }
0x166: {  	_ =	swait.ge [sflag:s2], $0x80  }
0x167: {  	[sflag:s2] =	ssyncset.done $0x0  }
0x168: {  	[sflag:s2] =	ssyncadd.s32 $0xFFFFFF80  }
0x169: {  	[tilespmem:s8], [sflag:$0x1] =	stream.indirect.gather [hbm4b:s1+s16], $0x80, s12, s16, $0xb8;
	[tilespmem:$0x1FC80] =	vst v63  }
0x16a: {  	v2 =	vld [tilespmem:$0x7800]  }
0x16b: {  	v3 =	vld [tilespmem:$0x7880];
	_ =	sdelay $0x6  }
0x16c: {  	v2 =	vld.idx.msk [tilespmem:v2+s21+$0x0], $0xffff  }
0x16d: {  	v4 =	vld.idx.msk [tilespmem:v3+s3+$0x0], $0xffff;
	_ =	sdelay $0x4  }
0x16e: {  	v2 =	vadd.f32 v4, v2;
	_ =	sdelay $0x1  }
0x16f: {  	v4 =	vmul.f32 $2.000000030e-01, v2  }
0x170: {  	v3 =	vld.idx.msk [tilespmem:v3+s18+$0x0], $0xffff;
	vm0 =	vgt.f32 v2, $0.0e+00  }
0x171: {  	v2 =	vsel vm0, v2, v4  }
0x172: {  	v2 =	vsub.f32 v2, v1;
	_ =	sdelay $0x1  }
0x173: {  	v2 =	vmul.f32 $1.442695020e+00, v2  }
0x174: {  	v3 =	vadd.f32 $1.000000020e-16, v3  }
0x175: {  	(erf) = vpow2.f32 v2  }
0x176: {  	(erf) = vrcp.f32 v3;
	_ =	sdelay $0x4  }
0x177: {  	v2 =	vld [tilespmem:$0x7810]  }
0x178: {  	v3 =	vld [tilespmem:$0x7890];
	_ =	sdelay $0x1  }
0x179: {  	v4 =	vpop (erf)  }
0x17a: {  	v5 =	vpop (erf)  }
0x17b: {  	v4 =	vmul.f32 v4, v5;
	_ =	sdelay $0x1  }
0x17c: {  	[tilespmem:$0x7900] =	vst v4  }
0x17d: {  	v2 =	vld.idx.msk [tilespmem:v2+s21+$0x0], $0xffff  }
0x17e: {  	v4 =	vld.idx.msk [tilespmem:v3+s3+$0x0], $0xffff;
	_ =	sdelay $0x4  }
0x17f: {  	v2 =	vadd.f32 v4, v2;
	_ =	sdelay $0x1  }
0x180: {  	v4 =	vmul.f32 $2.000000030e-01, v2  }
0x181: {  	v3 =	vld.idx.msk [tilespmem:v3+s18+$0x0], $0xffff;
	vm9 =	vgt.f32 v2, $0.0e+00  }
0x182: {  	v2 =	vsel vm9, v2, v4  }
0x183: {  	v2 =	vsub.f32 v2, v1;
	_ =	sdelay $0x1  }
0x184: {  	v2 =	vmul.f32 $1.442695020e+00, v2  }
0x185: {  	v3 =	vadd.f32 $1.000000020e-16, v3  }
0x186: {  	(erf) = vpow2.f32 v2  }
0x187: {  	(erf) = vrcp.f32 v3;
	_ =	sdelay $0x4  }
0x188: {  	v2 =	vld [tilespmem:$0x7820]  }
0x189: {  	v3 =	vld [tilespmem:$0x78A0];
	_ =	sdelay $0x1  }
0x18a: {  	v4 =	vpop (erf)  }
0x18b: {  	v5 =	vpop (erf)  }
0x18c: {  	v4 =	vmul.f32 v4, v5;
	_ =	sdelay $0x1  }
0x18d: {  	[tilespmem:$0x7910] =	vst v4  }
0x18e: {  	v2 =	vld.idx.msk [tilespmem:v2+s21+$0x0], $0xffff  }
0x18f: {  	v4 =	vld.idx.msk [tilespmem:v3+s3+$0x0], $0xffff;
	_ =	sdelay $0x4  }
0x190: {  	v2 =	vadd.f32 v4, v2;
	_ =	sdelay $0x1  }
0x191: {  	v4 =	vmul.f32 $2.000000030e-01, v2  }
0x192: {  	v3 =	vld.idx.msk [tilespmem:v3+s18+$0x0], $0xffff;
	vm10 =	vgt.f32 v2, $0.0e+00  }
0x193: {  	v2 =	vsel vm10, v2, v4  }
0x194: {  	v2 =	vsub.f32 v2, v1;
	_ =	sdelay $0x1  }
0x195: {  	v2 =	vmul.f32 $1.442695020e+00, v2  }
0x196: {  	v3 =	vadd.f32 $1.000000020e-16, v3  }
0x197: {  	(erf) = vpow2.f32 v2  }
0x198: {  	(erf) = vrcp.f32 v3;
	_ =	sdelay $0x4  }
0x199: {  	v2 =	vld [tilespmem:$0x7830]  }
0x19a: {  	v3 =	vld [tilespmem:$0x78B0];
	_ =	sdelay $0x1  }
0x19b: {  	v4 =	vpop (erf)  }
0x19c: {  	v5 =	vpop (erf)  }
0x19d: {  	v4 =	vmul.f32 v4, v5;
	_ =	sdelay $0x1  }
0x19e: {  	[tilespmem:$0x7920] =	vst v4  }
0x19f: {  	v2 =	vld.idx.msk [tilespmem:v2+s21+$0x0], $0xffff  }
0x1a0: {  	v4 =	vld.idx.msk [tilespmem:v3+s3+$0x0], $0xffff;
	_ =	sdelay $0x4  }
0x1a1: {  	v2 =	vadd.f32 v4, v2;
	_ =	sdelay $0x1  }
0x1a2: {  	v4 =	vmul.f32 $2.000000030e-01, v2  }
0x1a3: {  	v3 =	vld.idx.msk [tilespmem:v3+s18+$0x0], $0xffff;
	vm11 =	vgt.f32 v2, $0.0e+00  }
0x1a4: {  	v2 =	vsel vm11, v2, v4  }
0x1a5: {  	v2 =	vsub.f32 v2, v1;
	_ =	sdelay $0x1  }
0x1a6: {  	v2 =	vmul.f32 $1.442695020e+00, v2  }
0x1a7: {  	v3 =	vadd.f32 $1.000000020e-16, v3  }
0x1a8: {  	(erf) = vpow2.f32 v2  }
0x1a9: {  	(erf) = vrcp.f32 v3;
	_ =	sdelay $0x4  }
0x1aa: {  	v2 =	vld [tilespmem:$0x7840]  }
0x1ab: {  	v3 =	vld [tilespmem:$0x78C0];
	_ =	sdelay $0x1  }
0x1ac: {  	v4 =	vpop (erf)  }
0x1ad: {  	v5 =	vpop (erf)  }
0x1ae: {  	v4 =	vmul.f32 v4, v5;
	_ =	sdelay $0x1  }
0x1af: {  	[tilespmem:$0x7930] =	vst v4  }
0x1b0: {  	v2 =	vld.idx.msk [tilespmem:v2+s21+$0x0], $0xffff  }
0x1b1: {  	v4 =	vld.idx.msk [tilespmem:v3+s3+$0x0], $0xffff;
	_ =	sdelay $0x4  }
0x1b2: {  	v2 =	vadd.f32 v4, v2;
	_ =	sdelay $0x1  }
0x1b3: {  	v4 =	vmul.f32 $2.000000030e-01, v2  }
0x1b4: {  	v3 =	vld.idx.msk [tilespmem:v3+s18+$0x0], $0xffff;
	vm12 =	vgt.f32 v2, $0.0e+00  }
0x1b5: {  	v2 =	vsel vm12, v2, v4  }
0x1b6: {  	v2 =	vsub.f32 v2, v1;
	_ =	sdelay $0x1  }
0x1b7: {  	v2 =	vmul.f32 $1.442695020e+00, v2  }
0x1b8: {  	v3 =	vadd.f32 $1.000000020e-16, v3  }
0x1b9: {  	(erf) = vpow2.f32 v2  }
0x1ba: {  	(erf) = vrcp.f32 v3;
	_ =	sdelay $0x4  }
0x1bb: {  	v2 =	vld [tilespmem:$0x7850]  }
0x1bc: {  	v3 =	vld [tilespmem:$0x78D0];
	_ =	sdelay $0x1  }
0x1bd: {  	v4 =	vpop (erf)  }
0x1be: {  	v5 =	vpop (erf)  }
0x1bf: {  	v4 =	vmul.f32 v4, v5;
	_ =	sdelay $0x1  }
0x1c0: {  	[tilespmem:$0x7940] =	vst v4  }
0x1c1: {  	v2 =	vld.idx.msk [tilespmem:v2+s21+$0x0], $0xffff  }
0x1c2: {  	v4 =	vld.idx.msk [tilespmem:v3+s3+$0x0], $0xffff;
	_ =	sdelay $0x4  }
0x1c3: {  	v2 =	vadd.f32 v4, v2;
	_ =	sdelay $0x1  }
0x1c4: {  	v4 =	vmul.f32 $2.000000030e-01, v2  }
0x1c5: {  	v3 =	vld.idx.msk [tilespmem:v3+s18+$0x0], $0xffff;
	vm13 =	vgt.f32 v2, $0.0e+00  }
0x1c6: {  	v2 =	vsel vm13, v2, v4  }
0x1c7: {  	v2 =	vsub.f32 v2, v1;
	_ =	sdelay $0x1  }
0x1c8: {  	v2 =	vmul.f32 $1.442695020e+00, v2  }
0x1c9: {  	v3 =	vadd.f32 $1.000000020e-16, v3  }
0x1ca: {  	(erf) = vpow2.f32 v2  }
0x1cb: {  	(erf) = vrcp.f32 v3;
	_ =	sdelay $0x4  }
0x1cc: {  	v2 =	vld [tilespmem:$0x7860]  }
0x1cd: {  	v3 =	vld [tilespmem:$0x78E0];
	_ =	sdelay $0x1  }
0x1ce: {  	v4 =	vpop (erf)  }
0x1cf: {  	v5 =	vpop (erf)  }
0x1d0: {  	v4 =	vmul.f32 v4, v5;
	_ =	sdelay $0x1  }
0x1d1: {  	[tilespmem:$0x7950] =	vst v4  }
0x1d2: {  	v2 =	vld.idx.msk [tilespmem:v2+s21+$0x0], $0xffff  }
0x1d3: {  	v4 =	vld.idx.msk [tilespmem:v3+s3+$0x0], $0xffff;
	_ =	sdelay $0x4  }
0x1d4: {  	v2 =	vadd.f32 v4, v2;
	_ =	sdelay $0x1  }
0x1d5: {  	v4 =	vmul.f32 $2.000000030e-01, v2  }
0x1d6: {  	v3 =	vld.idx.msk [tilespmem:v3+s18+$0x0], $0xffff;
	vm14 =	vgt.f32 v2, $0.0e+00  }
0x1d7: {  	v2 =	vsel vm14, v2, v4  }
0x1d8: {  	v2 =	vsub.f32 v2, v1;
	_ =	sdelay $0x1  }
0x1d9: {  	v2 =	vmul.f32 $1.442695020e+00, v2  }
0x1da: {  	v3 =	vadd.f32 $1.000000020e-16, v3  }
0x1db: {  	(erf) = vpow2.f32 v2  }
0x1dc: {  	(erf) = vrcp.f32 v3;
	_ =	sdelay $0x4  }
0x1dd: {  	v2 =	vld [tilespmem:$0x7870]  }
0x1de: {  	v3 =	vld [tilespmem:$0x78F0];
	_ =	sdelay $0x1  }
0x1df: {  	v4 =	vpop (erf)  }
0x1e0: {  	v5 =	vpop (erf)  }
0x1e1: {  	v4 =	vmul.f32 v4, v5;
	_ =	sdelay $0x1  }
0x1e2: {  	[tilespmem:$0x7960] =	vst v4  }
0x1e3: {  	v2 =	vld.idx.msk [tilespmem:v2+s21+$0x0], $0xffff  }
0x1e4: {  	v4 =	vld.idx.msk [tilespmem:v3+s3+$0x0], $0xffff;
	_ =	sdelay $0x4  }
0x1e5: {  	v2 =	vadd.f32 v4, v2;
	_ =	sdelay $0x1  }
0x1e6: {  	v4 =	vmul.f32 $2.000000030e-01, v2  }
0x1e7: {  	v3 =	vld.idx.msk [tilespmem:v3+s18+$0x0], $0xffff;
	vm15 =	vgt.f32 v2, $0.0e+00  }
0x1e8: {  	v2 =	vsel vm15, v2, v4  }
0x1e9: {  	v2 =	vsub.f32 v2, v1;
	_ =	sdelay $0x1  }
0x1ea: {  	v2 =	vmul.f32 $1.442695020e+00, v2  }
0x1eb: {  	v3 =	vadd.f32 $1.000000020e-16, v3  }
0x1ec: {  	(erf) = vpow2.f32 v2  }
0x1ed: {  	(erf) = vrcp.f32 v3;
	_ =	sdelay $0x7  }
0x1ee: {  	v2 =	vpop (erf)  }
0x1ef: {  	v3 =	vpop (erf)  }
0x1f0: {  	v2 =	vmul.f32 v2, v3;
	_ =	sdelay $0x1  }
0x1f1: {  	[tilespmem:$0x7970] =	vst v2  }
0x1f2: {  	_ =	swait.ge [sflag:s19], $0x4000  }
0x1f3: {  	v2 =	vmov s21;
	[sflag:s19] =	ssyncset.done $0x0  }
0x1f4: {  	s30 =	simm.s32 $0x79C0;
	[sflag:s19] =	ssyncadd.s32 $0xFFFFC000  }
0x1f5: {  	v6 =	vld [tilespmem:s30+$0x30]  }
0x1f6: {  	v9 =	vld [tilespmem:s30+$0x10]  }
0x1f7: {  	v7 =	vld [tilespmem:s30+$0xFFFFFFC0]  }
0x1f8: {  	v3 =	vld.idx.msk [tilespmem:v2+s10+$0x0], $0xffff  }
0x1f9: {  	v11 =	vld [tilespmem:s30+$0xFFFFFFE0]  }
0x1fa: {  	v4 =	vld [tilespmem:s30+$0x20]  }
0x1fb: {  	v5 =	vld [tilespmem:s30+$0xFFFFFFD0]  }
0x1fc: {  	v2 =	vld [tilespmem:s30+$0xFFFFFFF0]  }
0x1fd: {  	v10 =	vmul.f32 v6, v3;
	v6 =	vld [tilespmem:s30+$0x0]  }
0x1fe: {  	v8 =	vmul.f32 v7, v3  }
0x1ff: {  	s31 =	simm.s32 $0x1;
	s0 =	simm.s32 $0x79C0;
	v7 =	vmul.f32 v11, v3;
	v9 =	vmul.f32 v9, v3  }
.LBB2_7:
0x200: {  	p0 =	sne.s32 s31, $0x7F  }
0x201: {  	v5 =	vmul.f32 v5, v3;
	v4 =	vmul.f32 v4, v3;
	[tilespmem:s30+$0x30] =	vst v10;
	s0 =	sadd.s32 $0x80, s0;
	s7 =	smov.u32 s31;
	s31 =	sadd.s32 $0x1, s31  }
0x202: {  	[tilespmem:s30+$0xFFFFFFC0] =	vst v8;
	v8 =	vmul.f32 v2, v3;
	v3 =	vmul.f32 v6, v3  }
0x203: {  	[tilespmem:s30+$0x10] =	vst v9  }
0x204: {  	v6 =	vmov s7;
	[tilespmem:s30+$0xFFFFFFE0] =	vst v7  }
0x205: {  	v2 =	vld [tilespmem:s0+$0xFFFFFFF0];
	[tilespmem:s30+$0xFFFFFFF0] =	vst v8  }
0x206: {  	v7 =	vld [tilespmem:s0+$0x30];
	[tilespmem:s30+$0x0] =	vst v3  }
0x207: {  	v9 =	vld [tilespmem:s0+$0x10];
	[tilespmem:s30+$0x20] =	vst v4  }
0x208: {  	v8 =	vld [tilespmem:s0+$0xFFFFFFC0];
	[tilespmem:s30+$0xFFFFFFD0] =	vst v5;
	s30 =	smov.u32 s0  }
0x209: {  	v3 =	vld.idx.msk [tilespmem:v6+s10+$0x0], $0xffff  }
0x20a: {  	v11 =	vld [tilespmem:s0+$0xFFFFFFE0]  }
0x20b: {  	v4 =	vld [tilespmem:s0+$0x20]  }
.Ltmp3:
0x20c: {  	v5 =	vld [tilespmem:s0+$0xFFFFFFD0];
	(pc) =	sbr.rel @p0 .LBB2_7-.Ltmp3, $3  }
0x20d: {  	v6 =	vld [tilespmem:s0+$0x0];
	_ =	sdelay $0x1  }
0x20e: {  	v8 =	vmul.f32 v8, v3;
	v10 =	vmul.f32 v7, v3  }
0x20f: {  	v9 =	vmul.f32 v9, v3;
	v7 =	vmul.f32 v11, v3  }
0x210: {  	[tilespmem:s30+$0x30] =	vst v10  }
0x211: {  	[tilespmem:s30+$0xFFFFFFC0] =	vst v8  }
0x212: {  	v2 =	vmul.f32 v2, v3;
	[tilespmem:s30+$0x10] =	vst v9  }
0x213: {  	v4 =	vmul.f32 v4, v3;
	[tilespmem:s30+$0xFFFFFFE0] =	vst v7  }
0x214: {  	v6 =	vmul.f32 v6, v3;
	[tilespmem:s30+$0xFFFFFFF0] =	vst v2  }
0x215: {  	s29 =	sadd.s32 $0x1, s29;
	v2 =	vmul.f32 v5, v3;
	[tilespmem:s30+$0x20] =	vst v4  }
0x216: {  	p0 =	sne.s32 s29, s23;
	[tilespmem:s30+$0x0] =	vst v6  }
.Ltmp4:
0x217: {  	[tilespmem:s30+$0xFFFFFFD0] =	vst v2;
	(pc) =	sbr.rel @p0 .LBB2_6-.Ltmp4, $4  }
0x218: {  	[spmem:s4] =	stream.indirect.scatter.add.f32 [tilespmem:s8], [sflag:$0x2], $0x80, s14, s16, $0xb8;
	[tilespmem:$0x1FC80] =	vst v63  }
0x219: {  	_ =	swait.ge [sflag:s2], $0x4000  }
0x21a: {  	[sflag:s2] =	ssyncset.done $0x0  }
0x21b: {  	[sflag:s2] =	ssyncadd.s32 $0xFFFFC000  }
0x21c: {  	s0 =	stileid.u32  }
0x21d: {  	[bflag:$0x0] =	sbarrier.arrive $0xFFFF;
	s0 =	sshll.u32 s0, $0x6  }
0x21e: {  	s7 =	sshrl.u32 s9, $0x3;
	s21 =	rddreg [dreg:$0xb];
	s0 =	sor.u32 $0x1C02, s0  }
0x21f: {  	[hbm:s21], [sflag:s0] =	dma.local [spmem:s7], $0x800  }
0x220: {  	_ =	swait.ge [sflag:s2], $0x800  }
0x221: {  	s30 =	smov.u32 s11;
	[sflag:s2] =	ssyncset.done $0x0  }
0x222: {  	s11 =	sshrl.u32 s11, $0x3;
	s21 =	rddreg [dreg:$0xc];
	[sflag:s2] =	ssyncadd.s32 $0xFFFFF800  }
0x223: {  	[hbm:s21], [sflag:s0] =	dma.local [spmem:s11], $0x800  }
0x224: {  	_ =	swait.ge [sflag:s2], $0x800  }
0x225: {  	s29 =	smov.u32 s9;
	[sflag:s2] =	ssyncset.done $0x0  }
0x226: {  	s9 =	sshrl.u32 s13, $0x3;
	s11 =	rddreg [dreg:$0xd];
	[sflag:s2] =	ssyncadd.s32 $0xFFFFF800  }
0x227: {  	[hbm:s11], [sflag:s0] =	dma.local [spmem:s9], $0x800  }
0x228: {  	_ =	swait.ge [sflag:s2], $0x800  }
0x229: {  	s31 =	smov.u32 s13;
	[sflag:s2] =	ssyncset.done $0x0;
	s13 =	rddreg [dreg:$0x8]  }
0x22a: {  	s21 =	rddreg [dreg:$0xe];
	[sflag:s2] =	ssyncadd.s32 $0xFFFFF800;
	s7 =	sshrl.u32 s13, $0x3  }
0x22b: {  	[hbm:s21], [sflag:s0] =	dma.local [spmem:s7], $0x800  }
0x22c: {  	_ =	swait.ge [sflag:s2], $0x800  }
0x22d: {  	[sflag:s2] =	ssyncset.done $0x0  }
0x22e: {  	s11 =	sshrl.u32 s15, $0x3;
	s13 =	rddreg [dreg:$0xf];
	[sflag:s2] =	ssyncadd.s32 $0xFFFFF800  }
0x22f: {  	[hbm:s13], [sflag:s0] =	dma.local [spmem:s11], $0x800  }
0x230: {  	_ =	swait.ge [sflag:s2], $0x800  }
0x231: {  	s20 =	sadd.s32 $0x1, s20;
	s21 =	rddreg [dreg:$0x10]  }
0x232: {  	p0 =	sne.s32 s20, s21  }
.Ltmp5:
0x233: {  	_ = 	snop;
	(pc) =	sbr.rel @p0 .LBB2_1-.Ltmp5, $3  }
0x234: {  	_ =	sdelay $0x1  }
0x235: {  	[sflag:s2] =	ssyncset.done $0x0  }
0x236: {  	[sflag:s2] =	ssyncadd.s32 $0xFFFFF800  }
0x237: {  	_ =	sfence.sel $0x180000  }
0x238: {  	[bflag:$0x0] =	sbarrier.arrive $0xFFFF  }
0x239: {  	_ =	strace $0x9000004A  }
0x23a: {  	s0 =	stileid.u32;
	[bflag:$0x2] =	sbarrier.arrive $0xFFFF  }
0x23b: {  	p0 =	sne.s32 s0, $0x0;
	s0 =	rddreg [dreg:$0x4]  }
0x23c: {  	s0 =	sadd.s32 @!p0 $0x100000, s0  }
0x23d: {  	[sflag:s0] =	ssyncadd.tile.s32 @!p0 $0x1;
	_ =	shalt  }
.Lfunc_end2:
_tile_overlayer_lowered:
.L_overlay_start_2:
0x23e: {  	(tag) =	ssettag $0x2  }
0x23f: {  	s0 =	rddreg [dreg:$0x0];
	s2 =	stileid.u32  }
0x240: {  	s1 =	rddreg [dreg:$0x1];
	p0 =	sne.s32 s2, $0x0  }
0x241: {  	s3 =	rddreg [dreg:$0x2];
	[bflag:$0x3] =	sbarrier.arrive $0xFFFF;
	s2 =	simm.s32 @!p0 $0x1C02  }
0x242: {  	[timem:s3], [sflag:s2] =	dma.local @!p0 [hbm:s0], s1  }
0x243: {  	s0 =	simm.s32 @!p0 $0x2  }
0x244: {  	_ =	swait.ge @!p0 [sflag:s0], s1  }
0x245: {  	s1 =	ssub.s32 @!p0 $0x0, s1;
	[sflag:s0] =	ssyncset.done @!p0 $0x0  }
0x246: {  	[sflag:s0] =	ssyncadd.s32 @!p0 s1  }
0x247: {  	[bflag:$0x3] =	sbarrier.arrive $0xFFFF  }
0x248: {  	_ =	shalt  }

// kernel: kernel.7.cloned.1.call-start
scs
__scs_entry_jumppad:
0x0: {  	(pc) =	sbr.rel $0x88, $3  }
0x1: {  	(tag) =	ssettag $0x0;
	lr =	simm.s32 $0x1  }
0x2: {  	[smem:$0x3F92] =	sst lr;
	_ =	strace $0xD0000000  }
0x3: {  	_ = 	snop  }
0x4: {  	_ = 	snop  }
0x5: {  	_ = 	snop  }
0x6: {  	_ = 	snop  }
0x7: {  	_ = 	snop  }
__scs_overlays_trampoline_lowered:
0x8: {  	[smem:$0x3FA1] =	sst s0  }
0x9: {  	[smem:$0x3FA2] =	sst s1  }
0xa: {  	[smem:$0x3FA3] =	sst s2  }
0xb: {  	[smem:$0x3FA4] =	sst s3  }
0xc: {  	[smem:$0x3FA5] =	sst s4  }
0xd: {  	[smem:$0x3FA6] =	sst s5  }
0xe: {  	[smem:$0x3FA7] =	sst s6  }
0xf: {  	[smem:$0x3FA8] =	sst s7  }
0x10: {  	[smem:$0x3FA9] =	sst s8  }
0x11: {  	[smem:$0x3FAA] =	sst s9;
	s0 =	simm.s32 @!p0 $0x0  }
0x12: {  	s1 =	sld [smem:$0x3F90];
	s0 =	simm.s32 @p0 $0x1  }
0x13: {  	[smem:$0x3FAB] =	sst s0;
	s0 =	simm.s32 @!p1 $0x0  }
0x14: {  	s2 =	sld [smem:$0x3F8F];
	s0 =	simm.s32 @p1 $0x1  }
0x15: {  	[smem:$0x3FAC] =	sst s0;
	s0 =	simm.s32 @!p2 $0x0  }
0x16: {  	s3 =	sld [smem:$0x3FDB];
	s0 =	simm.s32 @p2 $0x1  }
0x17: {  	s4 =	simm.s32 $0x1BF5;
	[smem:$0x3FAE] =	sst s0  }
0x18: {  	s0 =	sld [smem:$0x3F91];
	_ =	swait.ge [sflag:s4], $0x0  }
0x19: {  	s7 =	sld [smem:$0x3F92]  }
0x1a: {  	s8 =	sadd.s32 $0xFFFFE003, lr  }
0x1b: {  	s9 =	sadd.s32 $0xFFFFFEF7, lr;
	s5 =	simm.s32 $0xFFFFFFFF;
	p2 =	slt.u32 s8, $0xFFFFF086  }
0x1c: {  	p1 =	slt.u32 s9, $0xF7A;
	s5 =	simm.s32 @!p2 $0x0  }
0x1d: {  	s5 =	simm.s32 @p1 $0x1;
	p0 =	seq.s32 s7, s2  }
0x1e: {  	s7 =	smul.u32 @!p0 $0xF7A, s2;
	p2 =	seq.s32 @!p0 s5, $0x0  }
0x1f: {  	s9 =	smul.u32 $0xF7A, s1;
	s8 =	simm.s32 @!p0 $0x1BF5;
	p2 =	por !p2, p0  }
0x20: {  	[sflag:s8] =	ssyncset.s32 @!p0 $0xFFFFF086;
	s6 =	sadd.s32 @!p0 s3, s7;
	s7 =	simm.s32 @!p0 $0x108  }
0x21: {  	s3 =	sadd.s32 s3, s9;
	s6 =	sadd.s32 @!p0 $0x88, s6;
	s7 =	simm.s32 @p2 $0x1082  }
0x22: {  	[simem:s7], [sflag:s8] =	dma.local @!p0 [hbm:s6], $0xF7A  }
0x23: {  	s9 =	sor.u32 $0xD0000000, s2;
	s6 =	simm.s32 $0x108;
	_ =	swait.ge @!p0 [sflag:s8], $0x0  }
0x24: {  	s3 =	sadd.s32 $0x88, s3;
	s6 =	simm.s32 @!p1 $0x1082;
	[sflag:s4] =	ssyncset.s32 $0xFFFFF086  }
0x25: {  	[simem:s6], [sflag:s4] =	dma.local [hbm:s3], $0xF7A  }
0x26: {  	[smem:$0x3F92] =	sst s1;
	(tag) =	ssettag s2;
	_ =	strace s9  }
0x27: {  	s1 =	sld [smem:$0x3FA2]  }
0x28: {  	s2 =	sld [smem:$0x3FA3]  }
0x29: {  	s4 =	sld [smem:$0x3FA5]  }
0x2a: {  	p0 =	seq.s32 s5, $0x0;
	s5 =	sld [smem:$0x3FA6]  }
0x2b: {  	s6 =	sld [smem:$0x3FA7]  }
0x2c: {  	s7 =	sld [smem:$0x3FA8]  }
0x2d: {  	s3 =	simm.s32 $0x108;
	s8 =	sld [smem:$0x3FA9]  }
0x2e: {  	s3 =	simm.s32 @!p0 $0x1082;
	s9 =	sld [smem:$0x3FAA]  }
0x2f: {  	lr =	sadd.s32 s0, s3;
	s0 =	sld [smem:$0x3FA1]  }
0x30: {  	s3 =	sld [smem:$0x3FA4]  }
0x31: {  	[smem:$0x3FAD] =	sst s10  }
0x32: {  	s10 =	sld [smem:$0x3FAB];
	_ =	sdelay $0x3  }
0x33: {  	p0 =	seq.s32 s10, $0x1;
	s10 =	sld [smem:$0x3FAD];
	_ =	sdelay $0x3  }
0x34: {  	[smem:$0x3FAD] =	sst s10  }
0x35: {  	s10 =	sld [smem:$0x3FAC];
	_ =	sdelay $0x3  }
0x36: {  	p1 =	seq.s32 s10, $0x1;
	s10 =	sld [smem:$0x3FAD];
	_ =	sdelay $0x3  }
0x37: {  	[smem:$0x3FAD] =	sst s10  }
0x38: {  	s10 =	sld [smem:$0x3FAE]  }
0x39: {  	_ = 	snop;
	(pc) =	sbr.ind lr, $3  }
0x3a: {  	_ = 	snop  }
0x3b: {  	_ = 	snop  }
0x3c: {  	p2 =	seq.s32 s10, $0x1;
	s10 =	sld [smem:$0x3FAD]  }
0x3d: {  	_ =	shalt  }
0x3e: {  	_ =	shalt  }
0x3f: {  	_ =	shalt  }
0x40: {  	_ =	shalt  }
0x41: {  	_ =	shalt  }
0x42: {  	_ =	shalt  }
0x43: {  	_ =	shalt  }
0x44: {  	_ =	shalt  }
0x45: {  	_ =	shalt  }
0x46: {  	_ =	shalt  }
0x47: {  	_ =	shalt  }
0x48: {  	_ =	shalt  }
0x49: {  	_ =	shalt  }
0x4a: {  	_ =	shalt  }
0x4b: {  	_ =	shalt  }
0x4c: {  	_ =	shalt  }
0x4d: {  	_ =	shalt  }
0x4e: {  	_ =	shalt  }
0x4f: {  	_ =	shalt  }
0x50: {  	_ =	shalt  }
0x51: {  	_ =	shalt  }
0x52: {  	_ =	shalt  }
0x53: {  	_ =	shalt  }
0x54: {  	_ =	shalt  }
0x55: {  	_ =	shalt  }
0x56: {  	_ =	shalt  }
0x57: {  	_ =	shalt  }
0x58: {  	_ =	shalt  }
0x59: {  	_ =	shalt  }
0x5a: {  	_ =	shalt  }
0x5b: {  	_ =	shalt  }
0x5c: {  	_ =	shalt  }
0x5d: {  	_ =	shalt  }
0x5e: {  	_ =	shalt  }
0x5f: {  	_ =	shalt  }
0x60: {  	_ =	shalt  }
0x61: {  	_ =	shalt  }
0x62: {  	_ =	shalt  }
0x63: {  	_ =	shalt  }
0x64: {  	_ =	shalt  }
0x65: {  	_ =	shalt  }
0x66: {  	_ =	shalt  }
0x67: {  	_ =	shalt  }
0x68: {  	_ =	shalt  }
0x69: {  	_ =	shalt  }
0x6a: {  	_ =	shalt  }
0x6b: {  	_ =	shalt  }
0x6c: {  	_ =	shalt  }
0x6d: {  	_ =	shalt  }
0x6e: {  	_ =	shalt  }
0x6f: {  	_ =	shalt  }
0x70: {  	_ =	shalt  }
0x71: {  	_ =	shalt  }
0x72: {  	_ =	shalt  }
0x73: {  	_ =	shalt  }
0x74: {  	_ =	shalt  }
0x75: {  	_ =	shalt  }
0x76: {  	_ =	shalt  }
0x77: {  	_ =	shalt  }
0x78: {  	_ =	shalt  }
0x79: {  	_ =	shalt  }
0x7a: {  	_ =	shalt  }
0x7b: {  	_ =	shalt  }
0x7c: {  	_ =	shalt  }
0x7d: {  	_ =	shalt  }
0x7e: {  	_ =	shalt  }
0x7f: {  	_ =	shalt  }
0x80: {  	_ =	shalt  }
0x81: {  	_ =	shalt  }
0x82: {  	_ =	shalt  }
0x83: {  	_ =	shalt  }
0x84: {  	_ =	shalt  }
0x85: {  	_ =	shalt  }
0x86: {  	_ =	shalt  }
0x87: {  	_ =	shalt  }
.Lfunc_end0:
.L_simem_size_0:
called_computation_lowered:
.L_overlay_start_0:
0x88: {  	s2 =	sld [smem:$0x3FD9]  }
0x89: {  	s3 =	sld [smem:$0x3FFE];
	_ =	sdelay $0x1  }
0x8a: {  	s1 =	srdreg.scid  }
0x8b: {  	s0 =	sand.u32 $0x1, s1  }
0x8c: {  	s16 =	sshll.u32 s0, $0xA;
	s2 =	sadd.s32 s3, s2  }
0x8d: {  	s2 =	sadd.s32 s2, s16  }
0x8e: {  	[smem:$0x3FB9] =	sst s2  }
0x8f: {  	_ = 	snop  }
0x90: {  	(tm) =	ssettm $0x1  }
0x91: {  	s17 =	sld [smem:$0x3FFB];
	_ =	sdelay $0x3  }
0x92: {  	_ =	strace s17  }
0x93: {  	s2 =	sld [smem:$0x3FFC];
	_ =	sdelay $0x3  }
0x94: {  	_ =	strace s2  }
0x95: {  	s2 =	sld [smem:$0x3FFD];
	_ =	sdelay $0x3  }
0x96: {  	_ =	strace s2  }
0x97: {  	_ =	strace $0x8FFFFFFF  }
0x98: {  	s18 =	sld [smem:$0x3FDB];
	_ =	sdelay $0x1  }
0x99: {  	s19 =	simm.s32 $_scs_section_size  }
0x9a: {  	s4 =	simm.s32 $_size__tile_overlayer_lowered;
	s5 =	simm.s32 $_tile_overlayer_lowered  }
0x9b: {  	s22 =	simm.s32 $0x1BFF;
	s21 =	sshll.u32 s5, $0x1;
	s2 =	sadd.s32 s19, s18  }
0x9c: {  	s6 =	simm.s32 $0x0;
	s20 =	sshll.u32 s4, $0x1;
	s4 =	sadd.s32 s21, s2  }
0x9d: {  	[timem:s6], [sflag:s22] =	dma.local [hbm:s4], s20  }
0x9e: {  	_ =	swait.ge [sflag:s22], s20  }
0x9f: {  	s3 =	ssub.s32 $0x0, s20;
	[sflag:s22] =	ssyncset.done $0x0  }
0xa0: {  	[sflag:s22] =	ssyncadd.s32 s3;
	_ =	sdelay $0x1  }
0xa1: {  	s23 =	simm.s32 $0x1B8B  }
0xa2: {  	_ =	swait.ge [sflag:s23], $0x1  }
0xa3: {  	[sflag:s23] =	ssyncset.done $0x0  }
0xa4: {  	s25 =	simm.s32 $0x1B8E;
	s24 =	sld [smem:$0x3FFE];
	[sflag:s23] =	ssyncadd.s32 $0xFFFFFFFF  }
0xa5: {  	s26 =	simm.s32 $execute0_lowered;
	[smem:$0x3FD2] =	sst s25  }
0xa6: {  	s4 =	sshll.u32 s26, $0x1;
	_ =	strace $0x80000046;
	[dreg:$0x1] =	wrdreg $0xFFFFFFFF  }
0xa7: {  	s28 =	simm.s32 $_size_execute0_lowered;
	s2 =	sadd.s32 s2, s4;
	[dreg:$0x0] =	wrdreg $0x0  }
0xa8: {  	s4 =	sshll.u32 s28, $0x1;
	[dreg:$0x2] =	wrdreg s2  }
0xa9: {  	[dreg:$0x3] =	wrdreg s4  }
0xaa: {  	[dreg:$0x4] =	wrdreg $0xC0  }
0xab: {  	_ =	task [dreg:s6], $0x5FFFF  }
0xac: {  	[dreg:$0x1] =	wrdreg $0xFFFFFFFF  }
0xad: {  	[dreg:$0x0] =	wrdreg $0x60  }
0xae: {  	[dreg:$0x2] =	wrdreg s24  }
0xaf: {  	[dreg:$0x3] =	wrdreg $0xBA800  }
0xb0: {  	[dreg:$0x4] =	wrdreg $0x1FA800  }
0xb1: {  	[dreg:$0x5] =	wrdreg $0x9  }
0xb2: {  	_ =	task.clear_ibuf [dreg:s6], $0x6FFFF;
	_ =	strace $0x90000046  }
0xb3: {  	s29 =	simm.s32 $0x9;
	_ =	strace $0x80000048  }
0xb4: {  	_ =	swait.ge [sflag:s29], $0x1  }
0xb5: {  	[sflag:s29] =	ssyncadd.s32 $0xFFFFFFFF  }
0xb6: {  	_ =	strace $0x90000048  }
0xb7: {  	_ =	sfence  }
0xb8: {  	s30 =	sld [smem:$0x0];
	_ =	sdelay $0x2  }
0xb9: {  	s31 =	sshll.u32 s1, $0xD;
	s1 =	sshrl.u32 s1, $0x2  }
0xba: {  	s3 =	sand.u32 $0x4000, s31;
	s1 =	sadd.s32 s1, s30  }
0xbb: {  	s0 =	sor.u32 s3, s0;
	s1 =	sshll.u32 s1, $0x11  }
0xbc: {  	s0 =	sor.u32 s1, s0  }
0xbd: {  	s0 =	sadd.s32 $0x8F2B, s0  }
0xbe: {  	[sflag:s0] =	ssyncadd.remote.s32 $0x1  }
0xbf: {  	_ =	sfence.sel $0xFFFF  }
0xc0: {  	[dreg:$0x0] =	wrdreg $0xFFFFFFFF;
	(pc) =	sbr.abs _section_cstart, $3  }
0xc1: {  	[dreg:$0x1] =	wrdreg $0xFFFFFFFF  }
0xc2: {  	_ =	task.clear_ibuf [dreg:s6], $0x2FFFF;
	_ =	strace $0x9FFFFFFF  }
0xc3: {  	(tm) =	ssettm $0x7FFFFFFF  }
tec
execute0_lowered:
.L_overlay_start_1:
0x0: {  	(tag) =	ssettag $0x1  }
0x1: {  	s1 =	rddreg [dreg:$0x0]  }
0x2: {  	s2 =	rddreg [dreg:$0x1]  }
0x3: {  	s3 =	rddreg [dreg:$0x2];
	s23 =	stileid.u32  }
0x4: {  	s4 =	simm.s32 $0x0;
	s0 =	srdreg.scid;
	s6 =	smul.u32 $0x280, s23  }
0x5: {  	[smem:$0x7FF] =	sst s4;
	s13 =	sand.u32 $0x1, s0;
	s8 =	smul.u32 $0x50000, s23  }
0x6: {  	s9 =	sadd.s32 $0x65200, s1;
	s11 =	smul.u32 $0x14000, s23;
	s28 =	sadd.s32 $0x59E00, s1  }
0x7: {  	s31 =	sshll.u32 s23, $0x7;
	_ =	strace $0x80000047;
	s0 =	sshll.u32 s13, $0x4  }
0x8: {  	s5 =	ssub.s32 $0x2, s13;
	s26 =	smul.u32 $0x140000, s13;
	v0 =	vmov s13;
	s13 =	simm.s32 $0x7900  }
0x9: {  	s0 =	sadd.s32 s0, s1;
	s7 =	sshrl.u32 s5, $0x1;
	s15 =	sadd.s32 $0x100, s6  }
0xa: {  	s17 =	sadd.s32 $0x180, s6;
	s21 =	sadd.s32 $0x200, s6;
	s5 =	ssub.s32 s5, s7  }
0xb: {  	s10 =	sadd.s32 $0x64600, s0;
	s18 =	sshll.u32 s15, $0x7;
	s19 =	sshll.u32 s17, $0x7  }
0xc: {  	s11 =	sadd.s32 s11, s26;
	s22 =	sshll.u32 s21, $0x7;
	s15 =	sadd.s32 s15, s3  }
0xd: {  	[dreg:$0x4] =	wrdreg s10;
	s10 =	sadd.s32 $0x80, s6;
	s11 =	sshrl.u32 s11, $0x3  }
0xe: {  	s20 =	sadd.s32 s26, s18;
	s24 =	sadd.s32 s26, s19;
	s7 =	sadd.s32 s26, s22  }
0xf: {  	s30 =	sadd.s32 s18, s2;
	[dreg:$0xe] =	wrdreg s15;
	s18 =	sadd.s32 s17, s3  }
0x10: {  	s22 =	sadd.s32 s22, s2;
	s5 =	smax.u32 s5, $0x1;
	s15 =	simm.s32 $0x1  }
0x11: {  	s17 =	simm.s32 $0x0;
	s12 =	sshll.u32 s10, $0x7;
	[dreg:$0x10] =	wrdreg s18  }
0x12: {  	s11 =	sadd.s32 s9, s11;
	s7 =	sshrl.u32 s7, $0x3;
	[dreg:$0x12] =	wrdreg s5  }
0x13: {  	s14 =	sadd.s32 s26, s12;
	[dreg:$0x5] =	wrdreg s11;
	s7 =	sadd.s32 s9, s7  }
0x14: {  	s26 =	sadd.s32 $0x63C00, s0;
	s0 =	sadd.s32 $0x65000, s0;
	[dreg:$0x9] =	wrdreg s7  }
0x15: {  	s29 =	sadd.s32 s12, s2;
	s16 =	sshrl.u32 s14, $0x3;
	[dreg:$0xa] =	wrdreg s26  }
0x16: {  	s14 =	sshrl.u32 s24, $0x3;
	[dreg:$0xb] =	wrdreg s0;
	s11 =	sadd.s32 s9, s16  }
0x17: {  	s12 =	simm.s32 $0x5000;
	s25 =	sadd.s32 s9, s14;
	[dreg:$0x6] =	wrdreg s11  }
0x18: {  	s0 =	simm.s32 $0x80;
	s14 =	sadd.s32 s10, s3;
	[dreg:$0x8] =	wrdreg s25  }
0x19: {  	s7 =	simm.s32 $0x2800;
	s16 =	sadd.s32 s19, s2;
	[dreg:$0xd] =	wrdreg s14  }
0x1a: {  	s19 =	sadd.s32 s21, s3;
	s21 =	sshll.u32 s23, $0x4;
	[dreg:$0xf] =	wrdreg s16  }
0x1b: {  	s10 =	simm.s32 $0x7800;
	s11 =	sshrl.u32 s20, $0x3;
	[dreg:$0x11] =	wrdreg s19  }
0x1c: {  	s20 =	ssub.s32 $0x9D3, s23;
	s25 =	sadd.s32 $0x50000, s1;
	s11 =	sadd.s32 s9, s11  }
0x1d: {  	s9 =	sshrl.u32 s8, $0x2;
	s24 =	sshrl.u32 s20, $0x4;
	s5 =	sadd.s32 s21, s25  }
0x1e: {  	s21 =	sadd.s32 s21, s28;
	s8 =	simm.s32 $0x7A00;
	[dreg:$0x7] =	wrdreg s11  }
0x1f: {  	s26 =	sadd.s32 s9, s2;
	s11 =	sadd.s32 s6, s3;
	s6 =	simm.s32 $0x2  }
0x20: {  	v1 =	vimm.f32 $0.0e+00;
	s9 =	simm.s32 $0x7980;
	[dreg:$0xc] =	wrdreg s11;
	s11 =	simm.s32 $0x7880  }
.LBB2_1:
0x21: {  	s14 =	rddreg [dreg:$0x4];
	s16 =	simm.s32 $0x100  }
0x22: {  	[tilespmem:s4], [sflag:$0x2] =	stream.strided.gather [hbm4b:s14+s0], $0x2800, s16, s0, $0x38;
	[tilespmem:$0x1FD00] =	vst v63  }
0x23: {  	_ =	swait.ge [sflag:s6], $0x2800  }
0x24: {  	[sflag:s6] =	ssyncset.done $0x0  }
0x25: {  	s19 =	rddreg [dreg:$0xa];
	[sflag:s6] =	ssyncadd.s32 $0xFFFFD800  }
0x26: {  	[tilespmem:s7], [sflag:$0x2] =	stream.strided.gather [hbm4b:s19+s0], $0x2800, s16, s0, $0x38;
	[tilespmem:$0x1FD00] =	vst v63  }
0x27: {  	_ =	swait.ge [sflag:s6], $0x2800  }
0x28: {  	[sflag:s6] =	ssyncset.done $0x0  }
0x29: {  	s23 =	simm.s32 $0xBA00;
	s20 =	rddreg [dreg:$0xb];
	[sflag:s6] =	ssyncadd.s32 $0xFFFFD800  }
0x2a: {  	[tilespmem:s23], [sflag:$0x2] =	stream.linear.gather [hbm4b:s20+s4], $0x80, $0x38;
	[tilespmem:$0x1FD00] =	vst v63  }
0x2b: {  	_ =	swait.ge [sflag:s6], $0x80  }
0x2c: {  	[sflag:s6] =	ssyncset.done $0x0  }
0x2d: {  	[sflag:s6] =	ssyncadd.s32 $0xFFFFFF80  }
0x2e: {  	s19 =	simm.s32 $0x0;
	s23 =	simm.s32 $0x200;
	v2 =	vld [tilespmem:$0xBA00]  }
.LBB2_2:
0x2f: {  	p0 =	sne.s32 s23, $0xFE00;
	[tilespmem:s19+$0x7A70] =	vst v1  }
0x30: {  	[tilespmem:s19+$0x7A00] =	vst v1  }
0x31: {  	[tilespmem:s19+$0x7A10] =	vst v1  }
.Ltmp0:
0x32: {  	[tilespmem:s19+$0x7A20] =	vst v1;
	(pc) =	sbr.rel @p0 .LBB2_2-.Ltmp0, $4  }
0x33: {  	[tilespmem:s19+$0x7A30] =	vst v1  }
0x34: {  	[tilespmem:s19+$0x7A40] =	vst v1  }
0x35: {  	[tilespmem:s19+$0x7A50] =	vst v1  }
0x36: {  	[tilespmem:s19+$0x7A60] =	vst v1;
	s19 =	sshra.s32 s23, $0x2;
	s23 =	sadd.s32 $0x200, s23  }
0x37: {  	[tilespmem:s19+$0x7A70] =	vst v1  }
0x38: {  	[tilespmem:s19+$0x7A00] =	vst v1  }
0x39: {  	[tilespmem:s19+$0x7A10] =	vst v1  }
0x3a: {  	[tilespmem:s19+$0x7A20] =	vst v1  }
0x3b: {  	[tilespmem:s19+$0x7A30] =	vst v1  }
0x3c: {  	[tilespmem:s19+$0x7A40] =	vst v1  }
0x3d: {  	[tilespmem:s19+$0x7A50] =	vst v1  }
0x3e: {  	[tilespmem:s19+$0x7A60] =	vst v1  }
0x3f: {  	[tilespmem:$0x7980] =	vst v1  }
0x40: {  	[tilespmem:$0x7990] =	vst v1  }
0x41: {  	[tilespmem:$0x79A0] =	vst v1  }
0x42: {  	[tilespmem:$0x79B0] =	vst v1  }
0x43: {  	[tilespmem:$0x79C0] =	vst v1  }
0x44: {  	[tilespmem:$0x79D0] =	vst v1  }
0x45: {  	[tilespmem:$0x79E0] =	vst v1  }
0x46: {  	[tilespmem:$0x79F0] =	vst v1  }
0x47: {  	[spmem:s26] =	stream.linear.scatter [tilespmem:s8], [sflag:$0x2], $0x4000, $0x38;
	[tilespmem:$0x1FD00] =	vst v63  }
0x48: {  	_ =	swait.ge [sflag:s6], $0x4000  }
0x49: {  	[sflag:s6] =	ssyncset.done $0x0  }
0x4a: {  	s14 =	rddreg [dreg:$0xc];
	[sflag:s6] =	ssyncadd.s32 $0xFFFFC000  }
0x4b: {  	[spmem:s14] =	stream.linear.scatter [tilespmem:s9], [sflag:$0x2], $0x80, $0x38;
	[tilespmem:$0x1FD00] =	vst v63  }
0x4c: {  	_ =	swait.ge [sflag:s6], $0x80  }
0x4d: {  	[sflag:s6] =	ssyncset.done $0x0  }
0x4e: {  	[sflag:s6] =	ssyncadd.s32 $0xFFFFFF80  }
0x4f: {  	[spmem:s29] =	stream.linear.scatter [tilespmem:s8], [sflag:$0x2], $0x4000, $0x38;
	[tilespmem:$0x1FD00] =	vst v63  }
0x50: {  	_ =	swait.ge [sflag:s6], $0x4000  }
0x51: {  	[sflag:s6] =	ssyncset.done $0x0  }
0x52: {  	s23 =	rddreg [dreg:$0xd];
	[sflag:s6] =	ssyncadd.s32 $0xFFFFC000  }
0x53: {  	[spmem:s23] =	stream.linear.scatter [tilespmem:s9], [sflag:$0x2], $0x80, $0x38;
	[tilespmem:$0x1FD00] =	vst v63  }
0x54: {  	_ =	swait.ge [sflag:s6], $0x80  }
0x55: {  	[sflag:s6] =	ssyncset.done $0x0  }
0x56: {  	[sflag:s6] =	ssyncadd.s32 $0xFFFFFF80  }
0x57: {  	[spmem:s30] =	stream.linear.scatter [tilespmem:s8], [sflag:$0x2], $0x4000, $0x38;
	[tilespmem:$0x1FD00] =	vst v63  }
0x58: {  	_ =	swait.ge [sflag:s6], $0x4000  }
0x59: {  	[sflag:s6] =	ssyncset.done $0x0  }
0x5a: {  	s16 =	smov.u32 s26;
	s26 =	rddreg [dreg:$0xe];
	[sflag:s6] =	ssyncadd.s32 $0xFFFFC000  }
0x5b: {  	[spmem:s26] =	stream.linear.scatter [tilespmem:s9], [sflag:$0x2], $0x80, $0x38;
	[tilespmem:$0x1FD00] =	vst v63  }
0x5c: {  	_ =	swait.ge [sflag:s6], $0x80  }
0x5d: {  	[sflag:s6] =	ssyncset.done $0x0  }
0x5e: {  	s19 =	rddreg [dreg:$0xf];
	[sflag:s6] =	ssyncadd.s32 $0xFFFFFF80  }
0x5f: {  	[spmem:s19] =	stream.linear.scatter [tilespmem:s8], [sflag:$0x2], $0x4000, $0x38;
	[tilespmem:$0x1FD00] =	vst v63  }
0x60: {  	_ =	swait.ge [sflag:s6], $0x4000  }
0x61: {  	[sflag:s6] =	ssyncset.done $0x0  }
0x62: {  	s23 =	rddreg [dreg:$0x10];
	[sflag:s6] =	ssyncadd.s32 $0xFFFFC000  }
0x63: {  	[spmem:s23] =	stream.linear.scatter [tilespmem:s9], [sflag:$0x2], $0x80, $0x38;
	[tilespmem:$0x1FD00] =	vst v63  }
0x64: {  	_ =	swait.ge [sflag:s6], $0x80  }
0x65: {  	[sflag:s6] =	ssyncset.done $0x0  }
0x66: {  	[sflag:s6] =	ssyncadd.s32 $0xFFFFFF80  }
0x67: {  	[spmem:s22] =	stream.linear.scatter [tilespmem:s8], [sflag:$0x2], $0x4000, $0x38;
	[tilespmem:$0x1FD00] =	vst v63  }
0x68: {  	_ =	swait.ge [sflag:s6], $0x4000  }
0x69: {  	[sflag:s6] =	ssyncset.done $0x0  }
0x6a: {  	s26 =	rddreg [dreg:$0x11];
	[sflag:s6] =	ssyncadd.s32 $0xFFFFC000  }
0x6b: {  	[spmem:s26] =	stream.linear.scatter [tilespmem:s9], [sflag:$0x2], $0x80, $0x38;
	[tilespmem:$0x1FD00] =	vst v63  }
0x6c: {  	_ =	swait.ge [sflag:s6], $0x80  }
0x6d: {  	[sflag:s6] =	ssyncset.done $0x0  }
0x6e: {  	[sflag:s6] =	ssyncadd.s32 $0xFFFFFF80  }
0x6f: {  	[bflag:$0x0] =	sbarrier.arrive $0xFFFF  }
0x70: {  	[tilespmem:s10], [sflag:$0x2] =	stream.linear.gather [hbm4b:s21+s4], $0x80, $0x38;
	[tilespmem:$0x1FD00] =	vst v63  }
0x71: {  	_ =	swait.ge [sflag:s6], $0x80  }
0x72: {  	[sflag:s6] =	ssyncset.done $0x0  }
0x73: {  	[sflag:s6] =	ssyncadd.s32 $0xFFFFFF80  }
0x74: {  	[tilespmem:s11], [sflag:$0x2] =	stream.linear.gather [hbm4b:s5+s4], $0x80, $0x38;
	[tilespmem:$0x1FD00] =	vst v63  }
0x75: {  	_ =	swait.ge [sflag:s6], $0x80  }
0x76: {  	[sflag:s6] =	ssyncset.done $0x0  }
0x77: {  	[sflag:s6] =	ssyncadd.s32 $0xFFFFFF80  }
0x78: {  	v3 =	vld [tilespmem:$0x7800]  }
0x79: {  	v4 =	vld [tilespmem:$0x7880];
	_ =	sdelay $0x6  }
0x7a: {  	v3 =	vld.idx.msk [tilespmem:v3+s4+$0x0], $0xffff  }
0x7b: {  	v4 =	vld.idx.msk [tilespmem:v4+s7+$0x0], $0xffff;
	_ =	sdelay $0x4  }
0x7c: {  	v3 =	vadd.f32 v4, v3;
	_ =	sdelay $0x1  }
0x7d: {  	v4 =	vmul.f32 $2.000000030e-01, v3  }
0x7e: {  	vm0 =	vgt.f32 v3, $0.0e+00  }
0x7f: {  	v3 =	vsel vm0, v3, v4  }
0x80: {  	v3 =	vsub.f32 v3, v2;
	_ =	sdelay $0x1  }
0x81: {  	v3 =	vmul.f32 $1.442695020e+00, v3;
	_ =	sdelay $0x1  }
0x82: {  	(erf) = vpow2.f32 v3;
	_ =	sdelay $0x2  }
0x83: {  	v3 =	vld [tilespmem:$0x7810]  }
0x84: {  	v51 =	vld [tilespmem:$0x7890];
	_ =	sdelay $0x4  }
0x85: {  	v5 =	vpop (erf)  }
0x86: {  	[tilespmem:$0x7980] =	vst v5  }
0x87: {  	v3 =	vld.idx.msk [tilespmem:v3+s4+$0x0], $0xffff  }
0x88: {  	v4 =	vld.idx.msk [tilespmem:v51+s7+$0x0], $0xffff;
	_ =	sdelay $0x4  }
0x89: {  	v3 =	vadd.f32 v4, v3;
	_ =	sdelay $0x1  }
0x8a: {  	v4 =	vmul.f32 $2.000000030e-01, v3  }
0x8b: {  	vm9 =	vgt.f32 v3, $0.0e+00  }
0x8c: {  	v3 =	vsel vm9, v3, v4  }
0x8d: {  	v3 =	vsub.f32 v3, v2;
	_ =	sdelay $0x1  }
0x8e: {  	v3 =	vmul.f32 $1.442695020e+00, v3;
	_ =	sdelay $0x1  }
0x8f: {  	(erf) = vpow2.f32 v3;
	_ =	sdelay $0x2  }
0x90: {  	v3 =	vld [tilespmem:$0x7820]  }
0x91: {  	v52 =	vld [tilespmem:$0x78A0];
	_ =	sdelay $0x4  }
0x92: {  	v53 =	vpop (erf)  }
0x93: {  	[tilespmem:$0x7990] =	vst v53  }
0x94: {  	v3 =	vld.idx.msk [tilespmem:v3+s4+$0x0], $0xffff  }
0x95: {  	v4 =	vld.idx.msk [tilespmem:v52+s7+$0x0], $0xffff;
	_ =	sdelay $0x4  }
0x96: {  	v3 =	vadd.f32 v4, v3;
	_ =	sdelay $0x1  }
0x97: {  	v4 =	vmul.f32 $2.000000030e-01, v3  }
0x98: {  	vm10 =	vgt.f32 v3, $0.0e+00  }
0x99: {  	v3 =	vsel vm10, v3, v4  }
0x9a: {  	v3 =	vsub.f32 v3, v2;
	_ =	sdelay $0x1  }
0x9b: {  	v3 =	vmul.f32 $1.442695020e+00, v3;
	_ =	sdelay $0x1  }
0x9c: {  	(erf) = vpow2.f32 v3;
	_ =	sdelay $0x2  }
0x9d: {  	v3 =	vld [tilespmem:$0x7830]  }
0x9e: {  	v54 =	vld [tilespmem:$0x78B0];
	_ =	sdelay $0x4  }
0x9f: {  	v55 =	vpop (erf)  }
0xa0: {  	[tilespmem:$0x79A0] =	vst v55  }
0xa1: {  	v3 =	vld.idx.msk [tilespmem:v3+s4+$0x0], $0xffff  }
0xa2: {  	v4 =	vld.idx.msk [tilespmem:v54+s7+$0x0], $0xffff;
	_ =	sdelay $0x4  }
0xa3: {  	v3 =	vadd.f32 v4, v3;
	_ =	sdelay $0x1  }
0xa4: {  	v4 =	vmul.f32 $2.000000030e-01, v3  }
0xa5: {  	vm11 =	vgt.f32 v3, $0.0e+00  }
0xa6: {  	v3 =	vsel vm11, v3, v4  }
0xa7: {  	v3 =	vsub.f32 v3, v2;
	_ =	sdelay $0x1  }
0xa8: {  	v3 =	vmul.f32 $1.442695020e+00, v3;
	_ =	sdelay $0x1  }
0xa9: {  	(erf) = vpow2.f32 v3;
	_ =	sdelay $0x2  }
0xaa: {  	v3 =	vld [tilespmem:$0x7840]  }
0xab: {  	v56 =	vld [tilespmem:$0x78C0];
	_ =	sdelay $0x4  }
0xac: {  	v57 =	vpop (erf)  }
0xad: {  	[tilespmem:$0x79B0] =	vst v57  }
0xae: {  	v3 =	vld.idx.msk [tilespmem:v3+s4+$0x0], $0xffff  }
0xaf: {  	v4 =	vld.idx.msk [tilespmem:v56+s7+$0x0], $0xffff;
	_ =	sdelay $0x4  }
0xb0: {  	v3 =	vadd.f32 v4, v3;
	_ =	sdelay $0x1  }
0xb1: {  	v4 =	vmul.f32 $2.000000030e-01, v3  }
0xb2: {  	vm12 =	vgt.f32 v3, $0.0e+00  }
0xb3: {  	v3 =	vsel vm12, v3, v4  }
0xb4: {  	v3 =	vsub.f32 v3, v2;
	_ =	sdelay $0x1  }
0xb5: {  	v3 =	vmul.f32 $1.442695020e+00, v3;
	_ =	sdelay $0x1  }
0xb6: {  	(erf) = vpow2.f32 v3;
	_ =	sdelay $0x2  }
0xb7: {  	v3 =	vld [tilespmem:$0x7850]  }
0xb8: {  	v58 =	vld [tilespmem:$0x78D0];
	_ =	sdelay $0x4  }
0xb9: {  	v59 =	vpop (erf)  }
0xba: {  	[tilespmem:$0x79C0] =	vst v59  }
0xbb: {  	v3 =	vld.idx.msk [tilespmem:v3+s4+$0x0], $0xffff  }
0xbc: {  	v4 =	vld.idx.msk [tilespmem:v58+s7+$0x0], $0xffff;
	_ =	sdelay $0x4  }
0xbd: {  	v3 =	vadd.f32 v4, v3;
	_ =	sdelay $0x1  }
0xbe: {  	v4 =	vmul.f32 $2.000000030e-01, v3  }
0xbf: {  	vm13 =	vgt.f32 v3, $0.0e+00  }
0xc0: {  	v3 =	vsel vm13, v3, v4  }
0xc1: {  	v3 =	vsub.f32 v3, v2;
	_ =	sdelay $0x1  }
0xc2: {  	v3 =	vmul.f32 $1.442695020e+00, v3;
	_ =	sdelay $0x1  }
0xc3: {  	(erf) = vpow2.f32 v3;
	_ =	sdelay $0x2  }
0xc4: {  	v3 =	vld [tilespmem:$0x7860]  }
0xc5: {  	v60 =	vld [tilespmem:$0x78E0];
	_ =	sdelay $0x4  }
0xc6: {  	v61 =	vpop (erf)  }
0xc7: {  	[tilespmem:$0x79D0] =	vst v61  }
0xc8: {  	v3 =	vld.idx.msk [tilespmem:v3+s4+$0x0], $0xffff  }
0xc9: {  	v4 =	vld.idx.msk [tilespmem:v60+s7+$0x0], $0xffff;
	_ =	sdelay $0x4  }
0xca: {  	v3 =	vadd.f32 v4, v3;
	_ =	sdelay $0x1  }
0xcb: {  	v4 =	vmul.f32 $2.000000030e-01, v3  }
0xcc: {  	vm14 =	vgt.f32 v3, $0.0e+00  }
0xcd: {  	v3 =	vsel vm14, v3, v4  }
0xce: {  	v3 =	vsub.f32 v3, v2;
	_ =	sdelay $0x1  }
0xcf: {  	v3 =	vmul.f32 $1.442695020e+00, v3;
	_ =	sdelay $0x1  }
0xd0: {  	(erf) = vpow2.f32 v3;
	_ =	sdelay $0x2  }
0xd1: {  	v3 =	vld [tilespmem:$0x7870]  }
0xd2: {  	v62 =	vld [tilespmem:$0x78F0];
	_ =	sdelay $0x4  }
0xd3: {  	v63 =	vpop (erf)  }
0xd4: {  	[tilespmem:$0x79E0] =	vst v63  }
0xd5: {  	v3 =	vld.idx.msk [tilespmem:v3+s4+$0x0], $0xffff  }
0xd6: {  	v4 =	vld.idx.msk [tilespmem:v62+s7+$0x0], $0xffff;
	_ =	sdelay $0x4  }
0xd7: {  	v3 =	vadd.f32 v4, v3;
	_ =	sdelay $0x1  }
0xd8: {  	v4 =	vmul.f32 $2.000000030e-01, v3  }
0xd9: {  	vm15 =	vgt.f32 v3, $0.0e+00  }
0xda: {  	p0 =	sne.s32 s24, $0x1;
	v3 =	vsel vm15, v3, v4  }
.Ltmp1:
0xdb: {  	v3 =	vsub.f32 v3, v2;
	(pc) =	sbr.rel @!p0 .LBB2_5-.Ltmp1, $4  }
0xdc: {  	_ = 	snop  }
0xdd: {  	v3 =	vmul.f32 $1.442695020e+00, v3  }
0xde: {  	s18 =	smov.u32 s29;
	s20 =	smov.u32 s30  }
0xdf: {  	s29 =	smov.u32 s5;
	s30 =	smov.u32 s21;
	s19 =	sadd.s32 $0xFFFFFFFF, s24;
	(erf) = vpow2.f32 v3  }
.LBB2_4:
0xe0: {  	_ =	sdelay $0x4  }
0xe1: {  	p0 =	sne.s32 s19, $0x1;
	s29 =	sadd.s32 $0x100, s29;
	s30 =	sadd.s32 $0x100, s30  }
0xe2: {  	s19 =	sadd.s32 $0xFFFFFFFF, s19;
	_ =	sdelay $0x1  }
0xe3: {  	v3 =	vpop (erf)  }
0xe4: {  	[tilespmem:$0x79F0] =	vst v3  }
0xe5: {  	[spmem:s3] =	stream.indirect.scatter.add.f32 [tilespmem:s9], [sflag:$0x2], $0x1, s11, s0, $0xb8;
	[tilespmem:$0x1FD00] =	vst v63  }
0xe6: {  	_ =	swait.ge [sflag:s6], $0x80  }
0xe7: {  	[sflag:s6] =	ssyncset.done $0x0  }
0xe8: {  	[sflag:s6] =	ssyncadd.s32 $0xFFFFFF80  }
0xe9: {  	[tilespmem:s10], [sflag:$0x2] =	stream.linear.gather [hbm4b:s30+s4], $0x80, $0x38;
	[tilespmem:$0x1FD00] =	vst v63  }
0xea: {  	_ =	swait.ge [sflag:s6], $0x80  }
0xeb: {  	[sflag:s6] =	ssyncset.done $0x0  }
0xec: {  	[sflag:s6] =	ssyncadd.s32 $0xFFFFFF80  }
0xed: {  	[tilespmem:s11], [sflag:$0x2] =	stream.linear.gather [hbm4b:s29+s4], $0x80, $0x38;
	[tilespmem:$0x1FD00] =	vst v63  }
0xee: {  	_ =	swait.ge [sflag:s6], $0x80  }
0xef: {  	[sflag:s6] =	ssyncset.done $0x0  }
0xf0: {  	[sflag:s6] =	ssyncadd.s32 $0xFFFFFF80  }
0xf1: {  	v3 =	vld [tilespmem:$0x7800]  }
0xf2: {  	v4 =	vld [tilespmem:$0x7880];
	_ =	sdelay $0x6  }
0xf3: {  	v3 =	vld.idx.msk [tilespmem:v3+s4+$0x0], $0xffff  }
0xf4: {  	v4 =	vld.idx.msk [tilespmem:v4+s7+$0x0], $0xffff;
	_ =	sdelay $0x5  }
0xf5: {  	v3 =	vadd.f32 v4, v3;
	_ =	sdelay $0x1  }
0xf6: {  	vm0 =	vgt.f32 v3, $0.0e+00;
	v4 =	vmul.f32 $2.000000030e-01, v3;
	_ =	sdelay $0x1  }
0xf7: {  	v3 =	vsel vm0, v3, v4  }
0xf8: {  	v3 =	vsub.f32 v3, v2;
	_ =	sdelay $0x1  }
0xf9: {  	v3 =	vmul.f32 $1.442695020e+00, v3;
	_ =	sdelay $0x1  }
0xfa: {  	(erf) = vpow2.f32 v3;
	_ =	sdelay $0x1  }
0xfb: {  	v3 =	vld [tilespmem:$0x7890]  }
0xfc: {  	v4 =	vld [tilespmem:$0x7810];
	_ =	sdelay $0x5  }
0xfd: {  	v5 =	vpop (erf)  }
0xfe: {  	[tilespmem:$0x7980] =	vst v5  }
0xff: {  	v4 =	vld.idx.msk [tilespmem:v4+s4+$0x0], $0xffff  }
0x100: {  	v3 =	vld.idx.msk [tilespmem:v3+s7+$0x0], $0xffff;
	_ =	sdelay $0x5  }
0x101: {  	v3 =	vadd.f32 v3, v4;
	_ =	sdelay $0x1  }
0x102: {  	vm0 =	vgt.f32 v3, $0.0e+00;
	v4 =	vmul.f32 $2.000000030e-01, v3;
	_ =	sdelay $0x1  }
0x103: {  	v3 =	vsel vm0, v3, v4  }
0x104: {  	v3 =	vsub.f32 v3, v2;
	_ =	sdelay $0x1  }
0x105: {  	v3 =	vmul.f32 $1.442695020e+00, v3;
	_ =	sdelay $0x1  }
0x106: {  	(erf) = vpow2.f32 v3;
	_ =	sdelay $0x1  }
0x107: {  	v3 =	vld [tilespmem:$0x78A0]  }
0x108: {  	v4 =	vld [tilespmem:$0x7820];
	_ =	sdelay $0x5  }
0x109: {  	v5 =	vpop (erf)  }
0x10a: {  	[tilespmem:$0x7990] =	vst v5  }
0x10b: {  	v4 =	vld.idx.msk [tilespmem:v4+s4+$0x0], $0xffff  }
0x10c: {  	v3 =	vld.idx.msk [tilespmem:v3+s7+$0x0], $0xffff;
	_ =	sdelay $0x5  }
0x10d: {  	v3 =	vadd.f32 v3, v4;
	_ =	sdelay $0x1  }
0x10e: {  	vm0 =	vgt.f32 v3, $0.0e+00;
	v4 =	vmul.f32 $2.000000030e-01, v3;
	_ =	sdelay $0x1  }
0x10f: {  	v3 =	vsel vm0, v3, v4  }
0x110: {  	v3 =	vsub.f32 v3, v2;
	_ =	sdelay $0x1  }
0x111: {  	v3 =	vmul.f32 $1.442695020e+00, v3;
	_ =	sdelay $0x1  }
0x112: {  	(erf) = vpow2.f32 v3;
	_ =	sdelay $0x1  }
0x113: {  	v3 =	vld [tilespmem:$0x78B0]  }
0x114: {  	v4 =	vld [tilespmem:$0x7830];
	_ =	sdelay $0x5  }
0x115: {  	v5 =	vpop (erf)  }
0x116: {  	[tilespmem:$0x79A0] =	vst v5  }
0x117: {  	v4 =	vld.idx.msk [tilespmem:v4+s4+$0x0], $0xffff  }
0x118: {  	v3 =	vld.idx.msk [tilespmem:v3+s7+$0x0], $0xffff;
	_ =	sdelay $0x5  }
0x119: {  	v3 =	vadd.f32 v3, v4;
	_ =	sdelay $0x1  }
0x11a: {  	vm0 =	vgt.f32 v3, $0.0e+00;
	v4 =	vmul.f32 $2.000000030e-01, v3;
	_ =	sdelay $0x1  }
0x11b: {  	v3 =	vsel vm0, v3, v4  }
0x11c: {  	v3 =	vsub.f32 v3, v2;
	_ =	sdelay $0x1  }
0x11d: {  	v3 =	vmul.f32 $1.442695020e+00, v3;
	_ =	sdelay $0x1  }
0x11e: {  	(erf) = vpow2.f32 v3;
	_ =	sdelay $0x1  }
0x11f: {  	v3 =	vld [tilespmem:$0x78C0]  }
0x120: {  	v4 =	vld [tilespmem:$0x7840];
	_ =	sdelay $0x5  }
0x121: {  	v5 =	vpop (erf)  }
0x122: {  	[tilespmem:$0x79B0] =	vst v5  }
0x123: {  	v4 =	vld.idx.msk [tilespmem:v4+s4+$0x0], $0xffff  }
0x124: {  	v3 =	vld.idx.msk [tilespmem:v3+s7+$0x0], $0xffff;
	_ =	sdelay $0x5  }
0x125: {  	v3 =	vadd.f32 v3, v4;
	_ =	sdelay $0x1  }
0x126: {  	vm0 =	vgt.f32 v3, $0.0e+00;
	v4 =	vmul.f32 $2.000000030e-01, v3;
	_ =	sdelay $0x1  }
0x127: {  	v3 =	vsel vm0, v3, v4  }
0x128: {  	v3 =	vsub.f32 v3, v2;
	_ =	sdelay $0x1  }
0x129: {  	v3 =	vmul.f32 $1.442695020e+00, v3;
	_ =	sdelay $0x1  }
0x12a: {  	(erf) = vpow2.f32 v3;
	_ =	sdelay $0x1  }
0x12b: {  	v3 =	vld [tilespmem:$0x78D0]  }
0x12c: {  	v4 =	vld [tilespmem:$0x7850];
	_ =	sdelay $0x5  }
0x12d: {  	v5 =	vpop (erf)  }
0x12e: {  	[tilespmem:$0x79C0] =	vst v5  }
0x12f: {  	v4 =	vld.idx.msk [tilespmem:v4+s4+$0x0], $0xffff  }
0x130: {  	v3 =	vld.idx.msk [tilespmem:v3+s7+$0x0], $0xffff;
	_ =	sdelay $0x5  }
0x131: {  	v3 =	vadd.f32 v3, v4;
	_ =	sdelay $0x1  }
0x132: {  	vm0 =	vgt.f32 v3, $0.0e+00;
	v4 =	vmul.f32 $2.000000030e-01, v3;
	_ =	sdelay $0x1  }
0x133: {  	v3 =	vsel vm0, v3, v4  }
0x134: {  	v3 =	vsub.f32 v3, v2;
	_ =	sdelay $0x1  }
0x135: {  	v3 =	vmul.f32 $1.442695020e+00, v3;
	_ =	sdelay $0x1  }
0x136: {  	(erf) = vpow2.f32 v3;
	_ =	sdelay $0x1  }
0x137: {  	v3 =	vld [tilespmem:$0x78E0]  }
0x138: {  	v4 =	vld [tilespmem:$0x7860];
	_ =	sdelay $0x5  }
0x139: {  	v5 =	vpop (erf)  }
0x13a: {  	[tilespmem:$0x79D0] =	vst v5  }
0x13b: {  	v4 =	vld.idx.msk [tilespmem:v4+s4+$0x0], $0xffff  }
0x13c: {  	v3 =	vld.idx.msk [tilespmem:v3+s7+$0x0], $0xffff;
	_ =	sdelay $0x5  }
0x13d: {  	v3 =	vadd.f32 v3, v4;
	_ =	sdelay $0x1  }
0x13e: {  	vm0 =	vgt.f32 v3, $0.0e+00;
	v4 =	vmul.f32 $2.000000030e-01, v3;
	_ =	sdelay $0x1  }
0x13f: {  	v3 =	vsel vm0, v3, v4  }
0x140: {  	v3 =	vsub.f32 v3, v2;
	_ =	sdelay $0x1  }
0x141: {  	v3 =	vmul.f32 $1.442695020e+00, v3;
	_ =	sdelay $0x1  }
0x142: {  	(erf) = vpow2.f32 v3;
	_ =	sdelay $0x1  }
0x143: {  	v3 =	vld [tilespmem:$0x78F0]  }
0x144: {  	v4 =	vld [tilespmem:$0x7870];
	_ =	sdelay $0x5  }
0x145: {  	v5 =	vpop (erf)  }
0x146: {  	[tilespmem:$0x79E0] =	vst v5  }
0x147: {  	v4 =	vld.idx.msk [tilespmem:v4+s4+$0x0], $0xffff  }
0x148: {  	v3 =	vld.idx.msk [tilespmem:v3+s7+$0x0], $0xffff;
	_ =	sdelay $0x5  }
0x149: {  	v3 =	vadd.f32 v3, v4;
	_ =	sdelay $0x1  }
0x14a: {  	vm0 =	vgt.f32 v3, $0.0e+00;
	v4 =	vmul.f32 $2.000000030e-01, v3;
	_ =	sdelay $0x1  }
0x14b: {  	v3 =	vsel vm0, v3, v4  }
.Ltmp2:
0x14c: {  	v3 =	vsub.f32 v3, v2;
	(pc) =	sbr.rel @p0 .LBB2_4-.Ltmp2, $3  }
0x14d: {  	_ = 	snop  }
0x14e: {  	v3 =	vmul.f32 $1.442695020e+00, v3;
	_ =	sdelay $0x1  }
0x14f: {  	(erf) = vpow2.f32 v3  }
.LBB2_5:
0x150: {  	_ =	sdelay $0x7  }
0x151: {  	v3 =	vpop (erf)  }
0x152: {  	[tilespmem:$0x79F0] =	vst v3  }
0x153: {  	[spmem:s3] =	stream.indirect.scatter.add.f32 [tilespmem:s9], [sflag:$0x2], $0x1, s11, s0, $0xb8;
	[tilespmem:$0x1FD00] =	vst v63  }
0x154: {  	_ =	swait.ge [sflag:s6], $0x80  }
0x155: {  	[sflag:s6] =	ssyncset.done $0x0  }
0x156: {  	[sflag:s6] =	ssyncadd.s32 $0xFFFFFF80  }
0x157: {  	[bflag:$0x0] =	sbarrier.arrive $0xFFFF  }
0x158: {  	[tilespmem:s12], [sflag:$0x2] =	stream.linear.gather [spmem:s3], $0x2800, $0x38;
	[tilespmem:$0x1FD00] =	vst v63  }
0x159: {  	_ =	swait.ge [sflag:s6], $0x2800  }
0x15a: {  	[sflag:s6] =	ssyncset.done $0x0  }
0x15b: {  	s19 =	simm.s32 $0x0;
	s29 =	simm.s32 $0x0;
	[sflag:s6] =	ssyncadd.s32 $0xFFFFD800  }
.LBB2_6:
0x15c: {  	s23 =	sshll.u32 s29, $0xB  }
0x15d: {  	s23 =	sor.u32 s31, s23  }
0x15e: {  	s23 =	sshrl.u32 s23, $0x3  }
0x15f: {  	s26 =	sadd.s32 s28, s23  }
0x160: {  	[tilespmem:s10], [sflag:$0x2] =	stream.linear.gather [hbm4b:s26+s19], $0x80, $0x38;
	[tilespmem:$0x1FD00] =	vst v63  }
0x161: {  	_ =	swait.ge [sflag:s6], $0x80  }
0x162: {  	[sflag:s6] =	ssyncset.done $0x0  }
0x163: {  	s23 =	sadd.s32 s25, s23;
	[sflag:s6] =	ssyncadd.s32 $0xFFFFFF80  }
0x164: {  	[tilespmem:s11], [sflag:$0x2] =	stream.linear.gather [hbm4b:s23+s19], $0x80, $0x38;
	[tilespmem:$0x1FD00] =	vst v63  }
0x165: {  	_ =	swait.ge [sflag:s6], $0x80  }
0x166: {  	[sflag:s6] =	ssyncset.done $0x0  }
0x167: {  	[sflag:s6] =	ssyncadd.s32 $0xFFFFFF80  }
0x168: {  	v3 =	vld [tilespmem:$0x7800]  }
0x169: {  	v4 =	vld [tilespmem:$0x7810]  }
0x16a: {  	v5 =	vld [tilespmem:$0x7820]  }
0x16b: {  	v6 =	vld [tilespmem:$0x7830]  }
0x16c: {  	v7 =	vld [tilespmem:$0x7840]  }
0x16d: {  	v8 =	vld [tilespmem:$0x7850];
	v3 =	vshll.u32 v3, $0x1  }
0x16e: {  	v9 =	vld [tilespmem:$0x7860];
	v4 =	vshll.u32 v4, $0x1;
	v3 =	vor.u32 v0, v3  }
0x16f: {  	[tilespmem:$0x7900] =	vst v3;
	v3 =	vor.u32 v0, v4;
	v4 =	vshll.u32 v5, $0x1;
	v5 =	vld [tilespmem:$0x7870]  }
0x170: {  	[tilespmem:$0x7910] =	vst v3;
	v3 =	vor.u32 v0, v4;
	v4 =	vshll.u32 v6, $0x1  }
0x171: {  	[tilespmem:$0x7920] =	vst v3;
	v3 =	vor.u32 v0, v4;
	v4 =	vshll.u32 v7, $0x1  }
0x172: {  	[tilespmem:$0x7930] =	vst v3;
	v3 =	vor.u32 v0, v4;
	v4 =	vshll.u32 v8, $0x1  }
0x173: {  	[tilespmem:$0x7940] =	vst v3;
	v3 =	vor.u32 v0, v4;
	v4 =	vshll.u32 v9, $0x1  }
0x174: {  	[tilespmem:$0x7950] =	vst v3;
	v3 =	vor.u32 v0, v4;
	v4 =	vshll.u32 v5, $0x1  }
0x175: {  	[tilespmem:$0x7960] =	vst v3;
	v3 =	vor.u32 v0, v4  }
0x176: {  	[tilespmem:$0x7970] =	vst v3  }
0x177: {  	[tilespmem:s8], [sflag:$0x1] =	stream.indirect.gather [hbm4b:s1+s0], $0x80, s13, s0, $0xb8;
	[tilespmem:$0x1FD00] =	vst v63  }
0x178: {  	v3 =	vld [tilespmem:$0x7800]  }
0x179: {  	v4 =	vld [tilespmem:$0x7880];
	_ =	sdelay $0x6  }
0x17a: {  	v3 =	vld.idx.msk [tilespmem:v3+s19+$0x0], $0xffff  }
0x17b: {  	v5 =	vld.idx.msk [tilespmem:v4+s7+$0x0], $0xffff;
	_ =	sdelay $0x4  }
0x17c: {  	v3 =	vadd.f32 v5, v3;
	_ =	sdelay $0x1  }
0x17d: {  	v5 =	vmul.f32 $2.000000030e-01, v3  }
0x17e: {  	v4 =	vld.idx.msk [tilespmem:v4+s12+$0x0], $0xffff;
	vm0 =	vgt.f32 v3, $0.0e+00  }
0x17f: {  	v3 =	vsel vm0, v3, v5  }
0x180: {  	v3 =	vsub.f32 v3, v2;
	_ =	sdelay $0x1  }
0x181: {  	v3 =	vmul.f32 $1.442695020e+00, v3  }
0x182: {  	v4 =	vadd.f32 $1.000000020e-16, v4  }
0x183: {  	(erf) = vpow2.f32 v3  }
0x184: {  	(erf) = vrcp.f32 v4;
	_ =	sdelay $0x4  }
0x185: {  	v3 =	vld [tilespmem:$0x7810]  }
0x186: {  	v4 =	vld [tilespmem:$0x7890];
	_ =	sdelay $0x1  }
0x187: {  	v5 =	vpop (erf)  }
0x188: {  	v6 =	vpop (erf)  }
0x189: {  	v5 =	vmul.f32 v5, v6;
	_ =	sdelay $0x1  }
0x18a: {  	[tilespmem:$0x7980] =	vst v5  }
0x18b: {  	v3 =	vld.idx.msk [tilespmem:v3+s19+$0x0], $0xffff  }
0x18c: {  	v5 =	vld.idx.msk [tilespmem:v4+s7+$0x0], $0xffff;
	_ =	sdelay $0x4  }
0x18d: {  	v3 =	vadd.f32 v5, v3;
	_ =	sdelay $0x1  }
0x18e: {  	v5 =	vmul.f32 $2.000000030e-01, v3  }
0x18f: {  	v4 =	vld.idx.msk [tilespmem:v4+s12+$0x0], $0xffff;
	vm9 =	vgt.f32 v3, $0.0e+00  }
0x190: {  	v3 =	vsel vm9, v3, v5  }
0x191: {  	v3 =	vsub.f32 v3, v2;
	_ =	sdelay $0x1  }
0x192: {  	v3 =	vmul.f32 $1.442695020e+00, v3  }
0x193: {  	v4 =	vadd.f32 $1.000000020e-16, v4  }
0x194: {  	(erf) = vpow2.f32 v3  }
0x195: {  	(erf) = vrcp.f32 v4;
	_ =	sdelay $0x4  }
0x196: {  	v3 =	vld [tilespmem:$0x7820]  }
0x197: {  	v4 =	vld [tilespmem:$0x78A0];
	_ =	sdelay $0x1  }
0x198: {  	v5 =	vpop (erf)  }
0x199: {  	v6 =	vpop (erf)  }
0x19a: {  	v5 =	vmul.f32 v5, v6;
	_ =	sdelay $0x1  }
0x19b: {  	[tilespmem:$0x7990] =	vst v5  }
0x19c: {  	v3 =	vld.idx.msk [tilespmem:v3+s19+$0x0], $0xffff  }
0x19d: {  	v5 =	vld.idx.msk [tilespmem:v4+s7+$0x0], $0xffff;
	_ =	sdelay $0x4  }
0x19e: {  	v3 =	vadd.f32 v5, v3;
	_ =	sdelay $0x1  }
0x19f: {  	v5 =	vmul.f32 $2.000000030e-01, v3  }
0x1a0: {  	v4 =	vld.idx.msk [tilespmem:v4+s12+$0x0], $0xffff;
	vm10 =	vgt.f32 v3, $0.0e+00  }
0x1a1: {  	v3 =	vsel vm10, v3, v5  }
0x1a2: {  	v3 =	vsub.f32 v3, v2;
	_ =	sdelay $0x1  }
0x1a3: {  	v3 =	vmul.f32 $1.442695020e+00, v3  }
0x1a4: {  	v4 =	vadd.f32 $1.000000020e-16, v4  }
0x1a5: {  	(erf) = vpow2.f32 v3  }
0x1a6: {  	(erf) = vrcp.f32 v4;
	_ =	sdelay $0x4  }
0x1a7: {  	v3 =	vld [tilespmem:$0x7830]  }
0x1a8: {  	v4 =	vld [tilespmem:$0x78B0];
	_ =	sdelay $0x1  }
0x1a9: {  	v5 =	vpop (erf)  }
0x1aa: {  	v6 =	vpop (erf)  }
0x1ab: {  	v5 =	vmul.f32 v5, v6;
	_ =	sdelay $0x1  }
0x1ac: {  	[tilespmem:$0x79A0] =	vst v5  }
0x1ad: {  	v3 =	vld.idx.msk [tilespmem:v3+s19+$0x0], $0xffff  }
0x1ae: {  	v5 =	vld.idx.msk [tilespmem:v4+s7+$0x0], $0xffff;
	_ =	sdelay $0x4  }
0x1af: {  	v3 =	vadd.f32 v5, v3;
	_ =	sdelay $0x1  }
0x1b0: {  	v5 =	vmul.f32 $2.000000030e-01, v3  }
0x1b1: {  	v4 =	vld.idx.msk [tilespmem:v4+s12+$0x0], $0xffff;
	vm11 =	vgt.f32 v3, $0.0e+00  }
0x1b2: {  	v3 =	vsel vm11, v3, v5  }
0x1b3: {  	v3 =	vsub.f32 v3, v2;
	_ =	sdelay $0x1  }
0x1b4: {  	v3 =	vmul.f32 $1.442695020e+00, v3  }
0x1b5: {  	v4 =	vadd.f32 $1.000000020e-16, v4  }
0x1b6: {  	(erf) = vpow2.f32 v3  }
0x1b7: {  	(erf) = vrcp.f32 v4;
	_ =	sdelay $0x4  }
0x1b8: {  	v3 =	vld [tilespmem:$0x7840]  }
0x1b9: {  	v4 =	vld [tilespmem:$0x78C0];
	_ =	sdelay $0x1  }
0x1ba: {  	v5 =	vpop (erf)  }
0x1bb: {  	v6 =	vpop (erf)  }
0x1bc: {  	v5 =	vmul.f32 v5, v6;
	_ =	sdelay $0x1  }
0x1bd: {  	[tilespmem:$0x79B0] =	vst v5  }
0x1be: {  	v3 =	vld.idx.msk [tilespmem:v3+s19+$0x0], $0xffff  }
0x1bf: {  	v5 =	vld.idx.msk [tilespmem:v4+s7+$0x0], $0xffff;
	_ =	sdelay $0x4  }
0x1c0: {  	v3 =	vadd.f32 v5, v3;
	_ =	sdelay $0x1  }
0x1c1: {  	v5 =	vmul.f32 $2.000000030e-01, v3  }
0x1c2: {  	v4 =	vld.idx.msk [tilespmem:v4+s12+$0x0], $0xffff;
	vm12 =	vgt.f32 v3, $0.0e+00  }
0x1c3: {  	v3 =	vsel vm12, v3, v5  }
0x1c4: {  	v3 =	vsub.f32 v3, v2;
	_ =	sdelay $0x1  }
0x1c5: {  	v3 =	vmul.f32 $1.442695020e+00, v3  }
0x1c6: {  	v4 =	vadd.f32 $1.000000020e-16, v4  }
0x1c7: {  	(erf) = vpow2.f32 v3  }
0x1c8: {  	(erf) = vrcp.f32 v4;
	_ =	sdelay $0x4  }
0x1c9: {  	v3 =	vld [tilespmem:$0x7850]  }
0x1ca: {  	v4 =	vld [tilespmem:$0x78D0];
	_ =	sdelay $0x1  }
0x1cb: {  	v5 =	vpop (erf)  }
0x1cc: {  	v6 =	vpop (erf)  }
0x1cd: {  	v5 =	vmul.f32 v5, v6;
	_ =	sdelay $0x1  }
0x1ce: {  	[tilespmem:$0x79C0] =	vst v5  }
0x1cf: {  	v3 =	vld.idx.msk [tilespmem:v3+s19+$0x0], $0xffff  }
0x1d0: {  	v5 =	vld.idx.msk [tilespmem:v4+s7+$0x0], $0xffff;
	_ =	sdelay $0x4  }
0x1d1: {  	v3 =	vadd.f32 v5, v3;
	_ =	sdelay $0x1  }
0x1d2: {  	v5 =	vmul.f32 $2.000000030e-01, v3  }
0x1d3: {  	v4 =	vld.idx.msk [tilespmem:v4+s12+$0x0], $0xffff;
	vm13 =	vgt.f32 v3, $0.0e+00  }
0x1d4: {  	v3 =	vsel vm13, v3, v5  }
0x1d5: {  	v3 =	vsub.f32 v3, v2;
	_ =	sdelay $0x1  }
0x1d6: {  	v3 =	vmul.f32 $1.442695020e+00, v3  }
0x1d7: {  	v4 =	vadd.f32 $1.000000020e-16, v4  }
0x1d8: {  	(erf) = vpow2.f32 v3  }
0x1d9: {  	(erf) = vrcp.f32 v4;
	_ =	sdelay $0x4  }
0x1da: {  	v3 =	vld [tilespmem:$0x7860]  }
0x1db: {  	v4 =	vld [tilespmem:$0x78E0];
	_ =	sdelay $0x1  }
0x1dc: {  	v5 =	vpop (erf)  }
0x1dd: {  	v6 =	vpop (erf)  }
0x1de: {  	v5 =	vmul.f32 v5, v6;
	_ =	sdelay $0x1  }
0x1df: {  	[tilespmem:$0x79D0] =	vst v5  }
0x1e0: {  	v3 =	vld.idx.msk [tilespmem:v3+s19+$0x0], $0xffff  }
0x1e1: {  	v5 =	vld.idx.msk [tilespmem:v4+s7+$0x0], $0xffff;
	_ =	sdelay $0x4  }
0x1e2: {  	v3 =	vadd.f32 v5, v3;
	_ =	sdelay $0x1  }
0x1e3: {  	v5 =	vmul.f32 $2.000000030e-01, v3  }
0x1e4: {  	v4 =	vld.idx.msk [tilespmem:v4+s12+$0x0], $0xffff;
	vm14 =	vgt.f32 v3, $0.0e+00  }
0x1e5: {  	v3 =	vsel vm14, v3, v5  }
0x1e6: {  	v3 =	vsub.f32 v3, v2;
	_ =	sdelay $0x1  }
0x1e7: {  	v3 =	vmul.f32 $1.442695020e+00, v3  }
0x1e8: {  	v4 =	vadd.f32 $1.000000020e-16, v4  }
0x1e9: {  	(erf) = vpow2.f32 v3  }
0x1ea: {  	(erf) = vrcp.f32 v4;
	_ =	sdelay $0x4  }
0x1eb: {  	v3 =	vld [tilespmem:$0x7870]  }
0x1ec: {  	v4 =	vld [tilespmem:$0x78F0];
	_ =	sdelay $0x1  }
0x1ed: {  	v5 =	vpop (erf)  }
0x1ee: {  	v6 =	vpop (erf)  }
0x1ef: {  	v5 =	vmul.f32 v5, v6;
	_ =	sdelay $0x1  }
0x1f0: {  	[tilespmem:$0x79E0] =	vst v5  }
0x1f1: {  	v3 =	vld.idx.msk [tilespmem:v3+s19+$0x0], $0xffff  }
0x1f2: {  	v5 =	vld.idx.msk [tilespmem:v4+s7+$0x0], $0xffff;
	_ =	sdelay $0x4  }
0x1f3: {  	v3 =	vadd.f32 v5, v3;
	_ =	sdelay $0x1  }
0x1f4: {  	v5 =	vmul.f32 $2.000000030e-01, v3  }
0x1f5: {  	v4 =	vld.idx.msk [tilespmem:v4+s12+$0x0], $0xffff;
	vm15 =	vgt.f32 v3, $0.0e+00  }
0x1f6: {  	v3 =	vsel vm15, v3, v5  }
0x1f7: {  	v3 =	vsub.f32 v3, v2;
	_ =	sdelay $0x1  }
0x1f8: {  	v3 =	vmul.f32 $1.442695020e+00, v3  }
0x1f9: {  	v4 =	vadd.f32 $1.000000020e-16, v4  }
0x1fa: {  	(erf) = vpow2.f32 v3  }
0x1fb: {  	(erf) = vrcp.f32 v4;
	_ =	sdelay $0x7  }
0x1fc: {  	v3 =	vpop (erf)  }
0x1fd: {  	v4 =	vpop (erf)  }
0x1fe: {  	v3 =	vmul.f32 v3, v4;
	_ =	sdelay $0x1  }
0x1ff: {  	[tilespmem:$0x79F0] =	vst v3  }
0x200: {  	_ =	swait.ge [sflag:s15], $0x4000  }
0x201: {  	v3 =	vmov s19;
	[sflag:s15] =	ssyncset.done $0x0  }
0x202: {  	s30 =	simm.s32 $0x7A40;
	[sflag:s15] =	ssyncadd.s32 $0xFFFFC000  }
0x203: {  	v7 =	vld [tilespmem:s30+$0x30]  }
0x204: {  	v10 =	vld [tilespmem:s30+$0x10]  }
0x205: {  	v8 =	vld [tilespmem:s30+$0xFFFFFFC0]  }
0x206: {  	v4 =	vld.idx.msk [tilespmem:v3+s9+$0x0], $0xffff  }
0x207: {  	v12 =	vld [tilespmem:s30+$0xFFFFFFE0]  }
0x208: {  	v5 =	vld [tilespmem:s30+$0x20]  }
0x209: {  	v6 =	vld [tilespmem:s30+$0xFFFFFFD0]  }
0x20a: {  	v3 =	vld [tilespmem:s30+$0xFFFFFFF0]  }
0x20b: {  	v11 =	vmul.f32 v7, v4;
	v7 =	vld [tilespmem:s30+$0x0]  }
0x20c: {  	v9 =	vmul.f32 v8, v4  }
0x20d: {  	s26 =	simm.s32 $0x7A40;
	s23 =	simm.s32 $0x1;
	v8 =	vmul.f32 v12, v4;
	v10 =	vmul.f32 v10, v4  }
.LBB2_7:
0x20e: {  	p0 =	sne.s32 s23, $0x7F  }
0x20f: {  	v6 =	vmul.f32 v6, v4;
	v5 =	vmul.f32 v5, v4;
	[tilespmem:s30+$0x30] =	vst v11;
	s26 =	sadd.s32 $0x80, s26;
	s14 =	smov.u32 s23;
	s23 =	sadd.s32 $0x1, s23  }
0x210: {  	[tilespmem:s30+$0xFFFFFFC0] =	vst v9;
	v9 =	vmul.f32 v3, v4;
	v4 =	vmul.f32 v7, v4  }
0x211: {  	[tilespmem:s30+$0x10] =	vst v10  }
0x212: {  	v7 =	vmov s14;
	[tilespmem:s30+$0xFFFFFFE0] =	vst v8  }
0x213: {  	v3 =	vld [tilespmem:s26+$0xFFFFFFF0];
	[tilespmem:s30+$0xFFFFFFF0] =	vst v9  }
0x214: {  	v8 =	vld [tilespmem:s26+$0x30];
	[tilespmem:s30+$0x0] =	vst v4  }
0x215: {  	v10 =	vld [tilespmem:s26+$0x10];
	[tilespmem:s30+$0x20] =	vst v5  }
0x216: {  	v9 =	vld [tilespmem:s26+$0xFFFFFFC0];
	[tilespmem:s30+$0xFFFFFFD0] =	vst v6;
	s30 =	smov.u32 s26  }
0x217: {  	v4 =	vld.idx.msk [tilespmem:v7+s9+$0x0], $0xffff  }
0x218: {  	v12 =	vld [tilespmem:s26+$0xFFFFFFE0]  }
0x219: {  	v5 =	vld [tilespmem:s26+$0x20]  }
.Ltmp3:
0x21a: {  	v6 =	vld [tilespmem:s26+$0xFFFFFFD0];
	(pc) =	sbr.rel @p0 .LBB2_7-.Ltmp3, $3  }
0x21b: {  	v7 =	vld [tilespmem:s26+$0x0];
	_ =	sdelay $0x1  }
0x21c: {  	v9 =	vmul.f32 v9, v4;
	v11 =	vmul.f32 v8, v4  }
0x21d: {  	v10 =	vmul.f32 v10, v4;
	v8 =	vmul.f32 v12, v4  }
0x21e: {  	[tilespmem:s30+$0x30] =	vst v11  }
0x21f: {  	[tilespmem:s30+$0xFFFFFFC0] =	vst v9  }
0x220: {  	v3 =	vmul.f32 v3, v4;
	[tilespmem:s30+$0x10] =	vst v10  }
0x221: {  	v5 =	vmul.f32 v5, v4;
	[tilespmem:s30+$0xFFFFFFE0] =	vst v8  }
0x222: {  	v7 =	vmul.f32 v7, v4;
	[tilespmem:s30+$0xFFFFFFF0] =	vst v3  }
0x223: {  	s29 =	sadd.s32 $0x1, s29;
	v3 =	vmul.f32 v6, v4;
	[tilespmem:s30+$0x20] =	vst v5  }
0x224: {  	p0 =	sne.s32 s29, s24;
	[tilespmem:s30+$0x0] =	vst v7  }
.Ltmp4:
0x225: {  	[tilespmem:s30+$0xFFFFFFD0] =	vst v3;
	(pc) =	sbr.rel @p0 .LBB2_6-.Ltmp4, $4  }
0x226: {  	[spmem:s2] =	stream.indirect.scatter.add.f32 [tilespmem:s8], [sflag:$0x2], $0x80, s11, s0, $0xb8;
	[tilespmem:$0x1FD00] =	vst v63  }
0x227: {  	_ =	swait.ge [sflag:s6], $0x4000  }
0x228: {  	[sflag:s6] =	ssyncset.done $0x0  }
0x229: {  	[sflag:s6] =	ssyncadd.s32 $0xFFFFC000  }
0x22a: {  	s14 =	stileid.u32  }
0x22b: {  	[bflag:$0x0] =	sbarrier.arrive $0xFFFF;
	s14 =	sshll.u32 s14, $0x6  }
0x22c: {  	s19 =	sshrl.u32 s16, $0x3;
	s23 =	rddreg [dreg:$0x5];
	s14 =	sor.u32 $0x1C02, s14  }
0x22d: {  	[hbm:s23], [sflag:s14] =	dma.local [spmem:s19], $0x800  }
0x22e: {  	_ =	swait.ge [sflag:s6], $0x800  }
0x22f: {  	s26 =	smov.u32 s16;
	s29 =	smov.u32 s18;
	[sflag:s6] =	ssyncset.done $0x0  }
0x230: {  	s16 =	sshrl.u32 s18, $0x3;
	s18 =	rddreg [dreg:$0x6];
	[sflag:s6] =	ssyncadd.s32 $0xFFFFF800  }
0x231: {  	[hbm:s18], [sflag:s14] =	dma.local [spmem:s16], $0x800  }
0x232: {  	_ =	swait.ge [sflag:s6], $0x800  }
0x233: {  	[sflag:s6] =	ssyncset.done $0x0  }
0x234: {  	s16 =	sshrl.u32 s20, $0x3;
	s18 =	rddreg [dreg:$0x7];
	[sflag:s6] =	ssyncadd.s32 $0xFFFFF800  }
0x235: {  	[hbm:s18], [sflag:s14] =	dma.local [spmem:s16], $0x800  }
0x236: {  	_ =	swait.ge [sflag:s6], $0x800  }
0x237: {  	s30 =	smov.u32 s20;
	[sflag:s6] =	ssyncset.done $0x0;
	s20 =	rddreg [dreg:$0xf]  }
0x238: {  	s16 =	rddreg [dreg:$0x8];
	[sflag:s6] =	ssyncadd.s32 $0xFFFFF800;
	s23 =	sshrl.u32 s20, $0x3  }
0x239: {  	[hbm:s16], [sflag:s14] =	dma.local [spmem:s23], $0x800  }
0x23a: {  	_ =	swait.ge [sflag:s6], $0x800  }
0x23b: {  	[sflag:s6] =	ssyncset.done $0x0  }
0x23c: {  	s18 =	sshrl.u32 s22, $0x3;
	s20 =	rddreg [dreg:$0x9];
	[sflag:s6] =	ssyncadd.s32 $0xFFFFF800  }
0x23d: {  	[hbm:s20], [sflag:s14] =	dma.local [spmem:s18], $0x800  }
0x23e: {  	_ =	swait.ge [sflag:s6], $0x800  }
0x23f: {  	s17 =	sadd.s32 $0x1, s17;
	s23 =	rddreg [dreg:$0x12]  }
0x240: {  	p0 =	sne.s32 s17, s23  }
.Ltmp5:
0x241: {  	_ = 	snop;
	(pc) =	sbr.rel @p0 .LBB2_1-.Ltmp5, $3  }
0x242: {  	_ =	sdelay $0x1  }
0x243: {  	[sflag:s6] =	ssyncset.done $0x0  }
0x244: {  	[sflag:s6] =	ssyncadd.s32 $0xFFFFF800  }
0x245: {  	_ =	sfence.sel $0x180000  }
0x246: {  	[bflag:$0x0] =	sbarrier.arrive $0xFFFF  }
0x247: {  	_ =	strace $0x90000047  }
0x248: {  	s0 =	stileid.u32;
	[bflag:$0x2] =	sbarrier.arrive $0xFFFF  }
0x249: {  	p0 =	sne.s32 s0, $0x0;
	s0 =	rddreg [dreg:$0x3]  }
0x24a: {  	s0 =	sadd.s32 @!p0 $0x100000, s0  }
0x24b: {  	[sflag:s0] =	ssyncadd.tile.s32 @!p0 $0x1;
	_ =	shalt  }
.Lfunc_end2:
_tile_overlayer_lowered:
.L_overlay_start_2:
0x24c: {  	(tag) =	ssettag $0x2  }
0x24d: {  	s0 =	rddreg [dreg:$0x0];
	s2 =	stileid.u32  }
0x24e: {  	s1 =	rddreg [dreg:$0x1];
	p0 =	sne.s32 s2, $0x0  }
0x24f: {  	s3 =	rddreg [dreg:$0x2];
	[bflag:$0x3] =	sbarrier.arrive $0xFFFF;
	s2 =	simm.s32 @!p0 $0x1C02  }
0x250: {  	[timem:s3], [sflag:s2] =	dma.local @!p0 [hbm:s0], s1  }
0x251: {  	s0 =	simm.s32 @!p0 $0x2  }
0x252: {  	_ =	swait.ge @!p0 [sflag:s0], s1  }
0x253: {  	s1 =	ssub.s32 @!p0 $0x0, s1;
	[sflag:s0] =	ssyncset.done @!p0 $0x0  }
0x254: {  	[sflag:s0] =	ssyncadd.s32 @!p0 s1  }
0x255: {  	[bflag:$0x3] =	sbarrier.arrive $0xFFFF  }
0x256: {  	_ =	shalt  }

</sc_bundles>
